<compile_context>
chip_gen: v7x
topology: tpu7x:2x2x1
jax: 0.10.2.dev20260603
libtpu: 0.0.44.dev20260713+nightly
codegen_flags: <defaults>
</compile_context>

<pallas_src>
import functools

import jax
import jax.numpy as jnp
from jax import lax
from jax.experimental import pallas as pl
from jax.experimental.pallas import tpu as pltpu
from jax.experimental.pallas import tpu_sc as plsc

_R = 128
_N = 32768
_K = 64
_NW = 32
_RPW = _R // _NW
_NCH = _N // 16
_NQ = 4
_QCH = _NCH // _NQ
_SEG = _N // _NQ + 16

_PIVS = (0x40800000, 0x40400000, 0x40000000, 0x00000000)
_IMIN = -(2**31)


def _keys(v):
    s = lax.bitcast_convert_type(v, jnp.int32)
    return jnp.where(s < 0, s ^ jnp.int32(0x7FFFFFFF), s)


def _popc(m):
    return jnp.sum(m.astype(jnp.int32))


def _sc_body(x_hbm, out_hbm, row_v, cand_v, out_v, hist_v, sel_i_v):
    lane = lax.iota(jnp.int32, 16)
    zeros_i = jnp.zeros((16,), jnp.int32)
    zeros_f = jnp.zeros((16,), jnp.float32)
    wid = lax.axis_index("s") * 2 + lax.axis_index("c")

    def extract(vec, j):
        return jnp.sum(jnp.where(lane == j, vec, 0))

    @plsc.parallel_loop(0, _NCH, 1, unroll=8)
    def _zo(i):
        out_v[pl.ds(i * 16, 16)] = zeros_f

    def zero_hist(i, c):
        for b in range(8):
            hist_v[pl.ds((i * 8 + b) * 16, 16)] = zeros_i
        return c

    def sweep(rem):
        def dtot_of(g):
            t = zeros_i
            for v in range(16):
                t = t + hist_v[pl.ds(v * 256 + g * 16, 16)]
            return t

        def cond(c):
            g, above = c
            return jnp.logical_and(above < rem, g > 0)

        def step(c):
            g, above = c
            return g - 1, above + jnp.sum(dtot_of(g - 1))

        g, above = lax.while_loop(cond, step, (jnp.int32(16), jnp.int32(0)))
        dtot = dtot_of(g)
        above_x = above - jnp.sum(dtot)
        rc = plsc.cumsum(lax.rev(dtot, (0,)))
        okv = (above_x + rc) >= rem
        i_s = jnp.max(plsc.all_reduce_ffs(okv))
        d_loc = 15 - i_s
        gt = above_x + extract(rc, i_s) - extract(dtot, d_loc)
        return g * 16 + d_loc, rem - gt

    def do_row(_, row):
        pltpu.sync_copy(x_hbm.at[row], row_v)

        @plsc.parallel_loop(0, _NCH, 1, unroll=8,
                            carry=(zeros_i,) * len(_PIVS))
        def accs(i, a):
            a = list(a)
            u = _keys(row_v[pl.ds(i * 16, 16)])
            for p in range(len(_PIVS)):
                a[p] = a[p] + (u >= jnp.int32(_PIVS[p])).astype(jnp.int32)
            return tuple(a)
        cnts = [jnp.sum(a) for a in accs]
        u_p = jnp.int32(_IMIN)
        for p in range(len(_PIVS) - 1, -1, -1):
            u_p = jnp.where(cnts[p] >= _K, jnp.int32(_PIVS[p]), u_p)

        def comp(i, offs):
            o = list(offs)
            for q in range(_NQ):
                ch = q * _QCH + i
                u = _keys(row_v[pl.ds(ch * 16, 16)])
                m = u >= u_p
                plsc.store_compressed(
                    cand_v.at[pl.ds(q * _SEG + o[q], 16)], ch * 16 + lane,
                    mask=m)
                o[q] = o[q] + _popc(m)
            return tuple(o)

        offs = lax.fori_loop(0, _QCH, comp, (jnp.int32(0),) * _NQ)

        def stitch(q, dst):
            n = offs[q]

            def cp(j, c):
                vsrc = cand_v[pl.ds(q * _SEG + j * 16, 16)]
                m = (j * 16 + lane) < n
                plsc.store_compressed(cand_v.at[pl.ds(dst + j * 16, 16)],
                                      vsrc, mask=m)
                return c

            lax.fori_loop(0, (n + 15) // 16, cp, 0)
            return dst + n

        cand_n = offs[0]
        for q in range(1, _NQ):
            cand_n = stitch(q, cand_n)

        def do_round(shift, cand_n, sel_n, rem):
            lax.fori_loop(0, 256 // 8, zero_hist, 0)
            nit = (cand_n + 31) // 32

            def digit(u):
                if shift == 24:
                    return (u >> 24) + 128
                return (u >> shift) & 0xFF

            def histr(j, c):
                for b in range(2):
                    base = (j * 2 + b) * 16
                    idx = cand_v[pl.ds(base, 16)]
                    m = (base + lane) < cand_n
                    idx = jnp.where(m, idx, 0)
                    v = plsc.load_gather(row_v, [idx], mask=m)
                    d = digit(_keys(v))
                    hidx = lane * 256 + d
                    cur = plsc.load_gather(hist_v, [hidx], mask=m)
                    plsc.store_scatter(hist_v, [hidx], cur + 1, mask=m)
                return c

            lax.fori_loop(0, nit, histr, 0)
            dr, rem = sweep(rem)

            def compr(j, carry):
                c_off, s_off = carry
                for b in range(2):
                    base = (j * 2 + b) * 16
                    idx = cand_v[pl.ds(base, 16)]
                    m = (base + lane) < cand_n
                    idx_s = jnp.where(m, idx, 0)
                    v = plsc.load_gather(row_v, [idx_s], mask=m)
                    d = digit(_keys(v))
                    m_gt = jnp.logical_and(m, d > dr)
                    plsc.store_compressed(
                        sel_i_v.at[pl.ds(s_off, 16)], idx, mask=m_gt)
                    m_eq = jnp.logical_and(m, d == dr)
                    plsc.store_compressed(
                        cand_v.at[pl.ds(c_off, 16)], idx, mask=m_eq)
                    c_off = c_off + _popc(m_eq)
                    s_off = s_off + _popc(m_gt)
                return c_off, s_off

            c_n, s_n = lax.fori_loop(0, nit, compr, (jnp.int32(0), sel_n))
            return c_n, s_n, rem

        sel_n = jnp.int32(0)
        rem = jnp.int32(_K)
        cand_n, sel_n, rem = do_round(24, cand_n, sel_n, rem)
        cand_n, sel_n, rem = do_round(16, cand_n, sel_n, rem)
        cand_n, sel_n, rem = do_round(8, cand_n, sel_n, rem)
        cand_n, sel_n, rem = do_round(0, cand_n, sel_n, rem)

        def ties(j, s_off):
            idx = cand_v[pl.ds(j * 16, 16)]
            m = (j * 16 + lane) < rem
            plsc.store_compressed(sel_i_v.at[pl.ds(s_off, 16)], idx, mask=m)
            return s_off + _popc(m)

        lax.fori_loop(0, (rem + 15) // 16, ties, sel_n)

        def scatter_sig(j, c):
            idx = sel_i_v[pl.ds(j * 16, 16)]
            v = plsc.load_gather(row_v, [idx])
            sig = 1.0 / (1.0 + jnp.exp(-v))
            plsc.store_scatter(out_v, [idx], sig)
            return c

        lax.fori_loop(0, _K // 16, scatter_sig, 0)
        pltpu.sync_copy(out_v, out_hbm.at[row])

        def unscatter(j, c):
            idx = sel_i_v[pl.ds(j * 16, 16)]
            plsc.store_scatter(out_v, [idx], zeros_f)
            return c

        lax.fori_loop(0, _K // 16, unscatter, 0)
        return row + 1

    lax.fori_loop(0, _RPW, do_row, wid * _RPW)


_sc_topk = functools.partial(
    pl.kernel,
    out_type=jax.ShapeDtypeStruct((_R, _N), jnp.float32),
    compiler_params=pltpu.CompilerParams(needs_layout_passes=False),
    mesh=plsc.VectorSubcoreMesh(
        core_axis_name="c", subcore_axis_name="s", num_cores=2, num_subcores=16
    ),
    scratch_types=[
        pltpu.VMEM((_N,), jnp.float32),
        pltpu.VMEM((_SEG * _NQ,), jnp.int32),
        pltpu.VMEM((_N,), jnp.float32),
        pltpu.VMEM((4096,), jnp.int32),
        pltpu.VMEM((_K + 16,), jnp.int32),
    ],
)(_sc_body)


def kernel(x):
    assert x.shape == (_R, _N) and x.dtype == jnp.float32
    return _sc_topk(x)

# --- scband reference (transcript-rebuilt; emitter-appended) ---
"""Pipeline reference for scband-top-ksigmoid-8907762172111 (READ-ONLY COPY).

The authoritative reference and input builder live on the scoring server;
editing this copy changes nothing except your own understanding.
"""

import jax, jax.numpy as jnp
import numpy as np

K = 64

def setup_inputs(seed: int = 0) -> dict:
    key = jax.random.key(seed)
    x = jax.random.normal(key, (128, 32768), dtype=jnp.float32)
    return {"x": x}

def reference(x):
    k = max(1, min(K, x.shape[-1]))
    values, indices = jax.lax.top_k(x, k)
    sig = jax.nn.sigmoid(values)
    rows = jnp.arange(x.shape[0])[:, None]
    out = jnp.zeros_like(x).at[rows, indices].set(sig)
    return out

if __name__ == "__main__":
    import jax
    _d = setup_inputs()
    print(jax.jit(kernel)(*tuple(_d.values())))

</pallas_src>

<mosaic_0001>
#map = affine_map<(d0, d1) -> (0, 0)>
module attributes {stable_mosaic.version = 14 : i64} {
  func.func @_sc_body(%arg0: i32, %arg1: i32, %arg2: memref<128x32768xf32, #tpu.memory_space<hbm>>, %arg3: memref<128x32768xf32, #tpu.memory_space<hbm>>, %arg4: memref<32768xf32, #tpu.memory_space<vmem>>, %arg5: memref<32832xi32, #tpu.memory_space<vmem>>, %arg6: memref<32768xf32, #tpu.memory_space<vmem>>, %arg7: memref<4096xi32, #tpu.memory_space<vmem>>, %arg8: memref<80xi32, #tpu.memory_space<vmem>>) attributes {dimension_semantics = [#tpu.dimension_semantics<core_parallel>, #tpu.dimension_semantics<subcore_parallel>], iteration_bounds = array<i64: 2, 16>, scalar_prefetch = 0 : i64, scratch_operands = 5 : i64, tpu.core_type = #tpu.core_type<sc_vector_subcore>, window_params = [{transform_indices = #map}, {transform_indices = #map}]} {
    %iota3A = tpu.iota {dimensions = array<i32: 0>} : vector<16xi32>
    %broadcast_in_dim3A = arith.constant 0 : i32
    %broadcast_in_dim3A_0 = vector.broadcast %broadcast_in_dim3A : i32 to vector<16xi32>
    %broadcast_in_dim3A_1 = arith.constant 0.000000e+00 : f32
    %broadcast_in_dim3A_2 = vector.broadcast %broadcast_in_dim3A_1 : f32 to vector<16xf32>
    %mul3A = arith.constant 2 : i32
    %mul3A_3 = arith.muli %arg1, %mul3A : i32
    %add3A = arith.addi %mul3A_3, %arg0 : i32
    %parallel_loop3A = arith.constant 0 : i32
    %parallel_loop3A_4 = arith.constant 2048 : i32
    %parallel_loop3A_5 = arith.constant 1 : i32
    scf.for %parallel_loop3A_13 = %parallel_loop3A to %parallel_loop3A_4 step %parallel_loop3A_5  : i32 {
      %parallel_loop3A_14 = arith.constant 16 : i32
      %parallel_loop3A_15 = arith.muli %parallel_loop3A_13, %parallel_loop3A_14 : i32
      %parallel_loop3A_16 = arith.index_cast %parallel_loop3A_15 : i32 to index
      %parallel_loop3A_17 = tpu.vector_load %arg6[%parallel_loop3A_16] {strides = array<i32>} : memref<32768xf32, #tpu.memory_space<vmem>>, vector<16xf32>,
      tpu.vector_store %arg6[%parallel_loop3A_16], %broadcast_in_dim3A_2 {strides = array<i32>} : memref<32768xf32, #tpu.memory_space<vmem>>, vector<16xf32>,
    } {sc.loop_unroll_factor = 8 : i64, sc.parallel_access}
    %mul3A_6 = arith.constant 4 : i32
    %mul3A_7 = arith.muli %add3A, %mul3A_6 : i32
    %scan3A = arith.constant 0 : i32
    %scan3A_8 = arith.constant 4 : i32
    %scan3A_9 = arith.addi %scan3A, %scan3A_8 : i32
    %scan3A_10 = arith.constant 1 : i32
    %scan3A_11 = scf.for %scan3A_13 = %scan3A to %scan3A_9 step %scan3A_10 iter_args(%scan3A_14 = %mul3A_7) -> (i32)  : i32 {
      "tpu.region"() ({
        %run_scoped3A = tpu.sem_alloc : memref<!tpu.dma_semaphore, #tpu.memory_space<semaphore_mem>>
        %dma_start3A = arith.constant 0 : i32
        %dma_start3A_1095 = tpu.memref_slice %arg2[%scan3A_14, %dma_start3A] : memref<128x32768xf32, #tpu.memory_space<hbm>> -> memref<1x32768xf32, #tpu.memory_space<hbm>>
        %dma_start3A_1096 = tpu.memref_squeeze %dma_start3A_1095 : memref<1x32768xf32, #tpu.memory_space<hbm>> -> memref<32768xf32, #tpu.memory_space<hbm>>
        %dma_start3A_1097 = arith.constant 0 : i32
        %dma_start3A_1098 = tpu.memref_slice %arg2[%scan3A_14, %dma_start3A_1097] : memref<128x32768xf32, #tpu.memory_space<hbm>> -> memref<1x32768xf32, #tpu.memory_space<hbm>>
        %dma_start3A_1099 = tpu.memref_squeeze %dma_start3A_1098 : memref<1x32768xf32, #tpu.memory_space<hbm>> -> memref<32768xf32, #tpu.memory_space<hbm>>
        tpu.enqueue_dma source(%dma_start3A_1099 : memref<32768xf32, #tpu.memory_space<hbm>>) target(%arg4 : memref<32768xf32, #tpu.memory_space<vmem>>) target_semaphore(%run_scoped3A : memref<!tpu.dma_semaphore, #tpu.memory_space<semaphore_mem>>)
        %dma_wait3A = arith.constant 0 : i32
        %dma_wait3A_1100 = tpu.memref_slice %arg2[%scan3A_14, %dma_wait3A] : memref<128x32768xf32, #tpu.memory_space<hbm>> -> memref<1x32768xf32, #tpu.memory_space<hbm>>
        %dma_wait3A_1101 = tpu.memref_squeeze %dma_wait3A_1100 : memref<1x32768xf32, #tpu.memory_space<hbm>> -> memref<32768xf32, #tpu.memory_space<hbm>>
        %dma_wait3A_1102 = arith.constant 0 : i32
        %dma_wait3A_1103 = tpu.memref_slice %arg2[%scan3A_14, %dma_wait3A_1102] : memref<128x32768xf32, #tpu.memory_space<hbm>> -> memref<1x32768xf32, #tpu.memory_space<hbm>>
        %dma_wait3A_1104 = tpu.memref_squeeze %dma_wait3A_1103 : memref<1x32768xf32, #tpu.memory_space<hbm>> -> memref<32768xf32, #tpu.memory_space<hbm>>
        tpu.wait_dma2 semaphore(%run_scoped3A : memref<!tpu.dma_semaphore, #tpu.memory_space<semaphore_mem>>) src(%dma_wait3A_1104 : memref<32768xf32, #tpu.memory_space<hbm>>) dst(%arg4 : memref<32768xf32, #tpu.memory_space<vmem>>)
        tpu.yield
      }) : () -> ()
      %parallel_loop3A_15 = arith.constant 0 : i32
      %parallel_loop3A_16 = arith.constant 2048 : i32
      %parallel_loop3A_17 = arith.constant 1 : i32
      %parallel_loop3A_18:4 = scf.for %parallel_loop3A_1095 = %parallel_loop3A_15 to %parallel_loop3A_16 step %parallel_loop3A_17 iter_args(%parallel_loop3A_1096 = %broadcast_in_dim3A_0, %parallel_loop3A_1097 = %broadcast_in_dim3A_0, %parallel_loop3A_1098 = %broadcast_in_dim3A_0, %parallel_loop3A_1099 = %broadcast_in_dim3A_0) -> (vector<16xi32>, vector<16xi32>, vector<16xi32>, vector<16xi32>)  : i32 {
        %parallel_loop3A_1100 = arith.constant 16 : i32
        %parallel_loop3A_1101 = arith.muli %parallel_loop3A_1095, %parallel_loop3A_1100 : i32
        %parallel_loop3A_1102 = arith.index_cast %parallel_loop3A_1101 : i32 to index
        %parallel_loop3A_1103 = tpu.vector_load %arg4[%parallel_loop3A_1102] {strides = array<i32>} : memref<32768xf32, #tpu.memory_space<vmem>>, vector<16xf32>,
        %parallel_loop3A_1104 = tpu.bitcast %parallel_loop3A_1103 : vector<16xf32> -> vector<16xi32>
        %parallel_loop3A_1105 = arith.constant 0 : i32
        %parallel_loop3A_1106 = vector.broadcast %parallel_loop3A_1105 : i32 to vector<16xi32>
        %parallel_loop3A_1107 = arith.cmpi slt, %parallel_loop3A_1104, %parallel_loop3A_1106 : vector<16xi32>
        %parallel_loop3A_1108 = arith.constant 2147483647 : i32
        %parallel_loop3A_1109 = vector.broadcast %parallel_loop3A_1108 : i32 to vector<16xi32>
        %parallel_loop3A_1110 = arith.xori %parallel_loop3A_1104, %parallel_loop3A_1109 : vector<16xi32>
        %parallel_loop3A_1111 = arith.select %parallel_loop3A_1107, %parallel_loop3A_1110, %parallel_loop3A_1104 : vector<16xi1>, vector<16xi32>
        %parallel_loop3A_1112 = arith.constant 1082130432 : i32
        %parallel_loop3A_1113 = vector.broadcast %parallel_loop3A_1112 : i32 to vector<16xi32>
        %parallel_loop3A_1114 = arith.cmpi sge, %parallel_loop3A_1111, %parallel_loop3A_1113 : vector<16xi32>
        %parallel_loop3A_1115 = arith.extui %parallel_loop3A_1114 : vector<16xi1> to vector<16xi32>
        %parallel_loop3A_1116 = arith.addi %parallel_loop3A_1096, %parallel_loop3A_1115 : vector<16xi32>
        %parallel_loop3A_1117 = arith.constant 1077936128 : i32
        %parallel_loop3A_1118 = vector.broadcast %parallel_loop3A_1117 : i32 to vector<16xi32>
        %parallel_loop3A_1119 = arith.cmpi sge, %parallel_loop3A_1111, %parallel_loop3A_1118 : vector<16xi32>
        %parallel_loop3A_1120 = arith.extui %parallel_loop3A_1119 : vector<16xi1> to vector<16xi32>
        %parallel_loop3A_1121 = arith.addi %parallel_loop3A_1097, %parallel_loop3A_1120 : vector<16xi32>
        %parallel_loop3A_1122 = arith.constant 1073741824 : i32
        %parallel_loop3A_1123 = vector.broadcast %parallel_loop3A_1122 : i32 to vector<16xi32>
        %parallel_loop3A_1124 = arith.cmpi sge, %parallel_loop3A_1111, %parallel_loop3A_1123 : vector<16xi32>
        %parallel_loop3A_1125 = arith.extui %parallel_loop3A_1124 : vector<16xi1> to vector<16xi32>
        %parallel_loop3A_1126 = arith.addi %parallel_loop3A_1098, %parallel_loop3A_1125 : vector<16xi32>
        %parallel_loop3A_1127 = arith.constant 0 : i32
        %parallel_loop3A_1128 = vector.broadcast %parallel_loop3A_1127 : i32 to vector<16xi32>
        %parallel_loop3A_1129 = arith.cmpi sge, %parallel_loop3A_1111, %parallel_loop3A_1128 : vector<16xi32>
        %parallel_loop3A_1130 = arith.extui %parallel_loop3A_1129 : vector<16xi1> to vector<16xi32>
        %parallel_loop3A_1131 = arith.addi %parallel_loop3A_1099, %parallel_loop3A_1130 : vector<16xi32>
        scf.yield %parallel_loop3A_1116, %parallel_loop3A_1121, %parallel_loop3A_1126, %parallel_loop3A_1131 : vector<16xi32>, vector<16xi32>, vector<16xi32>, vector<16xi32>
      } {sc.loop_unroll_factor = 8 : i64, sc.parallel_access}
      %reduce_sum3A = arith.constant true
      %reduce_sum3A_19 = vector.broadcast %reduce_sum3A : i1 to vector<16xi1>
      %reduce_sum3A_20 = tpu.scan <sum>, %parallel_loop3A_18#0 masked %reduce_sum3A_19 : vector<16xi32>, vector<16xi1> -> vector<16xi32>
      %reduce_sum3A_21 = vector.extract %reduce_sum3A_20[15] : i32 from vector<16xi32>
      %reduce_sum3A_22 = arith.constant true
      %reduce_sum3A_23 = vector.broadcast %reduce_sum3A_22 : i1 to vector<16xi1>
      %reduce_sum3A_24 = tpu.scan <sum>, %parallel_loop3A_18#1 masked %reduce_sum3A_23 : vector<16xi32>, vector<16xi1> -> vector<16xi32>
      %reduce_sum3A_25 = vector.extract %reduce_sum3A_24[15] : i32 from vector<16xi32>
      %reduce_sum3A_26 = arith.constant true
      %reduce_sum3A_27 = vector.broadcast %reduce_sum3A_26 : i1 to vector<16xi1>
      %reduce_sum3A_28 = tpu.scan <sum>, %parallel_loop3A_18#2 masked %reduce_sum3A_27 : vector<16xi32>, vector<16xi1> -> vector<16xi32>
      %reduce_sum3A_29 = vector.extract %reduce_sum3A_28[15] : i32 from vector<16xi32>
      %reduce_sum3A_30 = arith.constant true
      %reduce_sum3A_31 = vector.broadcast %reduce_sum3A_30 : i1 to vector<16xi1>
      %reduce_sum3A_32 = tpu.scan <sum>, %parallel_loop3A_18#3 masked %reduce_sum3A_31 : vector<16xi32>, vector<16xi1> -> vector<16xi32>
      %reduce_sum3A_33 = vector.extract %reduce_sum3A_32[15] : i32 from vector<16xi32>
      %ge3A = arith.constant 64 : i32
      %ge3A_34 = arith.cmpi sge, %reduce_sum3A_33, %ge3A : i32
      %jit3A = arith.constant 0 : i32
      %jit3A_35 = arith.constant -2147483648 : i32
      %select_n3A = arith.select %ge3A_34, %jit3A, %jit3A_35 : i32
      %ge3A_36 = arith.constant 64 : i32
      %ge3A_37 = arith.cmpi sge, %reduce_sum3A_29, %ge3A_36 : i32
      %jit3A_38 = arith.constant 1073741824 : i32
      %select_n3A_39 = arith.select %ge3A_37, %jit3A_38, %select_n3A : i32
      %ge3A_40 = arith.constant 64 : i32
      %ge3A_41 = arith.cmpi sge, %reduce_sum3A_25, %ge3A_40 : i32
      %jit3A_42 = arith.constant 1077936128 : i32
      %select_n3A_43 = arith.select %ge3A_41, %jit3A_42, %select_n3A_39 : i32
      %ge3A_44 = arith.constant 64 : i32
      %ge3A_45 = arith.cmpi sge, %reduce_sum3A_21, %ge3A_44 : i32
      %jit3A_46 = arith.constant 1082130432 : i32
      %select_n3A_47 = arith.select %ge3A_45, %jit3A_46, %select_n3A_43 : i32
      %scan3A_48 = arith.constant 0 : i32
      %scan3A_49 = arith.constant 0 : i32
      %scan3A_50 = arith.constant 0 : i32
      %scan3A_51 = arith.constant 0 : i32
      %scan3A_52 = arith.constant 0 : i32
      %scan3A_53 = arith.constant 512 : i32
      %scan3A_54 = arith.addi %scan3A_52, %scan3A_53 : i32
      %scan3A_55 = arith.constant 1 : i32
      %scan3A_56:4 = scf.for %scan3A_1095 = %scan3A_52 to %scan3A_54 step %scan3A_55 iter_args(%scan3A_1096 = %scan3A_48, %scan3A_1097 = %scan3A_49, %scan3A_1098 = %scan3A_50, %scan3A_1099 = %scan3A_51) -> (i32, i32, i32, i32)  : i32 {
        %add3A_1100 = arith.constant 0 : i32
        %add3A_1101 = arith.addi %add3A_1100, %scan3A_1095 : i32
        %mul3A_1102 = arith.constant 16 : i32
        %mul3A_1103 = arith.muli %add3A_1101, %mul3A_1102 : i32
        %get3A_1104 = arith.index_cast %mul3A_1103 : i32 to index
        %get3A_1105 = tpu.vector_load %arg4[%get3A_1104] {strides = array<i32>} : memref<32768xf32, #tpu.memory_space<vmem>>, vector<16xf32>,
        %bitcast_convert_type3A = tpu.bitcast %get3A_1105 : vector<16xf32> -> vector<16xi32>
        %lt3A = arith.constant 0 : i32
        %lt3A_1106 = vector.broadcast %lt3A : i32 to vector<16xi32>
        %lt3A_1107 = arith.cmpi slt, %bitcast_convert_type3A, %lt3A_1106 : vector<16xi32>
        %xor3A = arith.constant 2147483647 : i32
        %xor3A_1108 = vector.broadcast %xor3A : i32 to vector<16xi32>
        %xor3A_1109 = arith.xori %bitcast_convert_type3A, %xor3A_1108 : vector<16xi32>
        %select_n3A_1110 = arith.select %lt3A_1107, %xor3A_1109, %bitcast_convert_type3A : vector<16xi1>, vector<16xi32>
        %ge3A_1111 = vector.broadcast %select_n3A_47 : i32 to vector<16xi32>
        %ge3A_1112 = arith.cmpi sge, %select_n3A_1110, %ge3A_1111 : vector<16xi32>
        %add3A_1113 = arith.constant 0 : i32
        %add3A_1114 = arith.addi %add3A_1113, %scan3A_1096 : i32
        %mul3A_1115 = arith.constant 16 : i32
        %mul3A_1116 = arith.muli %add3A_1101, %mul3A_1115 : i32
        %add3A_1117 = vector.broadcast %mul3A_1116 : i32 to vector<16xi32>
        %add3A_1118 = arith.addi %add3A_1117, %iota3A : vector<16xi32>
        %swap3A = arith.index_cast %add3A_1114 : i32 to index
        %swap3A_1119 = tpu.vector_load %arg5[%swap3A] masked %ge3A_1112 {strides = array<i32>} : memref<32832xi32, #tpu.memory_space<vmem>>, vector<16xi32>, vector<16xi1>
        tpu.vector_store %arg5[%swap3A], %add3A_1118 masked %ge3A_1112 {strides = array<i32>} : memref<32832xi32, #tpu.memory_space<vmem>>, vector<16xi32>, vector<16xi1>
        %convert_element_type3A = arith.extui %ge3A_1112 : vector<16xi1> to vector<16xi32>
        %reduce_sum3A_1120 = arith.constant true
        %reduce_sum3A_1121 = vector.broadcast %reduce_sum3A_1120 : i1 to vector<16xi1>
        %reduce_sum3A_1122 = tpu.scan <sum>, %convert_element_type3A masked %reduce_sum3A_1121 : vector<16xi32>, vector<16xi1> -> vector<16xi32>
        %reduce_sum3A_1123 = vector.extract %reduce_sum3A_1122[15] : i32 from vector<16xi32>
        %add3A_1124 = arith.addi %scan3A_1096, %reduce_sum3A_1123 : i32
        %add3A_1125 = arith.constant 512 : i32
        %add3A_1126 = arith.addi %add3A_1125, %scan3A_1095 : i32
        %mul3A_1127 = arith.constant 16 : i32
        %mul3A_1128 = arith.muli %add3A_1126, %mul3A_1127 : i32
        %get3A_1129 = arith.index_cast %mul3A_1128 : i32 to index
        %get3A_1130 = tpu.vector_load %arg4[%get3A_1129] {strides = array<i32>} : memref<32768xf32, #tpu.memory_space<vmem>>, vector<16xf32>,
        %bitcast_convert_type3A_1131 = tpu.bitcast %get3A_1130 : vector<16xf32> -> vector<16xi32>
        %lt3A_1132 = arith.constant 0 : i32
        %lt3A_1133 = vector.broadcast %lt3A_1132 : i32 to vector<16xi32>
        %lt3A_1134 = arith.cmpi slt, %bitcast_convert_type3A_1131, %lt3A_1133 : vector<16xi32>
        %xor3A_1135 = arith.constant 2147483647 : i32
        %xor3A_1136 = vector.broadcast %xor3A_1135 : i32 to vector<16xi32>
        %xor3A_1137 = arith.xori %bitcast_convert_type3A_1131, %xor3A_1136 : vector<16xi32>
        %select_n3A_1138 = arith.select %lt3A_1134, %xor3A_1137, %bitcast_convert_type3A_1131 : vector<16xi1>, vector<16xi32>
        %ge3A_1139 = vector.broadcast %select_n3A_47 : i32 to vector<16xi32>
        %ge3A_1140 = arith.cmpi sge, %select_n3A_1138, %ge3A_1139 : vector<16xi32>
        %add3A_1141 = arith.constant 8208 : i32
        %add3A_1142 = arith.addi %add3A_1141, %scan3A_1097 : i32
        %mul3A_1143 = arith.constant 16 : i32
        %mul3A_1144 = arith.muli %add3A_1126, %mul3A_1143 : i32
        %add3A_1145 = vector.broadcast %mul3A_1144 : i32 to vector<16xi32>
        %add3A_1146 = arith.addi %add3A_1145, %iota3A : vector<16xi32>
        %swap3A_1147 = arith.index_cast %add3A_1142 : i32 to index
        %swap3A_1148 = tpu.vector_load %arg5[%swap3A_1147] masked %ge3A_1140 {strides = array<i32>} : memref<32832xi32, #tpu.memory_space<vmem>>, vector<16xi32>, vector<16xi1>
        tpu.vector_store %arg5[%swap3A_1147], %add3A_1146 masked %ge3A_1140 {strides = array<i32>} : memref<32832xi32, #tpu.memory_space<vmem>>, vector<16xi32>, vector<16xi1>
        %convert_element_type3A_1149 = arith.extui %ge3A_1140 : vector<16xi1> to vector<16xi32>
        %reduce_sum3A_1150 = arith.constant true
        %reduce_sum3A_1151 = vector.broadcast %reduce_sum3A_1150 : i1 to vector<16xi1>
        %reduce_sum3A_1152 = tpu.scan <sum>, %convert_element_type3A_1149 masked %reduce_sum3A_1151 : vector<16xi32>, vector<16xi1> -> vector<16xi32>
        %reduce_sum3A_1153 = vector.extract %reduce_sum3A_1152[15] : i32 from vector<16xi32>
        %add3A_1154 = arith.addi %scan3A_1097, %reduce_sum3A_1153 : i32
        %add3A_1155 = arith.constant 1024 : i32
        %add3A_1156 = arith.addi %add3A_1155, %scan3A_1095 : i32
        %mul3A_1157 = arith.constant 16 : i32
        %mul3A_1158 = arith.muli %add3A_1156, %mul3A_1157 : i32
        %get3A_1159 = arith.index_cast %mul3A_1158 : i32 to index
        %get3A_1160 = tpu.vector_load %arg4[%get3A_1159] {strides = array<i32>} : memref<32768xf32, #tpu.memory_space<vmem>>, vector<16xf32>,
        %bitcast_convert_type3A_1161 = tpu.bitcast %get3A_1160 : vector<16xf32> -> vector<16xi32>
        %lt3A_1162 = arith.constant 0 : i32
        %lt3A_1163 = vector.broadcast %lt3A_1162 : i32 to vector<16xi32>
        %lt3A_1164 = arith.cmpi slt, %bitcast_convert_type3A_1161, %lt3A_1163 : vector<16xi32>
        %xor3A_1165 = arith.constant 2147483647 : i32
        %xor3A_1166 = vector.broadcast %xor3A_1165 : i32 to vector<16xi32>
        %xor3A_1167 = arith.xori %bitcast_convert_type3A_1161, %xor3A_1166 : vector<16xi32>
        %select_n3A_1168 = arith.select %lt3A_1164, %xor3A_1167, %bitcast_convert_type3A_1161 : vector<16xi1>, vector<16xi32>
        %ge3A_1169 = vector.broadcast %select_n3A_47 : i32 to vector<16xi32>
        %ge3A_1170 = arith.cmpi sge, %select_n3A_1168, %ge3A_1169 : vector<16xi32>
        %add3A_1171 = arith.constant 16416 : i32
        %add3A_1172 = arith.addi %add3A_1171, %scan3A_1098 : i32
        %mul3A_1173 = arith.constant 16 : i32
        %mul3A_1174 = arith.muli %add3A_1156, %mul3A_1173 : i32
        %add3A_1175 = vector.broadcast %mul3A_1174 : i32 to vector<16xi32>
        %add3A_1176 = arith.addi %add3A_1175, %iota3A : vector<16xi32>
        %swap3A_1177 = arith.index_cast %add3A_1172 : i32 to index
        %swap3A_1178 = tpu.vector_load %arg5[%swap3A_1177] masked %ge3A_1170 {strides = array<i32>} : memref<32832xi32, #tpu.memory_space<vmem>>, vector<16xi32>, vector<16xi1>
        tpu.vector_store %arg5[%swap3A_1177], %add3A_1176 masked %ge3A_1170 {strides = array<i32>} : memref<32832xi32, #tpu.memory_space<vmem>>, vector<16xi32>, vector<16xi1>
        %convert_element_type3A_1179 = arith.extui %ge3A_1170 : vector<16xi1> to vector<16xi32>
        %reduce_sum3A_1180 = arith.constant true
        %reduce_sum3A_1181 = vector.broadcast %reduce_sum3A_1180 : i1 to vector<16xi1>
        %reduce_sum3A_1182 = tpu.scan <sum>, %convert_element_type3A_1179 masked %reduce_sum3A_1181 : vector<16xi32>, vector<16xi1> -> vector<16xi32>
        %reduce_sum3A_1183 = vector.extract %reduce_sum3A_1182[15] : i32 from vector<16xi32>
        %add3A_1184 = arith.addi %scan3A_1098, %reduce_sum3A_1183 : i32
        %add3A_1185 = arith.constant 1536 : i32
        %add3A_1186 = arith.addi %add3A_1185, %scan3A_1095 : i32
        %mul3A_1187 = arith.constant 16 : i32
        %mul3A_1188 = arith.muli %add3A_1186, %mul3A_1187 : i32
        %get3A_1189 = arith.index_cast %mul3A_1188 : i32 to index
        %get3A_1190 = tpu.vector_load %arg4[%get3A_1189] {strides = array<i32>} : memref<32768xf32, #tpu.memory_space<vmem>>, vector<16xf32>,
        %bitcast_convert_type3A_1191 = tpu.bitcast %get3A_1190 : vector<16xf32> -> vector<16xi32>
        %lt3A_1192 = arith.constant 0 : i32
        %lt3A_1193 = vector.broadcast %lt3A_1192 : i32 to vector<16xi32>
        %lt3A_1194 = arith.cmpi slt, %bitcast_convert_type3A_1191, %lt3A_1193 : vector<16xi32>
        %xor3A_1195 = arith.constant 2147483647 : i32
        %xor3A_1196 = vector.broadcast %xor3A_1195 : i32 to vector<16xi32>
        %xor3A_1197 = arith.xori %bitcast_convert_type3A_1191, %xor3A_1196 : vector<16xi32>
        %select_n3A_1198 = arith.select %lt3A_1194, %xor3A_1197, %bitcast_convert_type3A_1191 : vector<16xi1>, vector<16xi32>
        %ge3A_1199 = vector.broadcast %select_n3A_47 : i32 to vector<16xi32>
        %ge3A_1200 = arith.cmpi sge, %select_n3A_1198, %ge3A_1199 : vector<16xi32>
        %add3A_1201 = arith.constant 24624 : i32
        %add3A_1202 = arith.addi %add3A_1201, %scan3A_1099 : i32
        %mul3A_1203 = arith.constant 16 : i32
        %mul3A_1204 = arith.muli %add3A_1186, %mul3A_1203 : i32
        %add3A_1205 = vector.broadcast %mul3A_1204 : i32 to vector<16xi32>
        %add3A_1206 = arith.addi %add3A_1205, %iota3A : vector<16xi32>
        %swap3A_1207 = arith.index_cast %add3A_1202 : i32 to index
        %swap3A_1208 = tpu.vector_load %arg5[%swap3A_1207] masked %ge3A_1200 {strides = array<i32>} : memref<32832xi32, #tpu.memory_space<vmem>>, vector<16xi32>, vector<16xi1>
        tpu.vector_store %arg5[%swap3A_1207], %add3A_1206 masked %ge3A_1200 {strides = array<i32>} : memref<32832xi32, #tpu.memory_space<vmem>>, vector<16xi32>, vector<16xi1>
        %convert_element_type3A_1209 = arith.extui %ge3A_1200 : vector<16xi1> to vector<16xi32>
        %reduce_sum3A_1210 = arith.constant true
        %reduce_sum3A_1211 = vector.broadcast %reduce_sum3A_1210 : i1 to vector<16xi1>
        %reduce_sum3A_1212 = tpu.scan <sum>, %convert_element_type3A_1209 masked %reduce_sum3A_1211 : vector<16xi32>, vector<16xi1> -> vector<16xi32>
        %reduce_sum3A_1213 = vector.extract %reduce_sum3A_1212[15] : i32 from vector<16xi32>
        %add3A_1214 = arith.addi %scan3A_1099, %reduce_sum3A_1213 : i32
        scf.yield %add3A_1124, %add3A_1154, %add3A_1184, %add3A_1214 : i32, i32, i32, i32
      }
      %scan3A_57 = arith.constant 512 : i32
      %add3A_58 = arith.constant 15 : i32
      %add3A_59 = arith.addi %scan3A_56#1, %add3A_58 : i32
      %jit3A_60 = arith.constant 16 : i32
      %div3A = arith.divsi %add3A_59, %jit3A_60 : i32
      %sign3A = arith.constant 0 : i32
      %sign3A_61 = arith.cmpi sgt, %add3A_59, %sign3A : i32
      %sign3A_62 = arith.extui %sign3A_61 : i1 to i32
      %sign3A_63 = arith.constant 0 : i32
      %sign3A_64 = arith.cmpi slt, %add3A_59, %sign3A_63 : i32
      %sign3A_65 = arith.extui %sign3A_64 : i1 to i32
      %sign3A_66 = arith.subi %sign3A_62, %sign3A_65 : i32
      %sign3A_67 = arith.constant 0 : i32
      %sign3A_68 = arith.cmpi sgt, %jit3A_60, %sign3A_67 : i32
      %sign3A_69 = arith.extui %sign3A_68 : i1 to i32
      %sign3A_70 = arith.constant 0 : i32
      %sign3A_71 = arith.cmpi slt, %jit3A_60, %sign3A_70 : i32
      %sign3A_72 = arith.extui %sign3A_71 : i1 to i32
      %sign3A_73 = arith.subi %sign3A_69, %sign3A_72 : i32
      %ne3A = arith.cmpi ne, %sign3A_66, %sign3A_73 : i32
      %rem3A = arith.remsi %add3A_59, %jit3A_60 : i32
      %ne3A_74 = arith.constant 0 : i32
      %ne3A_75 = arith.cmpi ne, %rem3A, %ne3A_74 : i32
      %and3A = arith.andi %ne3A, %ne3A_75 : i1
      %sub3A = arith.constant 1 : i32
      %sub3A_76 = arith.subi %div3A, %sub3A : i32
      %select_n3A_77 = arith.select %and3A, %sub3A_76, %div3A : i32
      %while3A = arith.constant 0 : i32
      %while3A_78 = arith.constant 0 : i32
      %while3A_79 = arith.subi %select_n3A_77, %while3A_78 : i32
      %while3A_80 = arith.addi %while3A_78, %while3A_79 : i32
      %while3A_81 = arith.constant 1 : i32
      %while3A_82 = arith.divsi %while3A_79, %while3A_81 : i32
      %while3A_83 = arith.muli %while3A_82, %while3A_81 : i32
      %while3A_84 = arith.addi %while3A_78, %while3A_83 : i32
      %while3A_85 = arith.constant 1 : i32
      scf.for %while3A_1095 = %while3A_78 to %while3A_84 step %while3A_85  : i32 {
        %mul3A_1096 = arith.constant 16 : i32
        %mul3A_1097 = arith.muli %while3A_1095, %mul3A_1096 : i32
        %add3A_1098 = arith.constant 8208 : i32
        %add3A_1099 = arith.addi %add3A_1098, %mul3A_1097 : i32
        %get3A_1100 = arith.index_cast %add3A_1099 : i32 to index
        %get3A_1101 = tpu.vector_load %arg5[%get3A_1100] {strides = array<i32>} : memref<32832xi32, #tpu.memory_space<vmem>>, vector<16xi32>,
        %mul3A_1102 = arith.constant 16 : i32
        %mul3A_1103 = arith.muli %while3A_1095, %mul3A_1102 : i32
        %add3A_1104 = vector.broadcast %mul3A_1103 : i32 to vector<16xi32>
        %add3A_1105 = arith.addi %add3A_1104, %iota3A : vector<16xi32>
        %lt3A = vector.broadcast %scan3A_56#1 : i32 to vector<16xi32>
        %lt3A_1106 = arith.cmpi slt, %add3A_1105, %lt3A : vector<16xi32>
        %mul3A_1107 = arith.constant 16 : i32
        %mul3A_1108 = arith.muli %while3A_1095, %mul3A_1107 : i32
        %add3A_1109 = arith.addi %scan3A_56#0, %mul3A_1108 : i32
        %swap3A = arith.index_cast %add3A_1109 : i32 to index
        %swap3A_1110 = tpu.vector_load %arg5[%swap3A] masked %lt3A_1106 {strides = array<i32>} : memref<32832xi32, #tpu.memory_space<vmem>>, vector<16xi32>, vector<16xi1>
        tpu.vector_store %arg5[%swap3A], %get3A_1101 masked %lt3A_1106 {strides = array<i32>} : memref<32832xi32, #tpu.memory_space<vmem>>, vector<16xi32>, vector<16xi1>
      }
      %while3A_86 = arith.constant 1 : i32
      scf.for %while3A_1095 = %while3A_84 to %while3A_80 step %while3A_86  : i32 {
        %mul3A_1096 = arith.constant 16 : i32
        %mul3A_1097 = arith.muli %while3A_1095, %mul3A_1096 : i32
        %add3A_1098 = arith.constant 8208 : i32
        %add3A_1099 = arith.addi %add3A_1098, %mul3A_1097 : i32
        %get3A_1100 = arith.index_cast %add3A_1099 : i32 to index
        %get3A_1101 = tpu.vector_load %arg5[%get3A_1100] {strides = array<i32>} : memref<32832xi32, #tpu.memory_space<vmem>>, vector<16xi32>,
        %mul3A_1102 = arith.constant 16 : i32
        %mul3A_1103 = arith.muli %while3A_1095, %mul3A_1102 : i32
        %add3A_1104 = vector.broadcast %mul3A_1103 : i32 to vector<16xi32>
        %add3A_1105 = arith.addi %add3A_1104, %iota3A : vector<16xi32>
        %lt3A = vector.broadcast %scan3A_56#1 : i32 to vector<16xi32>
        %lt3A_1106 = arith.cmpi slt, %add3A_1105, %lt3A : vector<16xi32>
        %mul3A_1107 = arith.constant 16 : i32
        %mul3A_1108 = arith.muli %while3A_1095, %mul3A_1107 : i32
        %add3A_1109 = arith.addi %scan3A_56#0, %mul3A_1108 : i32
        %swap3A = arith.index_cast %add3A_1109 : i32 to index
        %swap3A_1110 = tpu.vector_load %arg5[%swap3A] masked %lt3A_1106 {strides = array<i32>} : memref<32832xi32, #tpu.memory_space<vmem>>, vector<16xi32>, vector<16xi1>
        tpu.vector_store %arg5[%swap3A], %get3A_1101 masked %lt3A_1106 {strides = array<i32>} : memref<32832xi32, #tpu.memory_space<vmem>>, vector<16xi32>, vector<16xi1>
      }
      %add3A_87 = arith.addi %scan3A_56#0, %scan3A_56#1 : i32
      %add3A_88 = arith.constant 15 : i32
      %add3A_89 = arith.addi %scan3A_56#2, %add3A_88 : i32
      %jit3A_90 = arith.constant 16 : i32
      %div3A_91 = arith.divsi %add3A_89, %jit3A_90 : i32
      %sign3A_92 = arith.constant 0 : i32
      %sign3A_93 = arith.cmpi sgt, %add3A_89, %sign3A_92 : i32
      %sign3A_94 = arith.extui %sign3A_93 : i1 to i32
      %sign3A_95 = arith.constant 0 : i32
      %sign3A_96 = arith.cmpi slt, %add3A_89, %sign3A_95 : i32
      %sign3A_97 = arith.extui %sign3A_96 : i1 to i32
      %sign3A_98 = arith.subi %sign3A_94, %sign3A_97 : i32
      %sign3A_99 = arith.constant 0 : i32
      %sign3A_100 = arith.cmpi sgt, %jit3A_90, %sign3A_99 : i32
      %sign3A_101 = arith.extui %sign3A_100 : i1 to i32
      %sign3A_102 = arith.constant 0 : i32
      %sign3A_103 = arith.cmpi slt, %jit3A_90, %sign3A_102 : i32
      %sign3A_104 = arith.extui %sign3A_103 : i1 to i32
      %sign3A_105 = arith.subi %sign3A_101, %sign3A_104 : i32
      %ne3A_106 = arith.cmpi ne, %sign3A_98, %sign3A_105 : i32
      %rem3A_107 = arith.remsi %add3A_89, %jit3A_90 : i32
      %ne3A_108 = arith.constant 0 : i32
      %ne3A_109 = arith.cmpi ne, %rem3A_107, %ne3A_108 : i32
      %and3A_110 = arith.andi %ne3A_106, %ne3A_109 : i1
      %sub3A_111 = arith.constant 1 : i32
      %sub3A_112 = arith.subi %div3A_91, %sub3A_111 : i32
      %select_n3A_113 = arith.select %and3A_110, %sub3A_112, %div3A_91 : i32
      %while3A_114 = arith.constant 0 : i32
      %while3A_115 = arith.constant 0 : i32
      %while3A_116 = arith.subi %select_n3A_113, %while3A_115 : i32
      %while3A_117 = arith.addi %while3A_115, %while3A_116 : i32
      %while3A_118 = arith.constant 1 : i32
      %while3A_119 = arith.divsi %while3A_116, %while3A_118 : i32
      %while3A_120 = arith.muli %while3A_119, %while3A_118 : i32
      %while3A_121 = arith.addi %while3A_115, %while3A_120 : i32
      %while3A_122 = arith.constant 1 : i32
      scf.for %while3A_1095 = %while3A_115 to %while3A_121 step %while3A_122  : i32 {
        %mul3A_1096 = arith.constant 16 : i32
        %mul3A_1097 = arith.muli %while3A_1095, %mul3A_1096 : i32
        %add3A_1098 = arith.constant 16416 : i32
        %add3A_1099 = arith.addi %add3A_1098, %mul3A_1097 : i32
        %get3A_1100 = arith.index_cast %add3A_1099 : i32 to index
        %get3A_1101 = tpu.vector_load %arg5[%get3A_1100] {strides = array<i32>} : memref<32832xi32, #tpu.memory_space<vmem>>, vector<16xi32>,
        %mul3A_1102 = arith.constant 16 : i32
        %mul3A_1103 = arith.muli %while3A_1095, %mul3A_1102 : i32
        %add3A_1104 = vector.broadcast %mul3A_1103 : i32 to vector<16xi32>
        %add3A_1105 = arith.addi %add3A_1104, %iota3A : vector<16xi32>
        %lt3A = vector.broadcast %scan3A_56#2 : i32 to vector<16xi32>
        %lt3A_1106 = arith.cmpi slt, %add3A_1105, %lt3A : vector<16xi32>
        %mul3A_1107 = arith.constant 16 : i32
        %mul3A_1108 = arith.muli %while3A_1095, %mul3A_1107 : i32
        %add3A_1109 = arith.addi %add3A_87, %mul3A_1108 : i32
        %swap3A = arith.index_cast %add3A_1109 : i32 to index
        %swap3A_1110 = tpu.vector_load %arg5[%swap3A] masked %lt3A_1106 {strides = array<i32>} : memref<32832xi32, #tpu.memory_space<vmem>>, vector<16xi32>, vector<16xi1>
        tpu.vector_store %arg5[%swap3A], %get3A_1101 masked %lt3A_1106 {strides = array<i32>} : memref<32832xi32, #tpu.memory_space<vmem>>, vector<16xi32>, vector<16xi1>
      }
      %while3A_123 = arith.constant 1 : i32
      scf.for %while3A_1095 = %while3A_121 to %while3A_117 step %while3A_123  : i32 {
        %mul3A_1096 = arith.constant 16 : i32
        %mul3A_1097 = arith.muli %while3A_1095, %mul3A_1096 : i32
        %add3A_1098 = arith.constant 16416 : i32
        %add3A_1099 = arith.addi %add3A_1098, %mul3A_1097 : i32
        %get3A_1100 = arith.index_cast %add3A_1099 : i32 to index
        %get3A_1101 = tpu.vector_load %arg5[%get3A_1100] {strides = array<i32>} : memref<32832xi32, #tpu.memory_space<vmem>>, vector<16xi32>,
        %mul3A_1102 = arith.constant 16 : i32
        %mul3A_1103 = arith.muli %while3A_1095, %mul3A_1102 : i32
        %add3A_1104 = vector.broadcast %mul3A_1103 : i32 to vector<16xi32>
        %add3A_1105 = arith.addi %add3A_1104, %iota3A : vector<16xi32>
        %lt3A = vector.broadcast %scan3A_56#2 : i32 to vector<16xi32>
        %lt3A_1106 = arith.cmpi slt, %add3A_1105, %lt3A : vector<16xi32>
        %mul3A_1107 = arith.constant 16 : i32
        %mul3A_1108 = arith.muli %while3A_1095, %mul3A_1107 : i32
        %add3A_1109 = arith.addi %add3A_87, %mul3A_1108 : i32
        %swap3A = arith.index_cast %add3A_1109 : i32 to index
        %swap3A_1110 = tpu.vector_load %arg5[%swap3A] masked %lt3A_1106 {strides = array<i32>} : memref<32832xi32, #tpu.memory_space<vmem>>, vector<16xi32>, vector<16xi1>
        tpu.vector_store %arg5[%swap3A], %get3A_1101 masked %lt3A_1106 {strides = array<i32>} : memref<32832xi32, #tpu.memory_space<vmem>>, vector<16xi32>, vector<16xi1>
      }
      %add3A_124 = arith.addi %add3A_87, %scan3A_56#2 : i32
      %add3A_125 = arith.constant 15 : i32
      %add3A_126 = arith.addi %scan3A_56#3, %add3A_125 : i32
      %jit3A_127 = arith.constant 16 : i32
      %div3A_128 = arith.divsi %add3A_126, %jit3A_127 : i32
      %sign3A_129 = arith.constant 0 : i32
      %sign3A_130 = arith.cmpi sgt, %add3A_126, %sign3A_129 : i32
      %sign3A_131 = arith.extui %sign3A_130 : i1 to i32
      %sign3A_132 = arith.constant 0 : i32
      %sign3A_133 = arith.cmpi slt, %add3A_126, %sign3A_132 : i32
      %sign3A_134 = arith.extui %sign3A_133 : i1 to i32
      %sign3A_135 = arith.subi %sign3A_131, %sign3A_134 : i32
      %sign3A_136 = arith.constant 0 : i32
      %sign3A_137 = arith.cmpi sgt, %jit3A_127, %sign3A_136 : i32
      %sign3A_138 = arith.extui %sign3A_137 : i1 to i32
      %sign3A_139 = arith.constant 0 : i32
      %sign3A_140 = arith.cmpi slt, %jit3A_127, %sign3A_139 : i32
      %sign3A_141 = arith.extui %sign3A_140 : i1 to i32
      %sign3A_142 = arith.subi %sign3A_138, %sign3A_141 : i32
      %ne3A_143 = arith.cmpi ne, %sign3A_135, %sign3A_142 : i32
      %rem3A_144 = arith.remsi %add3A_126, %jit3A_127 : i32
      %ne3A_145 = arith.constant 0 : i32
      %ne3A_146 = arith.cmpi ne, %rem3A_144, %ne3A_145 : i32
      %and3A_147 = arith.andi %ne3A_143, %ne3A_146 : i1
      %sub3A_148 = arith.constant 1 : i32
      %sub3A_149 = arith.subi %div3A_128, %sub3A_148 : i32
      %select_n3A_150 = arith.select %and3A_147, %sub3A_149, %div3A_128 : i32
      %while3A_151 = arith.constant 0 : i32
      %while3A_152 = arith.constant 0 : i32
      %while3A_153 = arith.subi %select_n3A_150, %while3A_152 : i32
      %while3A_154 = arith.addi %while3A_152, %while3A_153 : i32
      %while3A_155 = arith.constant 1 : i32
      %while3A_156 = arith.divsi %while3A_153, %while3A_155 : i32
      %while3A_157 = arith.muli %while3A_156, %while3A_155 : i32
      %while3A_158 = arith.addi %while3A_152, %while3A_157 : i32
      %while3A_159 = arith.constant 1 : i32
      scf.for %while3A_1095 = %while3A_152 to %while3A_158 step %while3A_159  : i32 {
        %mul3A_1096 = arith.constant 16 : i32
        %mul3A_1097 = arith.muli %while3A_1095, %mul3A_1096 : i32
        %add3A_1098 = arith.constant 24624 : i32
        %add3A_1099 = arith.addi %add3A_1098, %mul3A_1097 : i32
        %get3A_1100 = arith.index_cast %add3A_1099 : i32 to index
        %get3A_1101 = tpu.vector_load %arg5[%get3A_1100] {strides = array<i32>} : memref<32832xi32, #tpu.memory_space<vmem>>, vector<16xi32>,
        %mul3A_1102 = arith.constant 16 : i32
        %mul3A_1103 = arith.muli %while3A_1095, %mul3A_1102 : i32
        %add3A_1104 = vector.broadcast %mul3A_1103 : i32 to vector<16xi32>
        %add3A_1105 = arith.addi %add3A_1104, %iota3A : vector<16xi32>
        %lt3A = vector.broadcast %scan3A_56#3 : i32 to vector<16xi32>
        %lt3A_1106 = arith.cmpi slt, %add3A_1105, %lt3A : vector<16xi32>
        %mul3A_1107 = arith.constant 16 : i32
        %mul3A_1108 = arith.muli %while3A_1095, %mul3A_1107 : i32
        %add3A_1109 = arith.addi %add3A_124, %mul3A_1108 : i32
        %swap3A = arith.index_cast %add3A_1109 : i32 to index
        %swap3A_1110 = tpu.vector_load %arg5[%swap3A] masked %lt3A_1106 {strides = array<i32>} : memref<32832xi32, #tpu.memory_space<vmem>>, vector<16xi32>, vector<16xi1>
        tpu.vector_store %arg5[%swap3A], %get3A_1101 masked %lt3A_1106 {strides = array<i32>} : memref<32832xi32, #tpu.memory_space<vmem>>, vector<16xi32>, vector<16xi1>
      }
      %while3A_160 = arith.constant 1 : i32
      scf.for %while3A_1095 = %while3A_158 to %while3A_154 step %while3A_160  : i32 {
        %mul3A_1096 = arith.constant 16 : i32
        %mul3A_1097 = arith.muli %while3A_1095, %mul3A_1096 : i32
        %add3A_1098 = arith.constant 24624 : i32
        %add3A_1099 = arith.addi %add3A_1098, %mul3A_1097 : i32
        %get3A_1100 = arith.index_cast %add3A_1099 : i32 to index
        %get3A_1101 = tpu.vector_load %arg5[%get3A_1100] {strides = array<i32>} : memref<32832xi32, #tpu.memory_space<vmem>>, vector<16xi32>,
        %mul3A_1102 = arith.constant 16 : i32
        %mul3A_1103 = arith.muli %while3A_1095, %mul3A_1102 : i32
        %add3A_1104 = vector.broadcast %mul3A_1103 : i32 to vector<16xi32>
        %add3A_1105 = arith.addi %add3A_1104, %iota3A : vector<16xi32>
        %lt3A = vector.broadcast %scan3A_56#3 : i32 to vector<16xi32>
        %lt3A_1106 = arith.cmpi slt, %add3A_1105, %lt3A : vector<16xi32>
        %mul3A_1107 = arith.constant 16 : i32
        %mul3A_1108 = arith.muli %while3A_1095, %mul3A_1107 : i32
        %add3A_1109 = arith.addi %add3A_124, %mul3A_1108 : i32
        %swap3A = arith.index_cast %add3A_1109 : i32 to index
        %swap3A_1110 = tpu.vector_load %arg5[%swap3A] masked %lt3A_1106 {strides = array<i32>} : memref<32832xi32, #tpu.memory_space<vmem>>, vector<16xi32>, vector<16xi1>
        tpu.vector_store %arg5[%swap3A], %get3A_1101 masked %lt3A_1106 {strides = array<i32>} : memref<32832xi32, #tpu.memory_space<vmem>>, vector<16xi32>, vector<16xi1>
      }
      %add3A_161 = arith.addi %add3A_124, %scan3A_56#3 : i32
      %scan3A_162 = arith.constant 0 : i32
      %scan3A_163 = arith.constant 0 : i32
      %scan3A_164 = arith.constant 32 : i32
      %scan3A_165 = arith.addi %scan3A_163, %scan3A_164 : i32
      %scan3A_166 = arith.constant 1 : i32
      scf.for %scan3A_1095 = %scan3A_163 to %scan3A_165 step %scan3A_166  : i32 {
        %mul3A_1096 = arith.constant 8 : i32
        %mul3A_1097 = arith.muli %scan3A_1095, %mul3A_1096 : i32
        %add3A_1098 = arith.constant 0 : i32
        %add3A_1099 = arith.addi %mul3A_1097, %add3A_1098 : i32
        %mul3A_1100 = arith.constant 16 : i32
        %mul3A_1101 = arith.muli %add3A_1099, %mul3A_1100 : i32
        %swap3A = arith.index_cast %mul3A_1101 : i32 to index
        %swap3A_1102 = tpu.vector_load %arg7[%swap3A] {strides = array<i32>} : memref<4096xi32, #tpu.memory_space<vmem>>, vector<16xi32>,
        tpu.vector_store %arg7[%swap3A], %broadcast_in_dim3A_0 {strides = array<i32>} : memref<4096xi32, #tpu.memory_space<vmem>>, vector<16xi32>,
        %mul3A_1103 = arith.constant 8 : i32
        %mul3A_1104 = arith.muli %scan3A_1095, %mul3A_1103 : i32
        %add3A_1105 = arith.constant 1 : i32
        %add3A_1106 = arith.addi %mul3A_1104, %add3A_1105 : i32
        %mul3A_1107 = arith.constant 16 : i32
        %mul3A_1108 = arith.muli %add3A_1106, %mul3A_1107 : i32
        %swap3A_1109 = arith.index_cast %mul3A_1108 : i32 to index
        %swap3A_1110 = tpu.vector_load %arg7[%swap3A_1109] {strides = array<i32>} : memref<4096xi32, #tpu.memory_space<vmem>>, vector<16xi32>,
        tpu.vector_store %arg7[%swap3A_1109], %broadcast_in_dim3A_0 {strides = array<i32>} : memref<4096xi32, #tpu.memory_space<vmem>>, vector<16xi32>,
        %mul3A_1111 = arith.constant 8 : i32
        %mul3A_1112 = arith.muli %scan3A_1095, %mul3A_1111 : i32
        %add3A_1113 = arith.constant 2 : i32
        %add3A_1114 = arith.addi %mul3A_1112, %add3A_1113 : i32
        %mul3A_1115 = arith.constant 16 : i32
        %mul3A_1116 = arith.muli %add3A_1114, %mul3A_1115 : i32
        %swap3A_1117 = arith.index_cast %mul3A_1116 : i32 to index
        %swap3A_1118 = tpu.vector_load %arg7[%swap3A_1117] {strides = array<i32>} : memref<4096xi32, #tpu.memory_space<vmem>>, vector<16xi32>,
        tpu.vector_store %arg7[%swap3A_1117], %broadcast_in_dim3A_0 {strides = array<i32>} : memref<4096xi32, #tpu.memory_space<vmem>>, vector<16xi32>,
        %mul3A_1119 = arith.constant 8 : i32
        %mul3A_1120 = arith.muli %scan3A_1095, %mul3A_1119 : i32
        %add3A_1121 = arith.constant 3 : i32
        %add3A_1122 = arith.addi %mul3A_1120, %add3A_1121 : i32
        %mul3A_1123 = arith.constant 16 : i32
        %mul3A_1124 = arith.muli %add3A_1122, %mul3A_1123 : i32
        %swap3A_1125 = arith.index_cast %mul3A_1124 : i32 to index
        %swap3A_1126 = tpu.vector_load %arg7[%swap3A_1125] {strides = array<i32>} : memref<4096xi32, #tpu.memory_space<vmem>>, vector<16xi32>,
        tpu.vector_store %arg7[%swap3A_1125], %broadcast_in_dim3A_0 {strides = array<i32>} : memref<4096xi32, #tpu.memory_space<vmem>>, vector<16xi32>,
        %mul3A_1127 = arith.constant 8 : i32
        %mul3A_1128 = arith.muli %scan3A_1095, %mul3A_1127 : i32
        %add3A_1129 = arith.constant 4 : i32
        %add3A_1130 = arith.addi %mul3A_1128, %add3A_1129 : i32
        %mul3A_1131 = arith.constant 16 : i32
        %mul3A_1132 = arith.muli %add3A_1130, %mul3A_1131 : i32
        %swap3A_1133 = arith.index_cast %mul3A_1132 : i32 to index
        %swap3A_1134 = tpu.vector_load %arg7[%swap3A_1133] {strides = array<i32>} : memref<4096xi32, #tpu.memory_space<vmem>>, vector<16xi32>,
        tpu.vector_store %arg7[%swap3A_1133], %broadcast_in_dim3A_0 {strides = array<i32>} : memref<4096xi32, #tpu.memory_space<vmem>>, vector<16xi32>,
        %mul3A_1135 = arith.constant 8 : i32
        %mul3A_1136 = arith.muli %scan3A_1095, %mul3A_1135 : i32
        %add3A_1137 = arith.constant 5 : i32
        %add3A_1138 = arith.addi %mul3A_1136, %add3A_1137 : i32
        %mul3A_1139 = arith.constant 16 : i32
        %mul3A_1140 = arith.muli %add3A_1138, %mul3A_1139 : i32
        %swap3A_1141 = arith.index_cast %mul3A_1140 : i32 to index
        %swap3A_1142 = tpu.vector_load %arg7[%swap3A_1141] {strides = array<i32>} : memref<4096xi32, #tpu.memory_space<vmem>>, vector<16xi32>,
        tpu.vector_store %arg7[%swap3A_1141], %broadcast_in_dim3A_0 {strides = array<i32>} : memref<4096xi32, #tpu.memory_space<vmem>>, vector<16xi32>,
        %mul3A_1143 = arith.constant 8 : i32
        %mul3A_1144 = arith.muli %scan3A_1095, %mul3A_1143 : i32
        %add3A_1145 = arith.constant 6 : i32
        %add3A_1146 = arith.addi %mul3A_1144, %add3A_1145 : i32
        %mul3A_1147 = arith.constant 16 : i32
        %mul3A_1148 = arith.muli %add3A_1146, %mul3A_1147 : i32
        %swap3A_1149 = arith.index_cast %mul3A_1148 : i32 to index
        %swap3A_1150 = tpu.vector_load %arg7[%swap3A_1149] {strides = array<i32>} : memref<4096xi32, #tpu.memory_space<vmem>>, vector<16xi32>,
        tpu.vector_store %arg7[%swap3A_1149], %broadcast_in_dim3A_0 {strides = array<i32>} : memref<4096xi32, #tpu.memory_space<vmem>>, vector<16xi32>,
        %mul3A_1151 = arith.constant 8 : i32
        %mul3A_1152 = arith.muli %scan3A_1095, %mul3A_1151 : i32
        %add3A_1153 = arith.constant 7 : i32
        %add3A_1154 = arith.addi %mul3A_1152, %add3A_1153 : i32
        %mul3A_1155 = arith.constant 16 : i32
        %mul3A_1156 = arith.muli %add3A_1154, %mul3A_1155 : i32
        %swap3A_1157 = arith.index_cast %mul3A_1156 : i32 to index
        %swap3A_1158 = tpu.vector_load %arg7[%swap3A_1157] {strides = array<i32>} : memref<4096xi32, #tpu.memory_space<vmem>>, vector<16xi32>,
        tpu.vector_store %arg7[%swap3A_1157], %broadcast_in_dim3A_0 {strides = array<i32>} : memref<4096xi32, #tpu.memory_space<vmem>>, vector<16xi32>,
      }
      %scan3A_167 = arith.constant 32 : i32
      %add3A_168 = arith.constant 31 : i32
      %add3A_169 = arith.addi %add3A_161, %add3A_168 : i32
      %jit3A_170 = arith.constant 32 : i32
      %div3A_171 = arith.divsi %add3A_169, %jit3A_170 : i32
      %sign3A_172 = arith.constant 0 : i32
      %sign3A_173 = arith.cmpi sgt, %add3A_169, %sign3A_172 : i32
      %sign3A_174 = arith.extui %sign3A_173 : i1 to i32
      %sign3A_175 = arith.constant 0 : i32
      %sign3A_176 = arith.cmpi slt, %add3A_169, %sign3A_175 : i32
      %sign3A_177 = arith.extui %sign3A_176 : i1 to i32
      %sign3A_178 = arith.subi %sign3A_174, %sign3A_177 : i32
      %sign3A_179 = arith.constant 0 : i32
      %sign3A_180 = arith.cmpi sgt, %jit3A_170, %sign3A_179 : i32
      %sign3A_181 = arith.extui %sign3A_180 : i1 to i32
      %sign3A_182 = arith.constant 0 : i32
      %sign3A_183 = arith.cmpi slt, %jit3A_170, %sign3A_182 : i32
      %sign3A_184 = arith.extui %sign3A_183 : i1 to i32
      %sign3A_185 = arith.subi %sign3A_181, %sign3A_184 : i32
      %ne3A_186 = arith.cmpi ne, %sign3A_178, %sign3A_185 : i32
      %rem3A_187 = arith.remsi %add3A_169, %jit3A_170 : i32
      %ne3A_188 = arith.constant 0 : i32
      %ne3A_189 = arith.cmpi ne, %rem3A_187, %ne3A_188 : i32
      %and3A_190 = arith.andi %ne3A_186, %ne3A_189 : i1
      %sub3A_191 = arith.constant 1 : i32
      %sub3A_192 = arith.subi %div3A_171, %sub3A_191 : i32
      %select_n3A_193 = arith.select %and3A_190, %sub3A_192, %div3A_171 : i32
      %while3A_194 = arith.constant 0 : i32
      %while3A_195 = arith.constant 0 : i32
      %while3A_196 = arith.subi %select_n3A_193, %while3A_195 : i32
      %while3A_197 = arith.addi %while3A_195, %while3A_196 : i32
      %while3A_198 = arith.constant 1 : i32
      %while3A_199 = arith.divsi %while3A_196, %while3A_198 : i32
      %while3A_200 = arith.muli %while3A_199, %while3A_198 : i32
      %while3A_201 = arith.addi %while3A_195, %while3A_200 : i32
      %while3A_202 = arith.constant 1 : i32
      scf.for %while3A_1095 = %while3A_195 to %while3A_201 step %while3A_202  : i32 {
        %mul3A_1096 = arith.constant 2 : i32
        %mul3A_1097 = arith.muli %while3A_1095, %mul3A_1096 : i32
        %add3A_1098 = arith.constant 0 : i32
        %add3A_1099 = arith.addi %mul3A_1097, %add3A_1098 : i32
        %mul3A_1100 = arith.constant 16 : i32
        %mul3A_1101 = arith.muli %add3A_1099, %mul3A_1100 : i32
        %get3A_1102 = arith.index_cast %mul3A_1101 : i32 to index
        %get3A_1103 = tpu.vector_load %arg5[%get3A_1102] {strides = array<i32>} : memref<32832xi32, #tpu.memory_space<vmem>>, vector<16xi32>,
        %add3A_1104 = vector.broadcast %mul3A_1101 : i32 to vector<16xi32>
        %add3A_1105 = arith.addi %add3A_1104, %iota3A : vector<16xi32>
        %lt3A = vector.broadcast %add3A_161 : i32 to vector<16xi32>
        %lt3A_1106 = arith.cmpi slt, %add3A_1105, %lt3A : vector<16xi32>
        %jit3A_1107 = arith.constant 0 : i32
        %broadcast_in_dim3A_1108 = vector.broadcast %jit3A_1107 : i32 to vector<16xi32>
        %select_n3A_1109 = arith.select %lt3A_1106, %get3A_1103, %broadcast_in_dim3A_1108 : vector<16xi1>, vector<16xi32>
        %gather3A = tpu.vector_load_idx %arg4[%select_n3A_1109] masked %lt3A_1106 : memref<32768xf32, #tpu.memory_space<vmem>>[vector<16xi32>], vector<16xf32>, vector<16xi1>
        %bitcast_convert_type3A = tpu.bitcast %gather3A : vector<16xf32> -> vector<16xi32>
        %lt3A_1110 = arith.constant 0 : i32
        %lt3A_1111 = vector.broadcast %lt3A_1110 : i32 to vector<16xi32>
        %lt3A_1112 = arith.cmpi slt, %bitcast_convert_type3A, %lt3A_1111 : vector<16xi32>
        %xor3A = arith.constant 2147483647 : i32
        %xor3A_1113 = vector.broadcast %xor3A : i32 to vector<16xi32>
        %xor3A_1114 = arith.xori %bitcast_convert_type3A, %xor3A_1113 : vector<16xi32>
        %select_n3A_1115 = arith.select %lt3A_1112, %xor3A_1114, %bitcast_convert_type3A : vector<16xi1>, vector<16xi32>
        %shift_right_arithmetic3A = arith.constant 24 : i32
        %shift_right_arithmetic3A_1116 = vector.broadcast %shift_right_arithmetic3A : i32 to vector<16xi32>
        %shift_right_arithmetic3A_1117 = arith.shrsi %select_n3A_1115, %shift_right_arithmetic3A_1116 : vector<16xi32>
        %add3A_1118 = arith.constant 128 : i32
        %add3A_1119 = vector.broadcast %add3A_1118 : i32 to vector<16xi32>
        %add3A_1120 = arith.addi %shift_right_arithmetic3A_1117, %add3A_1119 : vector<16xi32>
        %mul3A_1121 = arith.constant 256 : i32
        %mul3A_1122 = vector.broadcast %mul3A_1121 : i32 to vector<16xi32>
        %mul3A_1123 = arith.muli %iota3A, %mul3A_1122 : vector<16xi32>
        %add3A_1124 = arith.addi %mul3A_1123, %add3A_1120 : vector<16xi32>
        %gather3A_1125 = tpu.vector_load_idx %arg7[%add3A_1124] masked %lt3A_1106 : memref<4096xi32, #tpu.memory_space<vmem>>[vector<16xi32>], vector<16xi32>, vector<16xi1>
        %add3A_1126 = arith.constant 1 : i32
        %add3A_1127 = vector.broadcast %add3A_1126 : i32 to vector<16xi32>
        %add3A_1128 = arith.addi %gather3A_1125, %add3A_1127 : vector<16xi32>
        tpu.vector_store_idx %arg7[%add3A_1124], %add3A_1128 masked %lt3A_1106 : memref<4096xi32, #tpu.memory_space<vmem>>[vector<16xi32>], vector<16xi32>, vector<16xi1>
        %mul3A_1129 = arith.constant 2 : i32
        %mul3A_1130 = arith.muli %while3A_1095, %mul3A_1129 : i32
        %add3A_1131 = arith.constant 1 : i32
        %add3A_1132 = arith.addi %mul3A_1130, %add3A_1131 : i32
        %mul3A_1133 = arith.constant 16 : i32
        %mul3A_1134 = arith.muli %add3A_1132, %mul3A_1133 : i32
        %get3A_1135 = arith.index_cast %mul3A_1134 : i32 to index
        %get3A_1136 = tpu.vector_load %arg5[%get3A_1135] {strides = array<i32>} : memref<32832xi32, #tpu.memory_space<vmem>>, vector<16xi32>,
        %add3A_1137 = vector.broadcast %mul3A_1134 : i32 to vector<16xi32>
        %add3A_1138 = arith.addi %add3A_1137, %iota3A : vector<16xi32>
        %lt3A_1139 = vector.broadcast %add3A_161 : i32 to vector<16xi32>
        %lt3A_1140 = arith.cmpi slt, %add3A_1138, %lt3A_1139 : vector<16xi32>
        %jit3A_1141 = arith.constant 0 : i32
        %broadcast_in_dim3A_1142 = vector.broadcast %jit3A_1141 : i32 to vector<16xi32>
        %select_n3A_1143 = arith.select %lt3A_1140, %get3A_1136, %broadcast_in_dim3A_1142 : vector<16xi1>, vector<16xi32>
        %gather3A_1144 = tpu.vector_load_idx %arg4[%select_n3A_1143] masked %lt3A_1140 : memref<32768xf32, #tpu.memory_space<vmem>>[vector<16xi32>], vector<16xf32>, vector<16xi1>
        %bitcast_convert_type3A_1145 = tpu.bitcast %gather3A_1144 : vector<16xf32> -> vector<16xi32>
        %lt3A_1146 = arith.constant 0 : i32
        %lt3A_1147 = vector.broadcast %lt3A_1146 : i32 to vector<16xi32>
        %lt3A_1148 = arith.cmpi slt, %bitcast_convert_type3A_1145, %lt3A_1147 : vector<16xi32>
        %xor3A_1149 = arith.constant 2147483647 : i32
        %xor3A_1150 = vector.broadcast %xor3A_1149 : i32 to vector<16xi32>
        %xor3A_1151 = arith.xori %bitcast_convert_type3A_1145, %xor3A_1150 : vector<16xi32>
        %select_n3A_1152 = arith.select %lt3A_1148, %xor3A_1151, %bitcast_convert_type3A_1145 : vector<16xi1>, vector<16xi32>
        %shift_right_arithmetic3A_1153 = arith.constant 24 : i32
        %shift_right_arithmetic3A_1154 = vector.broadcast %shift_right_arithmetic3A_1153 : i32 to vector<16xi32>
        %shift_right_arithmetic3A_1155 = arith.shrsi %select_n3A_1152, %shift_right_arithmetic3A_1154 : vector<16xi32>
        %add3A_1156 = arith.constant 128 : i32
        %add3A_1157 = vector.broadcast %add3A_1156 : i32 to vector<16xi32>
        %add3A_1158 = arith.addi %shift_right_arithmetic3A_1155, %add3A_1157 : vector<16xi32>
        %mul3A_1159 = arith.constant 256 : i32
        %mul3A_1160 = vector.broadcast %mul3A_1159 : i32 to vector<16xi32>
        %mul3A_1161 = arith.muli %iota3A, %mul3A_1160 : vector<16xi32>
        %add3A_1162 = arith.addi %mul3A_1161, %add3A_1158 : vector<16xi32>
        %gather3A_1163 = tpu.vector_load_idx %arg7[%add3A_1162] masked %lt3A_1140 : memref<4096xi32, #tpu.memory_space<vmem>>[vector<16xi32>], vector<16xi32>, vector<16xi1>
        %add3A_1164 = arith.constant 1 : i32
        %add3A_1165 = vector.broadcast %add3A_1164 : i32 to vector<16xi32>
        %add3A_1166 = arith.addi %gather3A_1163, %add3A_1165 : vector<16xi32>
        tpu.vector_store_idx %arg7[%add3A_1162], %add3A_1166 masked %lt3A_1140 : memref<4096xi32, #tpu.memory_space<vmem>>[vector<16xi32>], vector<16xi32>, vector<16xi1>
      }
      %while3A_203 = arith.constant 1 : i32
      scf.for %while3A_1095 = %while3A_201 to %while3A_197 step %while3A_203  : i32 {
        %mul3A_1096 = arith.constant 2 : i32
        %mul3A_1097 = arith.muli %while3A_1095, %mul3A_1096 : i32
        %add3A_1098 = arith.constant 0 : i32
        %add3A_1099 = arith.addi %mul3A_1097, %add3A_1098 : i32
        %mul3A_1100 = arith.constant 16 : i32
        %mul3A_1101 = arith.muli %add3A_1099, %mul3A_1100 : i32
        %get3A_1102 = arith.index_cast %mul3A_1101 : i32 to index
        %get3A_1103 = tpu.vector_load %arg5[%get3A_1102] {strides = array<i32>} : memref<32832xi32, #tpu.memory_space<vmem>>, vector<16xi32>,
        %add3A_1104 = vector.broadcast %mul3A_1101 : i32 to vector<16xi32>
        %add3A_1105 = arith.addi %add3A_1104, %iota3A : vector<16xi32>
        %lt3A = vector.broadcast %add3A_161 : i32 to vector<16xi32>
        %lt3A_1106 = arith.cmpi slt, %add3A_1105, %lt3A : vector<16xi32>
        %jit3A_1107 = arith.constant 0 : i32
        %broadcast_in_dim3A_1108 = vector.broadcast %jit3A_1107 : i32 to vector<16xi32>
        %select_n3A_1109 = arith.select %lt3A_1106, %get3A_1103, %broadcast_in_dim3A_1108 : vector<16xi1>, vector<16xi32>
        %gather3A = tpu.vector_load_idx %arg4[%select_n3A_1109] masked %lt3A_1106 : memref<32768xf32, #tpu.memory_space<vmem>>[vector<16xi32>], vector<16xf32>, vector<16xi1>
        %bitcast_convert_type3A = tpu.bitcast %gather3A : vector<16xf32> -> vector<16xi32>
        %lt3A_1110 = arith.constant 0 : i32
        %lt3A_1111 = vector.broadcast %lt3A_1110 : i32 to vector<16xi32>
        %lt3A_1112 = arith.cmpi slt, %bitcast_convert_type3A, %lt3A_1111 : vector<16xi32>
        %xor3A = arith.constant 2147483647 : i32
        %xor3A_1113 = vector.broadcast %xor3A : i32 to vector<16xi32>
        %xor3A_1114 = arith.xori %bitcast_convert_type3A, %xor3A_1113 : vector<16xi32>
        %select_n3A_1115 = arith.select %lt3A_1112, %xor3A_1114, %bitcast_convert_type3A : vector<16xi1>, vector<16xi32>
        %shift_right_arithmetic3A = arith.constant 24 : i32
        %shift_right_arithmetic3A_1116 = vector.broadcast %shift_right_arithmetic3A : i32 to vector<16xi32>
        %shift_right_arithmetic3A_1117 = arith.shrsi %select_n3A_1115, %shift_right_arithmetic3A_1116 : vector<16xi32>
        %add3A_1118 = arith.constant 128 : i32
        %add3A_1119 = vector.broadcast %add3A_1118 : i32 to vector<16xi32>
        %add3A_1120 = arith.addi %shift_right_arithmetic3A_1117, %add3A_1119 : vector<16xi32>
        %mul3A_1121 = arith.constant 256 : i32
        %mul3A_1122 = vector.broadcast %mul3A_1121 : i32 to vector<16xi32>
        %mul3A_1123 = arith.muli %iota3A, %mul3A_1122 : vector<16xi32>
        %add3A_1124 = arith.addi %mul3A_1123, %add3A_1120 : vector<16xi32>
        %gather3A_1125 = tpu.vector_load_idx %arg7[%add3A_1124] masked %lt3A_1106 : memref<4096xi32, #tpu.memory_space<vmem>>[vector<16xi32>], vector<16xi32>, vector<16xi1>
        %add3A_1126 = arith.constant 1 : i32
        %add3A_1127 = vector.broadcast %add3A_1126 : i32 to vector<16xi32>
        %add3A_1128 = arith.addi %gather3A_1125, %add3A_1127 : vector<16xi32>
        tpu.vector_store_idx %arg7[%add3A_1124], %add3A_1128 masked %lt3A_1106 : memref<4096xi32, #tpu.memory_space<vmem>>[vector<16xi32>], vector<16xi32>, vector<16xi1>
        %mul3A_1129 = arith.constant 2 : i32
        %mul3A_1130 = arith.muli %while3A_1095, %mul3A_1129 : i32
        %add3A_1131 = arith.constant 1 : i32
        %add3A_1132 = arith.addi %mul3A_1130, %add3A_1131 : i32
        %mul3A_1133 = arith.constant 16 : i32
        %mul3A_1134 = arith.muli %add3A_1132, %mul3A_1133 : i32
        %get3A_1135 = arith.index_cast %mul3A_1134 : i32 to index
        %get3A_1136 = tpu.vector_load %arg5[%get3A_1135] {strides = array<i32>} : memref<32832xi32, #tpu.memory_space<vmem>>, vector<16xi32>,
        %add3A_1137 = vector.broadcast %mul3A_1134 : i32 to vector<16xi32>
        %add3A_1138 = arith.addi %add3A_1137, %iota3A : vector<16xi32>
        %lt3A_1139 = vector.broadcast %add3A_161 : i32 to vector<16xi32>
        %lt3A_1140 = arith.cmpi slt, %add3A_1138, %lt3A_1139 : vector<16xi32>
        %jit3A_1141 = arith.constant 0 : i32
        %broadcast_in_dim3A_1142 = vector.broadcast %jit3A_1141 : i32 to vector<16xi32>
        %select_n3A_1143 = arith.select %lt3A_1140, %get3A_1136, %broadcast_in_dim3A_1142 : vector<16xi1>, vector<16xi32>
        %gather3A_1144 = tpu.vector_load_idx %arg4[%select_n3A_1143] masked %lt3A_1140 : memref<32768xf32, #tpu.memory_space<vmem>>[vector<16xi32>], vector<16xf32>, vector<16xi1>
        %bitcast_convert_type3A_1145 = tpu.bitcast %gather3A_1144 : vector<16xf32> -> vector<16xi32>
        %lt3A_1146 = arith.constant 0 : i32
        %lt3A_1147 = vector.broadcast %lt3A_1146 : i32 to vector<16xi32>
        %lt3A_1148 = arith.cmpi slt, %bitcast_convert_type3A_1145, %lt3A_1147 : vector<16xi32>
        %xor3A_1149 = arith.constant 2147483647 : i32
        %xor3A_1150 = vector.broadcast %xor3A_1149 : i32 to vector<16xi32>
        %xor3A_1151 = arith.xori %bitcast_convert_type3A_1145, %xor3A_1150 : vector<16xi32>
        %select_n3A_1152 = arith.select %lt3A_1148, %xor3A_1151, %bitcast_convert_type3A_1145 : vector<16xi1>, vector<16xi32>
        %shift_right_arithmetic3A_1153 = arith.constant 24 : i32
        %shift_right_arithmetic3A_1154 = vector.broadcast %shift_right_arithmetic3A_1153 : i32 to vector<16xi32>
        %shift_right_arithmetic3A_1155 = arith.shrsi %select_n3A_1152, %shift_right_arithmetic3A_1154 : vector<16xi32>
        %add3A_1156 = arith.constant 128 : i32
        %add3A_1157 = vector.broadcast %add3A_1156 : i32 to vector<16xi32>
        %add3A_1158 = arith.addi %shift_right_arithmetic3A_1155, %add3A_1157 : vector<16xi32>
        %mul3A_1159 = arith.constant 256 : i32
        %mul3A_1160 = vector.broadcast %mul3A_1159 : i32 to vector<16xi32>
        %mul3A_1161 = arith.muli %iota3A, %mul3A_1160 : vector<16xi32>
        %add3A_1162 = arith.addi %mul3A_1161, %add3A_1158 : vector<16xi32>
        %gather3A_1163 = tpu.vector_load_idx %arg7[%add3A_1162] masked %lt3A_1140 : memref<4096xi32, #tpu.memory_space<vmem>>[vector<16xi32>], vector<16xi32>, vector<16xi1>
        %add3A_1164 = arith.constant 1 : i32
        %add3A_1165 = vector.broadcast %add3A_1164 : i32 to vector<16xi32>
        %add3A_1166 = arith.addi %gather3A_1163, %add3A_1165 : vector<16xi32>
        tpu.vector_store_idx %arg7[%add3A_1162], %add3A_1166 masked %lt3A_1140 : memref<4096xi32, #tpu.memory_space<vmem>>[vector<16xi32>], vector<16xi32>, vector<16xi1>
      }
      %while3A_204 = arith.constant 64 : i32
      %while3A_205 = arith.constant 16 : i32
      %while3A_206 = arith.constant 0 : i32
      %while3A_207:2 = scf.while (%while3A_1095 = %while3A_205, %while3A_1096 = %while3A_206) : (i32, i32) -> (i32, i32) {
        %lt3A = arith.cmpi slt, %while3A_1096, %while3A_204 : i32
        %gt3A = arith.constant 0 : i32
        %gt3A_1097 = arith.cmpi sgt, %while3A_1095, %gt3A : i32
        %and3A_1098 = arith.andi %lt3A, %gt3A_1097 : i1
        scf.condition(%and3A_1098) %while3A_1095, %while3A_1096 : i32, i32
      } do {
      ^bb0(%while3A_1095: i32, %while3A_1096: i32):
        %sub3A_1097 = arith.constant 1 : i32
        %sub3A_1098 = arith.subi %while3A_1095, %sub3A_1097 : i32
        %sub3A_1099 = arith.constant 1 : i32
        %sub3A_1100 = arith.subi %while3A_1095, %sub3A_1099 : i32
        %mul3A_1101 = arith.constant 16 : i32
        %mul3A_1102 = arith.muli %sub3A_1100, %mul3A_1101 : i32
        %add3A_1103 = arith.constant 0 : i32
        %add3A_1104 = arith.addi %add3A_1103, %mul3A_1102 : i32
        %get3A_1105 = arith.index_cast %add3A_1104 : i32 to index
        %get3A_1106 = tpu.vector_load %arg7[%get3A_1105] {strides = array<i32>} : memref<4096xi32, #tpu.memory_space<vmem>>, vector<16xi32>,
        %add3A_1107 = arith.addi %broadcast_in_dim3A_0, %get3A_1106 : vector<16xi32>
        %mul3A_1108 = arith.constant 16 : i32
        %mul3A_1109 = arith.muli %sub3A_1100, %mul3A_1108 : i32
        %add3A_1110 = arith.constant 256 : i32
        %add3A_1111 = arith.addi %add3A_1110, %mul3A_1109 : i32
        %get3A_1112 = arith.index_cast %add3A_1111 : i32 to index
        %get3A_1113 = tpu.vector_load %arg7[%get3A_1112] {strides = array<i32>} : memref<4096xi32, #tpu.memory_space<vmem>>, vector<16xi32>,
        %add3A_1114 = arith.addi %add3A_1107, %get3A_1113 : vector<16xi32>
        %mul3A_1115 = arith.constant 16 : i32
        %mul3A_1116 = arith.muli %sub3A_1100, %mul3A_1115 : i32
        %add3A_1117 = arith.constant 512 : i32
        %add3A_1118 = arith.addi %add3A_1117, %mul3A_1116 : i32
        %get3A_1119 = arith.index_cast %add3A_1118 : i32 to index
        %get3A_1120 = tpu.vector_load %arg7[%get3A_1119] {strides = array<i32>} : memref<4096xi32, #tpu.memory_space<vmem>>, vector<16xi32>,
        %add3A_1121 = arith.addi %add3A_1114, %get3A_1120 : vector<16xi32>
        %mul3A_1122 = arith.constant 16 : i32
        %mul3A_1123 = arith.muli %sub3A_1100, %mul3A_1122 : i32
        %add3A_1124 = arith.constant 768 : i32
        %add3A_1125 = arith.addi %add3A_1124, %mul3A_1123 : i32
        %get3A_1126 = arith.index_cast %add3A_1125 : i32 to index
        %get3A_1127 = tpu.vector_load %arg7[%get3A_1126] {strides = array<i32>} : memref<4096xi32, #tpu.memory_space<vmem>>, vector<16xi32>,
        %add3A_1128 = arith.addi %add3A_1121, %get3A_1127 : vector<16xi32>
        %mul3A_1129 = arith.constant 16 : i32
        %mul3A_1130 = arith.muli %sub3A_1100, %mul3A_1129 : i32
        %add3A_1131 = arith.constant 1024 : i32
        %add3A_1132 = arith.addi %add3A_1131, %mul3A_1130 : i32
        %get3A_1133 = arith.index_cast %add3A_1132 : i32 to index
        %get3A_1134 = tpu.vector_load %arg7[%get3A_1133] {strides = array<i32>} : memref<4096xi32, #tpu.memory_space<vmem>>, vector<16xi32>,
        %add3A_1135 = arith.addi %add3A_1128, %get3A_1134 : vector<16xi32>
        %mul3A_1136 = arith.constant 16 : i32
        %mul3A_1137 = arith.muli %sub3A_1100, %mul3A_1136 : i32
        %add3A_1138 = arith.constant 1280 : i32
        %add3A_1139 = arith.addi %add3A_1138, %mul3A_1137 : i32
        %get3A_1140 = arith.index_cast %add3A_1139 : i32 to index
        %get3A_1141 = tpu.vector_load %arg7[%get3A_1140] {strides = array<i32>} : memref<4096xi32, #tpu.memory_space<vmem>>, vector<16xi32>,
        %add3A_1142 = arith.addi %add3A_1135, %get3A_1141 : vector<16xi32>
        %mul3A_1143 = arith.constant 16 : i32
        %mul3A_1144 = arith.muli %sub3A_1100, %mul3A_1143 : i32
        %add3A_1145 = arith.constant 1536 : i32
        %add3A_1146 = arith.addi %add3A_1145, %mul3A_1144 : i32
        %get3A_1147 = arith.index_cast %add3A_1146 : i32 to index
        %get3A_1148 = tpu.vector_load %arg7[%get3A_1147] {strides = array<i32>} : memref<4096xi32, #tpu.memory_space<vmem>>, vector<16xi32>,
        %add3A_1149 = arith.addi %add3A_1142, %get3A_1148 : vector<16xi32>
        %mul3A_1150 = arith.constant 16 : i32
        %mul3A_1151 = arith.muli %sub3A_1100, %mul3A_1150 : i32
        %add3A_1152 = arith.constant 1792 : i32
        %add3A_1153 = arith.addi %add3A_1152, %mul3A_1151 : i32
        %get3A_1154 = arith.index_cast %add3A_1153 : i32 to index
        %get3A_1155 = tpu.vector_load %arg7[%get3A_1154] {strides = array<i32>} : memref<4096xi32, #tpu.memory_space<vmem>>, vector<16xi32>,
        %add3A_1156 = arith.addi %add3A_1149, %get3A_1155 : vector<16xi32>
        %mul3A_1157 = arith.constant 16 : i32
        %mul3A_1158 = arith.muli %sub3A_1100, %mul3A_1157 : i32
        %add3A_1159 = arith.constant 2048 : i32
        %add3A_1160 = arith.addi %add3A_1159, %mul3A_1158 : i32
        %get3A_1161 = arith.index_cast %add3A_1160 : i32 to index
        %get3A_1162 = tpu.vector_load %arg7[%get3A_1161] {strides = array<i32>} : memref<4096xi32, #tpu.memory_space<vmem>>, vector<16xi32>,
        %add3A_1163 = arith.addi %add3A_1156, %get3A_1162 : vector<16xi32>
        %mul3A_1164 = arith.constant 16 : i32
        %mul3A_1165 = arith.muli %sub3A_1100, %mul3A_1164 : i32
        %add3A_1166 = arith.constant 2304 : i32
        %add3A_1167 = arith.addi %add3A_1166, %mul3A_1165 : i32
        %get3A_1168 = arith.index_cast %add3A_1167 : i32 to index
        %get3A_1169 = tpu.vector_load %arg7[%get3A_1168] {strides = array<i32>} : memref<4096xi32, #tpu.memory_space<vmem>>, vector<16xi32>,
        %add3A_1170 = arith.addi %add3A_1163, %get3A_1169 : vector<16xi32>
        %mul3A_1171 = arith.constant 16 : i32
        %mul3A_1172 = arith.muli %sub3A_1100, %mul3A_1171 : i32
        %add3A_1173 = arith.constant 2560 : i32
        %add3A_1174 = arith.addi %add3A_1173, %mul3A_1172 : i32
        %get3A_1175 = arith.index_cast %add3A_1174 : i32 to index
        %get3A_1176 = tpu.vector_load %arg7[%get3A_1175] {strides = array<i32>} : memref<4096xi32, #tpu.memory_space<vmem>>, vector<16xi32>,
        %add3A_1177 = arith.addi %add3A_1170, %get3A_1176 : vector<16xi32>
        %mul3A_1178 = arith.constant 16 : i32
        %mul3A_1179 = arith.muli %sub3A_1100, %mul3A_1178 : i32
        %add3A_1180 = arith.constant 2816 : i32
        %add3A_1181 = arith.addi %add3A_1180, %mul3A_1179 : i32
        %get3A_1182 = arith.index_cast %add3A_1181 : i32 to index
        %get3A_1183 = tpu.vector_load %arg7[%get3A_1182] {strides = array<i32>} : memref<4096xi32, #tpu.memory_space<vmem>>, vector<16xi32>,
        %add3A_1184 = arith.addi %add3A_1177, %get3A_1183 : vector<16xi32>
        %mul3A_1185 = arith.constant 16 : i32
        %mul3A_1186 = arith.muli %sub3A_1100, %mul3A_1185 : i32
        %add3A_1187 = arith.constant 3072 : i32
        %add3A_1188 = arith.addi %add3A_1187, %mul3A_1186 : i32
        %get3A_1189 = arith.index_cast %add3A_1188 : i32 to index
        %get3A_1190 = tpu.vector_load %arg7[%get3A_1189] {strides = array<i32>} : memref<4096xi32, #tpu.memory_space<vmem>>, vector<16xi32>,
        %add3A_1191 = arith.addi %add3A_1184, %get3A_1190 : vector<16xi32>
        %mul3A_1192 = arith.constant 16 : i32
        %mul3A_1193 = arith.muli %sub3A_1100, %mul3A_1192 : i32
        %add3A_1194 = arith.constant 3328 : i32
        %add3A_1195 = arith.addi %add3A_1194, %mul3A_1193 : i32
        %get3A_1196 = arith.index_cast %add3A_1195 : i32 to index
        %get3A_1197 = tpu.vector_load %arg7[%get3A_1196] {strides = array<i32>} : memref<4096xi32, #tpu.memory_space<vmem>>, vector<16xi32>,
        %add3A_1198 = arith.addi %add3A_1191, %get3A_1197 : vector<16xi32>
        %mul3A_1199 = arith.constant 16 : i32
        %mul3A_1200 = arith.muli %sub3A_1100, %mul3A_1199 : i32
        %add3A_1201 = arith.constant 3584 : i32
        %add3A_1202 = arith.addi %add3A_1201, %mul3A_1200 : i32
        %get3A_1203 = arith.index_cast %add3A_1202 : i32 to index
        %get3A_1204 = tpu.vector_load %arg7[%get3A_1203] {strides = array<i32>} : memref<4096xi32, #tpu.memory_space<vmem>>, vector<16xi32>,
        %add3A_1205 = arith.addi %add3A_1198, %get3A_1204 : vector<16xi32>
        %mul3A_1206 = arith.constant 16 : i32
        %mul3A_1207 = arith.muli %sub3A_1100, %mul3A_1206 : i32
        %add3A_1208 = arith.constant 3840 : i32
        %add3A_1209 = arith.addi %add3A_1208, %mul3A_1207 : i32
        %get3A_1210 = arith.index_cast %add3A_1209 : i32 to index
        %get3A_1211 = tpu.vector_load %arg7[%get3A_1210] {strides = array<i32>} : memref<4096xi32, #tpu.memory_space<vmem>>, vector<16xi32>,
        %add3A_1212 = arith.addi %add3A_1205, %get3A_1211 : vector<16xi32>
        %reduce_sum3A_1213 = arith.constant true
        %reduce_sum3A_1214 = vector.broadcast %reduce_sum3A_1213 : i1 to vector<16xi1>
        %reduce_sum3A_1215 = tpu.scan <sum>, %add3A_1212 masked %reduce_sum3A_1214 : vector<16xi32>, vector<16xi1> -> vector<16xi32>
        %reduce_sum3A_1216 = vector.extract %reduce_sum3A_1215[15] : i32 from vector<16xi32>
        %add3A_1217 = arith.addi %while3A_1096, %reduce_sum3A_1216 : i32
        scf.yield %sub3A_1098, %add3A_1217 : i32, i32
      }
      %mul3A_208 = arith.constant 16 : i32
      %mul3A_209 = arith.muli %while3A_207#0, %mul3A_208 : i32
      %add3A_210 = arith.constant 0 : i32
      %add3A_211 = arith.addi %add3A_210, %mul3A_209 : i32
      %get3A = arith.index_cast %add3A_211 : i32 to index
      %get3A_212 = tpu.vector_load %arg7[%get3A] {strides = array<i32>} : memref<4096xi32, #tpu.memory_space<vmem>>, vector<16xi32>,
      %add3A_213 = arith.addi %broadcast_in_dim3A_0, %get3A_212 : vector<16xi32>
      %mul3A_214 = arith.constant 16 : i32
      %mul3A_215 = arith.muli %while3A_207#0, %mul3A_214 : i32
      %add3A_216 = arith.constant 256 : i32
      %add3A_217 = arith.addi %add3A_216, %mul3A_215 : i32
      %get3A_218 = arith.index_cast %add3A_217 : i32 to index
      %get3A_219 = tpu.vector_load %arg7[%get3A_218] {strides = array<i32>} : memref<4096xi32, #tpu.memory_space<vmem>>, vector<16xi32>,
      %add3A_220 = arith.addi %add3A_213, %get3A_219 : vector<16xi32>
      %mul3A_221 = arith.constant 16 : i32
      %mul3A_222 = arith.muli %while3A_207#0, %mul3A_221 : i32
      %add3A_223 = arith.constant 512 : i32
      %add3A_224 = arith.addi %add3A_223, %mul3A_222 : i32
      %get3A_225 = arith.index_cast %add3A_224 : i32 to index
      %get3A_226 = tpu.vector_load %arg7[%get3A_225] {strides = array<i32>} : memref<4096xi32, #tpu.memory_space<vmem>>, vector<16xi32>,
      %add3A_227 = arith.addi %add3A_220, %get3A_226 : vector<16xi32>
      %mul3A_228 = arith.constant 16 : i32
      %mul3A_229 = arith.muli %while3A_207#0, %mul3A_228 : i32
      %add3A_230 = arith.constant 768 : i32
      %add3A_231 = arith.addi %add3A_230, %mul3A_229 : i32
      %get3A_232 = arith.index_cast %add3A_231 : i32 to index
      %get3A_233 = tpu.vector_load %arg7[%get3A_232] {strides = array<i32>} : memref<4096xi32, #tpu.memory_space<vmem>>, vector<16xi32>,
      %add3A_234 = arith.addi %add3A_227, %get3A_233 : vector<16xi32>
      %mul3A_235 = arith.constant 16 : i32
      %mul3A_236 = arith.muli %while3A_207#0, %mul3A_235 : i32
      %add3A_237 = arith.constant 1024 : i32
      %add3A_238 = arith.addi %add3A_237, %mul3A_236 : i32
      %get3A_239 = arith.index_cast %add3A_238 : i32 to index
      %get3A_240 = tpu.vector_load %arg7[%get3A_239] {strides = array<i32>} : memref<4096xi32, #tpu.memory_space<vmem>>, vector<16xi32>,
      %add3A_241 = arith.addi %add3A_234, %get3A_240 : vector<16xi32>
      %mul3A_242 = arith.constant 16 : i32
      %mul3A_243 = arith.muli %while3A_207#0, %mul3A_242 : i32
      %add3A_244 = arith.constant 1280 : i32
      %add3A_245 = arith.addi %add3A_244, %mul3A_243 : i32
      %get3A_246 = arith.index_cast %add3A_245 : i32 to index
      %get3A_247 = tpu.vector_load %arg7[%get3A_246] {strides = array<i32>} : memref<4096xi32, #tpu.memory_space<vmem>>, vector<16xi32>,
      %add3A_248 = arith.addi %add3A_241, %get3A_247 : vector<16xi32>
      %mul3A_249 = arith.constant 16 : i32
      %mul3A_250 = arith.muli %while3A_207#0, %mul3A_249 : i32
      %add3A_251 = arith.constant 1536 : i32
      %add3A_252 = arith.addi %add3A_251, %mul3A_250 : i32
      %get3A_253 = arith.index_cast %add3A_252 : i32 to index
      %get3A_254 = tpu.vector_load %arg7[%get3A_253] {strides = array<i32>} : memref<4096xi32, #tpu.memory_space<vmem>>, vector<16xi32>,
      %add3A_255 = arith.addi %add3A_248, %get3A_254 : vector<16xi32>
      %mul3A_256 = arith.constant 16 : i32
      %mul3A_257 = arith.muli %while3A_207#0, %mul3A_256 : i32
      %add3A_258 = arith.constant 1792 : i32
      %add3A_259 = arith.addi %add3A_258, %mul3A_257 : i32
      %get3A_260 = arith.index_cast %add3A_259 : i32 to index
      %get3A_261 = tpu.vector_load %arg7[%get3A_260] {strides = array<i32>} : memref<4096xi32, #tpu.memory_space<vmem>>, vector<16xi32>,
      %add3A_262 = arith.addi %add3A_255, %get3A_261 : vector<16xi32>
      %mul3A_263 = arith.constant 16 : i32
      %mul3A_264 = arith.muli %while3A_207#0, %mul3A_263 : i32
      %add3A_265 = arith.constant 2048 : i32
      %add3A_266 = arith.addi %add3A_265, %mul3A_264 : i32
      %get3A_267 = arith.index_cast %add3A_266 : i32 to index
      %get3A_268 = tpu.vector_load %arg7[%get3A_267] {strides = array<i32>} : memref<4096xi32, #tpu.memory_space<vmem>>, vector<16xi32>,
      %add3A_269 = arith.addi %add3A_262, %get3A_268 : vector<16xi32>
      %mul3A_270 = arith.constant 16 : i32
      %mul3A_271 = arith.muli %while3A_207#0, %mul3A_270 : i32
      %add3A_272 = arith.constant 2304 : i32
      %add3A_273 = arith.addi %add3A_272, %mul3A_271 : i32
      %get3A_274 = arith.index_cast %add3A_273 : i32 to index
      %get3A_275 = tpu.vector_load %arg7[%get3A_274] {strides = array<i32>} : memref<4096xi32, #tpu.memory_space<vmem>>, vector<16xi32>,
      %add3A_276 = arith.addi %add3A_269, %get3A_275 : vector<16xi32>
      %mul3A_277 = arith.constant 16 : i32
      %mul3A_278 = arith.muli %while3A_207#0, %mul3A_277 : i32
      %add3A_279 = arith.constant 2560 : i32
      %add3A_280 = arith.addi %add3A_279, %mul3A_278 : i32
      %get3A_281 = arith.index_cast %add3A_280 : i32 to index
      %get3A_282 = tpu.vector_load %arg7[%get3A_281] {strides = array<i32>} : memref<4096xi32, #tpu.memory_space<vmem>>, vector<16xi32>,
      %add3A_283 = arith.addi %add3A_276, %get3A_282 : vector<16xi32>
      %mul3A_284 = arith.constant 16 : i32
      %mul3A_285 = arith.muli %while3A_207#0, %mul3A_284 : i32
      %add3A_286 = arith.constant 2816 : i32
      %add3A_287 = arith.addi %add3A_286, %mul3A_285 : i32
      %get3A_288 = arith.index_cast %add3A_287 : i32 to index
      %get3A_289 = tpu.vector_load %arg7[%get3A_288] {strides = array<i32>} : memref<4096xi32, #tpu.memory_space<vmem>>, vector<16xi32>,
      %add3A_290 = arith.addi %add3A_283, %get3A_289 : vector<16xi32>
      %mul3A_291 = arith.constant 16 : i32
      %mul3A_292 = arith.muli %while3A_207#0, %mul3A_291 : i32
      %add3A_293 = arith.constant 3072 : i32
      %add3A_294 = arith.addi %add3A_293, %mul3A_292 : i32
      %get3A_295 = arith.index_cast %add3A_294 : i32 to index
      %get3A_296 = tpu.vector_load %arg7[%get3A_295] {strides = array<i32>} : memref<4096xi32, #tpu.memory_space<vmem>>, vector<16xi32>,
      %add3A_297 = arith.addi %add3A_290, %get3A_296 : vector<16xi32>
      %mul3A_298 = arith.constant 16 : i32
      %mul3A_299 = arith.muli %while3A_207#0, %mul3A_298 : i32
      %add3A_300 = arith.constant 3328 : i32
      %add3A_301 = arith.addi %add3A_300, %mul3A_299 : i32
      %get3A_302 = arith.index_cast %add3A_301 : i32 to index
      %get3A_303 = tpu.vector_load %arg7[%get3A_302] {strides = array<i32>} : memref<4096xi32, #tpu.memory_space<vmem>>, vector<16xi32>,
      %add3A_304 = arith.addi %add3A_297, %get3A_303 : vector<16xi32>
      %mul3A_305 = arith.constant 16 : i32
      %mul3A_306 = arith.muli %while3A_207#0, %mul3A_305 : i32
      %add3A_307 = arith.constant 3584 : i32
      %add3A_308 = arith.addi %add3A_307, %mul3A_306 : i32
      %get3A_309 = arith.index_cast %add3A_308 : i32 to index
      %get3A_310 = tpu.vector_load %arg7[%get3A_309] {strides = array<i32>} : memref<4096xi32, #tpu.memory_space<vmem>>, vector<16xi32>,
      %add3A_311 = arith.addi %add3A_304, %get3A_310 : vector<16xi32>
      %mul3A_312 = arith.constant 16 : i32
      %mul3A_313 = arith.muli %while3A_207#0, %mul3A_312 : i32
      %add3A_314 = arith.constant 3840 : i32
      %add3A_315 = arith.addi %add3A_314, %mul3A_313 : i32
      %get3A_316 = arith.index_cast %add3A_315 : i32 to index
      %get3A_317 = tpu.vector_load %arg7[%get3A_316] {strides = array<i32>} : memref<4096xi32, #tpu.memory_space<vmem>>, vector<16xi32>,
      %add3A_318 = arith.addi %add3A_311, %get3A_317 : vector<16xi32>
      %reduce_sum3A_319 = arith.constant true
      %reduce_sum3A_320 = vector.broadcast %reduce_sum3A_319 : i1 to vector<16xi1>
      %reduce_sum3A_321 = tpu.scan <sum>, %add3A_318 masked %reduce_sum3A_320 : vector<16xi32>, vector<16xi1> -> vector<16xi32>
      %reduce_sum3A_322 = vector.extract %reduce_sum3A_321[15] : i32 from vector<16xi32>
      %sub3A_323 = arith.subi %while3A_207#1, %reduce_sum3A_322 : i32
      %rev3A = arith.constant 15 : i32
      %rev3A_324 = vector.broadcast %rev3A : i32 to vector<16xi32>
      %rev3A_325 = tpu.iota {dimensions = array<i32: 0>} : vector<16xi32>
      %rev3A_326 = arith.subi %rev3A_324, %rev3A_325 : vector<16xi32>
      %rev3A_327 = tpu.dynamic_gather %add3A_318[%rev3A_326] in [0] : vector<16xi32>, vector<16xi32> -> vector<16xi32>
      %broadcast_in_dim3A_328 = arith.constant true
      %broadcast_in_dim3A_329 = vector.broadcast %broadcast_in_dim3A_328 : i1 to vector<16xi1>
      %masked_cumsum3A = tpu.scan <sum>, %rev3A_327 masked %broadcast_in_dim3A_329 : vector<16xi32>, vector<16xi1> -> vector<16xi32>
      %add3A_330 = vector.broadcast %sub3A_323 : i32 to vector<16xi32>
      %add3A_331 = arith.addi %add3A_330, %masked_cumsum3A : vector<16xi32>
      %ge3A_332 = arith.constant 64 : i32
      %ge3A_333 = vector.broadcast %ge3A_332 : i32 to vector<16xi32>
      %ge3A_334 = arith.cmpi sge, %add3A_331, %ge3A_333 : vector<16xi32>
      %all_reduce_ffs3A = tpu.all_reduce %ge3A_334 {dim = 0 : i64, kind = #tpu.reduction_kind<find_first_set>} : vector<16xi1> -> vector<16xi32>
      %reduce_max3A = arith.constant true
      %reduce_max3A_335 = vector.broadcast %reduce_max3A : i1 to vector<16xi1>
      %reduce_max3A_336 = arith.constant -2147483648 : i32
      %reduce_max3A_337 = vector.broadcast %reduce_max3A_336 : i32 to vector<16xi32>
      %reduce_max3A_338 = arith.xori %all_reduce_ffs3A, %reduce_max3A_337 : vector<16xi32>
      %reduce_max3A_339 = tpu.scan <max>, %reduce_max3A_338 masked %reduce_max3A_335 : vector<16xi32>, vector<16xi1> -> vector<16xi32>
      %reduce_max3A_340 = arith.xori %reduce_max3A_339, %reduce_max3A_337 : vector<16xi32>
      %reduce_max3A_341 = vector.extract %reduce_max3A_340[15] : i32 from vector<16xi32>
      %sub3A_342 = arith.constant 15 : i32
      %sub3A_343 = arith.subi %sub3A_342, %reduce_max3A_341 : i32
      %eq3A = vector.broadcast %reduce_max3A_341 : i32 to vector<16xi32>
      %eq3A_344 = arith.cmpi eq, %iota3A, %eq3A : vector<16xi32>
      %jit3A_345 = arith.constant 0 : i32
      %broadcast_in_dim3A_346 = vector.broadcast %jit3A_345 : i32 to vector<16xi32>
      %select_n3A_347 = arith.select %eq3A_344, %masked_cumsum3A, %broadcast_in_dim3A_346 : vector<16xi1>, vector<16xi32>
      %reduce_sum3A_348 = arith.constant true
      %reduce_sum3A_349 = vector.broadcast %reduce_sum3A_348 : i1 to vector<16xi1>
      %reduce_sum3A_350 = tpu.scan <sum>, %select_n3A_347 masked %reduce_sum3A_349 : vector<16xi32>, vector<16xi1> -> vector<16xi32>
      %reduce_sum3A_351 = vector.extract %reduce_sum3A_350[15] : i32 from vector<16xi32>
      %add3A_352 = arith.addi %sub3A_323, %reduce_sum3A_351 : i32
      %eq3A_353 = vector.broadcast %sub3A_343 : i32 to vector<16xi32>
      %eq3A_354 = arith.cmpi eq, %iota3A, %eq3A_353 : vector<16xi32>
      %jit3A_355 = arith.constant 0 : i32
      %broadcast_in_dim3A_356 = vector.broadcast %jit3A_355 : i32 to vector<16xi32>
      %select_n3A_357 = arith.select %eq3A_354, %add3A_318, %broadcast_in_dim3A_356 : vector<16xi1>, vector<16xi32>
      %reduce_sum3A_358 = arith.constant true
      %reduce_sum3A_359 = vector.broadcast %reduce_sum3A_358 : i1 to vector<16xi1>
      %reduce_sum3A_360 = tpu.scan <sum>, %select_n3A_357 masked %reduce_sum3A_359 : vector<16xi32>, vector<16xi1> -> vector<16xi32>
      %reduce_sum3A_361 = vector.extract %reduce_sum3A_360[15] : i32 from vector<16xi32>
      %sub3A_362 = arith.subi %add3A_352, %reduce_sum3A_361 : i32
      %mul3A_363 = arith.constant 16 : i32
      %mul3A_364 = arith.muli %while3A_207#0, %mul3A_363 : i32
      %add3A_365 = arith.addi %mul3A_364, %sub3A_343 : i32
      %sub3A_366 = arith.constant 64 : i32
      %sub3A_367 = arith.subi %sub3A_366, %sub3A_362 : i32
      %while3A_368 = arith.constant 0 : i32
      %while3A_369 = arith.constant 0 : i32
      %while3A_370 = arith.constant 0 : i32
      %while3A_371 = arith.subi %select_n3A_193, %while3A_368 : i32
      %while3A_372 = arith.addi %while3A_368, %while3A_371 : i32
      %while3A_373 = arith.constant 1 : i32
      %while3A_374 = arith.divsi %while3A_371, %while3A_373 : i32
      %while3A_375 = arith.muli %while3A_374, %while3A_373 : i32
      %while3A_376 = arith.addi %while3A_368, %while3A_375 : i32
      %while3A_377 = arith.constant 1 : i32
      %while3A_378:2 = scf.for %while3A_1095 = %while3A_368 to %while3A_376 step %while3A_377 iter_args(%while3A_1096 = %while3A_369, %while3A_1097 = %while3A_370) -> (i32, i32)  : i32 {
        %mul3A_1098 = arith.constant 2 : i32
        %mul3A_1099 = arith.muli %while3A_1095, %mul3A_1098 : i32
        %add3A_1100 = arith.constant 0 : i32
        %add3A_1101 = arith.addi %mul3A_1099, %add3A_1100 : i32
        %mul3A_1102 = arith.constant 16 : i32
        %mul3A_1103 = arith.muli %add3A_1101, %mul3A_1102 : i32
        %get3A_1104 = arith.index_cast %mul3A_1103 : i32 to index
        %get3A_1105 = tpu.vector_load %arg5[%get3A_1104] {strides = array<i32>} : memref<32832xi32, #tpu.memory_space<vmem>>, vector<16xi32>,
        %add3A_1106 = vector.broadcast %mul3A_1103 : i32 to vector<16xi32>
        %add3A_1107 = arith.addi %add3A_1106, %iota3A : vector<16xi32>
        %lt3A = vector.broadcast %add3A_161 : i32 to vector<16xi32>
        %lt3A_1108 = arith.cmpi slt, %add3A_1107, %lt3A : vector<16xi32>
        %jit3A_1109 = arith.constant 0 : i32
        %broadcast_in_dim3A_1110 = vector.broadcast %jit3A_1109 : i32 to vector<16xi32>
        %select_n3A_1111 = arith.select %lt3A_1108, %get3A_1105, %broadcast_in_dim3A_1110 : vector<16xi1>, vector<16xi32>
        %gather3A = tpu.vector_load_idx %arg4[%select_n3A_1111] masked %lt3A_1108 : memref<32768xf32, #tpu.memory_space<vmem>>[vector<16xi32>], vector<16xf32>, vector<16xi1>
        %bitcast_convert_type3A = tpu.bitcast %gather3A : vector<16xf32> -> vector<16xi32>
        %lt3A_1112 = arith.constant 0 : i32
        %lt3A_1113 = vector.broadcast %lt3A_1112 : i32 to vector<16xi32>
        %lt3A_1114 = arith.cmpi slt, %bitcast_convert_type3A, %lt3A_1113 : vector<16xi32>
        %xor3A = arith.constant 2147483647 : i32
        %xor3A_1115 = vector.broadcast %xor3A : i32 to vector<16xi32>
        %xor3A_1116 = arith.xori %bitcast_convert_type3A, %xor3A_1115 : vector<16xi32>
        %select_n3A_1117 = arith.select %lt3A_1114, %xor3A_1116, %bitcast_convert_type3A : vector<16xi1>, vector<16xi32>
        %shift_right_arithmetic3A = arith.constant 24 : i32
        %shift_right_arithmetic3A_1118 = vector.broadcast %shift_right_arithmetic3A : i32 to vector<16xi32>
        %shift_right_arithmetic3A_1119 = arith.shrsi %select_n3A_1117, %shift_right_arithmetic3A_1118 : vector<16xi32>
        %add3A_1120 = arith.constant 128 : i32
        %add3A_1121 = vector.broadcast %add3A_1120 : i32 to vector<16xi32>
        %add3A_1122 = arith.addi %shift_right_arithmetic3A_1119, %add3A_1121 : vector<16xi32>
        %gt3A = vector.broadcast %add3A_365 : i32 to vector<16xi32>
        %gt3A_1123 = arith.cmpi sgt, %add3A_1122, %gt3A : vector<16xi32>
        %and3A_1124 = arith.andi %lt3A_1108, %gt3A_1123 : vector<16xi1>
        %swap3A = arith.index_cast %while3A_1097 : i32 to index
        %swap3A_1125 = tpu.vector_load %arg8[%swap3A] masked %and3A_1124 {strides = array<i32>} : memref<80xi32, #tpu.memory_space<vmem>>, vector<16xi32>, vector<16xi1>
        tpu.vector_store %arg8[%swap3A], %get3A_1105 masked %and3A_1124 {strides = array<i32>} : memref<80xi32, #tpu.memory_space<vmem>>, vector<16xi32>, vector<16xi1>
        %eq3A_1126 = vector.broadcast %add3A_365 : i32 to vector<16xi32>
        %eq3A_1127 = arith.cmpi eq, %add3A_1122, %eq3A_1126 : vector<16xi32>
        %and3A_1128 = arith.andi %lt3A_1108, %eq3A_1127 : vector<16xi1>
        %swap3A_1129 = arith.index_cast %while3A_1096 : i32 to index
        %swap3A_1130 = tpu.vector_load %arg5[%swap3A_1129] masked %and3A_1128 {strides = array<i32>} : memref<32832xi32, #tpu.memory_space<vmem>>, vector<16xi32>, vector<16xi1>
        tpu.vector_store %arg5[%swap3A_1129], %get3A_1105 masked %and3A_1128 {strides = array<i32>} : memref<32832xi32, #tpu.memory_space<vmem>>, vector<16xi32>, vector<16xi1>
        %convert_element_type3A = arith.extui %and3A_1128 : vector<16xi1> to vector<16xi32>
        %reduce_sum3A_1131 = arith.constant true
        %reduce_sum3A_1132 = vector.broadcast %reduce_sum3A_1131 : i1 to vector<16xi1>
        %reduce_sum3A_1133 = tpu.scan <sum>, %convert_element_type3A masked %reduce_sum3A_1132 : vector<16xi32>, vector<16xi1> -> vector<16xi32>
        %reduce_sum3A_1134 = vector.extract %reduce_sum3A_1133[15] : i32 from vector<16xi32>
        %add3A_1135 = arith.addi %while3A_1096, %reduce_sum3A_1134 : i32
        %convert_element_type3A_1136 = arith.extui %and3A_1124 : vector<16xi1> to vector<16xi32>
        %reduce_sum3A_1137 = arith.constant true
        %reduce_sum3A_1138 = vector.broadcast %reduce_sum3A_1137 : i1 to vector<16xi1>
        %reduce_sum3A_1139 = tpu.scan <sum>, %convert_element_type3A_1136 masked %reduce_sum3A_1138 : vector<16xi32>, vector<16xi1> -> vector<16xi32>
        %reduce_sum3A_1140 = vector.extract %reduce_sum3A_1139[15] : i32 from vector<16xi32>
        %add3A_1141 = arith.addi %while3A_1097, %reduce_sum3A_1140 : i32
        %mul3A_1142 = arith.constant 2 : i32
        %mul3A_1143 = arith.muli %while3A_1095, %mul3A_1142 : i32
        %add3A_1144 = arith.constant 1 : i32
        %add3A_1145 = arith.addi %mul3A_1143, %add3A_1144 : i32
        %mul3A_1146 = arith.constant 16 : i32
        %mul3A_1147 = arith.muli %add3A_1145, %mul3A_1146 : i32
        %get3A_1148 = arith.index_cast %mul3A_1147 : i32 to index
        %get3A_1149 = tpu.vector_load %arg5[%get3A_1148] {strides = array<i32>} : memref<32832xi32, #tpu.memory_space<vmem>>, vector<16xi32>,
        %add3A_1150 = vector.broadcast %mul3A_1147 : i32 to vector<16xi32>
        %add3A_1151 = arith.addi %add3A_1150, %iota3A : vector<16xi32>
        %lt3A_1152 = vector.broadcast %add3A_161 : i32 to vector<16xi32>
        %lt3A_1153 = arith.cmpi slt, %add3A_1151, %lt3A_1152 : vector<16xi32>
        %jit3A_1154 = arith.constant 0 : i32
        %broadcast_in_dim3A_1155 = vector.broadcast %jit3A_1154 : i32 to vector<16xi32>
        %select_n3A_1156 = arith.select %lt3A_1153, %get3A_1149, %broadcast_in_dim3A_1155 : vector<16xi1>, vector<16xi32>
        %gather3A_1157 = tpu.vector_load_idx %arg4[%select_n3A_1156] masked %lt3A_1153 : memref<32768xf32, #tpu.memory_space<vmem>>[vector<16xi32>], vector<16xf32>, vector<16xi1>
        %bitcast_convert_type3A_1158 = tpu.bitcast %gather3A_1157 : vector<16xf32> -> vector<16xi32>
        %lt3A_1159 = arith.constant 0 : i32
        %lt3A_1160 = vector.broadcast %lt3A_1159 : i32 to vector<16xi32>
        %lt3A_1161 = arith.cmpi slt, %bitcast_convert_type3A_1158, %lt3A_1160 : vector<16xi32>
        %xor3A_1162 = arith.constant 2147483647 : i32
        %xor3A_1163 = vector.broadcast %xor3A_1162 : i32 to vector<16xi32>
        %xor3A_1164 = arith.xori %bitcast_convert_type3A_1158, %xor3A_1163 : vector<16xi32>
        %select_n3A_1165 = arith.select %lt3A_1161, %xor3A_1164, %bitcast_convert_type3A_1158 : vector<16xi1>, vector<16xi32>
        %shift_right_arithmetic3A_1166 = arith.constant 24 : i32
        %shift_right_arithmetic3A_1167 = vector.broadcast %shift_right_arithmetic3A_1166 : i32 to vector<16xi32>
        %shift_right_arithmetic3A_1168 = arith.shrsi %select_n3A_1165, %shift_right_arithmetic3A_1167 : vector<16xi32>
        %add3A_1169 = arith.constant 128 : i32
        %add3A_1170 = vector.broadcast %add3A_1169 : i32 to vector<16xi32>
        %add3A_1171 = arith.addi %shift_right_arithmetic3A_1168, %add3A_1170 : vector<16xi32>
        %gt3A_1172 = vector.broadcast %add3A_365 : i32 to vector<16xi32>
        %gt3A_1173 = arith.cmpi sgt, %add3A_1171, %gt3A_1172 : vector<16xi32>
        %and3A_1174 = arith.andi %lt3A_1153, %gt3A_1173 : vector<16xi1>
        %swap3A_1175 = arith.index_cast %add3A_1141 : i32 to index
        %swap3A_1176 = tpu.vector_load %arg8[%swap3A_1175] masked %and3A_1174 {strides = array<i32>} : memref<80xi32, #tpu.memory_space<vmem>>, vector<16xi32>, vector<16xi1>
        tpu.vector_store %arg8[%swap3A_1175], %get3A_1149 masked %and3A_1174 {strides = array<i32>} : memref<80xi32, #tpu.memory_space<vmem>>, vector<16xi32>, vector<16xi1>
        %eq3A_1177 = vector.broadcast %add3A_365 : i32 to vector<16xi32>
        %eq3A_1178 = arith.cmpi eq, %add3A_1171, %eq3A_1177 : vector<16xi32>
        %and3A_1179 = arith.andi %lt3A_1153, %eq3A_1178 : vector<16xi1>
        %swap3A_1180 = arith.index_cast %add3A_1135 : i32 to index
        %swap3A_1181 = tpu.vector_load %arg5[%swap3A_1180] masked %and3A_1179 {strides = array<i32>} : memref<32832xi32, #tpu.memory_space<vmem>>, vector<16xi32>, vector<16xi1>
        tpu.vector_store %arg5[%swap3A_1180], %get3A_1149 masked %and3A_1179 {strides = array<i32>} : memref<32832xi32, #tpu.memory_space<vmem>>, vector<16xi32>, vector<16xi1>
        %convert_element_type3A_1182 = arith.extui %and3A_1179 : vector<16xi1> to vector<16xi32>
        %reduce_sum3A_1183 = arith.constant true
        %reduce_sum3A_1184 = vector.broadcast %reduce_sum3A_1183 : i1 to vector<16xi1>
        %reduce_sum3A_1185 = tpu.scan <sum>, %convert_element_type3A_1182 masked %reduce_sum3A_1184 : vector<16xi32>, vector<16xi1> -> vector<16xi32>
        %reduce_sum3A_1186 = vector.extract %reduce_sum3A_1185[15] : i32 from vector<16xi32>
        %add3A_1187 = arith.addi %add3A_1135, %reduce_sum3A_1186 : i32
        %convert_element_type3A_1188 = arith.extui %and3A_1174 : vector<16xi1> to vector<16xi32>
        %reduce_sum3A_1189 = arith.constant true
        %reduce_sum3A_1190 = vector.broadcast %reduce_sum3A_1189 : i1 to vector<16xi1>
        %reduce_sum3A_1191 = tpu.scan <sum>, %convert_element_type3A_1188 masked %reduce_sum3A_1190 : vector<16xi32>, vector<16xi1> -> vector<16xi32>
        %reduce_sum3A_1192 = vector.extract %reduce_sum3A_1191[15] : i32 from vector<16xi32>
        %add3A_1193 = arith.addi %add3A_1141, %reduce_sum3A_1192 : i32
        scf.yield %add3A_1187, %add3A_1193 : i32, i32
      }
      %while3A_379 = arith.constant 1 : i32
      %while3A_380:2 = scf.for %while3A_1095 = %while3A_376 to %while3A_372 step %while3A_379 iter_args(%while3A_1096 = %while3A_378#0, %while3A_1097 = %while3A_378#1) -> (i32, i32)  : i32 {
        %mul3A_1098 = arith.constant 2 : i32
        %mul3A_1099 = arith.muli %while3A_1095, %mul3A_1098 : i32
        %add3A_1100 = arith.constant 0 : i32
        %add3A_1101 = arith.addi %mul3A_1099, %add3A_1100 : i32
        %mul3A_1102 = arith.constant 16 : i32
        %mul3A_1103 = arith.muli %add3A_1101, %mul3A_1102 : i32
        %get3A_1104 = arith.index_cast %mul3A_1103 : i32 to index
        %get3A_1105 = tpu.vector_load %arg5[%get3A_1104] {strides = array<i32>} : memref<32832xi32, #tpu.memory_space<vmem>>, vector<16xi32>,
        %add3A_1106 = vector.broadcast %mul3A_1103 : i32 to vector<16xi32>
        %add3A_1107 = arith.addi %add3A_1106, %iota3A : vector<16xi32>
        %lt3A = vector.broadcast %add3A_161 : i32 to vector<16xi32>
        %lt3A_1108 = arith.cmpi slt, %add3A_1107, %lt3A : vector<16xi32>
        %jit3A_1109 = arith.constant 0 : i32
        %broadcast_in_dim3A_1110 = vector.broadcast %jit3A_1109 : i32 to vector<16xi32>
        %select_n3A_1111 = arith.select %lt3A_1108, %get3A_1105, %broadcast_in_dim3A_1110 : vector<16xi1>, vector<16xi32>
        %gather3A = tpu.vector_load_idx %arg4[%select_n3A_1111] masked %lt3A_1108 : memref<32768xf32, #tpu.memory_space<vmem>>[vector<16xi32>], vector<16xf32>, vector<16xi1>
        %bitcast_convert_type3A = tpu.bitcast %gather3A : vector<16xf32> -> vector<16xi32>
        %lt3A_1112 = arith.constant 0 : i32
        %lt3A_1113 = vector.broadcast %lt3A_1112 : i32 to vector<16xi32>
        %lt3A_1114 = arith.cmpi slt, %bitcast_convert_type3A, %lt3A_1113 : vector<16xi32>
        %xor3A = arith.constant 2147483647 : i32
        %xor3A_1115 = vector.broadcast %xor3A : i32 to vector<16xi32>
        %xor3A_1116 = arith.xori %bitcast_convert_type3A, %xor3A_1115 : vector<16xi32>
        %select_n3A_1117 = arith.select %lt3A_1114, %xor3A_1116, %bitcast_convert_type3A : vector<16xi1>, vector<16xi32>
        %shift_right_arithmetic3A = arith.constant 24 : i32
        %shift_right_arithmetic3A_1118 = vector.broadcast %shift_right_arithmetic3A : i32 to vector<16xi32>
        %shift_right_arithmetic3A_1119 = arith.shrsi %select_n3A_1117, %shift_right_arithmetic3A_1118 : vector<16xi32>
        %add3A_1120 = arith.constant 128 : i32
        %add3A_1121 = vector.broadcast %add3A_1120 : i32 to vector<16xi32>
        %add3A_1122 = arith.addi %shift_right_arithmetic3A_1119, %add3A_1121 : vector<16xi32>
        %gt3A = vector.broadcast %add3A_365 : i32 to vector<16xi32>
        %gt3A_1123 = arith.cmpi sgt, %add3A_1122, %gt3A : vector<16xi32>
        %and3A_1124 = arith.andi %lt3A_1108, %gt3A_1123 : vector<16xi1>
        %swap3A = arith.index_cast %while3A_1097 : i32 to index
        %swap3A_1125 = tpu.vector_load %arg8[%swap3A] masked %and3A_1124 {strides = array<i32>} : memref<80xi32, #tpu.memory_space<vmem>>, vector<16xi32>, vector<16xi1>
        tpu.vector_store %arg8[%swap3A], %get3A_1105 masked %and3A_1124 {strides = array<i32>} : memref<80xi32, #tpu.memory_space<vmem>>, vector<16xi32>, vector<16xi1>
        %eq3A_1126 = vector.broadcast %add3A_365 : i32 to vector<16xi32>
        %eq3A_1127 = arith.cmpi eq, %add3A_1122, %eq3A_1126 : vector<16xi32>
        %and3A_1128 = arith.andi %lt3A_1108, %eq3A_1127 : vector<16xi1>
        %swap3A_1129 = arith.index_cast %while3A_1096 : i32 to index
        %swap3A_1130 = tpu.vector_load %arg5[%swap3A_1129] masked %and3A_1128 {strides = array<i32>} : memref<32832xi32, #tpu.memory_space<vmem>>, vector<16xi32>, vector<16xi1>
        tpu.vector_store %arg5[%swap3A_1129], %get3A_1105 masked %and3A_1128 {strides = array<i32>} : memref<32832xi32, #tpu.memory_space<vmem>>, vector<16xi32>, vector<16xi1>
        %convert_element_type3A = arith.extui %and3A_1128 : vector<16xi1> to vector<16xi32>
        %reduce_sum3A_1131 = arith.constant true
        %reduce_sum3A_1132 = vector.broadcast %reduce_sum3A_1131 : i1 to vector<16xi1>
        %reduce_sum3A_1133 = tpu.scan <sum>, %convert_element_type3A masked %reduce_sum3A_1132 : vector<16xi32>, vector<16xi1> -> vector<16xi32>
        %reduce_sum3A_1134 = vector.extract %reduce_sum3A_1133[15] : i32 from vector<16xi32>
        %add3A_1135 = arith.addi %while3A_1096, %reduce_sum3A_1134 : i32
        %convert_element_type3A_1136 = arith.extui %and3A_1124 : vector<16xi1> to vector<16xi32>
        %reduce_sum3A_1137 = arith.constant true
        %reduce_sum3A_1138 = vector.broadcast %reduce_sum3A_1137 : i1 to vector<16xi1>
        %reduce_sum3A_1139 = tpu.scan <sum>, %convert_element_type3A_1136 masked %reduce_sum3A_1138 : vector<16xi32>, vector<16xi1> -> vector<16xi32>
        %reduce_sum3A_1140 = vector.extract %reduce_sum3A_1139[15] : i32 from vector<16xi32>
        %add3A_1141 = arith.addi %while3A_1097, %reduce_sum3A_1140 : i32
        %mul3A_1142 = arith.constant 2 : i32
        %mul3A_1143 = arith.muli %while3A_1095, %mul3A_1142 : i32
        %add3A_1144 = arith.constant 1 : i32
        %add3A_1145 = arith.addi %mul3A_1143, %add3A_1144 : i32
        %mul3A_1146 = arith.constant 16 : i32
        %mul3A_1147 = arith.muli %add3A_1145, %mul3A_1146 : i32
        %get3A_1148 = arith.index_cast %mul3A_1147 : i32 to index
        %get3A_1149 = tpu.vector_load %arg5[%get3A_1148] {strides = array<i32>} : memref<32832xi32, #tpu.memory_space<vmem>>, vector<16xi32>,
        %add3A_1150 = vector.broadcast %mul3A_1147 : i32 to vector<16xi32>
        %add3A_1151 = arith.addi %add3A_1150, %iota3A : vector<16xi32>
        %lt3A_1152 = vector.broadcast %add3A_161 : i32 to vector<16xi32>
        %lt3A_1153 = arith.cmpi slt, %add3A_1151, %lt3A_1152 : vector<16xi32>
        %jit3A_1154 = arith.constant 0 : i32
        %broadcast_in_dim3A_1155 = vector.broadcast %jit3A_1154 : i32 to vector<16xi32>
        %select_n3A_1156 = arith.select %lt3A_1153, %get3A_1149, %broadcast_in_dim3A_1155 : vector<16xi1>, vector<16xi32>
        %gather3A_1157 = tpu.vector_load_idx %arg4[%select_n3A_1156] masked %lt3A_1153 : memref<32768xf32, #tpu.memory_space<vmem>>[vector<16xi32>], vector<16xf32>, vector<16xi1>
        %bitcast_convert_type3A_1158 = tpu.bitcast %gather3A_1157 : vector<16xf32> -> vector<16xi32>
        %lt3A_1159 = arith.constant 0 : i32
        %lt3A_1160 = vector.broadcast %lt3A_1159 : i32 to vector<16xi32>
        %lt3A_1161 = arith.cmpi slt, %bitcast_convert_type3A_1158, %lt3A_1160 : vector<16xi32>
        %xor3A_1162 = arith.constant 2147483647 : i32
        %xor3A_1163 = vector.broadcast %xor3A_1162 : i32 to vector<16xi32>
        %xor3A_1164 = arith.xori %bitcast_convert_type3A_1158, %xor3A_1163 : vector<16xi32>
        %select_n3A_1165 = arith.select %lt3A_1161, %xor3A_1164, %bitcast_convert_type3A_1158 : vector<16xi1>, vector<16xi32>
        %shift_right_arithmetic3A_1166 = arith.constant 24 : i32
        %shift_right_arithmetic3A_1167 = vector.broadcast %shift_right_arithmetic3A_1166 : i32 to vector<16xi32>
        %shift_right_arithmetic3A_1168 = arith.shrsi %select_n3A_1165, %shift_right_arithmetic3A_1167 : vector<16xi32>
        %add3A_1169 = arith.constant 128 : i32
        %add3A_1170 = vector.broadcast %add3A_1169 : i32 to vector<16xi32>
        %add3A_1171 = arith.addi %shift_right_arithmetic3A_1168, %add3A_1170 : vector<16xi32>
        %gt3A_1172 = vector.broadcast %add3A_365 : i32 to vector<16xi32>
        %gt3A_1173 = arith.cmpi sgt, %add3A_1171, %gt3A_1172 : vector<16xi32>
        %and3A_1174 = arith.andi %lt3A_1153, %gt3A_1173 : vector<16xi1>
        %swap3A_1175 = arith.index_cast %add3A_1141 : i32 to index
        %swap3A_1176 = tpu.vector_load %arg8[%swap3A_1175] masked %and3A_1174 {strides = array<i32>} : memref<80xi32, #tpu.memory_space<vmem>>, vector<16xi32>, vector<16xi1>
        tpu.vector_store %arg8[%swap3A_1175], %get3A_1149 masked %and3A_1174 {strides = array<i32>} : memref<80xi32, #tpu.memory_space<vmem>>, vector<16xi32>, vector<16xi1>
        %eq3A_1177 = vector.broadcast %add3A_365 : i32 to vector<16xi32>
        %eq3A_1178 = arith.cmpi eq, %add3A_1171, %eq3A_1177 : vector<16xi32>
        %and3A_1179 = arith.andi %lt3A_1153, %eq3A_1178 : vector<16xi1>
        %swap3A_1180 = arith.index_cast %add3A_1135 : i32 to index
        %swap3A_1181 = tpu.vector_load %arg5[%swap3A_1180] masked %and3A_1179 {strides = array<i32>} : memref<32832xi32, #tpu.memory_space<vmem>>, vector<16xi32>, vector<16xi1>
        tpu.vector_store %arg5[%swap3A_1180], %get3A_1149 masked %and3A_1179 {strides = array<i32>} : memref<32832xi32, #tpu.memory_space<vmem>>, vector<16xi32>, vector<16xi1>
        %convert_element_type3A_1182 = arith.extui %and3A_1179 : vector<16xi1> to vector<16xi32>
        %reduce_sum3A_1183 = arith.constant true
        %reduce_sum3A_1184 = vector.broadcast %reduce_sum3A_1183 : i1 to vector<16xi1>
        %reduce_sum3A_1185 = tpu.scan <sum>, %convert_element_type3A_1182 masked %reduce_sum3A_1184 : vector<16xi32>, vector<16xi1> -> vector<16xi32>
        %reduce_sum3A_1186 = vector.extract %reduce_sum3A_1185[15] : i32 from vector<16xi32>
        %add3A_1187 = arith.addi %add3A_1135, %reduce_sum3A_1186 : i32
        %convert_element_type3A_1188 = arith.extui %and3A_1174 : vector<16xi1> to vector<16xi32>
        %reduce_sum3A_1189 = arith.constant true
        %reduce_sum3A_1190 = vector.broadcast %reduce_sum3A_1189 : i1 to vector<16xi1>
        %reduce_sum3A_1191 = tpu.scan <sum>, %convert_element_type3A_1188 masked %reduce_sum3A_1190 : vector<16xi32>, vector<16xi1> -> vector<16xi32>
        %reduce_sum3A_1192 = vector.extract %reduce_sum3A_1191[15] : i32 from vector<16xi32>
        %add3A_1193 = arith.addi %add3A_1141, %reduce_sum3A_1192 : i32
        scf.yield %add3A_1187, %add3A_1193 : i32, i32
      }
      %scan3A_381 = arith.constant 0 : i32
      %scan3A_382 = arith.constant 0 : i32
      %scan3A_383 = arith.constant 32 : i32
      %scan3A_384 = arith.addi %scan3A_382, %scan3A_383 : i32
      %scan3A_385 = arith.constant 1 : i32
      scf.for %scan3A_1095 = %scan3A_382 to %scan3A_384 step %scan3A_385  : i32 {
        %mul3A_1096 = arith.constant 8 : i32
        %mul3A_1097 = arith.muli %scan3A_1095, %mul3A_1096 : i32
        %add3A_1098 = arith.constant 0 : i32
        %add3A_1099 = arith.addi %mul3A_1097, %add3A_1098 : i32
        %mul3A_1100 = arith.constant 16 : i32
        %mul3A_1101 = arith.muli %add3A_1099, %mul3A_1100 : i32
        %swap3A = arith.index_cast %mul3A_1101 : i32 to index
        %swap3A_1102 = tpu.vector_load %arg7[%swap3A] {strides = array<i32>} : memref<4096xi32, #tpu.memory_space<vmem>>, vector<16xi32>,
        tpu.vector_store %arg7[%swap3A], %broadcast_in_dim3A_0 {strides = array<i32>} : memref<4096xi32, #tpu.memory_space<vmem>>, vector<16xi32>,
        %mul3A_1103 = arith.constant 8 : i32
        %mul3A_1104 = arith.muli %scan3A_1095, %mul3A_1103 : i32
        %add3A_1105 = arith.constant 1 : i32
        %add3A_1106 = arith.addi %mul3A_1104, %add3A_1105 : i32
        %mul3A_1107 = arith.constant 16 : i32
        %mul3A_1108 = arith.muli %add3A_1106, %mul3A_1107 : i32
        %swap3A_1109 = arith.index_cast %mul3A_1108 : i32 to index
        %swap3A_1110 = tpu.vector_load %arg7[%swap3A_1109] {strides = array<i32>} : memref<4096xi32, #tpu.memory_space<vmem>>, vector<16xi32>,
        tpu.vector_store %arg7[%swap3A_1109], %broadcast_in_dim3A_0 {strides = array<i32>} : memref<4096xi32, #tpu.memory_space<vmem>>, vector<16xi32>,
        %mul3A_1111 = arith.constant 8 : i32
        %mul3A_1112 = arith.muli %scan3A_1095, %mul3A_1111 : i32
        %add3A_1113 = arith.constant 2 : i32
        %add3A_1114 = arith.addi %mul3A_1112, %add3A_1113 : i32
        %mul3A_1115 = arith.constant 16 : i32
        %mul3A_1116 = arith.muli %add3A_1114, %mul3A_1115 : i32
        %swap3A_1117 = arith.index_cast %mul3A_1116 : i32 to index
        %swap3A_1118 = tpu.vector_load %arg7[%swap3A_1117] {strides = array<i32>} : memref<4096xi32, #tpu.memory_space<vmem>>, vector<16xi32>,
        tpu.vector_store %arg7[%swap3A_1117], %broadcast_in_dim3A_0 {strides = array<i32>} : memref<4096xi32, #tpu.memory_space<vmem>>, vector<16xi32>,
        %mul3A_1119 = arith.constant 8 : i32
        %mul3A_1120 = arith.muli %scan3A_1095, %mul3A_1119 : i32
        %add3A_1121 = arith.constant 3 : i32
        %add3A_1122 = arith.addi %mul3A_1120, %add3A_1121 : i32
        %mul3A_1123 = arith.constant 16 : i32
        %mul3A_1124 = arith.muli %add3A_1122, %mul3A_1123 : i32
        %swap3A_1125 = arith.index_cast %mul3A_1124 : i32 to index
        %swap3A_1126 = tpu.vector_load %arg7[%swap3A_1125] {strides = array<i32>} : memref<4096xi32, #tpu.memory_space<vmem>>, vector<16xi32>,
        tpu.vector_store %arg7[%swap3A_1125], %broadcast_in_dim3A_0 {strides = array<i32>} : memref<4096xi32, #tpu.memory_space<vmem>>, vector<16xi32>,
        %mul3A_1127 = arith.constant 8 : i32
        %mul3A_1128 = arith.muli %scan3A_1095, %mul3A_1127 : i32
        %add3A_1129 = arith.constant 4 : i32
        %add3A_1130 = arith.addi %mul3A_1128, %add3A_1129 : i32
        %mul3A_1131 = arith.constant 16 : i32
        %mul3A_1132 = arith.muli %add3A_1130, %mul3A_1131 : i32
        %swap3A_1133 = arith.index_cast %mul3A_1132 : i32 to index
        %swap3A_1134 = tpu.vector_load %arg7[%swap3A_1133] {strides = array<i32>} : memref<4096xi32, #tpu.memory_space<vmem>>, vector<16xi32>,
        tpu.vector_store %arg7[%swap3A_1133], %broadcast_in_dim3A_0 {strides = array<i32>} : memref<4096xi32, #tpu.memory_space<vmem>>, vector<16xi32>,
        %mul3A_1135 = arith.constant 8 : i32
        %mul3A_1136 = arith.muli %scan3A_1095, %mul3A_1135 : i32
        %add3A_1137 = arith.constant 5 : i32
        %add3A_1138 = arith.addi %mul3A_1136, %add3A_1137 : i32
        %mul3A_1139 = arith.constant 16 : i32
        %mul3A_1140 = arith.muli %add3A_1138, %mul3A_1139 : i32
        %swap3A_1141 = arith.index_cast %mul3A_1140 : i32 to index
        %swap3A_1142 = tpu.vector_load %arg7[%swap3A_1141] {strides = array<i32>} : memref<4096xi32, #tpu.memory_space<vmem>>, vector<16xi32>,
        tpu.vector_store %arg7[%swap3A_1141], %broadcast_in_dim3A_0 {strides = array<i32>} : memref<4096xi32, #tpu.memory_space<vmem>>, vector<16xi32>,
        %mul3A_1143 = arith.constant 8 : i32
        %mul3A_1144 = arith.muli %scan3A_1095, %mul3A_1143 : i32
        %add3A_1145 = arith.constant 6 : i32
        %add3A_1146 = arith.addi %mul3A_1144, %add3A_1145 : i32
        %mul3A_1147 = arith.constant 16 : i32
        %mul3A_1148 = arith.muli %add3A_1146, %mul3A_1147 : i32
        %swap3A_1149 = arith.index_cast %mul3A_1148 : i32 to index
        %swap3A_1150 = tpu.vector_load %arg7[%swap3A_1149] {strides = array<i32>} : memref<4096xi32, #tpu.memory_space<vmem>>, vector<16xi32>,
        tpu.vector_store %arg7[%swap3A_1149], %broadcast_in_dim3A_0 {strides = array<i32>} : memref<4096xi32, #tpu.memory_space<vmem>>, vector<16xi32>,
        %mul3A_1151 = arith.constant 8 : i32
        %mul3A_1152 = arith.muli %scan3A_1095, %mul3A_1151 : i32
        %add3A_1153 = arith.constant 7 : i32
        %add3A_1154 = arith.addi %mul3A_1152, %add3A_1153 : i32
        %mul3A_1155 = arith.constant 16 : i32
        %mul3A_1156 = arith.muli %add3A_1154, %mul3A_1155 : i32
        %swap3A_1157 = arith.index_cast %mul3A_1156 : i32 to index
        %swap3A_1158 = tpu.vector_load %arg7[%swap3A_1157] {strides = array<i32>} : memref<4096xi32, #tpu.memory_space<vmem>>, vector<16xi32>,
        tpu.vector_store %arg7[%swap3A_1157], %broadcast_in_dim3A_0 {strides = array<i32>} : memref<4096xi32, #tpu.memory_space<vmem>>, vector<16xi32>,
      }
      %scan3A_386 = arith.constant 32 : i32
      %add3A_387 = arith.constant 31 : i32
      %add3A_388 = arith.addi %while3A_380#0, %add3A_387 : i32
      %jit3A_389 = arith.constant 32 : i32
      %div3A_390 = arith.divsi %add3A_388, %jit3A_389 : i32
      %sign3A_391 = arith.constant 0 : i32
      %sign3A_392 = arith.cmpi sgt, %add3A_388, %sign3A_391 : i32
      %sign3A_393 = arith.extui %sign3A_392 : i1 to i32
      %sign3A_394 = arith.constant 0 : i32
      %sign3A_395 = arith.cmpi slt, %add3A_388, %sign3A_394 : i32
      %sign3A_396 = arith.extui %sign3A_395 : i1 to i32
      %sign3A_397 = arith.subi %sign3A_393, %sign3A_396 : i32
      %sign3A_398 = arith.constant 0 : i32
      %sign3A_399 = arith.cmpi sgt, %jit3A_389, %sign3A_398 : i32
      %sign3A_400 = arith.extui %sign3A_399 : i1 to i32
      %sign3A_401 = arith.constant 0 : i32
      %sign3A_402 = arith.cmpi slt, %jit3A_389, %sign3A_401 : i32
      %sign3A_403 = arith.extui %sign3A_402 : i1 to i32
      %sign3A_404 = arith.subi %sign3A_400, %sign3A_403 : i32
      %ne3A_405 = arith.cmpi ne, %sign3A_397, %sign3A_404 : i32
      %rem3A_406 = arith.remsi %add3A_388, %jit3A_389 : i32
      %ne3A_407 = arith.constant 0 : i32
      %ne3A_408 = arith.cmpi ne, %rem3A_406, %ne3A_407 : i32
      %and3A_409 = arith.andi %ne3A_405, %ne3A_408 : i1
      %sub3A_410 = arith.constant 1 : i32
      %sub3A_411 = arith.subi %div3A_390, %sub3A_410 : i32
      %select_n3A_412 = arith.select %and3A_409, %sub3A_411, %div3A_390 : i32
      %while3A_413 = arith.constant 0 : i32
      %while3A_414 = arith.constant 0 : i32
      %while3A_415 = arith.subi %select_n3A_412, %while3A_414 : i32
      %while3A_416 = arith.addi %while3A_414, %while3A_415 : i32
      %while3A_417 = arith.constant 1 : i32
      %while3A_418 = arith.divsi %while3A_415, %while3A_417 : i32
      %while3A_419 = arith.muli %while3A_418, %while3A_417 : i32
      %while3A_420 = arith.addi %while3A_414, %while3A_419 : i32
      %while3A_421 = arith.constant 1 : i32
      scf.for %while3A_1095 = %while3A_414 to %while3A_420 step %while3A_421  : i32 {
        %mul3A_1096 = arith.constant 2 : i32
        %mul3A_1097 = arith.muli %while3A_1095, %mul3A_1096 : i32
        %add3A_1098 = arith.constant 0 : i32
        %add3A_1099 = arith.addi %mul3A_1097, %add3A_1098 : i32
        %mul3A_1100 = arith.constant 16 : i32
        %mul3A_1101 = arith.muli %add3A_1099, %mul3A_1100 : i32
        %get3A_1102 = arith.index_cast %mul3A_1101 : i32 to index
        %get3A_1103 = tpu.vector_load %arg5[%get3A_1102] {strides = array<i32>} : memref<32832xi32, #tpu.memory_space<vmem>>, vector<16xi32>,
        %add3A_1104 = vector.broadcast %mul3A_1101 : i32 to vector<16xi32>
        %add3A_1105 = arith.addi %add3A_1104, %iota3A : vector<16xi32>
        %lt3A = vector.broadcast %while3A_380#0 : i32 to vector<16xi32>
        %lt3A_1106 = arith.cmpi slt, %add3A_1105, %lt3A : vector<16xi32>
        %jit3A_1107 = arith.constant 0 : i32
        %broadcast_in_dim3A_1108 = vector.broadcast %jit3A_1107 : i32 to vector<16xi32>
        %select_n3A_1109 = arith.select %lt3A_1106, %get3A_1103, %broadcast_in_dim3A_1108 : vector<16xi1>, vector<16xi32>
        %gather3A = tpu.vector_load_idx %arg4[%select_n3A_1109] masked %lt3A_1106 : memref<32768xf32, #tpu.memory_space<vmem>>[vector<16xi32>], vector<16xf32>, vector<16xi1>
        %bitcast_convert_type3A = tpu.bitcast %gather3A : vector<16xf32> -> vector<16xi32>
        %lt3A_1110 = arith.constant 0 : i32
        %lt3A_1111 = vector.broadcast %lt3A_1110 : i32 to vector<16xi32>
        %lt3A_1112 = arith.cmpi slt, %bitcast_convert_type3A, %lt3A_1111 : vector<16xi32>
        %xor3A = arith.constant 2147483647 : i32
        %xor3A_1113 = vector.broadcast %xor3A : i32 to vector<16xi32>
        %xor3A_1114 = arith.xori %bitcast_convert_type3A, %xor3A_1113 : vector<16xi32>
        %select_n3A_1115 = arith.select %lt3A_1112, %xor3A_1114, %bitcast_convert_type3A : vector<16xi1>, vector<16xi32>
        %shift_right_arithmetic3A = arith.constant 16 : i32
        %shift_right_arithmetic3A_1116 = vector.broadcast %shift_right_arithmetic3A : i32 to vector<16xi32>
        %shift_right_arithmetic3A_1117 = arith.shrsi %select_n3A_1115, %shift_right_arithmetic3A_1116 : vector<16xi32>
        %and3A_1118 = arith.constant 255 : i32
        %and3A_1119 = vector.broadcast %and3A_1118 : i32 to vector<16xi32>
        %and3A_1120 = arith.andi %shift_right_arithmetic3A_1117, %and3A_1119 : vector<16xi32>
        %mul3A_1121 = arith.constant 256 : i32
        %mul3A_1122 = vector.broadcast %mul3A_1121 : i32 to vector<16xi32>
        %mul3A_1123 = arith.muli %iota3A, %mul3A_1122 : vector<16xi32>
        %add3A_1124 = arith.addi %mul3A_1123, %and3A_1120 : vector<16xi32>
        %gather3A_1125 = tpu.vector_load_idx %arg7[%add3A_1124] masked %lt3A_1106 : memref<4096xi32, #tpu.memory_space<vmem>>[vector<16xi32>], vector<16xi32>, vector<16xi1>
        %add3A_1126 = arith.constant 1 : i32
        %add3A_1127 = vector.broadcast %add3A_1126 : i32 to vector<16xi32>
        %add3A_1128 = arith.addi %gather3A_1125, %add3A_1127 : vector<16xi32>
        tpu.vector_store_idx %arg7[%add3A_1124], %add3A_1128 masked %lt3A_1106 : memref<4096xi32, #tpu.memory_space<vmem>>[vector<16xi32>], vector<16xi32>, vector<16xi1>
        %mul3A_1129 = arith.constant 2 : i32
        %mul3A_1130 = arith.muli %while3A_1095, %mul3A_1129 : i32
        %add3A_1131 = arith.constant 1 : i32
        %add3A_1132 = arith.addi %mul3A_1130, %add3A_1131 : i32
        %mul3A_1133 = arith.constant 16 : i32
        %mul3A_1134 = arith.muli %add3A_1132, %mul3A_1133 : i32
        %get3A_1135 = arith.index_cast %mul3A_1134 : i32 to index
        %get3A_1136 = tpu.vector_load %arg5[%get3A_1135] {strides = array<i32>} : memref<32832xi32, #tpu.memory_space<vmem>>, vector<16xi32>,
        %add3A_1137 = vector.broadcast %mul3A_1134 : i32 to vector<16xi32>
        %add3A_1138 = arith.addi %add3A_1137, %iota3A : vector<16xi32>
        %lt3A_1139 = vector.broadcast %while3A_380#0 : i32 to vector<16xi32>
        %lt3A_1140 = arith.cmpi slt, %add3A_1138, %lt3A_1139 : vector<16xi32>
        %jit3A_1141 = arith.constant 0 : i32
        %broadcast_in_dim3A_1142 = vector.broadcast %jit3A_1141 : i32 to vector<16xi32>
        %select_n3A_1143 = arith.select %lt3A_1140, %get3A_1136, %broadcast_in_dim3A_1142 : vector<16xi1>, vector<16xi32>
        %gather3A_1144 = tpu.vector_load_idx %arg4[%select_n3A_1143] masked %lt3A_1140 : memref<32768xf32, #tpu.memory_space<vmem>>[vector<16xi32>], vector<16xf32>, vector<16xi1>
        %bitcast_convert_type3A_1145 = tpu.bitcast %gather3A_1144 : vector<16xf32> -> vector<16xi32>
        %lt3A_1146 = arith.constant 0 : i32
        %lt3A_1147 = vector.broadcast %lt3A_1146 : i32 to vector<16xi32>
        %lt3A_1148 = arith.cmpi slt, %bitcast_convert_type3A_1145, %lt3A_1147 : vector<16xi32>
        %xor3A_1149 = arith.constant 2147483647 : i32
        %xor3A_1150 = vector.broadcast %xor3A_1149 : i32 to vector<16xi32>
        %xor3A_1151 = arith.xori %bitcast_convert_type3A_1145, %xor3A_1150 : vector<16xi32>
        %select_n3A_1152 = arith.select %lt3A_1148, %xor3A_1151, %bitcast_convert_type3A_1145 : vector<16xi1>, vector<16xi32>
        %shift_right_arithmetic3A_1153 = arith.constant 16 : i32
        %shift_right_arithmetic3A_1154 = vector.broadcast %shift_right_arithmetic3A_1153 : i32 to vector<16xi32>
        %shift_right_arithmetic3A_1155 = arith.shrsi %select_n3A_1152, %shift_right_arithmetic3A_1154 : vector<16xi32>
        %and3A_1156 = arith.constant 255 : i32
        %and3A_1157 = vector.broadcast %and3A_1156 : i32 to vector<16xi32>
        %and3A_1158 = arith.andi %shift_right_arithmetic3A_1155, %and3A_1157 : vector<16xi32>
        %mul3A_1159 = arith.constant 256 : i32
        %mul3A_1160 = vector.broadcast %mul3A_1159 : i32 to vector<16xi32>
        %mul3A_1161 = arith.muli %iota3A, %mul3A_1160 : vector<16xi32>
        %add3A_1162 = arith.addi %mul3A_1161, %and3A_1158 : vector<16xi32>
        %gather3A_1163 = tpu.vector_load_idx %arg7[%add3A_1162] masked %lt3A_1140 : memref<4096xi32, #tpu.memory_space<vmem>>[vector<16xi32>], vector<16xi32>, vector<16xi1>
        %add3A_1164 = arith.constant 1 : i32
        %add3A_1165 = vector.broadcast %add3A_1164 : i32 to vector<16xi32>
        %add3A_1166 = arith.addi %gather3A_1163, %add3A_1165 : vector<16xi32>
        tpu.vector_store_idx %arg7[%add3A_1162], %add3A_1166 masked %lt3A_1140 : memref<4096xi32, #tpu.memory_space<vmem>>[vector<16xi32>], vector<16xi32>, vector<16xi1>
      }
      %while3A_422 = arith.constant 1 : i32
      scf.for %while3A_1095 = %while3A_420 to %while3A_416 step %while3A_422  : i32 {
        %mul3A_1096 = arith.constant 2 : i32
        %mul3A_1097 = arith.muli %while3A_1095, %mul3A_1096 : i32
        %add3A_1098 = arith.constant 0 : i32
        %add3A_1099 = arith.addi %mul3A_1097, %add3A_1098 : i32
        %mul3A_1100 = arith.constant 16 : i32
        %mul3A_1101 = arith.muli %add3A_1099, %mul3A_1100 : i32
        %get3A_1102 = arith.index_cast %mul3A_1101 : i32 to index
        %get3A_1103 = tpu.vector_load %arg5[%get3A_1102] {strides = array<i32>} : memref<32832xi32, #tpu.memory_space<vmem>>, vector<16xi32>,
        %add3A_1104 = vector.broadcast %mul3A_1101 : i32 to vector<16xi32>
        %add3A_1105 = arith.addi %add3A_1104, %iota3A : vector<16xi32>
        %lt3A = vector.broadcast %while3A_380#0 : i32 to vector<16xi32>
        %lt3A_1106 = arith.cmpi slt, %add3A_1105, %lt3A : vector<16xi32>
        %jit3A_1107 = arith.constant 0 : i32
        %broadcast_in_dim3A_1108 = vector.broadcast %jit3A_1107 : i32 to vector<16xi32>
        %select_n3A_1109 = arith.select %lt3A_1106, %get3A_1103, %broadcast_in_dim3A_1108 : vector<16xi1>, vector<16xi32>
        %gather3A = tpu.vector_load_idx %arg4[%select_n3A_1109] masked %lt3A_1106 : memref<32768xf32, #tpu.memory_space<vmem>>[vector<16xi32>], vector<16xf32>, vector<16xi1>
        %bitcast_convert_type3A = tpu.bitcast %gather3A : vector<16xf32> -> vector<16xi32>
        %lt3A_1110 = arith.constant 0 : i32
        %lt3A_1111 = vector.broadcast %lt3A_1110 : i32 to vector<16xi32>
        %lt3A_1112 = arith.cmpi slt, %bitcast_convert_type3A, %lt3A_1111 : vector<16xi32>
        %xor3A = arith.constant 2147483647 : i32
        %xor3A_1113 = vector.broadcast %xor3A : i32 to vector<16xi32>
        %xor3A_1114 = arith.xori %bitcast_convert_type3A, %xor3A_1113 : vector<16xi32>
        %select_n3A_1115 = arith.select %lt3A_1112, %xor3A_1114, %bitcast_convert_type3A : vector<16xi1>, vector<16xi32>
        %shift_right_arithmetic3A = arith.constant 16 : i32
        %shift_right_arithmetic3A_1116 = vector.broadcast %shift_right_arithmetic3A : i32 to vector<16xi32>
        %shift_right_arithmetic3A_1117 = arith.shrsi %select_n3A_1115, %shift_right_arithmetic3A_1116 : vector<16xi32>
        %and3A_1118 = arith.constant 255 : i32
        %and3A_1119 = vector.broadcast %and3A_1118 : i32 to vector<16xi32>
        %and3A_1120 = arith.andi %shift_right_arithmetic3A_1117, %and3A_1119 : vector<16xi32>
        %mul3A_1121 = arith.constant 256 : i32
        %mul3A_1122 = vector.broadcast %mul3A_1121 : i32 to vector<16xi32>
        %mul3A_1123 = arith.muli %iota3A, %mul3A_1122 : vector<16xi32>
        %add3A_1124 = arith.addi %mul3A_1123, %and3A_1120 : vector<16xi32>
        %gather3A_1125 = tpu.vector_load_idx %arg7[%add3A_1124] masked %lt3A_1106 : memref<4096xi32, #tpu.memory_space<vmem>>[vector<16xi32>], vector<16xi32>, vector<16xi1>
        %add3A_1126 = arith.constant 1 : i32
        %add3A_1127 = vector.broadcast %add3A_1126 : i32 to vector<16xi32>
        %add3A_1128 = arith.addi %gather3A_1125, %add3A_1127 : vector<16xi32>
        tpu.vector_store_idx %arg7[%add3A_1124], %add3A_1128 masked %lt3A_1106 : memref<4096xi32, #tpu.memory_space<vmem>>[vector<16xi32>], vector<16xi32>, vector<16xi1>
        %mul3A_1129 = arith.constant 2 : i32
        %mul3A_1130 = arith.muli %while3A_1095, %mul3A_1129 : i32
        %add3A_1131 = arith.constant 1 : i32
        %add3A_1132 = arith.addi %mul3A_1130, %add3A_1131 : i32
        %mul3A_1133 = arith.constant 16 : i32
        %mul3A_1134 = arith.muli %add3A_1132, %mul3A_1133 : i32
        %get3A_1135 = arith.index_cast %mul3A_1134 : i32 to index
        %get3A_1136 = tpu.vector_load %arg5[%get3A_1135] {strides = array<i32>} : memref<32832xi32, #tpu.memory_space<vmem>>, vector<16xi32>,
        %add3A_1137 = vector.broadcast %mul3A_1134 : i32 to vector<16xi32>
        %add3A_1138 = arith.addi %add3A_1137, %iota3A : vector<16xi32>
        %lt3A_1139 = vector.broadcast %while3A_380#0 : i32 to vector<16xi32>
        %lt3A_1140 = arith.cmpi slt, %add3A_1138, %lt3A_1139 : vector<16xi32>
        %jit3A_1141 = arith.constant 0 : i32
        %broadcast_in_dim3A_1142 = vector.broadcast %jit3A_1141 : i32 to vector<16xi32>
        %select_n3A_1143 = arith.select %lt3A_1140, %get3A_1136, %broadcast_in_dim3A_1142 : vector<16xi1>, vector<16xi32>
        %gather3A_1144 = tpu.vector_load_idx %arg4[%select_n3A_1143] masked %lt3A_1140 : memref<32768xf32, #tpu.memory_space<vmem>>[vector<16xi32>], vector<16xf32>, vector<16xi1>
        %bitcast_convert_type3A_1145 = tpu.bitcast %gather3A_1144 : vector<16xf32> -> vector<16xi32>
        %lt3A_1146 = arith.constant 0 : i32
        %lt3A_1147 = vector.broadcast %lt3A_1146 : i32 to vector<16xi32>
        %lt3A_1148 = arith.cmpi slt, %bitcast_convert_type3A_1145, %lt3A_1147 : vector<16xi32>
        %xor3A_1149 = arith.constant 2147483647 : i32
        %xor3A_1150 = vector.broadcast %xor3A_1149 : i32 to vector<16xi32>
        %xor3A_1151 = arith.xori %bitcast_convert_type3A_1145, %xor3A_1150 : vector<16xi32>
        %select_n3A_1152 = arith.select %lt3A_1148, %xor3A_1151, %bitcast_convert_type3A_1145 : vector<16xi1>, vector<16xi32>
        %shift_right_arithmetic3A_1153 = arith.constant 16 : i32
        %shift_right_arithmetic3A_1154 = vector.broadcast %shift_right_arithmetic3A_1153 : i32 to vector<16xi32>
        %shift_right_arithmetic3A_1155 = arith.shrsi %select_n3A_1152, %shift_right_arithmetic3A_1154 : vector<16xi32>
        %and3A_1156 = arith.constant 255 : i32
        %and3A_1157 = vector.broadcast %and3A_1156 : i32 to vector<16xi32>
        %and3A_1158 = arith.andi %shift_right_arithmetic3A_1155, %and3A_1157 : vector<16xi32>
        %mul3A_1159 = arith.constant 256 : i32
        %mul3A_1160 = vector.broadcast %mul3A_1159 : i32 to vector<16xi32>
        %mul3A_1161 = arith.muli %iota3A, %mul3A_1160 : vector<16xi32>
        %add3A_1162 = arith.addi %mul3A_1161, %and3A_1158 : vector<16xi32>
        %gather3A_1163 = tpu.vector_load_idx %arg7[%add3A_1162] masked %lt3A_1140 : memref<4096xi32, #tpu.memory_space<vmem>>[vector<16xi32>], vector<16xi32>, vector<16xi1>
        %add3A_1164 = arith.constant 1 : i32
        %add3A_1165 = vector.broadcast %add3A_1164 : i32 to vector<16xi32>
        %add3A_1166 = arith.addi %gather3A_1163, %add3A_1165 : vector<16xi32>
        tpu.vector_store_idx %arg7[%add3A_1162], %add3A_1166 masked %lt3A_1140 : memref<4096xi32, #tpu.memory_space<vmem>>[vector<16xi32>], vector<16xi32>, vector<16xi1>
      }
      %while3A_423 = arith.constant 16 : i32
      %while3A_424 = arith.constant 0 : i32
      %while3A_425:2 = scf.while (%while3A_1095 = %while3A_423, %while3A_1096 = %while3A_424) : (i32, i32) -> (i32, i32) {
        %lt3A = arith.cmpi slt, %while3A_1096, %sub3A_367 : i32
        %gt3A = arith.constant 0 : i32
        %gt3A_1097 = arith.cmpi sgt, %while3A_1095, %gt3A : i32
        %and3A_1098 = arith.andi %lt3A, %gt3A_1097 : i1
        scf.condition(%and3A_1098) %while3A_1095, %while3A_1096 : i32, i32
      } do {
      ^bb0(%while3A_1095: i32, %while3A_1096: i32):
        %sub3A_1097 = arith.constant 1 : i32
        %sub3A_1098 = arith.subi %while3A_1095, %sub3A_1097 : i32
        %sub3A_1099 = arith.constant 1 : i32
        %sub3A_1100 = arith.subi %while3A_1095, %sub3A_1099 : i32
        %mul3A_1101 = arith.constant 16 : i32
        %mul3A_1102 = arith.muli %sub3A_1100, %mul3A_1101 : i32
        %add3A_1103 = arith.constant 0 : i32
        %add3A_1104 = arith.addi %add3A_1103, %mul3A_1102 : i32
        %get3A_1105 = arith.index_cast %add3A_1104 : i32 to index
        %get3A_1106 = tpu.vector_load %arg7[%get3A_1105] {strides = array<i32>} : memref<4096xi32, #tpu.memory_space<vmem>>, vector<16xi32>,
        %add3A_1107 = arith.addi %broadcast_in_dim3A_0, %get3A_1106 : vector<16xi32>
        %mul3A_1108 = arith.constant 16 : i32
        %mul3A_1109 = arith.muli %sub3A_1100, %mul3A_1108 : i32
        %add3A_1110 = arith.constant 256 : i32
        %add3A_1111 = arith.addi %add3A_1110, %mul3A_1109 : i32
        %get3A_1112 = arith.index_cast %add3A_1111 : i32 to index
        %get3A_1113 = tpu.vector_load %arg7[%get3A_1112] {strides = array<i32>} : memref<4096xi32, #tpu.memory_space<vmem>>, vector<16xi32>,
        %add3A_1114 = arith.addi %add3A_1107, %get3A_1113 : vector<16xi32>
        %mul3A_1115 = arith.constant 16 : i32
        %mul3A_1116 = arith.muli %sub3A_1100, %mul3A_1115 : i32
        %add3A_1117 = arith.constant 512 : i32
        %add3A_1118 = arith.addi %add3A_1117, %mul3A_1116 : i32
        %get3A_1119 = arith.index_cast %add3A_1118 : i32 to index
        %get3A_1120 = tpu.vector_load %arg7[%get3A_1119] {strides = array<i32>} : memref<4096xi32, #tpu.memory_space<vmem>>, vector<16xi32>,
        %add3A_1121 = arith.addi %add3A_1114, %get3A_1120 : vector<16xi32>
        %mul3A_1122 = arith.constant 16 : i32
        %mul3A_1123 = arith.muli %sub3A_1100, %mul3A_1122 : i32
        %add3A_1124 = arith.constant 768 : i32
        %add3A_1125 = arith.addi %add3A_1124, %mul3A_1123 : i32
        %get3A_1126 = arith.index_cast %add3A_1125 : i32 to index
        %get3A_1127 = tpu.vector_load %arg7[%get3A_1126] {strides = array<i32>} : memref<4096xi32, #tpu.memory_space<vmem>>, vector<16xi32>,
        %add3A_1128 = arith.addi %add3A_1121, %get3A_1127 : vector<16xi32>
        %mul3A_1129 = arith.constant 16 : i32
        %mul3A_1130 = arith.muli %sub3A_1100, %mul3A_1129 : i32
        %add3A_1131 = arith.constant 1024 : i32
        %add3A_1132 = arith.addi %add3A_1131, %mul3A_1130 : i32
        %get3A_1133 = arith.index_cast %add3A_1132 : i32 to index
        %get3A_1134 = tpu.vector_load %arg7[%get3A_1133] {strides = array<i32>} : memref<4096xi32, #tpu.memory_space<vmem>>, vector<16xi32>,
        %add3A_1135 = arith.addi %add3A_1128, %get3A_1134 : vector<16xi32>
        %mul3A_1136 = arith.constant 16 : i32
        %mul3A_1137 = arith.muli %sub3A_1100, %mul3A_1136 : i32
        %add3A_1138 = arith.constant 1280 : i32
        %add3A_1139 = arith.addi %add3A_1138, %mul3A_1137 : i32
        %get3A_1140 = arith.index_cast %add3A_1139 : i32 to index
        %get3A_1141 = tpu.vector_load %arg7[%get3A_1140] {strides = array<i32>} : memref<4096xi32, #tpu.memory_space<vmem>>, vector<16xi32>,
        %add3A_1142 = arith.addi %add3A_1135, %get3A_1141 : vector<16xi32>
        %mul3A_1143 = arith.constant 16 : i32
        %mul3A_1144 = arith.muli %sub3A_1100, %mul3A_1143 : i32
        %add3A_1145 = arith.constant 1536 : i32
        %add3A_1146 = arith.addi %add3A_1145, %mul3A_1144 : i32
        %get3A_1147 = arith.index_cast %add3A_1146 : i32 to index
        %get3A_1148 = tpu.vector_load %arg7[%get3A_1147] {strides = array<i32>} : memref<4096xi32, #tpu.memory_space<vmem>>, vector<16xi32>,
        %add3A_1149 = arith.addi %add3A_1142, %get3A_1148 : vector<16xi32>
        %mul3A_1150 = arith.constant 16 : i32
        %mul3A_1151 = arith.muli %sub3A_1100, %mul3A_1150 : i32
        %add3A_1152 = arith.constant 1792 : i32
        %add3A_1153 = arith.addi %add3A_1152, %mul3A_1151 : i32
        %get3A_1154 = arith.index_cast %add3A_1153 : i32 to index
        %get3A_1155 = tpu.vector_load %arg7[%get3A_1154] {strides = array<i32>} : memref<4096xi32, #tpu.memory_space<vmem>>, vector<16xi32>,
        %add3A_1156 = arith.addi %add3A_1149, %get3A_1155 : vector<16xi32>
        %mul3A_1157 = arith.constant 16 : i32
        %mul3A_1158 = arith.muli %sub3A_1100, %mul3A_1157 : i32
        %add3A_1159 = arith.constant 2048 : i32
        %add3A_1160 = arith.addi %add3A_1159, %mul3A_1158 : i32
        %get3A_1161 = arith.index_cast %add3A_1160 : i32 to index
        %get3A_1162 = tpu.vector_load %arg7[%get3A_1161] {strides = array<i32>} : memref<4096xi32, #tpu.memory_space<vmem>>, vector<16xi32>,
        %add3A_1163 = arith.addi %add3A_1156, %get3A_1162 : vector<16xi32>
        %mul3A_1164 = arith.constant 16 : i32
        %mul3A_1165 = arith.muli %sub3A_1100, %mul3A_1164 : i32
        %add3A_1166 = arith.constant 2304 : i32
        %add3A_1167 = arith.addi %add3A_1166, %mul3A_1165 : i32
        %get3A_1168 = arith.index_cast %add3A_1167 : i32 to index
        %get3A_1169 = tpu.vector_load %arg7[%get3A_1168] {strides = array<i32>} : memref<4096xi32, #tpu.memory_space<vmem>>, vector<16xi32>,
        %add3A_1170 = arith.addi %add3A_1163, %get3A_1169 : vector<16xi32>
        %mul3A_1171 = arith.constant 16 : i32
        %mul3A_1172 = arith.muli %sub3A_1100, %mul3A_1171 : i32
        %add3A_1173 = arith.constant 2560 : i32
        %add3A_1174 = arith.addi %add3A_1173, %mul3A_1172 : i32
        %get3A_1175 = arith.index_cast %add3A_1174 : i32 to index
        %get3A_1176 = tpu.vector_load %arg7[%get3A_1175] {strides = array<i32>} : memref<4096xi32, #tpu.memory_space<vmem>>, vector<16xi32>,
        %add3A_1177 = arith.addi %add3A_1170, %get3A_1176 : vector<16xi32>
        %mul3A_1178 = arith.constant 16 : i32
        %mul3A_1179 = arith.muli %sub3A_1100, %mul3A_1178 : i32
        %add3A_1180 = arith.constant 2816 : i32
        %add3A_1181 = arith.addi %add3A_1180, %mul3A_1179 : i32
        %get3A_1182 = arith.index_cast %add3A_1181 : i32 to index
        %get3A_1183 = tpu.vector_load %arg7[%get3A_1182] {strides = array<i32>} : memref<4096xi32, #tpu.memory_space<vmem>>, vector<16xi32>,
        %add3A_1184 = arith.addi %add3A_1177, %get3A_1183 : vector<16xi32>
        %mul3A_1185 = arith.constant 16 : i32
        %mul3A_1186 = arith.muli %sub3A_1100, %mul3A_1185 : i32
        %add3A_1187 = arith.constant 3072 : i32
        %add3A_1188 = arith.addi %add3A_1187, %mul3A_1186 : i32
        %get3A_1189 = arith.index_cast %add3A_1188 : i32 to index
        %get3A_1190 = tpu.vector_load %arg7[%get3A_1189] {strides = array<i32>} : memref<4096xi32, #tpu.memory_space<vmem>>, vector<16xi32>,
        %add3A_1191 = arith.addi %add3A_1184, %get3A_1190 : vector<16xi32>
        %mul3A_1192 = arith.constant 16 : i32
        %mul3A_1193 = arith.muli %sub3A_1100, %mul3A_1192 : i32
        %add3A_1194 = arith.constant 3328 : i32
        %add3A_1195 = arith.addi %add3A_1194, %mul3A_1193 : i32
        %get3A_1196 = arith.index_cast %add3A_1195 : i32 to index
        %get3A_1197 = tpu.vector_load %arg7[%get3A_1196] {strides = array<i32>} : memref<4096xi32, #tpu.memory_space<vmem>>, vector<16xi32>,
        %add3A_1198 = arith.addi %add3A_1191, %get3A_1197 : vector<16xi32>
        %mul3A_1199 = arith.constant 16 : i32
        %mul3A_1200 = arith.muli %sub3A_1100, %mul3A_1199 : i32
        %add3A_1201 = arith.constant 3584 : i32
        %add3A_1202 = arith.addi %add3A_1201, %mul3A_1200 : i32
        %get3A_1203 = arith.index_cast %add3A_1202 : i32 to index
        %get3A_1204 = tpu.vector_load %arg7[%get3A_1203] {strides = array<i32>} : memref<4096xi32, #tpu.memory_space<vmem>>, vector<16xi32>,
        %add3A_1205 = arith.addi %add3A_1198, %get3A_1204 : vector<16xi32>
        %mul3A_1206 = arith.constant 16 : i32
        %mul3A_1207 = arith.muli %sub3A_1100, %mul3A_1206 : i32
        %add3A_1208 = arith.constant 3840 : i32
        %add3A_1209 = arith.addi %add3A_1208, %mul3A_1207 : i32
        %get3A_1210 = arith.index_cast %add3A_1209 : i32 to index
        %get3A_1211 = tpu.vector_load %arg7[%get3A_1210] {strides = array<i32>} : memref<4096xi32, #tpu.memory_space<vmem>>, vector<16xi32>,
        %add3A_1212 = arith.addi %add3A_1205, %get3A_1211 : vector<16xi32>
        %reduce_sum3A_1213 = arith.constant true
        %reduce_sum3A_1214 = vector.broadcast %reduce_sum3A_1213 : i1 to vector<16xi1>
        %reduce_sum3A_1215 = tpu.scan <sum>, %add3A_1212 masked %reduce_sum3A_1214 : vector<16xi32>, vector<16xi1> -> vector<16xi32>
        %reduce_sum3A_1216 = vector.extract %reduce_sum3A_1215[15] : i32 from vector<16xi32>
        %add3A_1217 = arith.addi %while3A_1096, %reduce_sum3A_1216 : i32
        scf.yield %sub3A_1098, %add3A_1217 : i32, i32
      }
      %mul3A_426 = arith.constant 16 : i32
      %mul3A_427 = arith.muli %while3A_425#0, %mul3A_426 : i32
      %add3A_428 = arith.constant 0 : i32
      %add3A_429 = arith.addi %add3A_428, %mul3A_427 : i32
      %get3A_430 = arith.index_cast %add3A_429 : i32 to index
      %get3A_431 = tpu.vector_load %arg7[%get3A_430] {strides = array<i32>} : memref<4096xi32, #tpu.memory_space<vmem>>, vector<16xi32>,
      %add3A_432 = arith.addi %broadcast_in_dim3A_0, %get3A_431 : vector<16xi32>
      %mul3A_433 = arith.constant 16 : i32
      %mul3A_434 = arith.muli %while3A_425#0, %mul3A_433 : i32
      %add3A_435 = arith.constant 256 : i32
      %add3A_436 = arith.addi %add3A_435, %mul3A_434 : i32
      %get3A_437 = arith.index_cast %add3A_436 : i32 to index
      %get3A_438 = tpu.vector_load %arg7[%get3A_437] {strides = array<i32>} : memref<4096xi32, #tpu.memory_space<vmem>>, vector<16xi32>,
      %add3A_439 = arith.addi %add3A_432, %get3A_438 : vector<16xi32>
      %mul3A_440 = arith.constant 16 : i32
      %mul3A_441 = arith.muli %while3A_425#0, %mul3A_440 : i32
      %add3A_442 = arith.constant 512 : i32
      %add3A_443 = arith.addi %add3A_442, %mul3A_441 : i32
      %get3A_444 = arith.index_cast %add3A_443 : i32 to index
      %get3A_445 = tpu.vector_load %arg7[%get3A_444] {strides = array<i32>} : memref<4096xi32, #tpu.memory_space<vmem>>, vector<16xi32>,
      %add3A_446 = arith.addi %add3A_439, %get3A_445 : vector<16xi32>
      %mul3A_447 = arith.constant 16 : i32
      %mul3A_448 = arith.muli %while3A_425#0, %mul3A_447 : i32
      %add3A_449 = arith.constant 768 : i32
      %add3A_450 = arith.addi %add3A_449, %mul3A_448 : i32
      %get3A_451 = arith.index_cast %add3A_450 : i32 to index
      %get3A_452 = tpu.vector_load %arg7[%get3A_451] {strides = array<i32>} : memref<4096xi32, #tpu.memory_space<vmem>>, vector<16xi32>,
      %add3A_453 = arith.addi %add3A_446, %get3A_452 : vector<16xi32>
      %mul3A_454 = arith.constant 16 : i32
      %mul3A_455 = arith.muli %while3A_425#0, %mul3A_454 : i32
      %add3A_456 = arith.constant 1024 : i32
      %add3A_457 = arith.addi %add3A_456, %mul3A_455 : i32
      %get3A_458 = arith.index_cast %add3A_457 : i32 to index
      %get3A_459 = tpu.vector_load %arg7[%get3A_458] {strides = array<i32>} : memref<4096xi32, #tpu.memory_space<vmem>>, vector<16xi32>,
      %add3A_460 = arith.addi %add3A_453, %get3A_459 : vector<16xi32>
      %mul3A_461 = arith.constant 16 : i32
      %mul3A_462 = arith.muli %while3A_425#0, %mul3A_461 : i32
      %add3A_463 = arith.constant 1280 : i32
      %add3A_464 = arith.addi %add3A_463, %mul3A_462 : i32
      %get3A_465 = arith.index_cast %add3A_464 : i32 to index
      %get3A_466 = tpu.vector_load %arg7[%get3A_465] {strides = array<i32>} : memref<4096xi32, #tpu.memory_space<vmem>>, vector<16xi32>,
      %add3A_467 = arith.addi %add3A_460, %get3A_466 : vector<16xi32>
      %mul3A_468 = arith.constant 16 : i32
      %mul3A_469 = arith.muli %while3A_425#0, %mul3A_468 : i32
      %add3A_470 = arith.constant 1536 : i32
      %add3A_471 = arith.addi %add3A_470, %mul3A_469 : i32
      %get3A_472 = arith.index_cast %add3A_471 : i32 to index
      %get3A_473 = tpu.vector_load %arg7[%get3A_472] {strides = array<i32>} : memref<4096xi32, #tpu.memory_space<vmem>>, vector<16xi32>,
      %add3A_474 = arith.addi %add3A_467, %get3A_473 : vector<16xi32>
      %mul3A_475 = arith.constant 16 : i32
      %mul3A_476 = arith.muli %while3A_425#0, %mul3A_475 : i32
      %add3A_477 = arith.constant 1792 : i32
      %add3A_478 = arith.addi %add3A_477, %mul3A_476 : i32
      %get3A_479 = arith.index_cast %add3A_478 : i32 to index
      %get3A_480 = tpu.vector_load %arg7[%get3A_479] {strides = array<i32>} : memref<4096xi32, #tpu.memory_space<vmem>>, vector<16xi32>,
      %add3A_481 = arith.addi %add3A_474, %get3A_480 : vector<16xi32>
      %mul3A_482 = arith.constant 16 : i32
      %mul3A_483 = arith.muli %while3A_425#0, %mul3A_482 : i32
      %add3A_484 = arith.constant 2048 : i32
      %add3A_485 = arith.addi %add3A_484, %mul3A_483 : i32
      %get3A_486 = arith.index_cast %add3A_485 : i32 to index
      %get3A_487 = tpu.vector_load %arg7[%get3A_486] {strides = array<i32>} : memref<4096xi32, #tpu.memory_space<vmem>>, vector<16xi32>,
      %add3A_488 = arith.addi %add3A_481, %get3A_487 : vector<16xi32>
      %mul3A_489 = arith.constant 16 : i32
      %mul3A_490 = arith.muli %while3A_425#0, %mul3A_489 : i32
      %add3A_491 = arith.constant 2304 : i32
      %add3A_492 = arith.addi %add3A_491, %mul3A_490 : i32
      %get3A_493 = arith.index_cast %add3A_492 : i32 to index
      %get3A_494 = tpu.vector_load %arg7[%get3A_493] {strides = array<i32>} : memref<4096xi32, #tpu.memory_space<vmem>>, vector<16xi32>,
      %add3A_495 = arith.addi %add3A_488, %get3A_494 : vector<16xi32>
      %mul3A_496 = arith.constant 16 : i32
      %mul3A_497 = arith.muli %while3A_425#0, %mul3A_496 : i32
      %add3A_498 = arith.constant 2560 : i32
      %add3A_499 = arith.addi %add3A_498, %mul3A_497 : i32
      %get3A_500 = arith.index_cast %add3A_499 : i32 to index
      %get3A_501 = tpu.vector_load %arg7[%get3A_500] {strides = array<i32>} : memref<4096xi32, #tpu.memory_space<vmem>>, vector<16xi32>,
      %add3A_502 = arith.addi %add3A_495, %get3A_501 : vector<16xi32>
      %mul3A_503 = arith.constant 16 : i32
      %mul3A_504 = arith.muli %while3A_425#0, %mul3A_503 : i32
      %add3A_505 = arith.constant 2816 : i32
      %add3A_506 = arith.addi %add3A_505, %mul3A_504 : i32
      %get3A_507 = arith.index_cast %add3A_506 : i32 to index
      %get3A_508 = tpu.vector_load %arg7[%get3A_507] {strides = array<i32>} : memref<4096xi32, #tpu.memory_space<vmem>>, vector<16xi32>,
      %add3A_509 = arith.addi %add3A_502, %get3A_508 : vector<16xi32>
      %mul3A_510 = arith.constant 16 : i32
      %mul3A_511 = arith.muli %while3A_425#0, %mul3A_510 : i32
      %add3A_512 = arith.constant 3072 : i32
      %add3A_513 = arith.addi %add3A_512, %mul3A_511 : i32
      %get3A_514 = arith.index_cast %add3A_513 : i32 to index
      %get3A_515 = tpu.vector_load %arg7[%get3A_514] {strides = array<i32>} : memref<4096xi32, #tpu.memory_space<vmem>>, vector<16xi32>,
      %add3A_516 = arith.addi %add3A_509, %get3A_515 : vector<16xi32>
      %mul3A_517 = arith.constant 16 : i32
      %mul3A_518 = arith.muli %while3A_425#0, %mul3A_517 : i32
      %add3A_519 = arith.constant 3328 : i32
      %add3A_520 = arith.addi %add3A_519, %mul3A_518 : i32
      %get3A_521 = arith.index_cast %add3A_520 : i32 to index
      %get3A_522 = tpu.vector_load %arg7[%get3A_521] {strides = array<i32>} : memref<4096xi32, #tpu.memory_space<vmem>>, vector<16xi32>,
      %add3A_523 = arith.addi %add3A_516, %get3A_522 : vector<16xi32>
      %mul3A_524 = arith.constant 16 : i32
      %mul3A_525 = arith.muli %while3A_425#0, %mul3A_524 : i32
      %add3A_526 = arith.constant 3584 : i32
      %add3A_527 = arith.addi %add3A_526, %mul3A_525 : i32
      %get3A_528 = arith.index_cast %add3A_527 : i32 to index
      %get3A_529 = tpu.vector_load %arg7[%get3A_528] {strides = array<i32>} : memref<4096xi32, #tpu.memory_space<vmem>>, vector<16xi32>,
      %add3A_530 = arith.addi %add3A_523, %get3A_529 : vector<16xi32>
      %mul3A_531 = arith.constant 16 : i32
      %mul3A_532 = arith.muli %while3A_425#0, %mul3A_531 : i32
      %add3A_533 = arith.constant 3840 : i32
      %add3A_534 = arith.addi %add3A_533, %mul3A_532 : i32
      %get3A_535 = arith.index_cast %add3A_534 : i32 to index
      %get3A_536 = tpu.vector_load %arg7[%get3A_535] {strides = array<i32>} : memref<4096xi32, #tpu.memory_space<vmem>>, vector<16xi32>,
      %add3A_537 = arith.addi %add3A_530, %get3A_536 : vector<16xi32>
      %reduce_sum3A_538 = arith.constant true
      %reduce_sum3A_539 = vector.broadcast %reduce_sum3A_538 : i1 to vector<16xi1>
      %reduce_sum3A_540 = tpu.scan <sum>, %add3A_537 masked %reduce_sum3A_539 : vector<16xi32>, vector<16xi1> -> vector<16xi32>
      %reduce_sum3A_541 = vector.extract %reduce_sum3A_540[15] : i32 from vector<16xi32>
      %sub3A_542 = arith.subi %while3A_425#1, %reduce_sum3A_541 : i32
      %rev3A_543 = arith.constant 15 : i32
      %rev3A_544 = vector.broadcast %rev3A_543 : i32 to vector<16xi32>
      %rev3A_545 = tpu.iota {dimensions = array<i32: 0>} : vector<16xi32>
      %rev3A_546 = arith.subi %rev3A_544, %rev3A_545 : vector<16xi32>
      %rev3A_547 = tpu.dynamic_gather %add3A_537[%rev3A_546] in [0] : vector<16xi32>, vector<16xi32> -> vector<16xi32>
      %broadcast_in_dim3A_548 = arith.constant true
      %broadcast_in_dim3A_549 = vector.broadcast %broadcast_in_dim3A_548 : i1 to vector<16xi1>
      %masked_cumsum3A_550 = tpu.scan <sum>, %rev3A_547 masked %broadcast_in_dim3A_549 : vector<16xi32>, vector<16xi1> -> vector<16xi32>
      %add3A_551 = vector.broadcast %sub3A_542 : i32 to vector<16xi32>
      %add3A_552 = arith.addi %add3A_551, %masked_cumsum3A_550 : vector<16xi32>
      %ge3A_553 = vector.broadcast %sub3A_367 : i32 to vector<16xi32>
      %ge3A_554 = arith.cmpi sge, %add3A_552, %ge3A_553 : vector<16xi32>
      %all_reduce_ffs3A_555 = tpu.all_reduce %ge3A_554 {dim = 0 : i64, kind = #tpu.reduction_kind<find_first_set>} : vector<16xi1> -> vector<16xi32>
      %reduce_max3A_556 = arith.constant true
      %reduce_max3A_557 = vector.broadcast %reduce_max3A_556 : i1 to vector<16xi1>
      %reduce_max3A_558 = arith.constant -2147483648 : i32
      %reduce_max3A_559 = vector.broadcast %reduce_max3A_558 : i32 to vector<16xi32>
      %reduce_max3A_560 = arith.xori %all_reduce_ffs3A_555, %reduce_max3A_559 : vector<16xi32>
      %reduce_max3A_561 = tpu.scan <max>, %reduce_max3A_560 masked %reduce_max3A_557 : vector<16xi32>, vector<16xi1> -> vector<16xi32>
      %reduce_max3A_562 = arith.xori %reduce_max3A_561, %reduce_max3A_559 : vector<16xi32>
      %reduce_max3A_563 = vector.extract %reduce_max3A_562[15] : i32 from vector<16xi32>
      %sub3A_564 = arith.constant 15 : i32
      %sub3A_565 = arith.subi %sub3A_564, %reduce_max3A_563 : i32
      %eq3A_566 = vector.broadcast %reduce_max3A_563 : i32 to vector<16xi32>
      %eq3A_567 = arith.cmpi eq, %iota3A, %eq3A_566 : vector<16xi32>
      %jit3A_568 = arith.constant 0 : i32
      %broadcast_in_dim3A_569 = vector.broadcast %jit3A_568 : i32 to vector<16xi32>
      %select_n3A_570 = arith.select %eq3A_567, %masked_cumsum3A_550, %broadcast_in_dim3A_569 : vector<16xi1>, vector<16xi32>
      %reduce_sum3A_571 = arith.constant true
      %reduce_sum3A_572 = vector.broadcast %reduce_sum3A_571 : i1 to vector<16xi1>
      %reduce_sum3A_573 = tpu.scan <sum>, %select_n3A_570 masked %reduce_sum3A_572 : vector<16xi32>, vector<16xi1> -> vector<16xi32>
      %reduce_sum3A_574 = vector.extract %reduce_sum3A_573[15] : i32 from vector<16xi32>
      %add3A_575 = arith.addi %sub3A_542, %reduce_sum3A_574 : i32
      %eq3A_576 = vector.broadcast %sub3A_565 : i32 to vector<16xi32>
      %eq3A_577 = arith.cmpi eq, %iota3A, %eq3A_576 : vector<16xi32>
      %jit3A_578 = arith.constant 0 : i32
      %broadcast_in_dim3A_579 = vector.broadcast %jit3A_578 : i32 to vector<16xi32>
      %select_n3A_580 = arith.select %eq3A_577, %add3A_537, %broadcast_in_dim3A_579 : vector<16xi1>, vector<16xi32>
      %reduce_sum3A_581 = arith.constant true
      %reduce_sum3A_582 = vector.broadcast %reduce_sum3A_581 : i1 to vector<16xi1>
      %reduce_sum3A_583 = tpu.scan <sum>, %select_n3A_580 masked %reduce_sum3A_582 : vector<16xi32>, vector<16xi1> -> vector<16xi32>
      %reduce_sum3A_584 = vector.extract %reduce_sum3A_583[15] : i32 from vector<16xi32>
      %sub3A_585 = arith.subi %add3A_575, %reduce_sum3A_584 : i32
      %mul3A_586 = arith.constant 16 : i32
      %mul3A_587 = arith.muli %while3A_425#0, %mul3A_586 : i32
      %add3A_588 = arith.addi %mul3A_587, %sub3A_565 : i32
      %sub3A_589 = arith.subi %sub3A_367, %sub3A_585 : i32
      %while3A_590 = arith.constant 0 : i32
      %while3A_591 = arith.constant 0 : i32
      %while3A_592 = arith.subi %select_n3A_412, %while3A_590 : i32
      %while3A_593 = arith.addi %while3A_590, %while3A_592 : i32
      %while3A_594 = arith.constant 1 : i32
      %while3A_595 = arith.divsi %while3A_592, %while3A_594 : i32
      %while3A_596 = arith.muli %while3A_595, %while3A_594 : i32
      %while3A_597 = arith.addi %while3A_590, %while3A_596 : i32
      %while3A_598 = arith.constant 1 : i32
      %while3A_599:2 = scf.for %while3A_1095 = %while3A_590 to %while3A_597 step %while3A_598 iter_args(%while3A_1096 = %while3A_591, %while3A_1097 = %while3A_380#1) -> (i32, i32)  : i32 {
        %mul3A_1098 = arith.constant 2 : i32
        %mul3A_1099 = arith.muli %while3A_1095, %mul3A_1098 : i32
        %add3A_1100 = arith.constant 0 : i32
        %add3A_1101 = arith.addi %mul3A_1099, %add3A_1100 : i32
        %mul3A_1102 = arith.constant 16 : i32
        %mul3A_1103 = arith.muli %add3A_1101, %mul3A_1102 : i32
        %get3A_1104 = arith.index_cast %mul3A_1103 : i32 to index
        %get3A_1105 = tpu.vector_load %arg5[%get3A_1104] {strides = array<i32>} : memref<32832xi32, #tpu.memory_space<vmem>>, vector<16xi32>,
        %add3A_1106 = vector.broadcast %mul3A_1103 : i32 to vector<16xi32>
        %add3A_1107 = arith.addi %add3A_1106, %iota3A : vector<16xi32>
        %lt3A = vector.broadcast %while3A_380#0 : i32 to vector<16xi32>
        %lt3A_1108 = arith.cmpi slt, %add3A_1107, %lt3A : vector<16xi32>
        %jit3A_1109 = arith.constant 0 : i32
        %broadcast_in_dim3A_1110 = vector.broadcast %jit3A_1109 : i32 to vector<16xi32>
        %select_n3A_1111 = arith.select %lt3A_1108, %get3A_1105, %broadcast_in_dim3A_1110 : vector<16xi1>, vector<16xi32>
        %gather3A = tpu.vector_load_idx %arg4[%select_n3A_1111] masked %lt3A_1108 : memref<32768xf32, #tpu.memory_space<vmem>>[vector<16xi32>], vector<16xf32>, vector<16xi1>
        %bitcast_convert_type3A = tpu.bitcast %gather3A : vector<16xf32> -> vector<16xi32>
        %lt3A_1112 = arith.constant 0 : i32
        %lt3A_1113 = vector.broadcast %lt3A_1112 : i32 to vector<16xi32>
        %lt3A_1114 = arith.cmpi slt, %bitcast_convert_type3A, %lt3A_1113 : vector<16xi32>
        %xor3A = arith.constant 2147483647 : i32
        %xor3A_1115 = vector.broadcast %xor3A : i32 to vector<16xi32>
        %xor3A_1116 = arith.xori %bitcast_convert_type3A, %xor3A_1115 : vector<16xi32>
        %select_n3A_1117 = arith.select %lt3A_1114, %xor3A_1116, %bitcast_convert_type3A : vector<16xi1>, vector<16xi32>
        %shift_right_arithmetic3A = arith.constant 16 : i32
        %shift_right_arithmetic3A_1118 = vector.broadcast %shift_right_arithmetic3A : i32 to vector<16xi32>
        %shift_right_arithmetic3A_1119 = arith.shrsi %select_n3A_1117, %shift_right_arithmetic3A_1118 : vector<16xi32>
        %and3A_1120 = arith.constant 255 : i32
        %and3A_1121 = vector.broadcast %and3A_1120 : i32 to vector<16xi32>
        %and3A_1122 = arith.andi %shift_right_arithmetic3A_1119, %and3A_1121 : vector<16xi32>
        %gt3A = vector.broadcast %add3A_588 : i32 to vector<16xi32>
        %gt3A_1123 = arith.cmpi sgt, %and3A_1122, %gt3A : vector<16xi32>
        %and3A_1124 = arith.andi %lt3A_1108, %gt3A_1123 : vector<16xi1>
        %swap3A = arith.index_cast %while3A_1097 : i32 to index
        %swap3A_1125 = tpu.vector_load %arg8[%swap3A] masked %and3A_1124 {strides = array<i32>} : memref<80xi32, #tpu.memory_space<vmem>>, vector<16xi32>, vector<16xi1>
        tpu.vector_store %arg8[%swap3A], %get3A_1105 masked %and3A_1124 {strides = array<i32>} : memref<80xi32, #tpu.memory_space<vmem>>, vector<16xi32>, vector<16xi1>
        %eq3A_1126 = vector.broadcast %add3A_588 : i32 to vector<16xi32>
        %eq3A_1127 = arith.cmpi eq, %and3A_1122, %eq3A_1126 : vector<16xi32>
        %and3A_1128 = arith.andi %lt3A_1108, %eq3A_1127 : vector<16xi1>
        %swap3A_1129 = arith.index_cast %while3A_1096 : i32 to index
        %swap3A_1130 = tpu.vector_load %arg5[%swap3A_1129] masked %and3A_1128 {strides = array<i32>} : memref<32832xi32, #tpu.memory_space<vmem>>, vector<16xi32>, vector<16xi1>
        tpu.vector_store %arg5[%swap3A_1129], %get3A_1105 masked %and3A_1128 {strides = array<i32>} : memref<32832xi32, #tpu.memory_space<vmem>>, vector<16xi32>, vector<16xi1>
        %convert_element_type3A = arith.extui %and3A_1128 : vector<16xi1> to vector<16xi32>
        %reduce_sum3A_1131 = arith.constant true
        %reduce_sum3A_1132 = vector.broadcast %reduce_sum3A_1131 : i1 to vector<16xi1>
        %reduce_sum3A_1133 = tpu.scan <sum>, %convert_element_type3A masked %reduce_sum3A_1132 : vector<16xi32>, vector<16xi1> -> vector<16xi32>
        %reduce_sum3A_1134 = vector.extract %reduce_sum3A_1133[15] : i32 from vector<16xi32>
        %add3A_1135 = arith.addi %while3A_1096, %reduce_sum3A_1134 : i32
        %convert_element_type3A_1136 = arith.extui %and3A_1124 : vector<16xi1> to vector<16xi32>
        %reduce_sum3A_1137 = arith.constant true
        %reduce_sum3A_1138 = vector.broadcast %reduce_sum3A_1137 : i1 to vector<16xi1>
        %reduce_sum3A_1139 = tpu.scan <sum>, %convert_element_type3A_1136 masked %reduce_sum3A_1138 : vector<16xi32>, vector<16xi1> -> vector<16xi32>
        %reduce_sum3A_1140 = vector.extract %reduce_sum3A_1139[15] : i32 from vector<16xi32>
        %add3A_1141 = arith.addi %while3A_1097, %reduce_sum3A_1140 : i32
        %mul3A_1142 = arith.constant 2 : i32
        %mul3A_1143 = arith.muli %while3A_1095, %mul3A_1142 : i32
        %add3A_1144 = arith.constant 1 : i32
        %add3A_1145 = arith.addi %mul3A_1143, %add3A_1144 : i32
        %mul3A_1146 = arith.constant 16 : i32
        %mul3A_1147 = arith.muli %add3A_1145, %mul3A_1146 : i32
        %get3A_1148 = arith.index_cast %mul3A_1147 : i32 to index
        %get3A_1149 = tpu.vector_load %arg5[%get3A_1148] {strides = array<i32>} : memref<32832xi32, #tpu.memory_space<vmem>>, vector<16xi32>,
        %add3A_1150 = vector.broadcast %mul3A_1147 : i32 to vector<16xi32>
        %add3A_1151 = arith.addi %add3A_1150, %iota3A : vector<16xi32>
        %lt3A_1152 = vector.broadcast %while3A_380#0 : i32 to vector<16xi32>
        %lt3A_1153 = arith.cmpi slt, %add3A_1151, %lt3A_1152 : vector<16xi32>
        %jit3A_1154 = arith.constant 0 : i32
        %broadcast_in_dim3A_1155 = vector.broadcast %jit3A_1154 : i32 to vector<16xi32>
        %select_n3A_1156 = arith.select %lt3A_1153, %get3A_1149, %broadcast_in_dim3A_1155 : vector<16xi1>, vector<16xi32>
        %gather3A_1157 = tpu.vector_load_idx %arg4[%select_n3A_1156] masked %lt3A_1153 : memref<32768xf32, #tpu.memory_space<vmem>>[vector<16xi32>], vector<16xf32>, vector<16xi1>
        %bitcast_convert_type3A_1158 = tpu.bitcast %gather3A_1157 : vector<16xf32> -> vector<16xi32>
        %lt3A_1159 = arith.constant 0 : i32
        %lt3A_1160 = vector.broadcast %lt3A_1159 : i32 to vector<16xi32>
        %lt3A_1161 = arith.cmpi slt, %bitcast_convert_type3A_1158, %lt3A_1160 : vector<16xi32>
        %xor3A_1162 = arith.constant 2147483647 : i32
        %xor3A_1163 = vector.broadcast %xor3A_1162 : i32 to vector<16xi32>
        %xor3A_1164 = arith.xori %bitcast_convert_type3A_1158, %xor3A_1163 : vector<16xi32>
        %select_n3A_1165 = arith.select %lt3A_1161, %xor3A_1164, %bitcast_convert_type3A_1158 : vector<16xi1>, vector<16xi32>
        %shift_right_arithmetic3A_1166 = arith.constant 16 : i32
        %shift_right_arithmetic3A_1167 = vector.broadcast %shift_right_arithmetic3A_1166 : i32 to vector<16xi32>
        %shift_right_arithmetic3A_1168 = arith.shrsi %select_n3A_1165, %shift_right_arithmetic3A_1167 : vector<16xi32>
        %and3A_1169 = arith.constant 255 : i32
        %and3A_1170 = vector.broadcast %and3A_1169 : i32 to vector<16xi32>
        %and3A_1171 = arith.andi %shift_right_arithmetic3A_1168, %and3A_1170 : vector<16xi32>
        %gt3A_1172 = vector.broadcast %add3A_588 : i32 to vector<16xi32>
        %gt3A_1173 = arith.cmpi sgt, %and3A_1171, %gt3A_1172 : vector<16xi32>
        %and3A_1174 = arith.andi %lt3A_1153, %gt3A_1173 : vector<16xi1>
        %swap3A_1175 = arith.index_cast %add3A_1141 : i32 to index
        %swap3A_1176 = tpu.vector_load %arg8[%swap3A_1175] masked %and3A_1174 {strides = array<i32>} : memref<80xi32, #tpu.memory_space<vmem>>, vector<16xi32>, vector<16xi1>
        tpu.vector_store %arg8[%swap3A_1175], %get3A_1149 masked %and3A_1174 {strides = array<i32>} : memref<80xi32, #tpu.memory_space<vmem>>, vector<16xi32>, vector<16xi1>
        %eq3A_1177 = vector.broadcast %add3A_588 : i32 to vector<16xi32>
        %eq3A_1178 = arith.cmpi eq, %and3A_1171, %eq3A_1177 : vector<16xi32>
        %and3A_1179 = arith.andi %lt3A_1153, %eq3A_1178 : vector<16xi1>
        %swap3A_1180 = arith.index_cast %add3A_1135 : i32 to index
        %swap3A_1181 = tpu.vector_load %arg5[%swap3A_1180] masked %and3A_1179 {strides = array<i32>} : memref<32832xi32, #tpu.memory_space<vmem>>, vector<16xi32>, vector<16xi1>
        tpu.vector_store %arg5[%swap3A_1180], %get3A_1149 masked %and3A_1179 {strides = array<i32>} : memref<32832xi32, #tpu.memory_space<vmem>>, vector<16xi32>, vector<16xi1>
        %convert_element_type3A_1182 = arith.extui %and3A_1179 : vector<16xi1> to vector<16xi32>
        %reduce_sum3A_1183 = arith.constant true
        %reduce_sum3A_1184 = vector.broadcast %reduce_sum3A_1183 : i1 to vector<16xi1>
        %reduce_sum3A_1185 = tpu.scan <sum>, %convert_element_type3A_1182 masked %reduce_sum3A_1184 : vector<16xi32>, vector<16xi1> -> vector<16xi32>
        %reduce_sum3A_1186 = vector.extract %reduce_sum3A_1185[15] : i32 from vector<16xi32>
        %add3A_1187 = arith.addi %add3A_1135, %reduce_sum3A_1186 : i32
        %convert_element_type3A_1188 = arith.extui %and3A_1174 : vector<16xi1> to vector<16xi32>
        %reduce_sum3A_1189 = arith.constant true
        %reduce_sum3A_1190 = vector.broadcast %reduce_sum3A_1189 : i1 to vector<16xi1>
        %reduce_sum3A_1191 = tpu.scan <sum>, %convert_element_type3A_1188 masked %reduce_sum3A_1190 : vector<16xi32>, vector<16xi1> -> vector<16xi32>
        %reduce_sum3A_1192 = vector.extract %reduce_sum3A_1191[15] : i32 from vector<16xi32>
        %add3A_1193 = arith.addi %add3A_1141, %reduce_sum3A_1192 : i32
        scf.yield %add3A_1187, %add3A_1193 : i32, i32
      }
      %while3A_600 = arith.constant 1 : i32
      %while3A_601:2 = scf.for %while3A_1095 = %while3A_597 to %while3A_593 step %while3A_600 iter_args(%while3A_1096 = %while3A_599#0, %while3A_1097 = %while3A_599#1) -> (i32, i32)  : i32 {
        %mul3A_1098 = arith.constant 2 : i32
        %mul3A_1099 = arith.muli %while3A_1095, %mul3A_1098 : i32
        %add3A_1100 = arith.constant 0 : i32
        %add3A_1101 = arith.addi %mul3A_1099, %add3A_1100 : i32
        %mul3A_1102 = arith.constant 16 : i32
        %mul3A_1103 = arith.muli %add3A_1101, %mul3A_1102 : i32
        %get3A_1104 = arith.index_cast %mul3A_1103 : i32 to index
        %get3A_1105 = tpu.vector_load %arg5[%get3A_1104] {strides = array<i32>} : memref<32832xi32, #tpu.memory_space<vmem>>, vector<16xi32>,
        %add3A_1106 = vector.broadcast %mul3A_1103 : i32 to vector<16xi32>
        %add3A_1107 = arith.addi %add3A_1106, %iota3A : vector<16xi32>
        %lt3A = vector.broadcast %while3A_380#0 : i32 to vector<16xi32>
        %lt3A_1108 = arith.cmpi slt, %add3A_1107, %lt3A : vector<16xi32>
        %jit3A_1109 = arith.constant 0 : i32
        %broadcast_in_dim3A_1110 = vector.broadcast %jit3A_1109 : i32 to vector<16xi32>
        %select_n3A_1111 = arith.select %lt3A_1108, %get3A_1105, %broadcast_in_dim3A_1110 : vector<16xi1>, vector<16xi32>
        %gather3A = tpu.vector_load_idx %arg4[%select_n3A_1111] masked %lt3A_1108 : memref<32768xf32, #tpu.memory_space<vmem>>[vector<16xi32>], vector<16xf32>, vector<16xi1>
        %bitcast_convert_type3A = tpu.bitcast %gather3A : vector<16xf32> -> vector<16xi32>
        %lt3A_1112 = arith.constant 0 : i32
        %lt3A_1113 = vector.broadcast %lt3A_1112 : i32 to vector<16xi32>
        %lt3A_1114 = arith.cmpi slt, %bitcast_convert_type3A, %lt3A_1113 : vector<16xi32>
        %xor3A = arith.constant 2147483647 : i32
        %xor3A_1115 = vector.broadcast %xor3A : i32 to vector<16xi32>
        %xor3A_1116 = arith.xori %bitcast_convert_type3A, %xor3A_1115 : vector<16xi32>
        %select_n3A_1117 = arith.select %lt3A_1114, %xor3A_1116, %bitcast_convert_type3A : vector<16xi1>, vector<16xi32>
        %shift_right_arithmetic3A = arith.constant 16 : i32
        %shift_right_arithmetic3A_1118 = vector.broadcast %shift_right_arithmetic3A : i32 to vector<16xi32>
        %shift_right_arithmetic3A_1119 = arith.shrsi %select_n3A_1117, %shift_right_arithmetic3A_1118 : vector<16xi32>
        %and3A_1120 = arith.constant 255 : i32
        %and3A_1121 = vector.broadcast %and3A_1120 : i32 to vector<16xi32>
        %and3A_1122 = arith.andi %shift_right_arithmetic3A_1119, %and3A_1121 : vector<16xi32>
        %gt3A = vector.broadcast %add3A_588 : i32 to vector<16xi32>
        %gt3A_1123 = arith.cmpi sgt, %and3A_1122, %gt3A : vector<16xi32>
        %and3A_1124 = arith.andi %lt3A_1108, %gt3A_1123 : vector<16xi1>
        %swap3A = arith.index_cast %while3A_1097 : i32 to index
        %swap3A_1125 = tpu.vector_load %arg8[%swap3A] masked %and3A_1124 {strides = array<i32>} : memref<80xi32, #tpu.memory_space<vmem>>, vector<16xi32>, vector<16xi1>
        tpu.vector_store %arg8[%swap3A], %get3A_1105 masked %and3A_1124 {strides = array<i32>} : memref<80xi32, #tpu.memory_space<vmem>>, vector<16xi32>, vector<16xi1>
        %eq3A_1126 = vector.broadcast %add3A_588 : i32 to vector<16xi32>
        %eq3A_1127 = arith.cmpi eq, %and3A_1122, %eq3A_1126 : vector<16xi32>
        %and3A_1128 = arith.andi %lt3A_1108, %eq3A_1127 : vector<16xi1>
        %swap3A_1129 = arith.index_cast %while3A_1096 : i32 to index
        %swap3A_1130 = tpu.vector_load %arg5[%swap3A_1129] masked %and3A_1128 {strides = array<i32>} : memref<32832xi32, #tpu.memory_space<vmem>>, vector<16xi32>, vector<16xi1>
        tpu.vector_store %arg5[%swap3A_1129], %get3A_1105 masked %and3A_1128 {strides = array<i32>} : memref<32832xi32, #tpu.memory_space<vmem>>, vector<16xi32>, vector<16xi1>
        %convert_element_type3A = arith.extui %and3A_1128 : vector<16xi1> to vector<16xi32>
        %reduce_sum3A_1131 = arith.constant true
        %reduce_sum3A_1132 = vector.broadcast %reduce_sum3A_1131 : i1 to vector<16xi1>
        %reduce_sum3A_1133 = tpu.scan <sum>, %convert_element_type3A masked %reduce_sum3A_1132 : vector<16xi32>, vector<16xi1> -> vector<16xi32>
        %reduce_sum3A_1134 = vector.extract %reduce_sum3A_1133[15] : i32 from vector<16xi32>
        %add3A_1135 = arith.addi %while3A_1096, %reduce_sum3A_1134 : i32
        %convert_element_type3A_1136 = arith.extui %and3A_1124 : vector<16xi1> to vector<16xi32>
        %reduce_sum3A_1137 = arith.constant true
        %reduce_sum3A_1138 = vector.broadcast %reduce_sum3A_1137 : i1 to vector<16xi1>
        %reduce_sum3A_1139 = tpu.scan <sum>, %convert_element_type3A_1136 masked %reduce_sum3A_1138 : vector<16xi32>, vector<16xi1> -> vector<16xi32>
        %reduce_sum3A_1140 = vector.extract %reduce_sum3A_1139[15] : i32 from vector<16xi32>
        %add3A_1141 = arith.addi %while3A_1097, %reduce_sum3A_1140 : i32
        %mul3A_1142 = arith.constant 2 : i32
        %mul3A_1143 = arith.muli %while3A_1095, %mul3A_1142 : i32
        %add3A_1144 = arith.constant 1 : i32
        %add3A_1145 = arith.addi %mul3A_1143, %add3A_1144 : i32
        %mul3A_1146 = arith.constant 16 : i32
        %mul3A_1147 = arith.muli %add3A_1145, %mul3A_1146 : i32
        %get3A_1148 = arith.index_cast %mul3A_1147 : i32 to index
        %get3A_1149 = tpu.vector_load %arg5[%get3A_1148] {strides = array<i32>} : memref<32832xi32, #tpu.memory_space<vmem>>, vector<16xi32>,
        %add3A_1150 = vector.broadcast %mul3A_1147 : i32 to vector<16xi32>
        %add3A_1151 = arith.addi %add3A_1150, %iota3A : vector<16xi32>
        %lt3A_1152 = vector.broadcast %while3A_380#0 : i32 to vector<16xi32>
        %lt3A_1153 = arith.cmpi slt, %add3A_1151, %lt3A_1152 : vector<16xi32>
        %jit3A_1154 = arith.constant 0 : i32
        %broadcast_in_dim3A_1155 = vector.broadcast %jit3A_1154 : i32 to vector<16xi32>
        %select_n3A_1156 = arith.select %lt3A_1153, %get3A_1149, %broadcast_in_dim3A_1155 : vector<16xi1>, vector<16xi32>
        %gather3A_1157 = tpu.vector_load_idx %arg4[%select_n3A_1156] masked %lt3A_1153 : memref<32768xf32, #tpu.memory_space<vmem>>[vector<16xi32>], vector<16xf32>, vector<16xi1>
        %bitcast_convert_type3A_1158 = tpu.bitcast %gather3A_1157 : vector<16xf32> -> vector<16xi32>
        %lt3A_1159 = arith.constant 0 : i32
        %lt3A_1160 = vector.broadcast %lt3A_1159 : i32 to vector<16xi32>
        %lt3A_1161 = arith.cmpi slt, %bitcast_convert_type3A_1158, %lt3A_1160 : vector<16xi32>
        %xor3A_1162 = arith.constant 2147483647 : i32
        %xor3A_1163 = vector.broadcast %xor3A_1162 : i32 to vector<16xi32>
        %xor3A_1164 = arith.xori %bitcast_convert_type3A_1158, %xor3A_1163 : vector<16xi32>
        %select_n3A_1165 = arith.select %lt3A_1161, %xor3A_1164, %bitcast_convert_type3A_1158 : vector<16xi1>, vector<16xi32>
        %shift_right_arithmetic3A_1166 = arith.constant 16 : i32
        %shift_right_arithmetic3A_1167 = vector.broadcast %shift_right_arithmetic3A_1166 : i32 to vector<16xi32>
        %shift_right_arithmetic3A_1168 = arith.shrsi %select_n3A_1165, %shift_right_arithmetic3A_1167 : vector<16xi32>
        %and3A_1169 = arith.constant 255 : i32
        %and3A_1170 = vector.broadcast %and3A_1169 : i32 to vector<16xi32>
        %and3A_1171 = arith.andi %shift_right_arithmetic3A_1168, %and3A_1170 : vector<16xi32>
        %gt3A_1172 = vector.broadcast %add3A_588 : i32 to vector<16xi32>
        %gt3A_1173 = arith.cmpi sgt, %and3A_1171, %gt3A_1172 : vector<16xi32>
        %and3A_1174 = arith.andi %lt3A_1153, %gt3A_1173 : vector<16xi1>
        %swap3A_1175 = arith.index_cast %add3A_1141 : i32 to index
        %swap3A_1176 = tpu.vector_load %arg8[%swap3A_1175] masked %and3A_1174 {strides = array<i32>} : memref<80xi32, #tpu.memory_space<vmem>>, vector<16xi32>, vector<16xi1>
        tpu.vector_store %arg8[%swap3A_1175], %get3A_1149 masked %and3A_1174 {strides = array<i32>} : memref<80xi32, #tpu.memory_space<vmem>>, vector<16xi32>, vector<16xi1>
        %eq3A_1177 = vector.broadcast %add3A_588 : i32 to vector<16xi32>
        %eq3A_1178 = arith.cmpi eq, %and3A_1171, %eq3A_1177 : vector<16xi32>
        %and3A_1179 = arith.andi %lt3A_1153, %eq3A_1178 : vector<16xi1>
        %swap3A_1180 = arith.index_cast %add3A_1135 : i32 to index
        %swap3A_1181 = tpu.vector_load %arg5[%swap3A_1180] masked %and3A_1179 {strides = array<i32>} : memref<32832xi32, #tpu.memory_space<vmem>>, vector<16xi32>, vector<16xi1>
        tpu.vector_store %arg5[%swap3A_1180], %get3A_1149 masked %and3A_1179 {strides = array<i32>} : memref<32832xi32, #tpu.memory_space<vmem>>, vector<16xi32>, vector<16xi1>
        %convert_element_type3A_1182 = arith.extui %and3A_1179 : vector<16xi1> to vector<16xi32>
        %reduce_sum3A_1183 = arith.constant true
        %reduce_sum3A_1184 = vector.broadcast %reduce_sum3A_1183 : i1 to vector<16xi1>
        %reduce_sum3A_1185 = tpu.scan <sum>, %convert_element_type3A_1182 masked %reduce_sum3A_1184 : vector<16xi32>, vector<16xi1> -> vector<16xi32>
        %reduce_sum3A_1186 = vector.extract %reduce_sum3A_1185[15] : i32 from vector<16xi32>
        %add3A_1187 = arith.addi %add3A_1135, %reduce_sum3A_1186 : i32
        %convert_element_type3A_1188 = arith.extui %and3A_1174 : vector<16xi1> to vector<16xi32>
        %reduce_sum3A_1189 = arith.constant true
        %reduce_sum3A_1190 = vector.broadcast %reduce_sum3A_1189 : i1 to vector<16xi1>
        %reduce_sum3A_1191 = tpu.scan <sum>, %convert_element_type3A_1188 masked %reduce_sum3A_1190 : vector<16xi32>, vector<16xi1> -> vector<16xi32>
        %reduce_sum3A_1192 = vector.extract %reduce_sum3A_1191[15] : i32 from vector<16xi32>
        %add3A_1193 = arith.addi %add3A_1141, %reduce_sum3A_1192 : i32
        scf.yield %add3A_1187, %add3A_1193 : i32, i32
      }
      %scan3A_602 = arith.constant 0 : i32
      %scan3A_603 = arith.constant 0 : i32
      %scan3A_604 = arith.constant 32 : i32
      %scan3A_605 = arith.addi %scan3A_603, %scan3A_604 : i32
      %scan3A_606 = arith.constant 1 : i32
      scf.for %scan3A_1095 = %scan3A_603 to %scan3A_605 step %scan3A_606  : i32 {
        %mul3A_1096 = arith.constant 8 : i32
        %mul3A_1097 = arith.muli %scan3A_1095, %mul3A_1096 : i32
        %add3A_1098 = arith.constant 0 : i32
        %add3A_1099 = arith.addi %mul3A_1097, %add3A_1098 : i32
        %mul3A_1100 = arith.constant 16 : i32
        %mul3A_1101 = arith.muli %add3A_1099, %mul3A_1100 : i32
        %swap3A = arith.index_cast %mul3A_1101 : i32 to index
        %swap3A_1102 = tpu.vector_load %arg7[%swap3A] {strides = array<i32>} : memref<4096xi32, #tpu.memory_space<vmem>>, vector<16xi32>,
        tpu.vector_store %arg7[%swap3A], %broadcast_in_dim3A_0 {strides = array<i32>} : memref<4096xi32, #tpu.memory_space<vmem>>, vector<16xi32>,
        %mul3A_1103 = arith.constant 8 : i32
        %mul3A_1104 = arith.muli %scan3A_1095, %mul3A_1103 : i32
        %add3A_1105 = arith.constant 1 : i32
        %add3A_1106 = arith.addi %mul3A_1104, %add3A_1105 : i32
        %mul3A_1107 = arith.constant 16 : i32
        %mul3A_1108 = arith.muli %add3A_1106, %mul3A_1107 : i32
        %swap3A_1109 = arith.index_cast %mul3A_1108 : i32 to index
        %swap3A_1110 = tpu.vector_load %arg7[%swap3A_1109] {strides = array<i32>} : memref<4096xi32, #tpu.memory_space<vmem>>, vector<16xi32>,
        tpu.vector_store %arg7[%swap3A_1109], %broadcast_in_dim3A_0 {strides = array<i32>} : memref<4096xi32, #tpu.memory_space<vmem>>, vector<16xi32>,
        %mul3A_1111 = arith.constant 8 : i32
        %mul3A_1112 = arith.muli %scan3A_1095, %mul3A_1111 : i32
        %add3A_1113 = arith.constant 2 : i32
        %add3A_1114 = arith.addi %mul3A_1112, %add3A_1113 : i32
        %mul3A_1115 = arith.constant 16 : i32
        %mul3A_1116 = arith.muli %add3A_1114, %mul3A_1115 : i32
        %swap3A_1117 = arith.index_cast %mul3A_1116 : i32 to index
        %swap3A_1118 = tpu.vector_load %arg7[%swap3A_1117] {strides = array<i32>} : memref<4096xi32, #tpu.memory_space<vmem>>, vector<16xi32>,
        tpu.vector_store %arg7[%swap3A_1117], %broadcast_in_dim3A_0 {strides = array<i32>} : memref<4096xi32, #tpu.memory_space<vmem>>, vector<16xi32>,
        %mul3A_1119 = arith.constant 8 : i32
        %mul3A_1120 = arith.muli %scan3A_1095, %mul3A_1119 : i32
        %add3A_1121 = arith.constant 3 : i32
        %add3A_1122 = arith.addi %mul3A_1120, %add3A_1121 : i32
        %mul3A_1123 = arith.constant 16 : i32
        %mul3A_1124 = arith.muli %add3A_1122, %mul3A_1123 : i32
        %swap3A_1125 = arith.index_cast %mul3A_1124 : i32 to index
        %swap3A_1126 = tpu.vector_load %arg7[%swap3A_1125] {strides = array<i32>} : memref<4096xi32, #tpu.memory_space<vmem>>, vector<16xi32>,
        tpu.vector_store %arg7[%swap3A_1125], %broadcast_in_dim3A_0 {strides = array<i32>} : memref<4096xi32, #tpu.memory_space<vmem>>, vector<16xi32>,
        %mul3A_1127 = arith.constant 8 : i32
        %mul3A_1128 = arith.muli %scan3A_1095, %mul3A_1127 : i32
        %add3A_1129 = arith.constant 4 : i32
        %add3A_1130 = arith.addi %mul3A_1128, %add3A_1129 : i32
        %mul3A_1131 = arith.constant 16 : i32
        %mul3A_1132 = arith.muli %add3A_1130, %mul3A_1131 : i32
        %swap3A_1133 = arith.index_cast %mul3A_1132 : i32 to index
        %swap3A_1134 = tpu.vector_load %arg7[%swap3A_1133] {strides = array<i32>} : memref<4096xi32, #tpu.memory_space<vmem>>, vector<16xi32>,
        tpu.vector_store %arg7[%swap3A_1133], %broadcast_in_dim3A_0 {strides = array<i32>} : memref<4096xi32, #tpu.memory_space<vmem>>, vector<16xi32>,
        %mul3A_1135 = arith.constant 8 : i32
        %mul3A_1136 = arith.muli %scan3A_1095, %mul3A_1135 : i32
        %add3A_1137 = arith.constant 5 : i32
        %add3A_1138 = arith.addi %mul3A_1136, %add3A_1137 : i32
        %mul3A_1139 = arith.constant 16 : i32
        %mul3A_1140 = arith.muli %add3A_1138, %mul3A_1139 : i32
        %swap3A_1141 = arith.index_cast %mul3A_1140 : i32 to index
        %swap3A_1142 = tpu.vector_load %arg7[%swap3A_1141] {strides = array<i32>} : memref<4096xi32, #tpu.memory_space<vmem>>, vector<16xi32>,
        tpu.vector_store %arg7[%swap3A_1141], %broadcast_in_dim3A_0 {strides = array<i32>} : memref<4096xi32, #tpu.memory_space<vmem>>, vector<16xi32>,
        %mul3A_1143 = arith.constant 8 : i32
        %mul3A_1144 = arith.muli %scan3A_1095, %mul3A_1143 : i32
        %add3A_1145 = arith.constant 6 : i32
        %add3A_1146 = arith.addi %mul3A_1144, %add3A_1145 : i32
        %mul3A_1147 = arith.constant 16 : i32
        %mul3A_1148 = arith.muli %add3A_1146, %mul3A_1147 : i32
        %swap3A_1149 = arith.index_cast %mul3A_1148 : i32 to index
        %swap3A_1150 = tpu.vector_load %arg7[%swap3A_1149] {strides = array<i32>} : memref<4096xi32, #tpu.memory_space<vmem>>, vector<16xi32>,
        tpu.vector_store %arg7[%swap3A_1149], %broadcast_in_dim3A_0 {strides = array<i32>} : memref<4096xi32, #tpu.memory_space<vmem>>, vector<16xi32>,
        %mul3A_1151 = arith.constant 8 : i32
        %mul3A_1152 = arith.muli %scan3A_1095, %mul3A_1151 : i32
        %add3A_1153 = arith.constant 7 : i32
        %add3A_1154 = arith.addi %mul3A_1152, %add3A_1153 : i32
        %mul3A_1155 = arith.constant 16 : i32
        %mul3A_1156 = arith.muli %add3A_1154, %mul3A_1155 : i32
        %swap3A_1157 = arith.index_cast %mul3A_1156 : i32 to index
        %swap3A_1158 = tpu.vector_load %arg7[%swap3A_1157] {strides = array<i32>} : memref<4096xi32, #tpu.memory_space<vmem>>, vector<16xi32>,
        tpu.vector_store %arg7[%swap3A_1157], %broadcast_in_dim3A_0 {strides = array<i32>} : memref<4096xi32, #tpu.memory_space<vmem>>, vector<16xi32>,
      }
      %scan3A_607 = arith.constant 32 : i32
      %add3A_608 = arith.constant 31 : i32
      %add3A_609 = arith.addi %while3A_601#0, %add3A_608 : i32
      %jit3A_610 = arith.constant 32 : i32
      %div3A_611 = arith.divsi %add3A_609, %jit3A_610 : i32
      %sign3A_612 = arith.constant 0 : i32
      %sign3A_613 = arith.cmpi sgt, %add3A_609, %sign3A_612 : i32
      %sign3A_614 = arith.extui %sign3A_613 : i1 to i32
      %sign3A_615 = arith.constant 0 : i32
      %sign3A_616 = arith.cmpi slt, %add3A_609, %sign3A_615 : i32
      %sign3A_617 = arith.extui %sign3A_616 : i1 to i32
      %sign3A_618 = arith.subi %sign3A_614, %sign3A_617 : i32
      %sign3A_619 = arith.constant 0 : i32
      %sign3A_620 = arith.cmpi sgt, %jit3A_610, %sign3A_619 : i32
      %sign3A_621 = arith.extui %sign3A_620 : i1 to i32
      %sign3A_622 = arith.constant 0 : i32
      %sign3A_623 = arith.cmpi slt, %jit3A_610, %sign3A_622 : i32
      %sign3A_624 = arith.extui %sign3A_623 : i1 to i32
      %sign3A_625 = arith.subi %sign3A_621, %sign3A_624 : i32
      %ne3A_626 = arith.cmpi ne, %sign3A_618, %sign3A_625 : i32
      %rem3A_627 = arith.remsi %add3A_609, %jit3A_610 : i32
      %ne3A_628 = arith.constant 0 : i32
      %ne3A_629 = arith.cmpi ne, %rem3A_627, %ne3A_628 : i32
      %and3A_630 = arith.andi %ne3A_626, %ne3A_629 : i1
      %sub3A_631 = arith.constant 1 : i32
      %sub3A_632 = arith.subi %div3A_611, %sub3A_631 : i32
      %select_n3A_633 = arith.select %and3A_630, %sub3A_632, %div3A_611 : i32
      %while3A_634 = arith.constant 0 : i32
      %while3A_635 = arith.constant 0 : i32
      %while3A_636 = arith.subi %select_n3A_633, %while3A_635 : i32
      %while3A_637 = arith.addi %while3A_635, %while3A_636 : i32
      %while3A_638 = arith.constant 1 : i32
      %while3A_639 = arith.divsi %while3A_636, %while3A_638 : i32
      %while3A_640 = arith.muli %while3A_639, %while3A_638 : i32
      %while3A_641 = arith.addi %while3A_635, %while3A_640 : i32
      %while3A_642 = arith.constant 1 : i32
      scf.for %while3A_1095 = %while3A_635 to %while3A_641 step %while3A_642  : i32 {
        %mul3A_1096 = arith.constant 2 : i32
        %mul3A_1097 = arith.muli %while3A_1095, %mul3A_1096 : i32
        %add3A_1098 = arith.constant 0 : i32
        %add3A_1099 = arith.addi %mul3A_1097, %add3A_1098 : i32
        %mul3A_1100 = arith.constant 16 : i32
        %mul3A_1101 = arith.muli %add3A_1099, %mul3A_1100 : i32
        %get3A_1102 = arith.index_cast %mul3A_1101 : i32 to index
        %get3A_1103 = tpu.vector_load %arg5[%get3A_1102] {strides = array<i32>} : memref<32832xi32, #tpu.memory_space<vmem>>, vector<16xi32>,
        %add3A_1104 = vector.broadcast %mul3A_1101 : i32 to vector<16xi32>
        %add3A_1105 = arith.addi %add3A_1104, %iota3A : vector<16xi32>
        %lt3A = vector.broadcast %while3A_601#0 : i32 to vector<16xi32>
        %lt3A_1106 = arith.cmpi slt, %add3A_1105, %lt3A : vector<16xi32>
        %jit3A_1107 = arith.constant 0 : i32
        %broadcast_in_dim3A_1108 = vector.broadcast %jit3A_1107 : i32 to vector<16xi32>
        %select_n3A_1109 = arith.select %lt3A_1106, %get3A_1103, %broadcast_in_dim3A_1108 : vector<16xi1>, vector<16xi32>
        %gather3A = tpu.vector_load_idx %arg4[%select_n3A_1109] masked %lt3A_1106 : memref<32768xf32, #tpu.memory_space<vmem>>[vector<16xi32>], vector<16xf32>, vector<16xi1>
        %bitcast_convert_type3A = tpu.bitcast %gather3A : vector<16xf32> -> vector<16xi32>
        %lt3A_1110 = arith.constant 0 : i32
        %lt3A_1111 = vector.broadcast %lt3A_1110 : i32 to vector<16xi32>
        %lt3A_1112 = arith.cmpi slt, %bitcast_convert_type3A, %lt3A_1111 : vector<16xi32>
        %xor3A = arith.constant 2147483647 : i32
        %xor3A_1113 = vector.broadcast %xor3A : i32 to vector<16xi32>
        %xor3A_1114 = arith.xori %bitcast_convert_type3A, %xor3A_1113 : vector<16xi32>
        %select_n3A_1115 = arith.select %lt3A_1112, %xor3A_1114, %bitcast_convert_type3A : vector<16xi1>, vector<16xi32>
        %shift_right_arithmetic3A = arith.constant 8 : i32
        %shift_right_arithmetic3A_1116 = vector.broadcast %shift_right_arithmetic3A : i32 to vector<16xi32>
        %shift_right_arithmetic3A_1117 = arith.shrsi %select_n3A_1115, %shift_right_arithmetic3A_1116 : vector<16xi32>
        %and3A_1118 = arith.constant 255 : i32
        %and3A_1119 = vector.broadcast %and3A_1118 : i32 to vector<16xi32>
        %and3A_1120 = arith.andi %shift_right_arithmetic3A_1117, %and3A_1119 : vector<16xi32>
        %mul3A_1121 = arith.constant 256 : i32
        %mul3A_1122 = vector.broadcast %mul3A_1121 : i32 to vector<16xi32>
        %mul3A_1123 = arith.muli %iota3A, %mul3A_1122 : vector<16xi32>
        %add3A_1124 = arith.addi %mul3A_1123, %and3A_1120 : vector<16xi32>
        %gather3A_1125 = tpu.vector_load_idx %arg7[%add3A_1124] masked %lt3A_1106 : memref<4096xi32, #tpu.memory_space<vmem>>[vector<16xi32>], vector<16xi32>, vector<16xi1>
        %add3A_1126 = arith.constant 1 : i32
        %add3A_1127 = vector.broadcast %add3A_1126 : i32 to vector<16xi32>
        %add3A_1128 = arith.addi %gather3A_1125, %add3A_1127 : vector<16xi32>
        tpu.vector_store_idx %arg7[%add3A_1124], %add3A_1128 masked %lt3A_1106 : memref<4096xi32, #tpu.memory_space<vmem>>[vector<16xi32>], vector<16xi32>, vector<16xi1>
        %mul3A_1129 = arith.constant 2 : i32
        %mul3A_1130 = arith.muli %while3A_1095, %mul3A_1129 : i32
        %add3A_1131 = arith.constant 1 : i32
        %add3A_1132 = arith.addi %mul3A_1130, %add3A_1131 : i32
        %mul3A_1133 = arith.constant 16 : i32
        %mul3A_1134 = arith.muli %add3A_1132, %mul3A_1133 : i32
        %get3A_1135 = arith.index_cast %mul3A_1134 : i32 to index
        %get3A_1136 = tpu.vector_load %arg5[%get3A_1135] {strides = array<i32>} : memref<32832xi32, #tpu.memory_space<vmem>>, vector<16xi32>,
        %add3A_1137 = vector.broadcast %mul3A_1134 : i32 to vector<16xi32>
        %add3A_1138 = arith.addi %add3A_1137, %iota3A : vector<16xi32>
        %lt3A_1139 = vector.broadcast %while3A_601#0 : i32 to vector<16xi32>
        %lt3A_1140 = arith.cmpi slt, %add3A_1138, %lt3A_1139 : vector<16xi32>
        %jit3A_1141 = arith.constant 0 : i32
        %broadcast_in_dim3A_1142 = vector.broadcast %jit3A_1141 : i32 to vector<16xi32>
        %select_n3A_1143 = arith.select %lt3A_1140, %get3A_1136, %broadcast_in_dim3A_1142 : vector<16xi1>, vector<16xi32>
        %gather3A_1144 = tpu.vector_load_idx %arg4[%select_n3A_1143] masked %lt3A_1140 : memref<32768xf32, #tpu.memory_space<vmem>>[vector<16xi32>], vector<16xf32>, vector<16xi1>
        %bitcast_convert_type3A_1145 = tpu.bitcast %gather3A_1144 : vector<16xf32> -> vector<16xi32>
        %lt3A_1146 = arith.constant 0 : i32
        %lt3A_1147 = vector.broadcast %lt3A_1146 : i32 to vector<16xi32>
        %lt3A_1148 = arith.cmpi slt, %bitcast_convert_type3A_1145, %lt3A_1147 : vector<16xi32>
        %xor3A_1149 = arith.constant 2147483647 : i32
        %xor3A_1150 = vector.broadcast %xor3A_1149 : i32 to vector<16xi32>
        %xor3A_1151 = arith.xori %bitcast_convert_type3A_1145, %xor3A_1150 : vector<16xi32>
        %select_n3A_1152 = arith.select %lt3A_1148, %xor3A_1151, %bitcast_convert_type3A_1145 : vector<16xi1>, vector<16xi32>
        %shift_right_arithmetic3A_1153 = arith.constant 8 : i32
        %shift_right_arithmetic3A_1154 = vector.broadcast %shift_right_arithmetic3A_1153 : i32 to vector<16xi32>
        %shift_right_arithmetic3A_1155 = arith.shrsi %select_n3A_1152, %shift_right_arithmetic3A_1154 : vector<16xi32>
        %and3A_1156 = arith.constant 255 : i32
        %and3A_1157 = vector.broadcast %and3A_1156 : i32 to vector<16xi32>
        %and3A_1158 = arith.andi %shift_right_arithmetic3A_1155, %and3A_1157 : vector<16xi32>
        %mul3A_1159 = arith.constant 256 : i32
        %mul3A_1160 = vector.broadcast %mul3A_1159 : i32 to vector<16xi32>
        %mul3A_1161 = arith.muli %iota3A, %mul3A_1160 : vector<16xi32>
        %add3A_1162 = arith.addi %mul3A_1161, %and3A_1158 : vector<16xi32>
        %gather3A_1163 = tpu.vector_load_idx %arg7[%add3A_1162] masked %lt3A_1140 : memref<4096xi32, #tpu.memory_space<vmem>>[vector<16xi32>], vector<16xi32>, vector<16xi1>
        %add3A_1164 = arith.constant 1 : i32
        %add3A_1165 = vector.broadcast %add3A_1164 : i32 to vector<16xi32>
        %add3A_1166 = arith.addi %gather3A_1163, %add3A_1165 : vector<16xi32>
        tpu.vector_store_idx %arg7[%add3A_1162], %add3A_1166 masked %lt3A_1140 : memref<4096xi32, #tpu.memory_space<vmem>>[vector<16xi32>], vector<16xi32>, vector<16xi1>
      }
      %while3A_643 = arith.constant 1 : i32
      scf.for %while3A_1095 = %while3A_641 to %while3A_637 step %while3A_643  : i32 {
        %mul3A_1096 = arith.constant 2 : i32
        %mul3A_1097 = arith.muli %while3A_1095, %mul3A_1096 : i32
        %add3A_1098 = arith.constant 0 : i32
        %add3A_1099 = arith.addi %mul3A_1097, %add3A_1098 : i32
        %mul3A_1100 = arith.constant 16 : i32
        %mul3A_1101 = arith.muli %add3A_1099, %mul3A_1100 : i32
        %get3A_1102 = arith.index_cast %mul3A_1101 : i32 to index
        %get3A_1103 = tpu.vector_load %arg5[%get3A_1102] {strides = array<i32>} : memref<32832xi32, #tpu.memory_space<vmem>>, vector<16xi32>,
        %add3A_1104 = vector.broadcast %mul3A_1101 : i32 to vector<16xi32>
        %add3A_1105 = arith.addi %add3A_1104, %iota3A : vector<16xi32>
        %lt3A = vector.broadcast %while3A_601#0 : i32 to vector<16xi32>
        %lt3A_1106 = arith.cmpi slt, %add3A_1105, %lt3A : vector<16xi32>
        %jit3A_1107 = arith.constant 0 : i32
        %broadcast_in_dim3A_1108 = vector.broadcast %jit3A_1107 : i32 to vector<16xi32>
        %select_n3A_1109 = arith.select %lt3A_1106, %get3A_1103, %broadcast_in_dim3A_1108 : vector<16xi1>, vector<16xi32>
        %gather3A = tpu.vector_load_idx %arg4[%select_n3A_1109] masked %lt3A_1106 : memref<32768xf32, #tpu.memory_space<vmem>>[vector<16xi32>], vector<16xf32>, vector<16xi1>
        %bitcast_convert_type3A = tpu.bitcast %gather3A : vector<16xf32> -> vector<16xi32>
        %lt3A_1110 = arith.constant 0 : i32
        %lt3A_1111 = vector.broadcast %lt3A_1110 : i32 to vector<16xi32>
        %lt3A_1112 = arith.cmpi slt, %bitcast_convert_type3A, %lt3A_1111 : vector<16xi32>
        %xor3A = arith.constant 2147483647 : i32
        %xor3A_1113 = vector.broadcast %xor3A : i32 to vector<16xi32>
        %xor3A_1114 = arith.xori %bitcast_convert_type3A, %xor3A_1113 : vector<16xi32>
        %select_n3A_1115 = arith.select %lt3A_1112, %xor3A_1114, %bitcast_convert_type3A : vector<16xi1>, vector<16xi32>
        %shift_right_arithmetic3A = arith.constant 8 : i32
        %shift_right_arithmetic3A_1116 = vector.broadcast %shift_right_arithmetic3A : i32 to vector<16xi32>
        %shift_right_arithmetic3A_1117 = arith.shrsi %select_n3A_1115, %shift_right_arithmetic3A_1116 : vector<16xi32>
        %and3A_1118 = arith.constant 255 : i32
        %and3A_1119 = vector.broadcast %and3A_1118 : i32 to vector<16xi32>
        %and3A_1120 = arith.andi %shift_right_arithmetic3A_1117, %and3A_1119 : vector<16xi32>
        %mul3A_1121 = arith.constant 256 : i32
        %mul3A_1122 = vector.broadcast %mul3A_1121 : i32 to vector<16xi32>
        %mul3A_1123 = arith.muli %iota3A, %mul3A_1122 : vector<16xi32>
        %add3A_1124 = arith.addi %mul3A_1123, %and3A_1120 : vector<16xi32>
        %gather3A_1125 = tpu.vector_load_idx %arg7[%add3A_1124] masked %lt3A_1106 : memref<4096xi32, #tpu.memory_space<vmem>>[vector<16xi32>], vector<16xi32>, vector<16xi1>
        %add3A_1126 = arith.constant 1 : i32
        %add3A_1127 = vector.broadcast %add3A_1126 : i32 to vector<16xi32>
        %add3A_1128 = arith.addi %gather3A_1125, %add3A_1127 : vector<16xi32>
        tpu.vector_store_idx %arg7[%add3A_1124], %add3A_1128 masked %lt3A_1106 : memref<4096xi32, #tpu.memory_space<vmem>>[vector<16xi32>], vector<16xi32>, vector<16xi1>
        %mul3A_1129 = arith.constant 2 : i32
        %mul3A_1130 = arith.muli %while3A_1095, %mul3A_1129 : i32
        %add3A_1131 = arith.constant 1 : i32
        %add3A_1132 = arith.addi %mul3A_1130, %add3A_1131 : i32
        %mul3A_1133 = arith.constant 16 : i32
        %mul3A_1134 = arith.muli %add3A_1132, %mul3A_1133 : i32
        %get3A_1135 = arith.index_cast %mul3A_1134 : i32 to index
        %get3A_1136 = tpu.vector_load %arg5[%get3A_1135] {strides = array<i32>} : memref<32832xi32, #tpu.memory_space<vmem>>, vector<16xi32>,
        %add3A_1137 = vector.broadcast %mul3A_1134 : i32 to vector<16xi32>
        %add3A_1138 = arith.addi %add3A_1137, %iota3A : vector<16xi32>
        %lt3A_1139 = vector.broadcast %while3A_601#0 : i32 to vector<16xi32>
        %lt3A_1140 = arith.cmpi slt, %add3A_1138, %lt3A_1139 : vector<16xi32>
        %jit3A_1141 = arith.constant 0 : i32
        %broadcast_in_dim3A_1142 = vector.broadcast %jit3A_1141 : i32 to vector<16xi32>
        %select_n3A_1143 = arith.select %lt3A_1140, %get3A_1136, %broadcast_in_dim3A_1142 : vector<16xi1>, vector<16xi32>
        %gather3A_1144 = tpu.vector_load_idx %arg4[%select_n3A_1143] masked %lt3A_1140 : memref<32768xf32, #tpu.memory_space<vmem>>[vector<16xi32>], vector<16xf32>, vector<16xi1>
        %bitcast_convert_type3A_1145 = tpu.bitcast %gather3A_1144 : vector<16xf32> -> vector<16xi32>
        %lt3A_1146 = arith.constant 0 : i32
        %lt3A_1147 = vector.broadcast %lt3A_1146 : i32 to vector<16xi32>
        %lt3A_1148 = arith.cmpi slt, %bitcast_convert_type3A_1145, %lt3A_1147 : vector<16xi32>
        %xor3A_1149 = arith.constant 2147483647 : i32
        %xor3A_1150 = vector.broadcast %xor3A_1149 : i32 to vector<16xi32>
        %xor3A_1151 = arith.xori %bitcast_convert_type3A_1145, %xor3A_1150 : vector<16xi32>
        %select_n3A_1152 = arith.select %lt3A_1148, %xor3A_1151, %bitcast_convert_type3A_1145 : vector<16xi1>, vector<16xi32>
        %shift_right_arithmetic3A_1153 = arith.constant 8 : i32
        %shift_right_arithmetic3A_1154 = vector.broadcast %shift_right_arithmetic3A_1153 : i32 to vector<16xi32>
        %shift_right_arithmetic3A_1155 = arith.shrsi %select_n3A_1152, %shift_right_arithmetic3A_1154 : vector<16xi32>
        %and3A_1156 = arith.constant 255 : i32
        %and3A_1157 = vector.broadcast %and3A_1156 : i32 to vector<16xi32>
        %and3A_1158 = arith.andi %shift_right_arithmetic3A_1155, %and3A_1157 : vector<16xi32>
        %mul3A_1159 = arith.constant 256 : i32
        %mul3A_1160 = vector.broadcast %mul3A_1159 : i32 to vector<16xi32>
        %mul3A_1161 = arith.muli %iota3A, %mul3A_1160 : vector<16xi32>
        %add3A_1162 = arith.addi %mul3A_1161, %and3A_1158 : vector<16xi32>
        %gather3A_1163 = tpu.vector_load_idx %arg7[%add3A_1162] masked %lt3A_1140 : memref<4096xi32, #tpu.memory_space<vmem>>[vector<16xi32>], vector<16xi32>, vector<16xi1>
        %add3A_1164 = arith.constant 1 : i32
        %add3A_1165 = vector.broadcast %add3A_1164 : i32 to vector<16xi32>
        %add3A_1166 = arith.addi %gather3A_1163, %add3A_1165 : vector<16xi32>
        tpu.vector_store_idx %arg7[%add3A_1162], %add3A_1166 masked %lt3A_1140 : memref<4096xi32, #tpu.memory_space<vmem>>[vector<16xi32>], vector<16xi32>, vector<16xi1>
      }
      %while3A_644 = arith.constant 16 : i32
      %while3A_645 = arith.constant 0 : i32
      %while3A_646:2 = scf.while (%while3A_1095 = %while3A_644, %while3A_1096 = %while3A_645) : (i32, i32) -> (i32, i32) {
        %lt3A = arith.cmpi slt, %while3A_1096, %sub3A_589 : i32
        %gt3A = arith.constant 0 : i32
        %gt3A_1097 = arith.cmpi sgt, %while3A_1095, %gt3A : i32
        %and3A_1098 = arith.andi %lt3A, %gt3A_1097 : i1
        scf.condition(%and3A_1098) %while3A_1095, %while3A_1096 : i32, i32
      } do {
      ^bb0(%while3A_1095: i32, %while3A_1096: i32):
        %sub3A_1097 = arith.constant 1 : i32
        %sub3A_1098 = arith.subi %while3A_1095, %sub3A_1097 : i32
        %sub3A_1099 = arith.constant 1 : i32
        %sub3A_1100 = arith.subi %while3A_1095, %sub3A_1099 : i32
        %mul3A_1101 = arith.constant 16 : i32
        %mul3A_1102 = arith.muli %sub3A_1100, %mul3A_1101 : i32
        %add3A_1103 = arith.constant 0 : i32
        %add3A_1104 = arith.addi %add3A_1103, %mul3A_1102 : i32
        %get3A_1105 = arith.index_cast %add3A_1104 : i32 to index
        %get3A_1106 = tpu.vector_load %arg7[%get3A_1105] {strides = array<i32>} : memref<4096xi32, #tpu.memory_space<vmem>>, vector<16xi32>,
        %add3A_1107 = arith.addi %broadcast_in_dim3A_0, %get3A_1106 : vector<16xi32>
        %mul3A_1108 = arith.constant 16 : i32
        %mul3A_1109 = arith.muli %sub3A_1100, %mul3A_1108 : i32
        %add3A_1110 = arith.constant 256 : i32
        %add3A_1111 = arith.addi %add3A_1110, %mul3A_1109 : i32
        %get3A_1112 = arith.index_cast %add3A_1111 : i32 to index
        %get3A_1113 = tpu.vector_load %arg7[%get3A_1112] {strides = array<i32>} : memref<4096xi32, #tpu.memory_space<vmem>>, vector<16xi32>,
        %add3A_1114 = arith.addi %add3A_1107, %get3A_1113 : vector<16xi32>
        %mul3A_1115 = arith.constant 16 : i32
        %mul3A_1116 = arith.muli %sub3A_1100, %mul3A_1115 : i32
        %add3A_1117 = arith.constant 512 : i32
        %add3A_1118 = arith.addi %add3A_1117, %mul3A_1116 : i32
        %get3A_1119 = arith.index_cast %add3A_1118 : i32 to index
        %get3A_1120 = tpu.vector_load %arg7[%get3A_1119] {strides = array<i32>} : memref<4096xi32, #tpu.memory_space<vmem>>, vector<16xi32>,
        %add3A_1121 = arith.addi %add3A_1114, %get3A_1120 : vector<16xi32>
        %mul3A_1122 = arith.constant 16 : i32
        %mul3A_1123 = arith.muli %sub3A_1100, %mul3A_1122 : i32
        %add3A_1124 = arith.constant 768 : i32
        %add3A_1125 = arith.addi %add3A_1124, %mul3A_1123 : i32
        %get3A_1126 = arith.index_cast %add3A_1125 : i32 to index
        %get3A_1127 = tpu.vector_load %arg7[%get3A_1126] {strides = array<i32>} : memref<4096xi32, #tpu.memory_space<vmem>>, vector<16xi32>,
        %add3A_1128 = arith.addi %add3A_1121, %get3A_1127 : vector<16xi32>
        %mul3A_1129 = arith.constant 16 : i32
        %mul3A_1130 = arith.muli %sub3A_1100, %mul3A_1129 : i32
        %add3A_1131 = arith.constant 1024 : i32
        %add3A_1132 = arith.addi %add3A_1131, %mul3A_1130 : i32
        %get3A_1133 = arith.index_cast %add3A_1132 : i32 to index
        %get3A_1134 = tpu.vector_load %arg7[%get3A_1133] {strides = array<i32>} : memref<4096xi32, #tpu.memory_space<vmem>>, vector<16xi32>,
        %add3A_1135 = arith.addi %add3A_1128, %get3A_1134 : vector<16xi32>
        %mul3A_1136 = arith.constant 16 : i32
        %mul3A_1137 = arith.muli %sub3A_1100, %mul3A_1136 : i32
        %add3A_1138 = arith.constant 1280 : i32
        %add3A_1139 = arith.addi %add3A_1138, %mul3A_1137 : i32
        %get3A_1140 = arith.index_cast %add3A_1139 : i32 to index
        %get3A_1141 = tpu.vector_load %arg7[%get3A_1140] {strides = array<i32>} : memref<4096xi32, #tpu.memory_space<vmem>>, vector<16xi32>,
        %add3A_1142 = arith.addi %add3A_1135, %get3A_1141 : vector<16xi32>
        %mul3A_1143 = arith.constant 16 : i32
        %mul3A_1144 = arith.muli %sub3A_1100, %mul3A_1143 : i32
        %add3A_1145 = arith.constant 1536 : i32
        %add3A_1146 = arith.addi %add3A_1145, %mul3A_1144 : i32
        %get3A_1147 = arith.index_cast %add3A_1146 : i32 to index
        %get3A_1148 = tpu.vector_load %arg7[%get3A_1147] {strides = array<i32>} : memref<4096xi32, #tpu.memory_space<vmem>>, vector<16xi32>,
        %add3A_1149 = arith.addi %add3A_1142, %get3A_1148 : vector<16xi32>
        %mul3A_1150 = arith.constant 16 : i32
        %mul3A_1151 = arith.muli %sub3A_1100, %mul3A_1150 : i32
        %add3A_1152 = arith.constant 1792 : i32
        %add3A_1153 = arith.addi %add3A_1152, %mul3A_1151 : i32
        %get3A_1154 = arith.index_cast %add3A_1153 : i32 to index
        %get3A_1155 = tpu.vector_load %arg7[%get3A_1154] {strides = array<i32>} : memref<4096xi32, #tpu.memory_space<vmem>>, vector<16xi32>,
        %add3A_1156 = arith.addi %add3A_1149, %get3A_1155 : vector<16xi32>
        %mul3A_1157 = arith.constant 16 : i32
        %mul3A_1158 = arith.muli %sub3A_1100, %mul3A_1157 : i32
        %add3A_1159 = arith.constant 2048 : i32
        %add3A_1160 = arith.addi %add3A_1159, %mul3A_1158 : i32
        %get3A_1161 = arith.index_cast %add3A_1160 : i32 to index
        %get3A_1162 = tpu.vector_load %arg7[%get3A_1161] {strides = array<i32>} : memref<4096xi32, #tpu.memory_space<vmem>>, vector<16xi32>,
        %add3A_1163 = arith.addi %add3A_1156, %get3A_1162 : vector<16xi32>
        %mul3A_1164 = arith.constant 16 : i32
        %mul3A_1165 = arith.muli %sub3A_1100, %mul3A_1164 : i32
        %add3A_1166 = arith.constant 2304 : i32
        %add3A_1167 = arith.addi %add3A_1166, %mul3A_1165 : i32
        %get3A_1168 = arith.index_cast %add3A_1167 : i32 to index
        %get3A_1169 = tpu.vector_load %arg7[%get3A_1168] {strides = array<i32>} : memref<4096xi32, #tpu.memory_space<vmem>>, vector<16xi32>,
        %add3A_1170 = arith.addi %add3A_1163, %get3A_1169 : vector<16xi32>
        %mul3A_1171 = arith.constant 16 : i32
        %mul3A_1172 = arith.muli %sub3A_1100, %mul3A_1171 : i32
        %add3A_1173 = arith.constant 2560 : i32
        %add3A_1174 = arith.addi %add3A_1173, %mul3A_1172 : i32
        %get3A_1175 = arith.index_cast %add3A_1174 : i32 to index
        %get3A_1176 = tpu.vector_load %arg7[%get3A_1175] {strides = array<i32>} : memref<4096xi32, #tpu.memory_space<vmem>>, vector<16xi32>,
        %add3A_1177 = arith.addi %add3A_1170, %get3A_1176 : vector<16xi32>
        %mul3A_1178 = arith.constant 16 : i32
        %mul3A_1179 = arith.muli %sub3A_1100, %mul3A_1178 : i32
        %add3A_1180 = arith.constant 2816 : i32
        %add3A_1181 = arith.addi %add3A_1180, %mul3A_1179 : i32
        %get3A_1182 = arith.index_cast %add3A_1181 : i32 to index
        %get3A_1183 = tpu.vector_load %arg7[%get3A_1182] {strides = array<i32>} : memref<4096xi32, #tpu.memory_space<vmem>>, vector<16xi32>,
        %add3A_1184 = arith.addi %add3A_1177, %get3A_1183 : vector<16xi32>
        %mul3A_1185 = arith.constant 16 : i32
        %mul3A_1186 = arith.muli %sub3A_1100, %mul3A_1185 : i32
        %add3A_1187 = arith.constant 3072 : i32
        %add3A_1188 = arith.addi %add3A_1187, %mul3A_1186 : i32
        %get3A_1189 = arith.index_cast %add3A_1188 : i32 to index
        %get3A_1190 = tpu.vector_load %arg7[%get3A_1189] {strides = array<i32>} : memref<4096xi32, #tpu.memory_space<vmem>>, vector<16xi32>,
        %add3A_1191 = arith.addi %add3A_1184, %get3A_1190 : vector<16xi32>
        %mul3A_1192 = arith.constant 16 : i32
        %mul3A_1193 = arith.muli %sub3A_1100, %mul3A_1192 : i32
        %add3A_1194 = arith.constant 3328 : i32
        %add3A_1195 = arith.addi %add3A_1194, %mul3A_1193 : i32
        %get3A_1196 = arith.index_cast %add3A_1195 : i32 to index
        %get3A_1197 = tpu.vector_load %arg7[%get3A_1196] {strides = array<i32>} : memref<4096xi32, #tpu.memory_space<vmem>>, vector<16xi32>,
        %add3A_1198 = arith.addi %add3A_1191, %get3A_1197 : vector<16xi32>
        %mul3A_1199 = arith.constant 16 : i32
        %mul3A_1200 = arith.muli %sub3A_1100, %mul3A_1199 : i32
        %add3A_1201 = arith.constant 3584 : i32
        %add3A_1202 = arith.addi %add3A_1201, %mul3A_1200 : i32
        %get3A_1203 = arith.index_cast %add3A_1202 : i32 to index
        %get3A_1204 = tpu.vector_load %arg7[%get3A_1203] {strides = array<i32>} : memref<4096xi32, #tpu.memory_space<vmem>>, vector<16xi32>,
        %add3A_1205 = arith.addi %add3A_1198, %get3A_1204 : vector<16xi32>
        %mul3A_1206 = arith.constant 16 : i32
        %mul3A_1207 = arith.muli %sub3A_1100, %mul3A_1206 : i32
        %add3A_1208 = arith.constant 3840 : i32
        %add3A_1209 = arith.addi %add3A_1208, %mul3A_1207 : i32
        %get3A_1210 = arith.index_cast %add3A_1209 : i32 to index
        %get3A_1211 = tpu.vector_load %arg7[%get3A_1210] {strides = array<i32>} : memref<4096xi32, #tpu.memory_space<vmem>>, vector<16xi32>,
        %add3A_1212 = arith.addi %add3A_1205, %get3A_1211 : vector<16xi32>
        %reduce_sum3A_1213 = arith.constant true
        %reduce_sum3A_1214 = vector.broadcast %reduce_sum3A_1213 : i1 to vector<16xi1>
        %reduce_sum3A_1215 = tpu.scan <sum>, %add3A_1212 masked %reduce_sum3A_1214 : vector<16xi32>, vector<16xi1> -> vector<16xi32>
        %reduce_sum3A_1216 = vector.extract %reduce_sum3A_1215[15] : i32 from vector<16xi32>
        %add3A_1217 = arith.addi %while3A_1096, %reduce_sum3A_1216 : i32
        scf.yield %sub3A_1098, %add3A_1217 : i32, i32
      }
      %mul3A_647 = arith.constant 16 : i32
      %mul3A_648 = arith.muli %while3A_646#0, %mul3A_647 : i32
      %add3A_649 = arith.constant 0 : i32
      %add3A_650 = arith.addi %add3A_649, %mul3A_648 : i32
      %get3A_651 = arith.index_cast %add3A_650 : i32 to index
      %get3A_652 = tpu.vector_load %arg7[%get3A_651] {strides = array<i32>} : memref<4096xi32, #tpu.memory_space<vmem>>, vector<16xi32>,
      %add3A_653 = arith.addi %broadcast_in_dim3A_0, %get3A_652 : vector<16xi32>
      %mul3A_654 = arith.constant 16 : i32
      %mul3A_655 = arith.muli %while3A_646#0, %mul3A_654 : i32
      %add3A_656 = arith.constant 256 : i32
      %add3A_657 = arith.addi %add3A_656, %mul3A_655 : i32
      %get3A_658 = arith.index_cast %add3A_657 : i32 to index
      %get3A_659 = tpu.vector_load %arg7[%get3A_658] {strides = array<i32>} : memref<4096xi32, #tpu.memory_space<vmem>>, vector<16xi32>,
      %add3A_660 = arith.addi %add3A_653, %get3A_659 : vector<16xi32>
      %mul3A_661 = arith.constant 16 : i32
      %mul3A_662 = arith.muli %while3A_646#0, %mul3A_661 : i32
      %add3A_663 = arith.constant 512 : i32
      %add3A_664 = arith.addi %add3A_663, %mul3A_662 : i32
      %get3A_665 = arith.index_cast %add3A_664 : i32 to index
      %get3A_666 = tpu.vector_load %arg7[%get3A_665] {strides = array<i32>} : memref<4096xi32, #tpu.memory_space<vmem>>, vector<16xi32>,
      %add3A_667 = arith.addi %add3A_660, %get3A_666 : vector<16xi32>
      %mul3A_668 = arith.constant 16 : i32
      %mul3A_669 = arith.muli %while3A_646#0, %mul3A_668 : i32
      %add3A_670 = arith.constant 768 : i32
      %add3A_671 = arith.addi %add3A_670, %mul3A_669 : i32
      %get3A_672 = arith.index_cast %add3A_671 : i32 to index
      %get3A_673 = tpu.vector_load %arg7[%get3A_672] {strides = array<i32>} : memref<4096xi32, #tpu.memory_space<vmem>>, vector<16xi32>,
      %add3A_674 = arith.addi %add3A_667, %get3A_673 : vector<16xi32>
      %mul3A_675 = arith.constant 16 : i32
      %mul3A_676 = arith.muli %while3A_646#0, %mul3A_675 : i32
      %add3A_677 = arith.constant 1024 : i32
      %add3A_678 = arith.addi %add3A_677, %mul3A_676 : i32
      %get3A_679 = arith.index_cast %add3A_678 : i32 to index
      %get3A_680 = tpu.vector_load %arg7[%get3A_679] {strides = array<i32>} : memref<4096xi32, #tpu.memory_space<vmem>>, vector<16xi32>,
      %add3A_681 = arith.addi %add3A_674, %get3A_680 : vector<16xi32>
      %mul3A_682 = arith.constant 16 : i32
      %mul3A_683 = arith.muli %while3A_646#0, %mul3A_682 : i32
      %add3A_684 = arith.constant 1280 : i32
      %add3A_685 = arith.addi %add3A_684, %mul3A_683 : i32
      %get3A_686 = arith.index_cast %add3A_685 : i32 to index
      %get3A_687 = tpu.vector_load %arg7[%get3A_686] {strides = array<i32>} : memref<4096xi32, #tpu.memory_space<vmem>>, vector<16xi32>,
      %add3A_688 = arith.addi %add3A_681, %get3A_687 : vector<16xi32>
      %mul3A_689 = arith.constant 16 : i32
      %mul3A_690 = arith.muli %while3A_646#0, %mul3A_689 : i32
      %add3A_691 = arith.constant 1536 : i32
      %add3A_692 = arith.addi %add3A_691, %mul3A_690 : i32
      %get3A_693 = arith.index_cast %add3A_692 : i32 to index
      %get3A_694 = tpu.vector_load %arg7[%get3A_693] {strides = array<i32>} : memref<4096xi32, #tpu.memory_space<vmem>>, vector<16xi32>,
      %add3A_695 = arith.addi %add3A_688, %get3A_694 : vector<16xi32>
      %mul3A_696 = arith.constant 16 : i32
      %mul3A_697 = arith.muli %while3A_646#0, %mul3A_696 : i32
      %add3A_698 = arith.constant 1792 : i32
      %add3A_699 = arith.addi %add3A_698, %mul3A_697 : i32
      %get3A_700 = arith.index_cast %add3A_699 : i32 to index
      %get3A_701 = tpu.vector_load %arg7[%get3A_700] {strides = array<i32>} : memref<4096xi32, #tpu.memory_space<vmem>>, vector<16xi32>,
      %add3A_702 = arith.addi %add3A_695, %get3A_701 : vector<16xi32>
      %mul3A_703 = arith.constant 16 : i32
      %mul3A_704 = arith.muli %while3A_646#0, %mul3A_703 : i32
      %add3A_705 = arith.constant 2048 : i32
      %add3A_706 = arith.addi %add3A_705, %mul3A_704 : i32
      %get3A_707 = arith.index_cast %add3A_706 : i32 to index
      %get3A_708 = tpu.vector_load %arg7[%get3A_707] {strides = array<i32>} : memref<4096xi32, #tpu.memory_space<vmem>>, vector<16xi32>,
      %add3A_709 = arith.addi %add3A_702, %get3A_708 : vector<16xi32>
      %mul3A_710 = arith.constant 16 : i32
      %mul3A_711 = arith.muli %while3A_646#0, %mul3A_710 : i32
      %add3A_712 = arith.constant 2304 : i32
      %add3A_713 = arith.addi %add3A_712, %mul3A_711 : i32
      %get3A_714 = arith.index_cast %add3A_713 : i32 to index
      %get3A_715 = tpu.vector_load %arg7[%get3A_714] {strides = array<i32>} : memref<4096xi32, #tpu.memory_space<vmem>>, vector<16xi32>,
      %add3A_716 = arith.addi %add3A_709, %get3A_715 : vector<16xi32>
      %mul3A_717 = arith.constant 16 : i32
      %mul3A_718 = arith.muli %while3A_646#0, %mul3A_717 : i32
      %add3A_719 = arith.constant 2560 : i32
      %add3A_720 = arith.addi %add3A_719, %mul3A_718 : i32
      %get3A_721 = arith.index_cast %add3A_720 : i32 to index
      %get3A_722 = tpu.vector_load %arg7[%get3A_721] {strides = array<i32>} : memref<4096xi32, #tpu.memory_space<vmem>>, vector<16xi32>,
      %add3A_723 = arith.addi %add3A_716, %get3A_722 : vector<16xi32>
      %mul3A_724 = arith.constant 16 : i32
      %mul3A_725 = arith.muli %while3A_646#0, %mul3A_724 : i32
      %add3A_726 = arith.constant 2816 : i32
      %add3A_727 = arith.addi %add3A_726, %mul3A_725 : i32
      %get3A_728 = arith.index_cast %add3A_727 : i32 to index
      %get3A_729 = tpu.vector_load %arg7[%get3A_728] {strides = array<i32>} : memref<4096xi32, #tpu.memory_space<vmem>>, vector<16xi32>,
      %add3A_730 = arith.addi %add3A_723, %get3A_729 : vector<16xi32>
      %mul3A_731 = arith.constant 16 : i32
      %mul3A_732 = arith.muli %while3A_646#0, %mul3A_731 : i32
      %add3A_733 = arith.constant 3072 : i32
      %add3A_734 = arith.addi %add3A_733, %mul3A_732 : i32
      %get3A_735 = arith.index_cast %add3A_734 : i32 to index
      %get3A_736 = tpu.vector_load %arg7[%get3A_735] {strides = array<i32>} : memref<4096xi32, #tpu.memory_space<vmem>>, vector<16xi32>,
      %add3A_737 = arith.addi %add3A_730, %get3A_736 : vector<16xi32>
      %mul3A_738 = arith.constant 16 : i32
      %mul3A_739 = arith.muli %while3A_646#0, %mul3A_738 : i32
      %add3A_740 = arith.constant 3328 : i32
      %add3A_741 = arith.addi %add3A_740, %mul3A_739 : i32
      %get3A_742 = arith.index_cast %add3A_741 : i32 to index
      %get3A_743 = tpu.vector_load %arg7[%get3A_742] {strides = array<i32>} : memref<4096xi32, #tpu.memory_space<vmem>>, vector<16xi32>,
      %add3A_744 = arith.addi %add3A_737, %get3A_743 : vector<16xi32>
      %mul3A_745 = arith.constant 16 : i32
      %mul3A_746 = arith.muli %while3A_646#0, %mul3A_745 : i32
      %add3A_747 = arith.constant 3584 : i32
      %add3A_748 = arith.addi %add3A_747, %mul3A_746 : i32
      %get3A_749 = arith.index_cast %add3A_748 : i32 to index
      %get3A_750 = tpu.vector_load %arg7[%get3A_749] {strides = array<i32>} : memref<4096xi32, #tpu.memory_space<vmem>>, vector<16xi32>,
      %add3A_751 = arith.addi %add3A_744, %get3A_750 : vector<16xi32>
      %mul3A_752 = arith.constant 16 : i32
      %mul3A_753 = arith.muli %while3A_646#0, %mul3A_752 : i32
      %add3A_754 = arith.constant 3840 : i32
      %add3A_755 = arith.addi %add3A_754, %mul3A_753 : i32
      %get3A_756 = arith.index_cast %add3A_755 : i32 to index
      %get3A_757 = tpu.vector_load %arg7[%get3A_756] {strides = array<i32>} : memref<4096xi32, #tpu.memory_space<vmem>>, vector<16xi32>,
      %add3A_758 = arith.addi %add3A_751, %get3A_757 : vector<16xi32>
      %reduce_sum3A_759 = arith.constant true
      %reduce_sum3A_760 = vector.broadcast %reduce_sum3A_759 : i1 to vector<16xi1>
      %reduce_sum3A_761 = tpu.scan <sum>, %add3A_758 masked %reduce_sum3A_760 : vector<16xi32>, vector<16xi1> -> vector<16xi32>
      %reduce_sum3A_762 = vector.extract %reduce_sum3A_761[15] : i32 from vector<16xi32>
      %sub3A_763 = arith.subi %while3A_646#1, %reduce_sum3A_762 : i32
      %rev3A_764 = arith.constant 15 : i32
      %rev3A_765 = vector.broadcast %rev3A_764 : i32 to vector<16xi32>
      %rev3A_766 = tpu.iota {dimensions = array<i32: 0>} : vector<16xi32>
      %rev3A_767 = arith.subi %rev3A_765, %rev3A_766 : vector<16xi32>
      %rev3A_768 = tpu.dynamic_gather %add3A_758[%rev3A_767] in [0] : vector<16xi32>, vector<16xi32> -> vector<16xi32>
      %broadcast_in_dim3A_769 = arith.constant true
      %broadcast_in_dim3A_770 = vector.broadcast %broadcast_in_dim3A_769 : i1 to vector<16xi1>
      %masked_cumsum3A_771 = tpu.scan <sum>, %rev3A_768 masked %broadcast_in_dim3A_770 : vector<16xi32>, vector<16xi1> -> vector<16xi32>
      %add3A_772 = vector.broadcast %sub3A_763 : i32 to vector<16xi32>
      %add3A_773 = arith.addi %add3A_772, %masked_cumsum3A_771 : vector<16xi32>
      %ge3A_774 = vector.broadcast %sub3A_589 : i32 to vector<16xi32>
      %ge3A_775 = arith.cmpi sge, %add3A_773, %ge3A_774 : vector<16xi32>
      %all_reduce_ffs3A_776 = tpu.all_reduce %ge3A_775 {dim = 0 : i64, kind = #tpu.reduction_kind<find_first_set>} : vector<16xi1> -> vector<16xi32>
      %reduce_max3A_777 = arith.constant true
      %reduce_max3A_778 = vector.broadcast %reduce_max3A_777 : i1 to vector<16xi1>
      %reduce_max3A_779 = arith.constant -2147483648 : i32
      %reduce_max3A_780 = vector.broadcast %reduce_max3A_779 : i32 to vector<16xi32>
      %reduce_max3A_781 = arith.xori %all_reduce_ffs3A_776, %reduce_max3A_780 : vector<16xi32>
      %reduce_max3A_782 = tpu.scan <max>, %reduce_max3A_781 masked %reduce_max3A_778 : vector<16xi32>, vector<16xi1> -> vector<16xi32>
      %reduce_max3A_783 = arith.xori %reduce_max3A_782, %reduce_max3A_780 : vector<16xi32>
      %reduce_max3A_784 = vector.extract %reduce_max3A_783[15] : i32 from vector<16xi32>
      %sub3A_785 = arith.constant 15 : i32
      %sub3A_786 = arith.subi %sub3A_785, %reduce_max3A_784 : i32
      %eq3A_787 = vector.broadcast %reduce_max3A_784 : i32 to vector<16xi32>
      %eq3A_788 = arith.cmpi eq, %iota3A, %eq3A_787 : vector<16xi32>
      %jit3A_789 = arith.constant 0 : i32
      %broadcast_in_dim3A_790 = vector.broadcast %jit3A_789 : i32 to vector<16xi32>
      %select_n3A_791 = arith.select %eq3A_788, %masked_cumsum3A_771, %broadcast_in_dim3A_790 : vector<16xi1>, vector<16xi32>
      %reduce_sum3A_792 = arith.constant true
      %reduce_sum3A_793 = vector.broadcast %reduce_sum3A_792 : i1 to vector<16xi1>
      %reduce_sum3A_794 = tpu.scan <sum>, %select_n3A_791 masked %reduce_sum3A_793 : vector<16xi32>, vector<16xi1> -> vector<16xi32>
      %reduce_sum3A_795 = vector.extract %reduce_sum3A_794[15] : i32 from vector<16xi32>
      %add3A_796 = arith.addi %sub3A_763, %reduce_sum3A_795 : i32
      %eq3A_797 = vector.broadcast %sub3A_786 : i32 to vector<16xi32>
      %eq3A_798 = arith.cmpi eq, %iota3A, %eq3A_797 : vector<16xi32>
      %jit3A_799 = arith.constant 0 : i32
      %broadcast_in_dim3A_800 = vector.broadcast %jit3A_799 : i32 to vector<16xi32>
      %select_n3A_801 = arith.select %eq3A_798, %add3A_758, %broadcast_in_dim3A_800 : vector<16xi1>, vector<16xi32>
      %reduce_sum3A_802 = arith.constant true
      %reduce_sum3A_803 = vector.broadcast %reduce_sum3A_802 : i1 to vector<16xi1>
      %reduce_sum3A_804 = tpu.scan <sum>, %select_n3A_801 masked %reduce_sum3A_803 : vector<16xi32>, vector<16xi1> -> vector<16xi32>
      %reduce_sum3A_805 = vector.extract %reduce_sum3A_804[15] : i32 from vector<16xi32>
      %sub3A_806 = arith.subi %add3A_796, %reduce_sum3A_805 : i32
      %mul3A_807 = arith.constant 16 : i32
      %mul3A_808 = arith.muli %while3A_646#0, %mul3A_807 : i32
      %add3A_809 = arith.addi %mul3A_808, %sub3A_786 : i32
      %sub3A_810 = arith.subi %sub3A_589, %sub3A_806 : i32
      %while3A_811 = arith.constant 0 : i32
      %while3A_812 = arith.constant 0 : i32
      %while3A_813 = arith.subi %select_n3A_633, %while3A_811 : i32
      %while3A_814 = arith.addi %while3A_811, %while3A_813 : i32
      %while3A_815 = arith.constant 1 : i32
      %while3A_816 = arith.divsi %while3A_813, %while3A_815 : i32
      %while3A_817 = arith.muli %while3A_816, %while3A_815 : i32
      %while3A_818 = arith.addi %while3A_811, %while3A_817 : i32
      %while3A_819 = arith.constant 1 : i32
      %while3A_820:2 = scf.for %while3A_1095 = %while3A_811 to %while3A_818 step %while3A_819 iter_args(%while3A_1096 = %while3A_812, %while3A_1097 = %while3A_601#1) -> (i32, i32)  : i32 {
        %mul3A_1098 = arith.constant 2 : i32
        %mul3A_1099 = arith.muli %while3A_1095, %mul3A_1098 : i32
        %add3A_1100 = arith.constant 0 : i32
        %add3A_1101 = arith.addi %mul3A_1099, %add3A_1100 : i32
        %mul3A_1102 = arith.constant 16 : i32
        %mul3A_1103 = arith.muli %add3A_1101, %mul3A_1102 : i32
        %get3A_1104 = arith.index_cast %mul3A_1103 : i32 to index
        %get3A_1105 = tpu.vector_load %arg5[%get3A_1104] {strides = array<i32>} : memref<32832xi32, #tpu.memory_space<vmem>>, vector<16xi32>,
        %add3A_1106 = vector.broadcast %mul3A_1103 : i32 to vector<16xi32>
        %add3A_1107 = arith.addi %add3A_1106, %iota3A : vector<16xi32>
        %lt3A = vector.broadcast %while3A_601#0 : i32 to vector<16xi32>
        %lt3A_1108 = arith.cmpi slt, %add3A_1107, %lt3A : vector<16xi32>
        %jit3A_1109 = arith.constant 0 : i32
        %broadcast_in_dim3A_1110 = vector.broadcast %jit3A_1109 : i32 to vector<16xi32>
        %select_n3A_1111 = arith.select %lt3A_1108, %get3A_1105, %broadcast_in_dim3A_1110 : vector<16xi1>, vector<16xi32>
        %gather3A = tpu.vector_load_idx %arg4[%select_n3A_1111] masked %lt3A_1108 : memref<32768xf32, #tpu.memory_space<vmem>>[vector<16xi32>], vector<16xf32>, vector<16xi1>
        %bitcast_convert_type3A = tpu.bitcast %gather3A : vector<16xf32> -> vector<16xi32>
        %lt3A_1112 = arith.constant 0 : i32
        %lt3A_1113 = vector.broadcast %lt3A_1112 : i32 to vector<16xi32>
        %lt3A_1114 = arith.cmpi slt, %bitcast_convert_type3A, %lt3A_1113 : vector<16xi32>
        %xor3A = arith.constant 2147483647 : i32
        %xor3A_1115 = vector.broadcast %xor3A : i32 to vector<16xi32>
        %xor3A_1116 = arith.xori %bitcast_convert_type3A, %xor3A_1115 : vector<16xi32>
        %select_n3A_1117 = arith.select %lt3A_1114, %xor3A_1116, %bitcast_convert_type3A : vector<16xi1>, vector<16xi32>
        %shift_right_arithmetic3A = arith.constant 8 : i32
        %shift_right_arithmetic3A_1118 = vector.broadcast %shift_right_arithmetic3A : i32 to vector<16xi32>
        %shift_right_arithmetic3A_1119 = arith.shrsi %select_n3A_1117, %shift_right_arithmetic3A_1118 : vector<16xi32>
        %and3A_1120 = arith.constant 255 : i32
        %and3A_1121 = vector.broadcast %and3A_1120 : i32 to vector<16xi32>
        %and3A_1122 = arith.andi %shift_right_arithmetic3A_1119, %and3A_1121 : vector<16xi32>
        %gt3A = vector.broadcast %add3A_809 : i32 to vector<16xi32>
        %gt3A_1123 = arith.cmpi sgt, %and3A_1122, %gt3A : vector<16xi32>
        %and3A_1124 = arith.andi %lt3A_1108, %gt3A_1123 : vector<16xi1>
        %swap3A = arith.index_cast %while3A_1097 : i32 to index
        %swap3A_1125 = tpu.vector_load %arg8[%swap3A] masked %and3A_1124 {strides = array<i32>} : memref<80xi32, #tpu.memory_space<vmem>>, vector<16xi32>, vector<16xi1>
        tpu.vector_store %arg8[%swap3A], %get3A_1105 masked %and3A_1124 {strides = array<i32>} : memref<80xi32, #tpu.memory_space<vmem>>, vector<16xi32>, vector<16xi1>
        %eq3A_1126 = vector.broadcast %add3A_809 : i32 to vector<16xi32>
        %eq3A_1127 = arith.cmpi eq, %and3A_1122, %eq3A_1126 : vector<16xi32>
        %and3A_1128 = arith.andi %lt3A_1108, %eq3A_1127 : vector<16xi1>
        %swap3A_1129 = arith.index_cast %while3A_1096 : i32 to index
        %swap3A_1130 = tpu.vector_load %arg5[%swap3A_1129] masked %and3A_1128 {strides = array<i32>} : memref<32832xi32, #tpu.memory_space<vmem>>, vector<16xi32>, vector<16xi1>
        tpu.vector_store %arg5[%swap3A_1129], %get3A_1105 masked %and3A_1128 {strides = array<i32>} : memref<32832xi32, #tpu.memory_space<vmem>>, vector<16xi32>, vector<16xi1>
        %convert_element_type3A = arith.extui %and3A_1128 : vector<16xi1> to vector<16xi32>
        %reduce_sum3A_1131 = arith.constant true
        %reduce_sum3A_1132 = vector.broadcast %reduce_sum3A_1131 : i1 to vector<16xi1>
        %reduce_sum3A_1133 = tpu.scan <sum>, %convert_element_type3A masked %reduce_sum3A_1132 : vector<16xi32>, vector<16xi1> -> vector<16xi32>
        %reduce_sum3A_1134 = vector.extract %reduce_sum3A_1133[15] : i32 from vector<16xi32>
        %add3A_1135 = arith.addi %while3A_1096, %reduce_sum3A_1134 : i32
        %convert_element_type3A_1136 = arith.extui %and3A_1124 : vector<16xi1> to vector<16xi32>
        %reduce_sum3A_1137 = arith.constant true
        %reduce_sum3A_1138 = vector.broadcast %reduce_sum3A_1137 : i1 to vector<16xi1>
        %reduce_sum3A_1139 = tpu.scan <sum>, %convert_element_type3A_1136 masked %reduce_sum3A_1138 : vector<16xi32>, vector<16xi1> -> vector<16xi32>
        %reduce_sum3A_1140 = vector.extract %reduce_sum3A_1139[15] : i32 from vector<16xi32>
        %add3A_1141 = arith.addi %while3A_1097, %reduce_sum3A_1140 : i32
        %mul3A_1142 = arith.constant 2 : i32
        %mul3A_1143 = arith.muli %while3A_1095, %mul3A_1142 : i32
        %add3A_1144 = arith.constant 1 : i32
        %add3A_1145 = arith.addi %mul3A_1143, %add3A_1144 : i32
        %mul3A_1146 = arith.constant 16 : i32
        %mul3A_1147 = arith.muli %add3A_1145, %mul3A_1146 : i32
        %get3A_1148 = arith.index_cast %mul3A_1147 : i32 to index
        %get3A_1149 = tpu.vector_load %arg5[%get3A_1148] {strides = array<i32>} : memref<32832xi32, #tpu.memory_space<vmem>>, vector<16xi32>,
        %add3A_1150 = vector.broadcast %mul3A_1147 : i32 to vector<16xi32>
        %add3A_1151 = arith.addi %add3A_1150, %iota3A : vector<16xi32>
        %lt3A_1152 = vector.broadcast %while3A_601#0 : i32 to vector<16xi32>
        %lt3A_1153 = arith.cmpi slt, %add3A_1151, %lt3A_1152 : vector<16xi32>
        %jit3A_1154 = arith.constant 0 : i32
        %broadcast_in_dim3A_1155 = vector.broadcast %jit3A_1154 : i32 to vector<16xi32>
        %select_n3A_1156 = arith.select %lt3A_1153, %get3A_1149, %broadcast_in_dim3A_1155 : vector<16xi1>, vector<16xi32>
        %gather3A_1157 = tpu.vector_load_idx %arg4[%select_n3A_1156] masked %lt3A_1153 : memref<32768xf32, #tpu.memory_space<vmem>>[vector<16xi32>], vector<16xf32>, vector<16xi1>
        %bitcast_convert_type3A_1158 = tpu.bitcast %gather3A_1157 : vector<16xf32> -> vector<16xi32>
        %lt3A_1159 = arith.constant 0 : i32
        %lt3A_1160 = vector.broadcast %lt3A_1159 : i32 to vector<16xi32>
        %lt3A_1161 = arith.cmpi slt, %bitcast_convert_type3A_1158, %lt3A_1160 : vector<16xi32>
        %xor3A_1162 = arith.constant 2147483647 : i32
        %xor3A_1163 = vector.broadcast %xor3A_1162 : i32 to vector<16xi32>
        %xor3A_1164 = arith.xori %bitcast_convert_type3A_1158, %xor3A_1163 : vector<16xi32>
        %select_n3A_1165 = arith.select %lt3A_1161, %xor3A_1164, %bitcast_convert_type3A_1158 : vector<16xi1>, vector<16xi32>
        %shift_right_arithmetic3A_1166 = arith.constant 8 : i32
        %shift_right_arithmetic3A_1167 = vector.broadcast %shift_right_arithmetic3A_1166 : i32 to vector<16xi32>
        %shift_right_arithmetic3A_1168 = arith.shrsi %select_n3A_1165, %shift_right_arithmetic3A_1167 : vector<16xi32>
        %and3A_1169 = arith.constant 255 : i32
        %and3A_1170 = vector.broadcast %and3A_1169 : i32 to vector<16xi32>
        %and3A_1171 = arith.andi %shift_right_arithmetic3A_1168, %and3A_1170 : vector<16xi32>
        %gt3A_1172 = vector.broadcast %add3A_809 : i32 to vector<16xi32>
        %gt3A_1173 = arith.cmpi sgt, %and3A_1171, %gt3A_1172 : vector<16xi32>
        %and3A_1174 = arith.andi %lt3A_1153, %gt3A_1173 : vector<16xi1>
        %swap3A_1175 = arith.index_cast %add3A_1141 : i32 to index
        %swap3A_1176 = tpu.vector_load %arg8[%swap3A_1175] masked %and3A_1174 {strides = array<i32>} : memref<80xi32, #tpu.memory_space<vmem>>, vector<16xi32>, vector<16xi1>
        tpu.vector_store %arg8[%swap3A_1175], %get3A_1149 masked %and3A_1174 {strides = array<i32>} : memref<80xi32, #tpu.memory_space<vmem>>, vector<16xi32>, vector<16xi1>
        %eq3A_1177 = vector.broadcast %add3A_809 : i32 to vector<16xi32>
        %eq3A_1178 = arith.cmpi eq, %and3A_1171, %eq3A_1177 : vector<16xi32>
        %and3A_1179 = arith.andi %lt3A_1153, %eq3A_1178 : vector<16xi1>
        %swap3A_1180 = arith.index_cast %add3A_1135 : i32 to index
        %swap3A_1181 = tpu.vector_load %arg5[%swap3A_1180] masked %and3A_1179 {strides = array<i32>} : memref<32832xi32, #tpu.memory_space<vmem>>, vector<16xi32>, vector<16xi1>
        tpu.vector_store %arg5[%swap3A_1180], %get3A_1149 masked %and3A_1179 {strides = array<i32>} : memref<32832xi32, #tpu.memory_space<vmem>>, vector<16xi32>, vector<16xi1>
        %convert_element_type3A_1182 = arith.extui %and3A_1179 : vector<16xi1> to vector<16xi32>
        %reduce_sum3A_1183 = arith.constant true
        %reduce_sum3A_1184 = vector.broadcast %reduce_sum3A_1183 : i1 to vector<16xi1>
        %reduce_sum3A_1185 = tpu.scan <sum>, %convert_element_type3A_1182 masked %reduce_sum3A_1184 : vector<16xi32>, vector<16xi1> -> vector<16xi32>
        %reduce_sum3A_1186 = vector.extract %reduce_sum3A_1185[15] : i32 from vector<16xi32>
        %add3A_1187 = arith.addi %add3A_1135, %reduce_sum3A_1186 : i32
        %convert_element_type3A_1188 = arith.extui %and3A_1174 : vector<16xi1> to vector<16xi32>
        %reduce_sum3A_1189 = arith.constant true
        %reduce_sum3A_1190 = vector.broadcast %reduce_sum3A_1189 : i1 to vector<16xi1>
        %reduce_sum3A_1191 = tpu.scan <sum>, %convert_element_type3A_1188 masked %reduce_sum3A_1190 : vector<16xi32>, vector<16xi1> -> vector<16xi32>
        %reduce_sum3A_1192 = vector.extract %reduce_sum3A_1191[15] : i32 from vector<16xi32>
        %add3A_1193 = arith.addi %add3A_1141, %reduce_sum3A_1192 : i32
        scf.yield %add3A_1187, %add3A_1193 : i32, i32
      }
      %while3A_821 = arith.constant 1 : i32
      %while3A_822:2 = scf.for %while3A_1095 = %while3A_818 to %while3A_814 step %while3A_821 iter_args(%while3A_1096 = %while3A_820#0, %while3A_1097 = %while3A_820#1) -> (i32, i32)  : i32 {
        %mul3A_1098 = arith.constant 2 : i32
        %mul3A_1099 = arith.muli %while3A_1095, %mul3A_1098 : i32
        %add3A_1100 = arith.constant 0 : i32
        %add3A_1101 = arith.addi %mul3A_1099, %add3A_1100 : i32
        %mul3A_1102 = arith.constant 16 : i32
        %mul3A_1103 = arith.muli %add3A_1101, %mul3A_1102 : i32
        %get3A_1104 = arith.index_cast %mul3A_1103 : i32 to index
        %get3A_1105 = tpu.vector_load %arg5[%get3A_1104] {strides = array<i32>} : memref<32832xi32, #tpu.memory_space<vmem>>, vector<16xi32>,
        %add3A_1106 = vector.broadcast %mul3A_1103 : i32 to vector<16xi32>
        %add3A_1107 = arith.addi %add3A_1106, %iota3A : vector<16xi32>
        %lt3A = vector.broadcast %while3A_601#0 : i32 to vector<16xi32>
        %lt3A_1108 = arith.cmpi slt, %add3A_1107, %lt3A : vector<16xi32>
        %jit3A_1109 = arith.constant 0 : i32
        %broadcast_in_dim3A_1110 = vector.broadcast %jit3A_1109 : i32 to vector<16xi32>
        %select_n3A_1111 = arith.select %lt3A_1108, %get3A_1105, %broadcast_in_dim3A_1110 : vector<16xi1>, vector<16xi32>
        %gather3A = tpu.vector_load_idx %arg4[%select_n3A_1111] masked %lt3A_1108 : memref<32768xf32, #tpu.memory_space<vmem>>[vector<16xi32>], vector<16xf32>, vector<16xi1>
        %bitcast_convert_type3A = tpu.bitcast %gather3A : vector<16xf32> -> vector<16xi32>
        %lt3A_1112 = arith.constant 0 : i32
        %lt3A_1113 = vector.broadcast %lt3A_1112 : i32 to vector<16xi32>
        %lt3A_1114 = arith.cmpi slt, %bitcast_convert_type3A, %lt3A_1113 : vector<16xi32>
        %xor3A = arith.constant 2147483647 : i32
        %xor3A_1115 = vector.broadcast %xor3A : i32 to vector<16xi32>
        %xor3A_1116 = arith.xori %bitcast_convert_type3A, %xor3A_1115 : vector<16xi32>
        %select_n3A_1117 = arith.select %lt3A_1114, %xor3A_1116, %bitcast_convert_type3A : vector<16xi1>, vector<16xi32>
        %shift_right_arithmetic3A = arith.constant 8 : i32
        %shift_right_arithmetic3A_1118 = vector.broadcast %shift_right_arithmetic3A : i32 to vector<16xi32>
        %shift_right_arithmetic3A_1119 = arith.shrsi %select_n3A_1117, %shift_right_arithmetic3A_1118 : vector<16xi32>
        %and3A_1120 = arith.constant 255 : i32
        %and3A_1121 = vector.broadcast %and3A_1120 : i32 to vector<16xi32>
        %and3A_1122 = arith.andi %shift_right_arithmetic3A_1119, %and3A_1121 : vector<16xi32>
        %gt3A = vector.broadcast %add3A_809 : i32 to vector<16xi32>
        %gt3A_1123 = arith.cmpi sgt, %and3A_1122, %gt3A : vector<16xi32>
        %and3A_1124 = arith.andi %lt3A_1108, %gt3A_1123 : vector<16xi1>
        %swap3A = arith.index_cast %while3A_1097 : i32 to index
        %swap3A_1125 = tpu.vector_load %arg8[%swap3A] masked %and3A_1124 {strides = array<i32>} : memref<80xi32, #tpu.memory_space<vmem>>, vector<16xi32>, vector<16xi1>
        tpu.vector_store %arg8[%swap3A], %get3A_1105 masked %and3A_1124 {strides = array<i32>} : memref<80xi32, #tpu.memory_space<vmem>>, vector<16xi32>, vector<16xi1>
        %eq3A_1126 = vector.broadcast %add3A_809 : i32 to vector<16xi32>
        %eq3A_1127 = arith.cmpi eq, %and3A_1122, %eq3A_1126 : vector<16xi32>
        %and3A_1128 = arith.andi %lt3A_1108, %eq3A_1127 : vector<16xi1>
        %swap3A_1129 = arith.index_cast %while3A_1096 : i32 to index
        %swap3A_1130 = tpu.vector_load %arg5[%swap3A_1129] masked %and3A_1128 {strides = array<i32>} : memref<32832xi32, #tpu.memory_space<vmem>>, vector<16xi32>, vector<16xi1>
        tpu.vector_store %arg5[%swap3A_1129], %get3A_1105 masked %and3A_1128 {strides = array<i32>} : memref<32832xi32, #tpu.memory_space<vmem>>, vector<16xi32>, vector<16xi1>
        %convert_element_type3A = arith.extui %and3A_1128 : vector<16xi1> to vector<16xi32>
        %reduce_sum3A_1131 = arith.constant true
        %reduce_sum3A_1132 = vector.broadcast %reduce_sum3A_1131 : i1 to vector<16xi1>
        %reduce_sum3A_1133 = tpu.scan <sum>, %convert_element_type3A masked %reduce_sum3A_1132 : vector<16xi32>, vector<16xi1> -> vector<16xi32>
        %reduce_sum3A_1134 = vector.extract %reduce_sum3A_1133[15] : i32 from vector<16xi32>
        %add3A_1135 = arith.addi %while3A_1096, %reduce_sum3A_1134 : i32
        %convert_element_type3A_1136 = arith.extui %and3A_1124 : vector<16xi1> to vector<16xi32>
        %reduce_sum3A_1137 = arith.constant true
        %reduce_sum3A_1138 = vector.broadcast %reduce_sum3A_1137 : i1 to vector<16xi1>
        %reduce_sum3A_1139 = tpu.scan <sum>, %convert_element_type3A_1136 masked %reduce_sum3A_1138 : vector<16xi32>, vector<16xi1> -> vector<16xi32>
        %reduce_sum3A_1140 = vector.extract %reduce_sum3A_1139[15] : i32 from vector<16xi32>
        %add3A_1141 = arith.addi %while3A_1097, %reduce_sum3A_1140 : i32
        %mul3A_1142 = arith.constant 2 : i32
        %mul3A_1143 = arith.muli %while3A_1095, %mul3A_1142 : i32
        %add3A_1144 = arith.constant 1 : i32
        %add3A_1145 = arith.addi %mul3A_1143, %add3A_1144 : i32
        %mul3A_1146 = arith.constant 16 : i32
        %mul3A_1147 = arith.muli %add3A_1145, %mul3A_1146 : i32
        %get3A_1148 = arith.index_cast %mul3A_1147 : i32 to index
        %get3A_1149 = tpu.vector_load %arg5[%get3A_1148] {strides = array<i32>} : memref<32832xi32, #tpu.memory_space<vmem>>, vector<16xi32>,
        %add3A_1150 = vector.broadcast %mul3A_1147 : i32 to vector<16xi32>
        %add3A_1151 = arith.addi %add3A_1150, %iota3A : vector<16xi32>
        %lt3A_1152 = vector.broadcast %while3A_601#0 : i32 to vector<16xi32>
        %lt3A_1153 = arith.cmpi slt, %add3A_1151, %lt3A_1152 : vector<16xi32>
        %jit3A_1154 = arith.constant 0 : i32
        %broadcast_in_dim3A_1155 = vector.broadcast %jit3A_1154 : i32 to vector<16xi32>
        %select_n3A_1156 = arith.select %lt3A_1153, %get3A_1149, %broadcast_in_dim3A_1155 : vector<16xi1>, vector<16xi32>
        %gather3A_1157 = tpu.vector_load_idx %arg4[%select_n3A_1156] masked %lt3A_1153 : memref<32768xf32, #tpu.memory_space<vmem>>[vector<16xi32>], vector<16xf32>, vector<16xi1>
        %bitcast_convert_type3A_1158 = tpu.bitcast %gather3A_1157 : vector<16xf32> -> vector<16xi32>
        %lt3A_1159 = arith.constant 0 : i32
        %lt3A_1160 = vector.broadcast %lt3A_1159 : i32 to vector<16xi32>
        %lt3A_1161 = arith.cmpi slt, %bitcast_convert_type3A_1158, %lt3A_1160 : vector<16xi32>
        %xor3A_1162 = arith.constant 2147483647 : i32
        %xor3A_1163 = vector.broadcast %xor3A_1162 : i32 to vector<16xi32>
        %xor3A_1164 = arith.xori %bitcast_convert_type3A_1158, %xor3A_1163 : vector<16xi32>
        %select_n3A_1165 = arith.select %lt3A_1161, %xor3A_1164, %bitcast_convert_type3A_1158 : vector<16xi1>, vector<16xi32>
        %shift_right_arithmetic3A_1166 = arith.constant 8 : i32
        %shift_right_arithmetic3A_1167 = vector.broadcast %shift_right_arithmetic3A_1166 : i32 to vector<16xi32>
        %shift_right_arithmetic3A_1168 = arith.shrsi %select_n3A_1165, %shift_right_arithmetic3A_1167 : vector<16xi32>
        %and3A_1169 = arith.constant 255 : i32
        %and3A_1170 = vector.broadcast %and3A_1169 : i32 to vector<16xi32>
        %and3A_1171 = arith.andi %shift_right_arithmetic3A_1168, %and3A_1170 : vector<16xi32>
        %gt3A_1172 = vector.broadcast %add3A_809 : i32 to vector<16xi32>
        %gt3A_1173 = arith.cmpi sgt, %and3A_1171, %gt3A_1172 : vector<16xi32>
        %and3A_1174 = arith.andi %lt3A_1153, %gt3A_1173 : vector<16xi1>
        %swap3A_1175 = arith.index_cast %add3A_1141 : i32 to index
        %swap3A_1176 = tpu.vector_load %arg8[%swap3A_1175] masked %and3A_1174 {strides = array<i32>} : memref<80xi32, #tpu.memory_space<vmem>>, vector<16xi32>, vector<16xi1>
        tpu.vector_store %arg8[%swap3A_1175], %get3A_1149 masked %and3A_1174 {strides = array<i32>} : memref<80xi32, #tpu.memory_space<vmem>>, vector<16xi32>, vector<16xi1>
        %eq3A_1177 = vector.broadcast %add3A_809 : i32 to vector<16xi32>
        %eq3A_1178 = arith.cmpi eq, %and3A_1171, %eq3A_1177 : vector<16xi32>
        %and3A_1179 = arith.andi %lt3A_1153, %eq3A_1178 : vector<16xi1>
        %swap3A_1180 = arith.index_cast %add3A_1135 : i32 to index
        %swap3A_1181 = tpu.vector_load %arg5[%swap3A_1180] masked %and3A_1179 {strides = array<i32>} : memref<32832xi32, #tpu.memory_space<vmem>>, vector<16xi32>, vector<16xi1>
        tpu.vector_store %arg5[%swap3A_1180], %get3A_1149 masked %and3A_1179 {strides = array<i32>} : memref<32832xi32, #tpu.memory_space<vmem>>, vector<16xi32>, vector<16xi1>
        %convert_element_type3A_1182 = arith.extui %and3A_1179 : vector<16xi1> to vector<16xi32>
        %reduce_sum3A_1183 = arith.constant true
        %reduce_sum3A_1184 = vector.broadcast %reduce_sum3A_1183 : i1 to vector<16xi1>
        %reduce_sum3A_1185 = tpu.scan <sum>, %convert_element_type3A_1182 masked %reduce_sum3A_1184 : vector<16xi32>, vector<16xi1> -> vector<16xi32>
        %reduce_sum3A_1186 = vector.extract %reduce_sum3A_1185[15] : i32 from vector<16xi32>
        %add3A_1187 = arith.addi %add3A_1135, %reduce_sum3A_1186 : i32
        %convert_element_type3A_1188 = arith.extui %and3A_1174 : vector<16xi1> to vector<16xi32>
        %reduce_sum3A_1189 = arith.constant true
        %reduce_sum3A_1190 = vector.broadcast %reduce_sum3A_1189 : i1 to vector<16xi1>
        %reduce_sum3A_1191 = tpu.scan <sum>, %convert_element_type3A_1188 masked %reduce_sum3A_1190 : vector<16xi32>, vector<16xi1> -> vector<16xi32>
        %reduce_sum3A_1192 = vector.extract %reduce_sum3A_1191[15] : i32 from vector<16xi32>
        %add3A_1193 = arith.addi %add3A_1141, %reduce_sum3A_1192 : i32
        scf.yield %add3A_1187, %add3A_1193 : i32, i32
      }
      %scan3A_823 = arith.constant 0 : i32
      %scan3A_824 = arith.constant 0 : i32
      %scan3A_825 = arith.constant 32 : i32
      %scan3A_826 = arith.addi %scan3A_824, %scan3A_825 : i32
      %scan3A_827 = arith.constant 1 : i32
      scf.for %scan3A_1095 = %scan3A_824 to %scan3A_826 step %scan3A_827  : i32 {
        %mul3A_1096 = arith.constant 8 : i32
        %mul3A_1097 = arith.muli %scan3A_1095, %mul3A_1096 : i32
        %add3A_1098 = arith.constant 0 : i32
        %add3A_1099 = arith.addi %mul3A_1097, %add3A_1098 : i32
        %mul3A_1100 = arith.constant 16 : i32
        %mul3A_1101 = arith.muli %add3A_1099, %mul3A_1100 : i32
        %swap3A = arith.index_cast %mul3A_1101 : i32 to index
        %swap3A_1102 = tpu.vector_load %arg7[%swap3A] {strides = array<i32>} : memref<4096xi32, #tpu.memory_space<vmem>>, vector<16xi32>,
        tpu.vector_store %arg7[%swap3A], %broadcast_in_dim3A_0 {strides = array<i32>} : memref<4096xi32, #tpu.memory_space<vmem>>, vector<16xi32>,
        %mul3A_1103 = arith.constant 8 : i32
        %mul3A_1104 = arith.muli %scan3A_1095, %mul3A_1103 : i32
        %add3A_1105 = arith.constant 1 : i32
        %add3A_1106 = arith.addi %mul3A_1104, %add3A_1105 : i32
        %mul3A_1107 = arith.constant 16 : i32
        %mul3A_1108 = arith.muli %add3A_1106, %mul3A_1107 : i32
        %swap3A_1109 = arith.index_cast %mul3A_1108 : i32 to index
        %swap3A_1110 = tpu.vector_load %arg7[%swap3A_1109] {strides = array<i32>} : memref<4096xi32, #tpu.memory_space<vmem>>, vector<16xi32>,
        tpu.vector_store %arg7[%swap3A_1109], %broadcast_in_dim3A_0 {strides = array<i32>} : memref<4096xi32, #tpu.memory_space<vmem>>, vector<16xi32>,
        %mul3A_1111 = arith.constant 8 : i32
        %mul3A_1112 = arith.muli %scan3A_1095, %mul3A_1111 : i32
        %add3A_1113 = arith.constant 2 : i32
        %add3A_1114 = arith.addi %mul3A_1112, %add3A_1113 : i32
        %mul3A_1115 = arith.constant 16 : i32
        %mul3A_1116 = arith.muli %add3A_1114, %mul3A_1115 : i32
        %swap3A_1117 = arith.index_cast %mul3A_1116 : i32 to index
        %swap3A_1118 = tpu.vector_load %arg7[%swap3A_1117] {strides = array<i32>} : memref<4096xi32, #tpu.memory_space<vmem>>, vector<16xi32>,
        tpu.vector_store %arg7[%swap3A_1117], %broadcast_in_dim3A_0 {strides = array<i32>} : memref<4096xi32, #tpu.memory_space<vmem>>, vector<16xi32>,
        %mul3A_1119 = arith.constant 8 : i32
        %mul3A_1120 = arith.muli %scan3A_1095, %mul3A_1119 : i32
        %add3A_1121 = arith.constant 3 : i32
        %add3A_1122 = arith.addi %mul3A_1120, %add3A_1121 : i32
        %mul3A_1123 = arith.constant 16 : i32
        %mul3A_1124 = arith.muli %add3A_1122, %mul3A_1123 : i32
        %swap3A_1125 = arith.index_cast %mul3A_1124 : i32 to index
        %swap3A_1126 = tpu.vector_load %arg7[%swap3A_1125] {strides = array<i32>} : memref<4096xi32, #tpu.memory_space<vmem>>, vector<16xi32>,
        tpu.vector_store %arg7[%swap3A_1125], %broadcast_in_dim3A_0 {strides = array<i32>} : memref<4096xi32, #tpu.memory_space<vmem>>, vector<16xi32>,
        %mul3A_1127 = arith.constant 8 : i32
        %mul3A_1128 = arith.muli %scan3A_1095, %mul3A_1127 : i32
        %add3A_1129 = arith.constant 4 : i32
        %add3A_1130 = arith.addi %mul3A_1128, %add3A_1129 : i32
        %mul3A_1131 = arith.constant 16 : i32
        %mul3A_1132 = arith.muli %add3A_1130, %mul3A_1131 : i32
        %swap3A_1133 = arith.index_cast %mul3A_1132 : i32 to index
        %swap3A_1134 = tpu.vector_load %arg7[%swap3A_1133] {strides = array<i32>} : memref<4096xi32, #tpu.memory_space<vmem>>, vector<16xi32>,
        tpu.vector_store %arg7[%swap3A_1133], %broadcast_in_dim3A_0 {strides = array<i32>} : memref<4096xi32, #tpu.memory_space<vmem>>, vector<16xi32>,
        %mul3A_1135 = arith.constant 8 : i32
        %mul3A_1136 = arith.muli %scan3A_1095, %mul3A_1135 : i32
        %add3A_1137 = arith.constant 5 : i32
        %add3A_1138 = arith.addi %mul3A_1136, %add3A_1137 : i32
        %mul3A_1139 = arith.constant 16 : i32
        %mul3A_1140 = arith.muli %add3A_1138, %mul3A_1139 : i32
        %swap3A_1141 = arith.index_cast %mul3A_1140 : i32 to index
        %swap3A_1142 = tpu.vector_load %arg7[%swap3A_1141] {strides = array<i32>} : memref<4096xi32, #tpu.memory_space<vmem>>, vector<16xi32>,
        tpu.vector_store %arg7[%swap3A_1141], %broadcast_in_dim3A_0 {strides = array<i32>} : memref<4096xi32, #tpu.memory_space<vmem>>, vector<16xi32>,
        %mul3A_1143 = arith.constant 8 : i32
        %mul3A_1144 = arith.muli %scan3A_1095, %mul3A_1143 : i32
        %add3A_1145 = arith.constant 6 : i32
        %add3A_1146 = arith.addi %mul3A_1144, %add3A_1145 : i32
        %mul3A_1147 = arith.constant 16 : i32
        %mul3A_1148 = arith.muli %add3A_1146, %mul3A_1147 : i32
        %swap3A_1149 = arith.index_cast %mul3A_1148 : i32 to index
        %swap3A_1150 = tpu.vector_load %arg7[%swap3A_1149] {strides = array<i32>} : memref<4096xi32, #tpu.memory_space<vmem>>, vector<16xi32>,
        tpu.vector_store %arg7[%swap3A_1149], %broadcast_in_dim3A_0 {strides = array<i32>} : memref<4096xi32, #tpu.memory_space<vmem>>, vector<16xi32>,
        %mul3A_1151 = arith.constant 8 : i32
        %mul3A_1152 = arith.muli %scan3A_1095, %mul3A_1151 : i32
        %add3A_1153 = arith.constant 7 : i32
        %add3A_1154 = arith.addi %mul3A_1152, %add3A_1153 : i32
        %mul3A_1155 = arith.constant 16 : i32
        %mul3A_1156 = arith.muli %add3A_1154, %mul3A_1155 : i32
        %swap3A_1157 = arith.index_cast %mul3A_1156 : i32 to index
        %swap3A_1158 = tpu.vector_load %arg7[%swap3A_1157] {strides = array<i32>} : memref<4096xi32, #tpu.memory_space<vmem>>, vector<16xi32>,
        tpu.vector_store %arg7[%swap3A_1157], %broadcast_in_dim3A_0 {strides = array<i32>} : memref<4096xi32, #tpu.memory_space<vmem>>, vector<16xi32>,
      }
      %scan3A_828 = arith.constant 32 : i32
      %add3A_829 = arith.constant 31 : i32
      %add3A_830 = arith.addi %while3A_822#0, %add3A_829 : i32
      %jit3A_831 = arith.constant 32 : i32
      %div3A_832 = arith.divsi %add3A_830, %jit3A_831 : i32
      %sign3A_833 = arith.constant 0 : i32
      %sign3A_834 = arith.cmpi sgt, %add3A_830, %sign3A_833 : i32
      %sign3A_835 = arith.extui %sign3A_834 : i1 to i32
      %sign3A_836 = arith.constant 0 : i32
      %sign3A_837 = arith.cmpi slt, %add3A_830, %sign3A_836 : i32
      %sign3A_838 = arith.extui %sign3A_837 : i1 to i32
      %sign3A_839 = arith.subi %sign3A_835, %sign3A_838 : i32
      %sign3A_840 = arith.constant 0 : i32
      %sign3A_841 = arith.cmpi sgt, %jit3A_831, %sign3A_840 : i32
      %sign3A_842 = arith.extui %sign3A_841 : i1 to i32
      %sign3A_843 = arith.constant 0 : i32
      %sign3A_844 = arith.cmpi slt, %jit3A_831, %sign3A_843 : i32
      %sign3A_845 = arith.extui %sign3A_844 : i1 to i32
      %sign3A_846 = arith.subi %sign3A_842, %sign3A_845 : i32
      %ne3A_847 = arith.cmpi ne, %sign3A_839, %sign3A_846 : i32
      %rem3A_848 = arith.remsi %add3A_830, %jit3A_831 : i32
      %ne3A_849 = arith.constant 0 : i32
      %ne3A_850 = arith.cmpi ne, %rem3A_848, %ne3A_849 : i32
      %and3A_851 = arith.andi %ne3A_847, %ne3A_850 : i1
      %sub3A_852 = arith.constant 1 : i32
      %sub3A_853 = arith.subi %div3A_832, %sub3A_852 : i32
      %select_n3A_854 = arith.select %and3A_851, %sub3A_853, %div3A_832 : i32
      %while3A_855 = arith.constant 0 : i32
      %while3A_856 = arith.constant 0 : i32
      %while3A_857 = arith.subi %select_n3A_854, %while3A_856 : i32
      %while3A_858 = arith.addi %while3A_856, %while3A_857 : i32
      %while3A_859 = arith.constant 1 : i32
      %while3A_860 = arith.divsi %while3A_857, %while3A_859 : i32
      %while3A_861 = arith.muli %while3A_860, %while3A_859 : i32
      %while3A_862 = arith.addi %while3A_856, %while3A_861 : i32
      %while3A_863 = arith.constant 1 : i32
      scf.for %while3A_1095 = %while3A_856 to %while3A_862 step %while3A_863  : i32 {
        %mul3A_1096 = arith.constant 2 : i32
        %mul3A_1097 = arith.muli %while3A_1095, %mul3A_1096 : i32
        %add3A_1098 = arith.constant 0 : i32
        %add3A_1099 = arith.addi %mul3A_1097, %add3A_1098 : i32
        %mul3A_1100 = arith.constant 16 : i32
        %mul3A_1101 = arith.muli %add3A_1099, %mul3A_1100 : i32
        %get3A_1102 = arith.index_cast %mul3A_1101 : i32 to index
        %get3A_1103 = tpu.vector_load %arg5[%get3A_1102] {strides = array<i32>} : memref<32832xi32, #tpu.memory_space<vmem>>, vector<16xi32>,
        %add3A_1104 = vector.broadcast %mul3A_1101 : i32 to vector<16xi32>
        %add3A_1105 = arith.addi %add3A_1104, %iota3A : vector<16xi32>
        %lt3A = vector.broadcast %while3A_822#0 : i32 to vector<16xi32>
        %lt3A_1106 = arith.cmpi slt, %add3A_1105, %lt3A : vector<16xi32>
        %jit3A_1107 = arith.constant 0 : i32
        %broadcast_in_dim3A_1108 = vector.broadcast %jit3A_1107 : i32 to vector<16xi32>
        %select_n3A_1109 = arith.select %lt3A_1106, %get3A_1103, %broadcast_in_dim3A_1108 : vector<16xi1>, vector<16xi32>
        %gather3A = tpu.vector_load_idx %arg4[%select_n3A_1109] masked %lt3A_1106 : memref<32768xf32, #tpu.memory_space<vmem>>[vector<16xi32>], vector<16xf32>, vector<16xi1>
        %bitcast_convert_type3A = tpu.bitcast %gather3A : vector<16xf32> -> vector<16xi32>
        %lt3A_1110 = arith.constant 0 : i32
        %lt3A_1111 = vector.broadcast %lt3A_1110 : i32 to vector<16xi32>
        %lt3A_1112 = arith.cmpi slt, %bitcast_convert_type3A, %lt3A_1111 : vector<16xi32>
        %xor3A = arith.constant 2147483647 : i32
        %xor3A_1113 = vector.broadcast %xor3A : i32 to vector<16xi32>
        %xor3A_1114 = arith.xori %bitcast_convert_type3A, %xor3A_1113 : vector<16xi32>
        %select_n3A_1115 = arith.select %lt3A_1112, %xor3A_1114, %bitcast_convert_type3A : vector<16xi1>, vector<16xi32>
        %shift_right_arithmetic3A = arith.constant 0 : i32
        %shift_right_arithmetic3A_1116 = vector.broadcast %shift_right_arithmetic3A : i32 to vector<16xi32>
        %shift_right_arithmetic3A_1117 = arith.shrsi %select_n3A_1115, %shift_right_arithmetic3A_1116 : vector<16xi32>
        %and3A_1118 = arith.constant 255 : i32
        %and3A_1119 = vector.broadcast %and3A_1118 : i32 to vector<16xi32>
        %and3A_1120 = arith.andi %shift_right_arithmetic3A_1117, %and3A_1119 : vector<16xi32>
        %mul3A_1121 = arith.constant 256 : i32
        %mul3A_1122 = vector.broadcast %mul3A_1121 : i32 to vector<16xi32>
        %mul3A_1123 = arith.muli %iota3A, %mul3A_1122 : vector<16xi32>
        %add3A_1124 = arith.addi %mul3A_1123, %and3A_1120 : vector<16xi32>
        %gather3A_1125 = tpu.vector_load_idx %arg7[%add3A_1124] masked %lt3A_1106 : memref<4096xi32, #tpu.memory_space<vmem>>[vector<16xi32>], vector<16xi32>, vector<16xi1>
        %add3A_1126 = arith.constant 1 : i32
        %add3A_1127 = vector.broadcast %add3A_1126 : i32 to vector<16xi32>
        %add3A_1128 = arith.addi %gather3A_1125, %add3A_1127 : vector<16xi32>
        tpu.vector_store_idx %arg7[%add3A_1124], %add3A_1128 masked %lt3A_1106 : memref<4096xi32, #tpu.memory_space<vmem>>[vector<16xi32>], vector<16xi32>, vector<16xi1>
        %mul3A_1129 = arith.constant 2 : i32
        %mul3A_1130 = arith.muli %while3A_1095, %mul3A_1129 : i32
        %add3A_1131 = arith.constant 1 : i32
        %add3A_1132 = arith.addi %mul3A_1130, %add3A_1131 : i32
        %mul3A_1133 = arith.constant 16 : i32
        %mul3A_1134 = arith.muli %add3A_1132, %mul3A_1133 : i32
        %get3A_1135 = arith.index_cast %mul3A_1134 : i32 to index
        %get3A_1136 = tpu.vector_load %arg5[%get3A_1135] {strides = array<i32>} : memref<32832xi32, #tpu.memory_space<vmem>>, vector<16xi32>,
        %add3A_1137 = vector.broadcast %mul3A_1134 : i32 to vector<16xi32>
        %add3A_1138 = arith.addi %add3A_1137, %iota3A : vector<16xi32>
        %lt3A_1139 = vector.broadcast %while3A_822#0 : i32 to vector<16xi32>
        %lt3A_1140 = arith.cmpi slt, %add3A_1138, %lt3A_1139 : vector<16xi32>
        %jit3A_1141 = arith.constant 0 : i32
        %broadcast_in_dim3A_1142 = vector.broadcast %jit3A_1141 : i32 to vector<16xi32>
        %select_n3A_1143 = arith.select %lt3A_1140, %get3A_1136, %broadcast_in_dim3A_1142 : vector<16xi1>, vector<16xi32>
        %gather3A_1144 = tpu.vector_load_idx %arg4[%select_n3A_1143] masked %lt3A_1140 : memref<32768xf32, #tpu.memory_space<vmem>>[vector<16xi32>], vector<16xf32>, vector<16xi1>
        %bitcast_convert_type3A_1145 = tpu.bitcast %gather3A_1144 : vector<16xf32> -> vector<16xi32>
        %lt3A_1146 = arith.constant 0 : i32
        %lt3A_1147 = vector.broadcast %lt3A_1146 : i32 to vector<16xi32>
        %lt3A_1148 = arith.cmpi slt, %bitcast_convert_type3A_1145, %lt3A_1147 : vector<16xi32>
        %xor3A_1149 = arith.constant 2147483647 : i32
        %xor3A_1150 = vector.broadcast %xor3A_1149 : i32 to vector<16xi32>
        %xor3A_1151 = arith.xori %bitcast_convert_type3A_1145, %xor3A_1150 : vector<16xi32>
        %select_n3A_1152 = arith.select %lt3A_1148, %xor3A_1151, %bitcast_convert_type3A_1145 : vector<16xi1>, vector<16xi32>
        %shift_right_arithmetic3A_1153 = arith.constant 0 : i32
        %shift_right_arithmetic3A_1154 = vector.broadcast %shift_right_arithmetic3A_1153 : i32 to vector<16xi32>
        %shift_right_arithmetic3A_1155 = arith.shrsi %select_n3A_1152, %shift_right_arithmetic3A_1154 : vector<16xi32>
        %and3A_1156 = arith.constant 255 : i32
        %and3A_1157 = vector.broadcast %and3A_1156 : i32 to vector<16xi32>
        %and3A_1158 = arith.andi %shift_right_arithmetic3A_1155, %and3A_1157 : vector<16xi32>
        %mul3A_1159 = arith.constant 256 : i32
        %mul3A_1160 = vector.broadcast %mul3A_1159 : i32 to vector<16xi32>
        %mul3A_1161 = arith.muli %iota3A, %mul3A_1160 : vector<16xi32>
        %add3A_1162 = arith.addi %mul3A_1161, %and3A_1158 : vector<16xi32>
        %gather3A_1163 = tpu.vector_load_idx %arg7[%add3A_1162] masked %lt3A_1140 : memref<4096xi32, #tpu.memory_space<vmem>>[vector<16xi32>], vector<16xi32>, vector<16xi1>
        %add3A_1164 = arith.constant 1 : i32
        %add3A_1165 = vector.broadcast %add3A_1164 : i32 to vector<16xi32>
        %add3A_1166 = arith.addi %gather3A_1163, %add3A_1165 : vector<16xi32>
        tpu.vector_store_idx %arg7[%add3A_1162], %add3A_1166 masked %lt3A_1140 : memref<4096xi32, #tpu.memory_space<vmem>>[vector<16xi32>], vector<16xi32>, vector<16xi1>
      }
      %while3A_864 = arith.constant 1 : i32
      scf.for %while3A_1095 = %while3A_862 to %while3A_858 step %while3A_864  : i32 {
        %mul3A_1096 = arith.constant 2 : i32
        %mul3A_1097 = arith.muli %while3A_1095, %mul3A_1096 : i32
        %add3A_1098 = arith.constant 0 : i32
        %add3A_1099 = arith.addi %mul3A_1097, %add3A_1098 : i32
        %mul3A_1100 = arith.constant 16 : i32
        %mul3A_1101 = arith.muli %add3A_1099, %mul3A_1100 : i32
        %get3A_1102 = arith.index_cast %mul3A_1101 : i32 to index
        %get3A_1103 = tpu.vector_load %arg5[%get3A_1102] {strides = array<i32>} : memref<32832xi32, #tpu.memory_space<vmem>>, vector<16xi32>,
        %add3A_1104 = vector.broadcast %mul3A_1101 : i32 to vector<16xi32>
        %add3A_1105 = arith.addi %add3A_1104, %iota3A : vector<16xi32>
        %lt3A = vector.broadcast %while3A_822#0 : i32 to vector<16xi32>
        %lt3A_1106 = arith.cmpi slt, %add3A_1105, %lt3A : vector<16xi32>
        %jit3A_1107 = arith.constant 0 : i32
        %broadcast_in_dim3A_1108 = vector.broadcast %jit3A_1107 : i32 to vector<16xi32>
        %select_n3A_1109 = arith.select %lt3A_1106, %get3A_1103, %broadcast_in_dim3A_1108 : vector<16xi1>, vector<16xi32>
        %gather3A = tpu.vector_load_idx %arg4[%select_n3A_1109] masked %lt3A_1106 : memref<32768xf32, #tpu.memory_space<vmem>>[vector<16xi32>], vector<16xf32>, vector<16xi1>
        %bitcast_convert_type3A = tpu.bitcast %gather3A : vector<16xf32> -> vector<16xi32>
        %lt3A_1110 = arith.constant 0 : i32
        %lt3A_1111 = vector.broadcast %lt3A_1110 : i32 to vector<16xi32>
        %lt3A_1112 = arith.cmpi slt, %bitcast_convert_type3A, %lt3A_1111 : vector<16xi32>
        %xor3A = arith.constant 2147483647 : i32
        %xor3A_1113 = vector.broadcast %xor3A : i32 to vector<16xi32>
        %xor3A_1114 = arith.xori %bitcast_convert_type3A, %xor3A_1113 : vector<16xi32>
        %select_n3A_1115 = arith.select %lt3A_1112, %xor3A_1114, %bitcast_convert_type3A : vector<16xi1>, vector<16xi32>
        %shift_right_arithmetic3A = arith.constant 0 : i32
        %shift_right_arithmetic3A_1116 = vector.broadcast %shift_right_arithmetic3A : i32 to vector<16xi32>
        %shift_right_arithmetic3A_1117 = arith.shrsi %select_n3A_1115, %shift_right_arithmetic3A_1116 : vector<16xi32>
        %and3A_1118 = arith.constant 255 : i32
        %and3A_1119 = vector.broadcast %and3A_1118 : i32 to vector<16xi32>
        %and3A_1120 = arith.andi %shift_right_arithmetic3A_1117, %and3A_1119 : vector<16xi32>
        %mul3A_1121 = arith.constant 256 : i32
        %mul3A_1122 = vector.broadcast %mul3A_1121 : i32 to vector<16xi32>
        %mul3A_1123 = arith.muli %iota3A, %mul3A_1122 : vector<16xi32>
        %add3A_1124 = arith.addi %mul3A_1123, %and3A_1120 : vector<16xi32>
        %gather3A_1125 = tpu.vector_load_idx %arg7[%add3A_1124] masked %lt3A_1106 : memref<4096xi32, #tpu.memory_space<vmem>>[vector<16xi32>], vector<16xi32>, vector<16xi1>
        %add3A_1126 = arith.constant 1 : i32
        %add3A_1127 = vector.broadcast %add3A_1126 : i32 to vector<16xi32>
        %add3A_1128 = arith.addi %gather3A_1125, %add3A_1127 : vector<16xi32>
        tpu.vector_store_idx %arg7[%add3A_1124], %add3A_1128 masked %lt3A_1106 : memref<4096xi32, #tpu.memory_space<vmem>>[vector<16xi32>], vector<16xi32>, vector<16xi1>
        %mul3A_1129 = arith.constant 2 : i32
        %mul3A_1130 = arith.muli %while3A_1095, %mul3A_1129 : i32
        %add3A_1131 = arith.constant 1 : i32
        %add3A_1132 = arith.addi %mul3A_1130, %add3A_1131 : i32
        %mul3A_1133 = arith.constant 16 : i32
        %mul3A_1134 = arith.muli %add3A_1132, %mul3A_1133 : i32
        %get3A_1135 = arith.index_cast %mul3A_1134 : i32 to index
        %get3A_1136 = tpu.vector_load %arg5[%get3A_1135] {strides = array<i32>} : memref<32832xi32, #tpu.memory_space<vmem>>, vector<16xi32>,
        %add3A_1137 = vector.broadcast %mul3A_1134 : i32 to vector<16xi32>
        %add3A_1138 = arith.addi %add3A_1137, %iota3A : vector<16xi32>
        %lt3A_1139 = vector.broadcast %while3A_822#0 : i32 to vector<16xi32>
        %lt3A_1140 = arith.cmpi slt, %add3A_1138, %lt3A_1139 : vector<16xi32>
        %jit3A_1141 = arith.constant 0 : i32
        %broadcast_in_dim3A_1142 = vector.broadcast %jit3A_1141 : i32 to vector<16xi32>
        %select_n3A_1143 = arith.select %lt3A_1140, %get3A_1136, %broadcast_in_dim3A_1142 : vector<16xi1>, vector<16xi32>
        %gather3A_1144 = tpu.vector_load_idx %arg4[%select_n3A_1143] masked %lt3A_1140 : memref<32768xf32, #tpu.memory_space<vmem>>[vector<16xi32>], vector<16xf32>, vector<16xi1>
        %bitcast_convert_type3A_1145 = tpu.bitcast %gather3A_1144 : vector<16xf32> -> vector<16xi32>
        %lt3A_1146 = arith.constant 0 : i32
        %lt3A_1147 = vector.broadcast %lt3A_1146 : i32 to vector<16xi32>
        %lt3A_1148 = arith.cmpi slt, %bitcast_convert_type3A_1145, %lt3A_1147 : vector<16xi32>
        %xor3A_1149 = arith.constant 2147483647 : i32
        %xor3A_1150 = vector.broadcast %xor3A_1149 : i32 to vector<16xi32>
        %xor3A_1151 = arith.xori %bitcast_convert_type3A_1145, %xor3A_1150 : vector<16xi32>
        %select_n3A_1152 = arith.select %lt3A_1148, %xor3A_1151, %bitcast_convert_type3A_1145 : vector<16xi1>, vector<16xi32>
        %shift_right_arithmetic3A_1153 = arith.constant 0 : i32
        %shift_right_arithmetic3A_1154 = vector.broadcast %shift_right_arithmetic3A_1153 : i32 to vector<16xi32>
        %shift_right_arithmetic3A_1155 = arith.shrsi %select_n3A_1152, %shift_right_arithmetic3A_1154 : vector<16xi32>
        %and3A_1156 = arith.constant 255 : i32
        %and3A_1157 = vector.broadcast %and3A_1156 : i32 to vector<16xi32>
        %and3A_1158 = arith.andi %shift_right_arithmetic3A_1155, %and3A_1157 : vector<16xi32>
        %mul3A_1159 = arith.constant 256 : i32
        %mul3A_1160 = vector.broadcast %mul3A_1159 : i32 to vector<16xi32>
        %mul3A_1161 = arith.muli %iota3A, %mul3A_1160 : vector<16xi32>
        %add3A_1162 = arith.addi %mul3A_1161, %and3A_1158 : vector<16xi32>
        %gather3A_1163 = tpu.vector_load_idx %arg7[%add3A_1162] masked %lt3A_1140 : memref<4096xi32, #tpu.memory_space<vmem>>[vector<16xi32>], vector<16xi32>, vector<16xi1>
        %add3A_1164 = arith.constant 1 : i32
        %add3A_1165 = vector.broadcast %add3A_1164 : i32 to vector<16xi32>
        %add3A_1166 = arith.addi %gather3A_1163, %add3A_1165 : vector<16xi32>
        tpu.vector_store_idx %arg7[%add3A_1162], %add3A_1166 masked %lt3A_1140 : memref<4096xi32, #tpu.memory_space<vmem>>[vector<16xi32>], vector<16xi32>, vector<16xi1>
      }
      %while3A_865 = arith.constant 16 : i32
      %while3A_866 = arith.constant 0 : i32
      %while3A_867:2 = scf.while (%while3A_1095 = %while3A_865, %while3A_1096 = %while3A_866) : (i32, i32) -> (i32, i32) {
        %lt3A = arith.cmpi slt, %while3A_1096, %sub3A_810 : i32
        %gt3A = arith.constant 0 : i32
        %gt3A_1097 = arith.cmpi sgt, %while3A_1095, %gt3A : i32
        %and3A_1098 = arith.andi %lt3A, %gt3A_1097 : i1
        scf.condition(%and3A_1098) %while3A_1095, %while3A_1096 : i32, i32
      } do {
      ^bb0(%while3A_1095: i32, %while3A_1096: i32):
        %sub3A_1097 = arith.constant 1 : i32
        %sub3A_1098 = arith.subi %while3A_1095, %sub3A_1097 : i32
        %sub3A_1099 = arith.constant 1 : i32
        %sub3A_1100 = arith.subi %while3A_1095, %sub3A_1099 : i32
        %mul3A_1101 = arith.constant 16 : i32
        %mul3A_1102 = arith.muli %sub3A_1100, %mul3A_1101 : i32
        %add3A_1103 = arith.constant 0 : i32
        %add3A_1104 = arith.addi %add3A_1103, %mul3A_1102 : i32
        %get3A_1105 = arith.index_cast %add3A_1104 : i32 to index
        %get3A_1106 = tpu.vector_load %arg7[%get3A_1105] {strides = array<i32>} : memref<4096xi32, #tpu.memory_space<vmem>>, vector<16xi32>,
        %add3A_1107 = arith.addi %broadcast_in_dim3A_0, %get3A_1106 : vector<16xi32>
        %mul3A_1108 = arith.constant 16 : i32
        %mul3A_1109 = arith.muli %sub3A_1100, %mul3A_1108 : i32
        %add3A_1110 = arith.constant 256 : i32
        %add3A_1111 = arith.addi %add3A_1110, %mul3A_1109 : i32
        %get3A_1112 = arith.index_cast %add3A_1111 : i32 to index
        %get3A_1113 = tpu.vector_load %arg7[%get3A_1112] {strides = array<i32>} : memref<4096xi32, #tpu.memory_space<vmem>>, vector<16xi32>,
        %add3A_1114 = arith.addi %add3A_1107, %get3A_1113 : vector<16xi32>
        %mul3A_1115 = arith.constant 16 : i32
        %mul3A_1116 = arith.muli %sub3A_1100, %mul3A_1115 : i32
        %add3A_1117 = arith.constant 512 : i32
        %add3A_1118 = arith.addi %add3A_1117, %mul3A_1116 : i32
        %get3A_1119 = arith.index_cast %add3A_1118 : i32 to index
        %get3A_1120 = tpu.vector_load %arg7[%get3A_1119] {strides = array<i32>} : memref<4096xi32, #tpu.memory_space<vmem>>, vector<16xi32>,
        %add3A_1121 = arith.addi %add3A_1114, %get3A_1120 : vector<16xi32>
        %mul3A_1122 = arith.constant 16 : i32
        %mul3A_1123 = arith.muli %sub3A_1100, %mul3A_1122 : i32
        %add3A_1124 = arith.constant 768 : i32
        %add3A_1125 = arith.addi %add3A_1124, %mul3A_1123 : i32
        %get3A_1126 = arith.index_cast %add3A_1125 : i32 to index
        %get3A_1127 = tpu.vector_load %arg7[%get3A_1126] {strides = array<i32>} : memref<4096xi32, #tpu.memory_space<vmem>>, vector<16xi32>,
        %add3A_1128 = arith.addi %add3A_1121, %get3A_1127 : vector<16xi32>
        %mul3A_1129 = arith.constant 16 : i32
        %mul3A_1130 = arith.muli %sub3A_1100, %mul3A_1129 : i32
        %add3A_1131 = arith.constant 1024 : i32
        %add3A_1132 = arith.addi %add3A_1131, %mul3A_1130 : i32
        %get3A_1133 = arith.index_cast %add3A_1132 : i32 to index
        %get3A_1134 = tpu.vector_load %arg7[%get3A_1133] {strides = array<i32>} : memref<4096xi32, #tpu.memory_space<vmem>>, vector<16xi32>,
        %add3A_1135 = arith.addi %add3A_1128, %get3A_1134 : vector<16xi32>
        %mul3A_1136 = arith.constant 16 : i32
        %mul3A_1137 = arith.muli %sub3A_1100, %mul3A_1136 : i32
        %add3A_1138 = arith.constant 1280 : i32
        %add3A_1139 = arith.addi %add3A_1138, %mul3A_1137 : i32
        %get3A_1140 = arith.index_cast %add3A_1139 : i32 to index
        %get3A_1141 = tpu.vector_load %arg7[%get3A_1140] {strides = array<i32>} : memref<4096xi32, #tpu.memory_space<vmem>>, vector<16xi32>,
        %add3A_1142 = arith.addi %add3A_1135, %get3A_1141 : vector<16xi32>
        %mul3A_1143 = arith.constant 16 : i32
        %mul3A_1144 = arith.muli %sub3A_1100, %mul3A_1143 : i32
        %add3A_1145 = arith.constant 1536 : i32
        %add3A_1146 = arith.addi %add3A_1145, %mul3A_1144 : i32
        %get3A_1147 = arith.index_cast %add3A_1146 : i32 to index
        %get3A_1148 = tpu.vector_load %arg7[%get3A_1147] {strides = array<i32>} : memref<4096xi32, #tpu.memory_space<vmem>>, vector<16xi32>,
        %add3A_1149 = arith.addi %add3A_1142, %get3A_1148 : vector<16xi32>
        %mul3A_1150 = arith.constant 16 : i32
        %mul3A_1151 = arith.muli %sub3A_1100, %mul3A_1150 : i32
        %add3A_1152 = arith.constant 1792 : i32
        %add3A_1153 = arith.addi %add3A_1152, %mul3A_1151 : i32
        %get3A_1154 = arith.index_cast %add3A_1153 : i32 to index
        %get3A_1155 = tpu.vector_load %arg7[%get3A_1154] {strides = array<i32>} : memref<4096xi32, #tpu.memory_space<vmem>>, vector<16xi32>,
        %add3A_1156 = arith.addi %add3A_1149, %get3A_1155 : vector<16xi32>
        %mul3A_1157 = arith.constant 16 : i32
        %mul3A_1158 = arith.muli %sub3A_1100, %mul3A_1157 : i32
        %add3A_1159 = arith.constant 2048 : i32
        %add3A_1160 = arith.addi %add3A_1159, %mul3A_1158 : i32
        %get3A_1161 = arith.index_cast %add3A_1160 : i32 to index
        %get3A_1162 = tpu.vector_load %arg7[%get3A_1161] {strides = array<i32>} : memref<4096xi32, #tpu.memory_space<vmem>>, vector<16xi32>,
        %add3A_1163 = arith.addi %add3A_1156, %get3A_1162 : vector<16xi32>
        %mul3A_1164 = arith.constant 16 : i32
        %mul3A_1165 = arith.muli %sub3A_1100, %mul3A_1164 : i32
        %add3A_1166 = arith.constant 2304 : i32
        %add3A_1167 = arith.addi %add3A_1166, %mul3A_1165 : i32
        %get3A_1168 = arith.index_cast %add3A_1167 : i32 to index
        %get3A_1169 = tpu.vector_load %arg7[%get3A_1168] {strides = array<i32>} : memref<4096xi32, #tpu.memory_space<vmem>>, vector<16xi32>,
        %add3A_1170 = arith.addi %add3A_1163, %get3A_1169 : vector<16xi32>
        %mul3A_1171 = arith.constant 16 : i32
        %mul3A_1172 = arith.muli %sub3A_1100, %mul3A_1171 : i32
        %add3A_1173 = arith.constant 2560 : i32
        %add3A_1174 = arith.addi %add3A_1173, %mul3A_1172 : i32
        %get3A_1175 = arith.index_cast %add3A_1174 : i32 to index
        %get3A_1176 = tpu.vector_load %arg7[%get3A_1175] {strides = array<i32>} : memref<4096xi32, #tpu.memory_space<vmem>>, vector<16xi32>,
        %add3A_1177 = arith.addi %add3A_1170, %get3A_1176 : vector<16xi32>
        %mul3A_1178 = arith.constant 16 : i32
        %mul3A_1179 = arith.muli %sub3A_1100, %mul3A_1178 : i32
        %add3A_1180 = arith.constant 2816 : i32
        %add3A_1181 = arith.addi %add3A_1180, %mul3A_1179 : i32
        %get3A_1182 = arith.index_cast %add3A_1181 : i32 to index
        %get3A_1183 = tpu.vector_load %arg7[%get3A_1182] {strides = array<i32>} : memref<4096xi32, #tpu.memory_space<vmem>>, vector<16xi32>,
        %add3A_1184 = arith.addi %add3A_1177, %get3A_1183 : vector<16xi32>
        %mul3A_1185 = arith.constant 16 : i32
        %mul3A_1186 = arith.muli %sub3A_1100, %mul3A_1185 : i32
        %add3A_1187 = arith.constant 3072 : i32
        %add3A_1188 = arith.addi %add3A_1187, %mul3A_1186 : i32
        %get3A_1189 = arith.index_cast %add3A_1188 : i32 to index
        %get3A_1190 = tpu.vector_load %arg7[%get3A_1189] {strides = array<i32>} : memref<4096xi32, #tpu.memory_space<vmem>>, vector<16xi32>,
        %add3A_1191 = arith.addi %add3A_1184, %get3A_1190 : vector<16xi32>
        %mul3A_1192 = arith.constant 16 : i32
        %mul3A_1193 = arith.muli %sub3A_1100, %mul3A_1192 : i32
        %add3A_1194 = arith.constant 3328 : i32
        %add3A_1195 = arith.addi %add3A_1194, %mul3A_1193 : i32
        %get3A_1196 = arith.index_cast %add3A_1195 : i32 to index
        %get3A_1197 = tpu.vector_load %arg7[%get3A_1196] {strides = array<i32>} : memref<4096xi32, #tpu.memory_space<vmem>>, vector<16xi32>,
        %add3A_1198 = arith.addi %add3A_1191, %get3A_1197 : vector<16xi32>
        %mul3A_1199 = arith.constant 16 : i32
        %mul3A_1200 = arith.muli %sub3A_1100, %mul3A_1199 : i32
        %add3A_1201 = arith.constant 3584 : i32
        %add3A_1202 = arith.addi %add3A_1201, %mul3A_1200 : i32
        %get3A_1203 = arith.index_cast %add3A_1202 : i32 to index
        %get3A_1204 = tpu.vector_load %arg7[%get3A_1203] {strides = array<i32>} : memref<4096xi32, #tpu.memory_space<vmem>>, vector<16xi32>,
        %add3A_1205 = arith.addi %add3A_1198, %get3A_1204 : vector<16xi32>
        %mul3A_1206 = arith.constant 16 : i32
        %mul3A_1207 = arith.muli %sub3A_1100, %mul3A_1206 : i32
        %add3A_1208 = arith.constant 3840 : i32
        %add3A_1209 = arith.addi %add3A_1208, %mul3A_1207 : i32
        %get3A_1210 = arith.index_cast %add3A_1209 : i32 to index
        %get3A_1211 = tpu.vector_load %arg7[%get3A_1210] {strides = array<i32>} : memref<4096xi32, #tpu.memory_space<vmem>>, vector<16xi32>,
        %add3A_1212 = arith.addi %add3A_1205, %get3A_1211 : vector<16xi32>
        %reduce_sum3A_1213 = arith.constant true
        %reduce_sum3A_1214 = vector.broadcast %reduce_sum3A_1213 : i1 to vector<16xi1>
        %reduce_sum3A_1215 = tpu.scan <sum>, %add3A_1212 masked %reduce_sum3A_1214 : vector<16xi32>, vector<16xi1> -> vector<16xi32>
        %reduce_sum3A_1216 = vector.extract %reduce_sum3A_1215[15] : i32 from vector<16xi32>
        %add3A_1217 = arith.addi %while3A_1096, %reduce_sum3A_1216 : i32
        scf.yield %sub3A_1098, %add3A_1217 : i32, i32
      }
      %mul3A_868 = arith.constant 16 : i32
      %mul3A_869 = arith.muli %while3A_867#0, %mul3A_868 : i32
      %add3A_870 = arith.constant 0 : i32
      %add3A_871 = arith.addi %add3A_870, %mul3A_869 : i32
      %get3A_872 = arith.index_cast %add3A_871 : i32 to index
      %get3A_873 = tpu.vector_load %arg7[%get3A_872] {strides = array<i32>} : memref<4096xi32, #tpu.memory_space<vmem>>, vector<16xi32>,
      %add3A_874 = arith.addi %broadcast_in_dim3A_0, %get3A_873 : vector<16xi32>
      %mul3A_875 = arith.constant 16 : i32
      %mul3A_876 = arith.muli %while3A_867#0, %mul3A_875 : i32
      %add3A_877 = arith.constant 256 : i32
      %add3A_878 = arith.addi %add3A_877, %mul3A_876 : i32
      %get3A_879 = arith.index_cast %add3A_878 : i32 to index
      %get3A_880 = tpu.vector_load %arg7[%get3A_879] {strides = array<i32>} : memref<4096xi32, #tpu.memory_space<vmem>>, vector<16xi32>,
      %add3A_881 = arith.addi %add3A_874, %get3A_880 : vector<16xi32>
      %mul3A_882 = arith.constant 16 : i32
      %mul3A_883 = arith.muli %while3A_867#0, %mul3A_882 : i32
      %add3A_884 = arith.constant 512 : i32
      %add3A_885 = arith.addi %add3A_884, %mul3A_883 : i32
      %get3A_886 = arith.index_cast %add3A_885 : i32 to index
      %get3A_887 = tpu.vector_load %arg7[%get3A_886] {strides = array<i32>} : memref<4096xi32, #tpu.memory_space<vmem>>, vector<16xi32>,
      %add3A_888 = arith.addi %add3A_881, %get3A_887 : vector<16xi32>
      %mul3A_889 = arith.constant 16 : i32
      %mul3A_890 = arith.muli %while3A_867#0, %mul3A_889 : i32
      %add3A_891 = arith.constant 768 : i32
      %add3A_892 = arith.addi %add3A_891, %mul3A_890 : i32
      %get3A_893 = arith.index_cast %add3A_892 : i32 to index
      %get3A_894 = tpu.vector_load %arg7[%get3A_893] {strides = array<i32>} : memref<4096xi32, #tpu.memory_space<vmem>>, vector<16xi32>,
      %add3A_895 = arith.addi %add3A_888, %get3A_894 : vector<16xi32>
      %mul3A_896 = arith.constant 16 : i32
      %mul3A_897 = arith.muli %while3A_867#0, %mul3A_896 : i32
      %add3A_898 = arith.constant 1024 : i32
      %add3A_899 = arith.addi %add3A_898, %mul3A_897 : i32
      %get3A_900 = arith.index_cast %add3A_899 : i32 to index
      %get3A_901 = tpu.vector_load %arg7[%get3A_900] {strides = array<i32>} : memref<4096xi32, #tpu.memory_space<vmem>>, vector<16xi32>,
      %add3A_902 = arith.addi %add3A_895, %get3A_901 : vector<16xi32>
      %mul3A_903 = arith.constant 16 : i32
      %mul3A_904 = arith.muli %while3A_867#0, %mul3A_903 : i32
      %add3A_905 = arith.constant 1280 : i32
      %add3A_906 = arith.addi %add3A_905, %mul3A_904 : i32
      %get3A_907 = arith.index_cast %add3A_906 : i32 to index
      %get3A_908 = tpu.vector_load %arg7[%get3A_907] {strides = array<i32>} : memref<4096xi32, #tpu.memory_space<vmem>>, vector<16xi32>,
      %add3A_909 = arith.addi %add3A_902, %get3A_908 : vector<16xi32>
      %mul3A_910 = arith.constant 16 : i32
      %mul3A_911 = arith.muli %while3A_867#0, %mul3A_910 : i32
      %add3A_912 = arith.constant 1536 : i32
      %add3A_913 = arith.addi %add3A_912, %mul3A_911 : i32
      %get3A_914 = arith.index_cast %add3A_913 : i32 to index
      %get3A_915 = tpu.vector_load %arg7[%get3A_914] {strides = array<i32>} : memref<4096xi32, #tpu.memory_space<vmem>>, vector<16xi32>,
      %add3A_916 = arith.addi %add3A_909, %get3A_915 : vector<16xi32>
      %mul3A_917 = arith.constant 16 : i32
      %mul3A_918 = arith.muli %while3A_867#0, %mul3A_917 : i32
      %add3A_919 = arith.constant 1792 : i32
      %add3A_920 = arith.addi %add3A_919, %mul3A_918 : i32
      %get3A_921 = arith.index_cast %add3A_920 : i32 to index
      %get3A_922 = tpu.vector_load %arg7[%get3A_921] {strides = array<i32>} : memref<4096xi32, #tpu.memory_space<vmem>>, vector<16xi32>,
      %add3A_923 = arith.addi %add3A_916, %get3A_922 : vector<16xi32>
      %mul3A_924 = arith.constant 16 : i32
      %mul3A_925 = arith.muli %while3A_867#0, %mul3A_924 : i32
      %add3A_926 = arith.constant 2048 : i32
      %add3A_927 = arith.addi %add3A_926, %mul3A_925 : i32
      %get3A_928 = arith.index_cast %add3A_927 : i32 to index
      %get3A_929 = tpu.vector_load %arg7[%get3A_928] {strides = array<i32>} : memref<4096xi32, #tpu.memory_space<vmem>>, vector<16xi32>,
      %add3A_930 = arith.addi %add3A_923, %get3A_929 : vector<16xi32>
      %mul3A_931 = arith.constant 16 : i32
      %mul3A_932 = arith.muli %while3A_867#0, %mul3A_931 : i32
      %add3A_933 = arith.constant 2304 : i32
      %add3A_934 = arith.addi %add3A_933, %mul3A_932 : i32
      %get3A_935 = arith.index_cast %add3A_934 : i32 to index
      %get3A_936 = tpu.vector_load %arg7[%get3A_935] {strides = array<i32>} : memref<4096xi32, #tpu.memory_space<vmem>>, vector<16xi32>,
      %add3A_937 = arith.addi %add3A_930, %get3A_936 : vector<16xi32>
      %mul3A_938 = arith.constant 16 : i32
      %mul3A_939 = arith.muli %while3A_867#0, %mul3A_938 : i32
      %add3A_940 = arith.constant 2560 : i32
      %add3A_941 = arith.addi %add3A_940, %mul3A_939 : i32
      %get3A_942 = arith.index_cast %add3A_941 : i32 to index
      %get3A_943 = tpu.vector_load %arg7[%get3A_942] {strides = array<i32>} : memref<4096xi32, #tpu.memory_space<vmem>>, vector<16xi32>,
      %add3A_944 = arith.addi %add3A_937, %get3A_943 : vector<16xi32>
      %mul3A_945 = arith.constant 16 : i32
      %mul3A_946 = arith.muli %while3A_867#0, %mul3A_945 : i32
      %add3A_947 = arith.constant 2816 : i32
      %add3A_948 = arith.addi %add3A_947, %mul3A_946 : i32
      %get3A_949 = arith.index_cast %add3A_948 : i32 to index
      %get3A_950 = tpu.vector_load %arg7[%get3A_949] {strides = array<i32>} : memref<4096xi32, #tpu.memory_space<vmem>>, vector<16xi32>,
      %add3A_951 = arith.addi %add3A_944, %get3A_950 : vector<16xi32>
      %mul3A_952 = arith.constant 16 : i32
      %mul3A_953 = arith.muli %while3A_867#0, %mul3A_952 : i32
      %add3A_954 = arith.constant 3072 : i32
      %add3A_955 = arith.addi %add3A_954, %mul3A_953 : i32
      %get3A_956 = arith.index_cast %add3A_955 : i32 to index
      %get3A_957 = tpu.vector_load %arg7[%get3A_956] {strides = array<i32>} : memref<4096xi32, #tpu.memory_space<vmem>>, vector<16xi32>,
      %add3A_958 = arith.addi %add3A_951, %get3A_957 : vector<16xi32>
      %mul3A_959 = arith.constant 16 : i32
      %mul3A_960 = arith.muli %while3A_867#0, %mul3A_959 : i32
      %add3A_961 = arith.constant 3328 : i32
      %add3A_962 = arith.addi %add3A_961, %mul3A_960 : i32
      %get3A_963 = arith.index_cast %add3A_962 : i32 to index
      %get3A_964 = tpu.vector_load %arg7[%get3A_963] {strides = array<i32>} : memref<4096xi32, #tpu.memory_space<vmem>>, vector<16xi32>,
      %add3A_965 = arith.addi %add3A_958, %get3A_964 : vector<16xi32>
      %mul3A_966 = arith.constant 16 : i32
      %mul3A_967 = arith.muli %while3A_867#0, %mul3A_966 : i32
      %add3A_968 = arith.constant 3584 : i32
      %add3A_969 = arith.addi %add3A_968, %mul3A_967 : i32
      %get3A_970 = arith.index_cast %add3A_969 : i32 to index
      %get3A_971 = tpu.vector_load %arg7[%get3A_970] {strides = array<i32>} : memref<4096xi32, #tpu.memory_space<vmem>>, vector<16xi32>,
      %add3A_972 = arith.addi %add3A_965, %get3A_971 : vector<16xi32>
      %mul3A_973 = arith.constant 16 : i32
      %mul3A_974 = arith.muli %while3A_867#0, %mul3A_973 : i32
      %add3A_975 = arith.constant 3840 : i32
      %add3A_976 = arith.addi %add3A_975, %mul3A_974 : i32
      %get3A_977 = arith.index_cast %add3A_976 : i32 to index
      %get3A_978 = tpu.vector_load %arg7[%get3A_977] {strides = array<i32>} : memref<4096xi32, #tpu.memory_space<vmem>>, vector<16xi32>,
      %add3A_979 = arith.addi %add3A_972, %get3A_978 : vector<16xi32>
      %reduce_sum3A_980 = arith.constant true
      %reduce_sum3A_981 = vector.broadcast %reduce_sum3A_980 : i1 to vector<16xi1>
      %reduce_sum3A_982 = tpu.scan <sum>, %add3A_979 masked %reduce_sum3A_981 : vector<16xi32>, vector<16xi1> -> vector<16xi32>
      %reduce_sum3A_983 = vector.extract %reduce_sum3A_982[15] : i32 from vector<16xi32>
      %sub3A_984 = arith.subi %while3A_867#1, %reduce_sum3A_983 : i32
      %rev3A_985 = arith.constant 15 : i32
      %rev3A_986 = vector.broadcast %rev3A_985 : i32 to vector<16xi32>
      %rev3A_987 = tpu.iota {dimensions = array<i32: 0>} : vector<16xi32>
      %rev3A_988 = arith.subi %rev3A_986, %rev3A_987 : vector<16xi32>
      %rev3A_989 = tpu.dynamic_gather %add3A_979[%rev3A_988] in [0] : vector<16xi32>, vector<16xi32> -> vector<16xi32>
      %broadcast_in_dim3A_990 = arith.constant true
      %broadcast_in_dim3A_991 = vector.broadcast %broadcast_in_dim3A_990 : i1 to vector<16xi1>
      %masked_cumsum3A_992 = tpu.scan <sum>, %rev3A_989 masked %broadcast_in_dim3A_991 : vector<16xi32>, vector<16xi1> -> vector<16xi32>
      %add3A_993 = vector.broadcast %sub3A_984 : i32 to vector<16xi32>
      %add3A_994 = arith.addi %add3A_993, %masked_cumsum3A_992 : vector<16xi32>
      %ge3A_995 = vector.broadcast %sub3A_810 : i32 to vector<16xi32>
      %ge3A_996 = arith.cmpi sge, %add3A_994, %ge3A_995 : vector<16xi32>
      %all_reduce_ffs3A_997 = tpu.all_reduce %ge3A_996 {dim = 0 : i64, kind = #tpu.reduction_kind<find_first_set>} : vector<16xi1> -> vector<16xi32>
      %reduce_max3A_998 = arith.constant true
      %reduce_max3A_999 = vector.broadcast %reduce_max3A_998 : i1 to vector<16xi1>
      %reduce_max3A_1000 = arith.constant -2147483648 : i32
      %reduce_max3A_1001 = vector.broadcast %reduce_max3A_1000 : i32 to vector<16xi32>
      %reduce_max3A_1002 = arith.xori %all_reduce_ffs3A_997, %reduce_max3A_1001 : vector<16xi32>
      %reduce_max3A_1003 = tpu.scan <max>, %reduce_max3A_1002 masked %reduce_max3A_999 : vector<16xi32>, vector<16xi1> -> vector<16xi32>
      %reduce_max3A_1004 = arith.xori %reduce_max3A_1003, %reduce_max3A_1001 : vector<16xi32>
      %reduce_max3A_1005 = vector.extract %reduce_max3A_1004[15] : i32 from vector<16xi32>
      %sub3A_1006 = arith.constant 15 : i32
      %sub3A_1007 = arith.subi %sub3A_1006, %reduce_max3A_1005 : i32
      %eq3A_1008 = vector.broadcast %reduce_max3A_1005 : i32 to vector<16xi32>
      %eq3A_1009 = arith.cmpi eq, %iota3A, %eq3A_1008 : vector<16xi32>
      %jit3A_1010 = arith.constant 0 : i32
      %broadcast_in_dim3A_1011 = vector.broadcast %jit3A_1010 : i32 to vector<16xi32>
      %select_n3A_1012 = arith.select %eq3A_1009, %masked_cumsum3A_992, %broadcast_in_dim3A_1011 : vector<16xi1>, vector<16xi32>
      %reduce_sum3A_1013 = arith.constant true
      %reduce_sum3A_1014 = vector.broadcast %reduce_sum3A_1013 : i1 to vector<16xi1>
      %reduce_sum3A_1015 = tpu.scan <sum>, %select_n3A_1012 masked %reduce_sum3A_1014 : vector<16xi32>, vector<16xi1> -> vector<16xi32>
      %reduce_sum3A_1016 = vector.extract %reduce_sum3A_1015[15] : i32 from vector<16xi32>
      %add3A_1017 = arith.addi %sub3A_984, %reduce_sum3A_1016 : i32
      %eq3A_1018 = vector.broadcast %sub3A_1007 : i32 to vector<16xi32>
      %eq3A_1019 = arith.cmpi eq, %iota3A, %eq3A_1018 : vector<16xi32>
      %jit3A_1020 = arith.constant 0 : i32
      %broadcast_in_dim3A_1021 = vector.broadcast %jit3A_1020 : i32 to vector<16xi32>
      %select_n3A_1022 = arith.select %eq3A_1019, %add3A_979, %broadcast_in_dim3A_1021 : vector<16xi1>, vector<16xi32>
      %reduce_sum3A_1023 = arith.constant true
      %reduce_sum3A_1024 = vector.broadcast %reduce_sum3A_1023 : i1 to vector<16xi1>
      %reduce_sum3A_1025 = tpu.scan <sum>, %select_n3A_1022 masked %reduce_sum3A_1024 : vector<16xi32>, vector<16xi1> -> vector<16xi32>
      %reduce_sum3A_1026 = vector.extract %reduce_sum3A_1025[15] : i32 from vector<16xi32>
      %sub3A_1027 = arith.subi %add3A_1017, %reduce_sum3A_1026 : i32
      %mul3A_1028 = arith.constant 16 : i32
      %mul3A_1029 = arith.muli %while3A_867#0, %mul3A_1028 : i32
      %add3A_1030 = arith.addi %mul3A_1029, %sub3A_1007 : i32
      %sub3A_1031 = arith.subi %sub3A_810, %sub3A_1027 : i32
      %while3A_1032 = arith.constant 0 : i32
      %while3A_1033 = arith.constant 0 : i32
      %while3A_1034 = arith.subi %select_n3A_854, %while3A_1032 : i32
      %while3A_1035 = arith.addi %while3A_1032, %while3A_1034 : i32
      %while3A_1036 = arith.constant 1 : i32
      %while3A_1037 = arith.divsi %while3A_1034, %while3A_1036 : i32
      %while3A_1038 = arith.muli %while3A_1037, %while3A_1036 : i32
      %while3A_1039 = arith.addi %while3A_1032, %while3A_1038 : i32
      %while3A_1040 = arith.constant 1 : i32
      %while3A_1041:2 = scf.for %while3A_1095 = %while3A_1032 to %while3A_1039 step %while3A_1040 iter_args(%while3A_1096 = %while3A_1033, %while3A_1097 = %while3A_822#1) -> (i32, i32)  : i32 {
        %mul3A_1098 = arith.constant 2 : i32
        %mul3A_1099 = arith.muli %while3A_1095, %mul3A_1098 : i32
        %add3A_1100 = arith.constant 0 : i32
        %add3A_1101 = arith.addi %mul3A_1099, %add3A_1100 : i32
        %mul3A_1102 = arith.constant 16 : i32
        %mul3A_1103 = arith.muli %add3A_1101, %mul3A_1102 : i32
        %get3A_1104 = arith.index_cast %mul3A_1103 : i32 to index
        %get3A_1105 = tpu.vector_load %arg5[%get3A_1104] {strides = array<i32>} : memref<32832xi32, #tpu.memory_space<vmem>>, vector<16xi32>,
        %add3A_1106 = vector.broadcast %mul3A_1103 : i32 to vector<16xi32>
        %add3A_1107 = arith.addi %add3A_1106, %iota3A : vector<16xi32>
        %lt3A = vector.broadcast %while3A_822#0 : i32 to vector<16xi32>
        %lt3A_1108 = arith.cmpi slt, %add3A_1107, %lt3A : vector<16xi32>
        %jit3A_1109 = arith.constant 0 : i32
        %broadcast_in_dim3A_1110 = vector.broadcast %jit3A_1109 : i32 to vector<16xi32>
        %select_n3A_1111 = arith.select %lt3A_1108, %get3A_1105, %broadcast_in_dim3A_1110 : vector<16xi1>, vector<16xi32>
        %gather3A = tpu.vector_load_idx %arg4[%select_n3A_1111] masked %lt3A_1108 : memref<32768xf32, #tpu.memory_space<vmem>>[vector<16xi32>], vector<16xf32>, vector<16xi1>
        %bitcast_convert_type3A = tpu.bitcast %gather3A : vector<16xf32> -> vector<16xi32>
        %lt3A_1112 = arith.constant 0 : i32
        %lt3A_1113 = vector.broadcast %lt3A_1112 : i32 to vector<16xi32>
        %lt3A_1114 = arith.cmpi slt, %bitcast_convert_type3A, %lt3A_1113 : vector<16xi32>
        %xor3A = arith.constant 2147483647 : i32
        %xor3A_1115 = vector.broadcast %xor3A : i32 to vector<16xi32>
        %xor3A_1116 = arith.xori %bitcast_convert_type3A, %xor3A_1115 : vector<16xi32>
        %select_n3A_1117 = arith.select %lt3A_1114, %xor3A_1116, %bitcast_convert_type3A : vector<16xi1>, vector<16xi32>
        %shift_right_arithmetic3A = arith.constant 0 : i32
        %shift_right_arithmetic3A_1118 = vector.broadcast %shift_right_arithmetic3A : i32 to vector<16xi32>
        %shift_right_arithmetic3A_1119 = arith.shrsi %select_n3A_1117, %shift_right_arithmetic3A_1118 : vector<16xi32>
        %and3A_1120 = arith.constant 255 : i32
        %and3A_1121 = vector.broadcast %and3A_1120 : i32 to vector<16xi32>
        %and3A_1122 = arith.andi %shift_right_arithmetic3A_1119, %and3A_1121 : vector<16xi32>
        %gt3A = vector.broadcast %add3A_1030 : i32 to vector<16xi32>
        %gt3A_1123 = arith.cmpi sgt, %and3A_1122, %gt3A : vector<16xi32>
        %and3A_1124 = arith.andi %lt3A_1108, %gt3A_1123 : vector<16xi1>
        %swap3A = arith.index_cast %while3A_1097 : i32 to index
        %swap3A_1125 = tpu.vector_load %arg8[%swap3A] masked %and3A_1124 {strides = array<i32>} : memref<80xi32, #tpu.memory_space<vmem>>, vector<16xi32>, vector<16xi1>
        tpu.vector_store %arg8[%swap3A], %get3A_1105 masked %and3A_1124 {strides = array<i32>} : memref<80xi32, #tpu.memory_space<vmem>>, vector<16xi32>, vector<16xi1>
        %eq3A_1126 = vector.broadcast %add3A_1030 : i32 to vector<16xi32>
        %eq3A_1127 = arith.cmpi eq, %and3A_1122, %eq3A_1126 : vector<16xi32>
        %and3A_1128 = arith.andi %lt3A_1108, %eq3A_1127 : vector<16xi1>
        %swap3A_1129 = arith.index_cast %while3A_1096 : i32 to index
        %swap3A_1130 = tpu.vector_load %arg5[%swap3A_1129] masked %and3A_1128 {strides = array<i32>} : memref<32832xi32, #tpu.memory_space<vmem>>, vector<16xi32>, vector<16xi1>
        tpu.vector_store %arg5[%swap3A_1129], %get3A_1105 masked %and3A_1128 {strides = array<i32>} : memref<32832xi32, #tpu.memory_space<vmem>>, vector<16xi32>, vector<16xi1>
        %convert_element_type3A = arith.extui %and3A_1128 : vector<16xi1> to vector<16xi32>
        %reduce_sum3A_1131 = arith.constant true
        %reduce_sum3A_1132 = vector.broadcast %reduce_sum3A_1131 : i1 to vector<16xi1>
        %reduce_sum3A_1133 = tpu.scan <sum>, %convert_element_type3A masked %reduce_sum3A_1132 : vector<16xi32>, vector<16xi1> -> vector<16xi32>
        %reduce_sum3A_1134 = vector.extract %reduce_sum3A_1133[15] : i32 from vector<16xi32>
        %add3A_1135 = arith.addi %while3A_1096, %reduce_sum3A_1134 : i32
        %convert_element_type3A_1136 = arith.extui %and3A_1124 : vector<16xi1> to vector<16xi32>
        %reduce_sum3A_1137 = arith.constant true
        %reduce_sum3A_1138 = vector.broadcast %reduce_sum3A_1137 : i1 to vector<16xi1>
        %reduce_sum3A_1139 = tpu.scan <sum>, %convert_element_type3A_1136 masked %reduce_sum3A_1138 : vector<16xi32>, vector<16xi1> -> vector<16xi32>
        %reduce_sum3A_1140 = vector.extract %reduce_sum3A_1139[15] : i32 from vector<16xi32>
        %add3A_1141 = arith.addi %while3A_1097, %reduce_sum3A_1140 : i32
        %mul3A_1142 = arith.constant 2 : i32
        %mul3A_1143 = arith.muli %while3A_1095, %mul3A_1142 : i32
        %add3A_1144 = arith.constant 1 : i32
        %add3A_1145 = arith.addi %mul3A_1143, %add3A_1144 : i32
        %mul3A_1146 = arith.constant 16 : i32
        %mul3A_1147 = arith.muli %add3A_1145, %mul3A_1146 : i32
        %get3A_1148 = arith.index_cast %mul3A_1147 : i32 to index
        %get3A_1149 = tpu.vector_load %arg5[%get3A_1148] {strides = array<i32>} : memref<32832xi32, #tpu.memory_space<vmem>>, vector<16xi32>,
        %add3A_1150 = vector.broadcast %mul3A_1147 : i32 to vector<16xi32>
        %add3A_1151 = arith.addi %add3A_1150, %iota3A : vector<16xi32>
        %lt3A_1152 = vector.broadcast %while3A_822#0 : i32 to vector<16xi32>
        %lt3A_1153 = arith.cmpi slt, %add3A_1151, %lt3A_1152 : vector<16xi32>
        %jit3A_1154 = arith.constant 0 : i32
        %broadcast_in_dim3A_1155 = vector.broadcast %jit3A_1154 : i32 to vector<16xi32>
        %select_n3A_1156 = arith.select %lt3A_1153, %get3A_1149, %broadcast_in_dim3A_1155 : vector<16xi1>, vector<16xi32>
        %gather3A_1157 = tpu.vector_load_idx %arg4[%select_n3A_1156] masked %lt3A_1153 : memref<32768xf32, #tpu.memory_space<vmem>>[vector<16xi32>], vector<16xf32>, vector<16xi1>
        %bitcast_convert_type3A_1158 = tpu.bitcast %gather3A_1157 : vector<16xf32> -> vector<16xi32>
        %lt3A_1159 = arith.constant 0 : i32
        %lt3A_1160 = vector.broadcast %lt3A_1159 : i32 to vector<16xi32>
        %lt3A_1161 = arith.cmpi slt, %bitcast_convert_type3A_1158, %lt3A_1160 : vector<16xi32>
        %xor3A_1162 = arith.constant 2147483647 : i32
        %xor3A_1163 = vector.broadcast %xor3A_1162 : i32 to vector<16xi32>
        %xor3A_1164 = arith.xori %bitcast_convert_type3A_1158, %xor3A_1163 : vector<16xi32>
        %select_n3A_1165 = arith.select %lt3A_1161, %xor3A_1164, %bitcast_convert_type3A_1158 : vector<16xi1>, vector<16xi32>
        %shift_right_arithmetic3A_1166 = arith.constant 0 : i32
        %shift_right_arithmetic3A_1167 = vector.broadcast %shift_right_arithmetic3A_1166 : i32 to vector<16xi32>
        %shift_right_arithmetic3A_1168 = arith.shrsi %select_n3A_1165, %shift_right_arithmetic3A_1167 : vector<16xi32>
        %and3A_1169 = arith.constant 255 : i32
        %and3A_1170 = vector.broadcast %and3A_1169 : i32 to vector<16xi32>
        %and3A_1171 = arith.andi %shift_right_arithmetic3A_1168, %and3A_1170 : vector<16xi32>
        %gt3A_1172 = vector.broadcast %add3A_1030 : i32 to vector<16xi32>
        %gt3A_1173 = arith.cmpi sgt, %and3A_1171, %gt3A_1172 : vector<16xi32>
        %and3A_1174 = arith.andi %lt3A_1153, %gt3A_1173 : vector<16xi1>
        %swap3A_1175 = arith.index_cast %add3A_1141 : i32 to index
        %swap3A_1176 = tpu.vector_load %arg8[%swap3A_1175] masked %and3A_1174 {strides = array<i32>} : memref<80xi32, #tpu.memory_space<vmem>>, vector<16xi32>, vector<16xi1>
        tpu.vector_store %arg8[%swap3A_1175], %get3A_1149 masked %and3A_1174 {strides = array<i32>} : memref<80xi32, #tpu.memory_space<vmem>>, vector<16xi32>, vector<16xi1>
        %eq3A_1177 = vector.broadcast %add3A_1030 : i32 to vector<16xi32>
        %eq3A_1178 = arith.cmpi eq, %and3A_1171, %eq3A_1177 : vector<16xi32>
        %and3A_1179 = arith.andi %lt3A_1153, %eq3A_1178 : vector<16xi1>
        %swap3A_1180 = arith.index_cast %add3A_1135 : i32 to index
        %swap3A_1181 = tpu.vector_load %arg5[%swap3A_1180] masked %and3A_1179 {strides = array<i32>} : memref<32832xi32, #tpu.memory_space<vmem>>, vector<16xi32>, vector<16xi1>
        tpu.vector_store %arg5[%swap3A_1180], %get3A_1149 masked %and3A_1179 {strides = array<i32>} : memref<32832xi32, #tpu.memory_space<vmem>>, vector<16xi32>, vector<16xi1>
        %convert_element_type3A_1182 = arith.extui %and3A_1179 : vector<16xi1> to vector<16xi32>
        %reduce_sum3A_1183 = arith.constant true
        %reduce_sum3A_1184 = vector.broadcast %reduce_sum3A_1183 : i1 to vector<16xi1>
        %reduce_sum3A_1185 = tpu.scan <sum>, %convert_element_type3A_1182 masked %reduce_sum3A_1184 : vector<16xi32>, vector<16xi1> -> vector<16xi32>
        %reduce_sum3A_1186 = vector.extract %reduce_sum3A_1185[15] : i32 from vector<16xi32>
        %add3A_1187 = arith.addi %add3A_1135, %reduce_sum3A_1186 : i32
        %convert_element_type3A_1188 = arith.extui %and3A_1174 : vector<16xi1> to vector<16xi32>
        %reduce_sum3A_1189 = arith.constant true
        %reduce_sum3A_1190 = vector.broadcast %reduce_sum3A_1189 : i1 to vector<16xi1>
        %reduce_sum3A_1191 = tpu.scan <sum>, %convert_element_type3A_1188 masked %reduce_sum3A_1190 : vector<16xi32>, vector<16xi1> -> vector<16xi32>
        %reduce_sum3A_1192 = vector.extract %reduce_sum3A_1191[15] : i32 from vector<16xi32>
        %add3A_1193 = arith.addi %add3A_1141, %reduce_sum3A_1192 : i32
        scf.yield %add3A_1187, %add3A_1193 : i32, i32
      }
      %while3A_1042 = arith.constant 1 : i32
      %while3A_1043:2 = scf.for %while3A_1095 = %while3A_1039 to %while3A_1035 step %while3A_1042 iter_args(%while3A_1096 = %while3A_1041#0, %while3A_1097 = %while3A_1041#1) -> (i32, i32)  : i32 {
        %mul3A_1098 = arith.constant 2 : i32
        %mul3A_1099 = arith.muli %while3A_1095, %mul3A_1098 : i32
        %add3A_1100 = arith.constant 0 : i32
        %add3A_1101 = arith.addi %mul3A_1099, %add3A_1100 : i32
        %mul3A_1102 = arith.constant 16 : i32
        %mul3A_1103 = arith.muli %add3A_1101, %mul3A_1102 : i32
        %get3A_1104 = arith.index_cast %mul3A_1103 : i32 to index
        %get3A_1105 = tpu.vector_load %arg5[%get3A_1104] {strides = array<i32>} : memref<32832xi32, #tpu.memory_space<vmem>>, vector<16xi32>,
        %add3A_1106 = vector.broadcast %mul3A_1103 : i32 to vector<16xi32>
        %add3A_1107 = arith.addi %add3A_1106, %iota3A : vector<16xi32>
        %lt3A = vector.broadcast %while3A_822#0 : i32 to vector<16xi32>
        %lt3A_1108 = arith.cmpi slt, %add3A_1107, %lt3A : vector<16xi32>
        %jit3A_1109 = arith.constant 0 : i32
        %broadcast_in_dim3A_1110 = vector.broadcast %jit3A_1109 : i32 to vector<16xi32>
        %select_n3A_1111 = arith.select %lt3A_1108, %get3A_1105, %broadcast_in_dim3A_1110 : vector<16xi1>, vector<16xi32>
        %gather3A = tpu.vector_load_idx %arg4[%select_n3A_1111] masked %lt3A_1108 : memref<32768xf32, #tpu.memory_space<vmem>>[vector<16xi32>], vector<16xf32>, vector<16xi1>
        %bitcast_convert_type3A = tpu.bitcast %gather3A : vector<16xf32> -> vector<16xi32>
        %lt3A_1112 = arith.constant 0 : i32
        %lt3A_1113 = vector.broadcast %lt3A_1112 : i32 to vector<16xi32>
        %lt3A_1114 = arith.cmpi slt, %bitcast_convert_type3A, %lt3A_1113 : vector<16xi32>
        %xor3A = arith.constant 2147483647 : i32
        %xor3A_1115 = vector.broadcast %xor3A : i32 to vector<16xi32>
        %xor3A_1116 = arith.xori %bitcast_convert_type3A, %xor3A_1115 : vector<16xi32>
        %select_n3A_1117 = arith.select %lt3A_1114, %xor3A_1116, %bitcast_convert_type3A : vector<16xi1>, vector<16xi32>
        %shift_right_arithmetic3A = arith.constant 0 : i32
        %shift_right_arithmetic3A_1118 = vector.broadcast %shift_right_arithmetic3A : i32 to vector<16xi32>
        %shift_right_arithmetic3A_1119 = arith.shrsi %select_n3A_1117, %shift_right_arithmetic3A_1118 : vector<16xi32>
        %and3A_1120 = arith.constant 255 : i32
        %and3A_1121 = vector.broadcast %and3A_1120 : i32 to vector<16xi32>
        %and3A_1122 = arith.andi %shift_right_arithmetic3A_1119, %and3A_1121 : vector<16xi32>
        %gt3A = vector.broadcast %add3A_1030 : i32 to vector<16xi32>
        %gt3A_1123 = arith.cmpi sgt, %and3A_1122, %gt3A : vector<16xi32>
        %and3A_1124 = arith.andi %lt3A_1108, %gt3A_1123 : vector<16xi1>
        %swap3A = arith.index_cast %while3A_1097 : i32 to index
        %swap3A_1125 = tpu.vector_load %arg8[%swap3A] masked %and3A_1124 {strides = array<i32>} : memref<80xi32, #tpu.memory_space<vmem>>, vector<16xi32>, vector<16xi1>
        tpu.vector_store %arg8[%swap3A], %get3A_1105 masked %and3A_1124 {strides = array<i32>} : memref<80xi32, #tpu.memory_space<vmem>>, vector<16xi32>, vector<16xi1>
        %eq3A_1126 = vector.broadcast %add3A_1030 : i32 to vector<16xi32>
        %eq3A_1127 = arith.cmpi eq, %and3A_1122, %eq3A_1126 : vector<16xi32>
        %and3A_1128 = arith.andi %lt3A_1108, %eq3A_1127 : vector<16xi1>
        %swap3A_1129 = arith.index_cast %while3A_1096 : i32 to index
        %swap3A_1130 = tpu.vector_load %arg5[%swap3A_1129] masked %and3A_1128 {strides = array<i32>} : memref<32832xi32, #tpu.memory_space<vmem>>, vector<16xi32>, vector<16xi1>
        tpu.vector_store %arg5[%swap3A_1129], %get3A_1105 masked %and3A_1128 {strides = array<i32>} : memref<32832xi32, #tpu.memory_space<vmem>>, vector<16xi32>, vector<16xi1>
        %convert_element_type3A = arith.extui %and3A_1128 : vector<16xi1> to vector<16xi32>
        %reduce_sum3A_1131 = arith.constant true
        %reduce_sum3A_1132 = vector.broadcast %reduce_sum3A_1131 : i1 to vector<16xi1>
        %reduce_sum3A_1133 = tpu.scan <sum>, %convert_element_type3A masked %reduce_sum3A_1132 : vector<16xi32>, vector<16xi1> -> vector<16xi32>
        %reduce_sum3A_1134 = vector.extract %reduce_sum3A_1133[15] : i32 from vector<16xi32>
        %add3A_1135 = arith.addi %while3A_1096, %reduce_sum3A_1134 : i32
        %convert_element_type3A_1136 = arith.extui %and3A_1124 : vector<16xi1> to vector<16xi32>
        %reduce_sum3A_1137 = arith.constant true
        %reduce_sum3A_1138 = vector.broadcast %reduce_sum3A_1137 : i1 to vector<16xi1>
        %reduce_sum3A_1139 = tpu.scan <sum>, %convert_element_type3A_1136 masked %reduce_sum3A_1138 : vector<16xi32>, vector<16xi1> -> vector<16xi32>
        %reduce_sum3A_1140 = vector.extract %reduce_sum3A_1139[15] : i32 from vector<16xi32>
        %add3A_1141 = arith.addi %while3A_1097, %reduce_sum3A_1140 : i32
        %mul3A_1142 = arith.constant 2 : i32
        %mul3A_1143 = arith.muli %while3A_1095, %mul3A_1142 : i32
        %add3A_1144 = arith.constant 1 : i32
        %add3A_1145 = arith.addi %mul3A_1143, %add3A_1144 : i32
        %mul3A_1146 = arith.constant 16 : i32
        %mul3A_1147 = arith.muli %add3A_1145, %mul3A_1146 : i32
        %get3A_1148 = arith.index_cast %mul3A_1147 : i32 to index
        %get3A_1149 = tpu.vector_load %arg5[%get3A_1148] {strides = array<i32>} : memref<32832xi32, #tpu.memory_space<vmem>>, vector<16xi32>,
        %add3A_1150 = vector.broadcast %mul3A_1147 : i32 to vector<16xi32>
        %add3A_1151 = arith.addi %add3A_1150, %iota3A : vector<16xi32>
        %lt3A_1152 = vector.broadcast %while3A_822#0 : i32 to vector<16xi32>
        %lt3A_1153 = arith.cmpi slt, %add3A_1151, %lt3A_1152 : vector<16xi32>
        %jit3A_1154 = arith.constant 0 : i32
        %broadcast_in_dim3A_1155 = vector.broadcast %jit3A_1154 : i32 to vector<16xi32>
        %select_n3A_1156 = arith.select %lt3A_1153, %get3A_1149, %broadcast_in_dim3A_1155 : vector<16xi1>, vector<16xi32>
        %gather3A_1157 = tpu.vector_load_idx %arg4[%select_n3A_1156] masked %lt3A_1153 : memref<32768xf32, #tpu.memory_space<vmem>>[vector<16xi32>], vector<16xf32>, vector<16xi1>
        %bitcast_convert_type3A_1158 = tpu.bitcast %gather3A_1157 : vector<16xf32> -> vector<16xi32>
        %lt3A_1159 = arith.constant 0 : i32
        %lt3A_1160 = vector.broadcast %lt3A_1159 : i32 to vector<16xi32>
        %lt3A_1161 = arith.cmpi slt, %bitcast_convert_type3A_1158, %lt3A_1160 : vector<16xi32>
        %xor3A_1162 = arith.constant 2147483647 : i32
        %xor3A_1163 = vector.broadcast %xor3A_1162 : i32 to vector<16xi32>
        %xor3A_1164 = arith.xori %bitcast_convert_type3A_1158, %xor3A_1163 : vector<16xi32>
        %select_n3A_1165 = arith.select %lt3A_1161, %xor3A_1164, %bitcast_convert_type3A_1158 : vector<16xi1>, vector<16xi32>
        %shift_right_arithmetic3A_1166 = arith.constant 0 : i32
        %shift_right_arithmetic3A_1167 = vector.broadcast %shift_right_arithmetic3A_1166 : i32 to vector<16xi32>
        %shift_right_arithmetic3A_1168 = arith.shrsi %select_n3A_1165, %shift_right_arithmetic3A_1167 : vector<16xi32>
        %and3A_1169 = arith.constant 255 : i32
        %and3A_1170 = vector.broadcast %and3A_1169 : i32 to vector<16xi32>
        %and3A_1171 = arith.andi %shift_right_arithmetic3A_1168, %and3A_1170 : vector<16xi32>
        %gt3A_1172 = vector.broadcast %add3A_1030 : i32 to vector<16xi32>
        %gt3A_1173 = arith.cmpi sgt, %and3A_1171, %gt3A_1172 : vector<16xi32>
        %and3A_1174 = arith.andi %lt3A_1153, %gt3A_1173 : vector<16xi1>
        %swap3A_1175 = arith.index_cast %add3A_1141 : i32 to index
        %swap3A_1176 = tpu.vector_load %arg8[%swap3A_1175] masked %and3A_1174 {strides = array<i32>} : memref<80xi32, #tpu.memory_space<vmem>>, vector<16xi32>, vector<16xi1>
        tpu.vector_store %arg8[%swap3A_1175], %get3A_1149 masked %and3A_1174 {strides = array<i32>} : memref<80xi32, #tpu.memory_space<vmem>>, vector<16xi32>, vector<16xi1>
        %eq3A_1177 = vector.broadcast %add3A_1030 : i32 to vector<16xi32>
        %eq3A_1178 = arith.cmpi eq, %and3A_1171, %eq3A_1177 : vector<16xi32>
        %and3A_1179 = arith.andi %lt3A_1153, %eq3A_1178 : vector<16xi1>
        %swap3A_1180 = arith.index_cast %add3A_1135 : i32 to index
        %swap3A_1181 = tpu.vector_load %arg5[%swap3A_1180] masked %and3A_1179 {strides = array<i32>} : memref<32832xi32, #tpu.memory_space<vmem>>, vector<16xi32>, vector<16xi1>
        tpu.vector_store %arg5[%swap3A_1180], %get3A_1149 masked %and3A_1179 {strides = array<i32>} : memref<32832xi32, #tpu.memory_space<vmem>>, vector<16xi32>, vector<16xi1>
        %convert_element_type3A_1182 = arith.extui %and3A_1179 : vector<16xi1> to vector<16xi32>
        %reduce_sum3A_1183 = arith.constant true
        %reduce_sum3A_1184 = vector.broadcast %reduce_sum3A_1183 : i1 to vector<16xi1>
        %reduce_sum3A_1185 = tpu.scan <sum>, %convert_element_type3A_1182 masked %reduce_sum3A_1184 : vector<16xi32>, vector<16xi1> -> vector<16xi32>
        %reduce_sum3A_1186 = vector.extract %reduce_sum3A_1185[15] : i32 from vector<16xi32>
        %add3A_1187 = arith.addi %add3A_1135, %reduce_sum3A_1186 : i32
        %convert_element_type3A_1188 = arith.extui %and3A_1174 : vector<16xi1> to vector<16xi32>
        %reduce_sum3A_1189 = arith.constant true
        %reduce_sum3A_1190 = vector.broadcast %reduce_sum3A_1189 : i1 to vector<16xi1>
        %reduce_sum3A_1191 = tpu.scan <sum>, %convert_element_type3A_1188 masked %reduce_sum3A_1190 : vector<16xi32>, vector<16xi1> -> vector<16xi32>
        %reduce_sum3A_1192 = vector.extract %reduce_sum3A_1191[15] : i32 from vector<16xi32>
        %add3A_1193 = arith.addi %add3A_1141, %reduce_sum3A_1192 : i32
        scf.yield %add3A_1187, %add3A_1193 : i32, i32
      }
      %add3A_1044 = arith.constant 15 : i32
      %add3A_1045 = arith.addi %sub3A_1031, %add3A_1044 : i32
      %jit3A_1046 = arith.constant 16 : i32
      %div3A_1047 = arith.divsi %add3A_1045, %jit3A_1046 : i32
      %sign3A_1048 = arith.constant 0 : i32
      %sign3A_1049 = arith.cmpi sgt, %add3A_1045, %sign3A_1048 : i32
      %sign3A_1050 = arith.extui %sign3A_1049 : i1 to i32
      %sign3A_1051 = arith.constant 0 : i32
      %sign3A_1052 = arith.cmpi slt, %add3A_1045, %sign3A_1051 : i32
      %sign3A_1053 = arith.extui %sign3A_1052 : i1 to i32
      %sign3A_1054 = arith.subi %sign3A_1050, %sign3A_1053 : i32
      %sign3A_1055 = arith.constant 0 : i32
      %sign3A_1056 = arith.cmpi sgt, %jit3A_1046, %sign3A_1055 : i32
      %sign3A_1057 = arith.extui %sign3A_1056 : i1 to i32
      %sign3A_1058 = arith.constant 0 : i32
      %sign3A_1059 = arith.cmpi slt, %jit3A_1046, %sign3A_1058 : i32
      %sign3A_1060 = arith.extui %sign3A_1059 : i1 to i32
      %sign3A_1061 = arith.subi %sign3A_1057, %sign3A_1060 : i32
      %ne3A_1062 = arith.cmpi ne, %sign3A_1054, %sign3A_1061 : i32
      %rem3A_1063 = arith.remsi %add3A_1045, %jit3A_1046 : i32
      %ne3A_1064 = arith.constant 0 : i32
      %ne3A_1065 = arith.cmpi ne, %rem3A_1063, %ne3A_1064 : i32
      %and3A_1066 = arith.andi %ne3A_1062, %ne3A_1065 : i1
      %sub3A_1067 = arith.constant 1 : i32
      %sub3A_1068 = arith.subi %div3A_1047, %sub3A_1067 : i32
      %select_n3A_1069 = arith.select %and3A_1066, %sub3A_1068, %div3A_1047 : i32
      %while3A_1070 = arith.constant 0 : i32
      %while3A_1071 = arith.subi %select_n3A_1069, %while3A_1070 : i32
      %while3A_1072 = arith.addi %while3A_1070, %while3A_1071 : i32
      %while3A_1073 = arith.constant 1 : i32
      %while3A_1074 = arith.divsi %while3A_1071, %while3A_1073 : i32
      %while3A_1075 = arith.muli %while3A_1074, %while3A_1073 : i32
      %while3A_1076 = arith.addi %while3A_1070, %while3A_1075 : i32
      %while3A_1077 = arith.constant 1 : i32
      %while3A_1078 = scf.for %while3A_1095 = %while3A_1070 to %while3A_1076 step %while3A_1077 iter_args(%while3A_1096 = %while3A_1043#1) -> (i32)  : i32 {
        %mul3A_1097 = arith.constant 16 : i32
        %mul3A_1098 = arith.muli %while3A_1095, %mul3A_1097 : i32
        %get3A_1099 = arith.index_cast %mul3A_1098 : i32 to index
        %get3A_1100 = tpu.vector_load %arg5[%get3A_1099] {strides = array<i32>} : memref<32832xi32, #tpu.memory_space<vmem>>, vector<16xi32>,
        %mul3A_1101 = arith.constant 16 : i32
        %mul3A_1102 = arith.muli %while3A_1095, %mul3A_1101 : i32
        %add3A_1103 = vector.broadcast %mul3A_1102 : i32 to vector<16xi32>
        %add3A_1104 = arith.addi %add3A_1103, %iota3A : vector<16xi32>
        %lt3A = vector.broadcast %sub3A_1031 : i32 to vector<16xi32>
        %lt3A_1105 = arith.cmpi slt, %add3A_1104, %lt3A : vector<16xi32>
        %swap3A = arith.index_cast %while3A_1096 : i32 to index
        %swap3A_1106 = tpu.vector_load %arg8[%swap3A] masked %lt3A_1105 {strides = array<i32>} : memref<80xi32, #tpu.memory_space<vmem>>, vector<16xi32>, vector<16xi1>
        tpu.vector_store %arg8[%swap3A], %get3A_1100 masked %lt3A_1105 {strides = array<i32>} : memref<80xi32, #tpu.memory_space<vmem>>, vector<16xi32>, vector<16xi1>
        %convert_element_type3A = arith.extui %lt3A_1105 : vector<16xi1> to vector<16xi32>
        %reduce_sum3A_1107 = arith.constant true
        %reduce_sum3A_1108 = vector.broadcast %reduce_sum3A_1107 : i1 to vector<16xi1>
        %reduce_sum3A_1109 = tpu.scan <sum>, %convert_element_type3A masked %reduce_sum3A_1108 : vector<16xi32>, vector<16xi1> -> vector<16xi32>
        %reduce_sum3A_1110 = vector.extract %reduce_sum3A_1109[15] : i32 from vector<16xi32>
        %add3A_1111 = arith.addi %while3A_1096, %reduce_sum3A_1110 : i32
        scf.yield %add3A_1111 : i32
      }
      %while3A_1079 = arith.constant 1 : i32
      %while3A_1080 = scf.for %while3A_1095 = %while3A_1076 to %while3A_1072 step %while3A_1079 iter_args(%while3A_1096 = %while3A_1078) -> (i32)  : i32 {
        %mul3A_1097 = arith.constant 16 : i32
        %mul3A_1098 = arith.muli %while3A_1095, %mul3A_1097 : i32
        %get3A_1099 = arith.index_cast %mul3A_1098 : i32 to index
        %get3A_1100 = tpu.vector_load %arg5[%get3A_1099] {strides = array<i32>} : memref<32832xi32, #tpu.memory_space<vmem>>, vector<16xi32>,
        %mul3A_1101 = arith.constant 16 : i32
        %mul3A_1102 = arith.muli %while3A_1095, %mul3A_1101 : i32
        %add3A_1103 = vector.broadcast %mul3A_1102 : i32 to vector<16xi32>
        %add3A_1104 = arith.addi %add3A_1103, %iota3A : vector<16xi32>
        %lt3A = vector.broadcast %sub3A_1031 : i32 to vector<16xi32>
        %lt3A_1105 = arith.cmpi slt, %add3A_1104, %lt3A : vector<16xi32>
        %swap3A = arith.index_cast %while3A_1096 : i32 to index
        %swap3A_1106 = tpu.vector_load %arg8[%swap3A] masked %lt3A_1105 {strides = array<i32>} : memref<80xi32, #tpu.memory_space<vmem>>, vector<16xi32>, vector<16xi1>
        tpu.vector_store %arg8[%swap3A], %get3A_1100 masked %lt3A_1105 {strides = array<i32>} : memref<80xi32, #tpu.memory_space<vmem>>, vector<16xi32>, vector<16xi1>
        %convert_element_type3A = arith.extui %lt3A_1105 : vector<16xi1> to vector<16xi32>
        %reduce_sum3A_1107 = arith.constant true
        %reduce_sum3A_1108 = vector.broadcast %reduce_sum3A_1107 : i1 to vector<16xi1>
        %reduce_sum3A_1109 = tpu.scan <sum>, %convert_element_type3A masked %reduce_sum3A_1108 : vector<16xi32>, vector<16xi1> -> vector<16xi32>
        %reduce_sum3A_1110 = vector.extract %reduce_sum3A_1109[15] : i32 from vector<16xi32>
        %add3A_1111 = arith.addi %while3A_1096, %reduce_sum3A_1110 : i32
        scf.yield %add3A_1111 : i32
      }
      %scan3A_1081 = arith.constant 0 : i32
      %scan3A_1082 = arith.constant 0 : i32
      %scan3A_1083 = arith.constant 4 : i32
      %scan3A_1084 = arith.addi %scan3A_1082, %scan3A_1083 : i32
      %scan3A_1085 = arith.constant 1 : i32
      scf.for %scan3A_1095 = %scan3A_1082 to %scan3A_1084 step %scan3A_1085  : i32 {
        %mul3A_1096 = arith.constant 16 : i32
        %mul3A_1097 = arith.muli %scan3A_1095, %mul3A_1096 : i32
        %get3A_1098 = arith.index_cast %mul3A_1097 : i32 to index
        %get3A_1099 = tpu.vector_load %arg8[%get3A_1098] {strides = array<i32>} : memref<80xi32, #tpu.memory_space<vmem>>, vector<16xi32>,
        %gather3A = tpu.vector_load_idx %arg4[%get3A_1099] : memref<32768xf32, #tpu.memory_space<vmem>>[vector<16xi32>], vector<16xf32>,
        %neg3A = arith.constant 0.000000e+00 : f32
        %neg3A_1100 = vector.broadcast %neg3A : f32 to vector<16xf32>
        %neg3A_1101 = arith.subf %neg3A_1100, %gather3A : vector<16xf32>
        %exp3A = math.exp %neg3A_1101 : vector<16xf32>
        %add3A_1102 = arith.constant 1.000000e+00 : f32
        %add3A_1103 = vector.broadcast %add3A_1102 : f32 to vector<16xf32>
        %add3A_1104 = arith.addf %add3A_1103, %exp3A : vector<16xf32>
        %div3A_1105 = arith.constant 1.000000e+00 : f32
        %div3A_1106 = vector.broadcast %div3A_1105 : f32 to vector<16xf32>
        %div3A_1107 = arith.divf %div3A_1106, %add3A_1104 : vector<16xf32>
        tpu.vector_store_idx %arg6[%get3A_1099], %div3A_1107 : memref<32768xf32, #tpu.memory_space<vmem>>[vector<16xi32>], vector<16xf32>,
      }
      %scan3A_1086 = arith.constant 4 : i32
      "tpu.region"() ({
        %run_scoped3A = tpu.sem_alloc : memref<!tpu.dma_semaphore, #tpu.memory_space<semaphore_mem>>
        %dma_start3A = arith.constant 0 : i32
        %dma_start3A_1095 = tpu.memref_slice %arg3[%scan3A_14, %dma_start3A] : memref<128x32768xf32, #tpu.memory_space<hbm>> -> memref<1x32768xf32, #tpu.memory_space<hbm>>
        %dma_start3A_1096 = tpu.memref_squeeze %dma_start3A_1095 : memref<1x32768xf32, #tpu.memory_space<hbm>> -> memref<32768xf32, #tpu.memory_space<hbm>>
        %dma_start3A_1097 = arith.constant 0 : i32
        %dma_start3A_1098 = tpu.memref_slice %arg3[%scan3A_14, %dma_start3A_1097] : memref<128x32768xf32, #tpu.memory_space<hbm>> -> memref<1x32768xf32, #tpu.memory_space<hbm>>
        %dma_start3A_1099 = tpu.memref_squeeze %dma_start3A_1098 : memref<1x32768xf32, #tpu.memory_space<hbm>> -> memref<32768xf32, #tpu.memory_space<hbm>>
        tpu.enqueue_dma source(%arg6 : memref<32768xf32, #tpu.memory_space<vmem>>) target(%dma_start3A_1099 : memref<32768xf32, #tpu.memory_space<hbm>>) target_semaphore(%run_scoped3A : memref<!tpu.dma_semaphore, #tpu.memory_space<semaphore_mem>>)
        %dma_wait3A = arith.constant 0 : i32
        %dma_wait3A_1100 = tpu.memref_slice %arg3[%scan3A_14, %dma_wait3A] : memref<128x32768xf32, #tpu.memory_space<hbm>> -> memref<1x32768xf32, #tpu.memory_space<hbm>>
        %dma_wait3A_1101 = tpu.memref_squeeze %dma_wait3A_1100 : memref<1x32768xf32, #tpu.memory_space<hbm>> -> memref<32768xf32, #tpu.memory_space<hbm>>
        %dma_wait3A_1102 = arith.constant 0 : i32
        %dma_wait3A_1103 = tpu.memref_slice %arg3[%scan3A_14, %dma_wait3A_1102] : memref<128x32768xf32, #tpu.memory_space<hbm>> -> memref<1x32768xf32, #tpu.memory_space<hbm>>
        %dma_wait3A_1104 = tpu.memref_squeeze %dma_wait3A_1103 : memref<1x32768xf32, #tpu.memory_space<hbm>> -> memref<32768xf32, #tpu.memory_space<hbm>>
        tpu.wait_dma2 semaphore(%run_scoped3A : memref<!tpu.dma_semaphore, #tpu.memory_space<semaphore_mem>>) src(%arg6 : memref<32768xf32, #tpu.memory_space<vmem>>) dst(%dma_wait3A_1104 : memref<32768xf32, #tpu.memory_space<hbm>>)
        tpu.yield
      }) : () -> ()
      %scan3A_1087 = arith.constant 0 : i32
      %scan3A_1088 = arith.constant 0 : i32
      %scan3A_1089 = arith.constant 4 : i32
      %scan3A_1090 = arith.addi %scan3A_1088, %scan3A_1089 : i32
      %scan3A_1091 = arith.constant 1 : i32
      scf.for %scan3A_1095 = %scan3A_1088 to %scan3A_1090 step %scan3A_1091  : i32 {
        %mul3A_1096 = arith.constant 16 : i32
        %mul3A_1097 = arith.muli %scan3A_1095, %mul3A_1096 : i32
        %get3A_1098 = arith.index_cast %mul3A_1097 : i32 to index
        %get3A_1099 = tpu.vector_load %arg8[%get3A_1098] {strides = array<i32>} : memref<80xi32, #tpu.memory_space<vmem>>, vector<16xi32>,
        tpu.vector_store_idx %arg6[%get3A_1099], %broadcast_in_dim3A_2 : memref<32768xf32, #tpu.memory_space<vmem>>[vector<16xi32>], vector<16xf32>,
      }
      %scan3A_1092 = arith.constant 4 : i32
      %add3A_1093 = arith.constant 1 : i32
      %add3A_1094 = arith.addi %scan3A_14, %add3A_1093 : i32
      scf.yield %add3A_1094 : i32
    }
    %scan3A_12 = arith.constant 4 : i32
    return
  }
}

</mosaic_0001>

<sc_bundles>
// kernel: kernel.3.cloned.1.call-start
scs
__scs_entry_jumppad:
0x0: {  	(pc) =	sbr.rel $0x88, $3  }
0x1: {  	(tag) =	ssettag $0x0;
	lr =	simm.s32 $0x1  }
0x2: {  	[smem:$0x3FA0] =	sst lr;
	_ =	strace $0xD0000000  }
0x3: {  	_ = 	snop  }
0x4: {  	_ = 	snop  }
0x5: {  	_ = 	snop  }
0x6: {  	_ = 	snop  }
0x7: {  	_ = 	snop  }
__scs_overlays_trampoline_lowered:
0x8: {  	[smem:$0x3FAF] =	sst s0  }
0x9: {  	[smem:$0x3FB0] =	sst s1  }
0xa: {  	[smem:$0x3FB1] =	sst s2  }
0xb: {  	[smem:$0x3FB2] =	sst s3  }
0xc: {  	[smem:$0x3FB3] =	sst s4  }
0xd: {  	[smem:$0x3FB4] =	sst s5  }
0xe: {  	[smem:$0x3FB5] =	sst s6  }
0xf: {  	[smem:$0x3FB6] =	sst s7  }
0x10: {  	[smem:$0x3FB7] =	sst s8  }
0x11: {  	[smem:$0x3FB8] =	sst s9;
	s0 =	simm.s32 @!p0 $0x0  }
0x12: {  	s1 =	sld [smem:$0x3F9E];
	s0 =	simm.s32 @p0 $0x1  }
0x13: {  	[smem:$0x3FB9] =	sst s0;
	s0 =	simm.s32 @!p1 $0x0  }
0x14: {  	s2 =	sld [smem:$0x3F9D];
	s0 =	simm.s32 @p1 $0x1  }
0x15: {  	[smem:$0x3FBA] =	sst s0;
	s0 =	simm.s32 @!p2 $0x0  }
0x16: {  	s3 =	sld [smem:$0x3FDB];
	s0 =	simm.s32 @p2 $0x1  }
0x17: {  	s4 =	simm.s32 $0x1BF5;
	[smem:$0x3FBC] =	sst s0  }
0x18: {  	s0 =	sld [smem:$0x3F9F];
	_ =	swait.ge [sflag:s4], $0x0  }
0x19: {  	s7 =	sld [smem:$0x3FA0]  }
0x1a: {  	s8 =	sadd.s32 $0xFFFFE003, lr  }
0x1b: {  	s9 =	sadd.s32 $0xFFFFFEF7, lr;
	s5 =	simm.s32 $0xFFFFFFFF;
	p2 =	slt.u32 s8, $0xFFFFF086  }
0x1c: {  	p1 =	slt.u32 s9, $0xF7A;
	s5 =	simm.s32 @!p2 $0x0  }
0x1d: {  	s5 =	simm.s32 @p1 $0x1;
	p0 =	seq.s32 s7, s2  }
0x1e: {  	s7 =	smul.u32 @!p0 $0xF7A, s2;
	p2 =	seq.s32 @!p0 s5, $0x0  }
0x1f: {  	s9 =	smul.u32 $0xF7A, s1;
	s8 =	simm.s32 @!p0 $0x1BF5;
	p2 =	por !p2, p0  }
0x20: {  	[sflag:s8] =	ssyncset.s32 @!p0 $0xFFFFF086;
	s6 =	sadd.s32 @!p0 s3, s7;
	s7 =	simm.s32 @!p0 $0x108  }
0x21: {  	s3 =	sadd.s32 s3, s9;
	s6 =	sadd.s32 @!p0 $0x88, s6;
	s7 =	simm.s32 @p2 $0x1082  }
0x22: {  	[simem:s7], [sflag:s8] =	dma.local @!p0 [hbm:s6], $0xF7A  }
0x23: {  	s9 =	sor.u32 $0xD0000000, s2;
	s6 =	simm.s32 $0x108;
	_ =	swait.ge @!p0 [sflag:s8], $0x0  }
0x24: {  	s3 =	sadd.s32 $0x88, s3;
	s6 =	simm.s32 @!p1 $0x1082;
	[sflag:s4] =	ssyncset.s32 $0xFFFFF086  }
0x25: {  	[simem:s6], [sflag:s4] =	dma.local [hbm:s3], $0xF7A  }
0x26: {  	[smem:$0x3FA0] =	sst s1;
	(tag) =	ssettag s2;
	_ =	strace s9  }
0x27: {  	s1 =	sld [smem:$0x3FB0]  }
0x28: {  	s2 =	sld [smem:$0x3FB1]  }
0x29: {  	s4 =	sld [smem:$0x3FB3]  }
0x2a: {  	p0 =	seq.s32 s5, $0x0;
	s5 =	sld [smem:$0x3FB4]  }
0x2b: {  	s6 =	sld [smem:$0x3FB5]  }
0x2c: {  	s7 =	sld [smem:$0x3FB6]  }
0x2d: {  	s3 =	simm.s32 $0x108;
	s8 =	sld [smem:$0x3FB7]  }
0x2e: {  	s3 =	simm.s32 @!p0 $0x1082;
	s9 =	sld [smem:$0x3FB8]  }
0x2f: {  	lr =	sadd.s32 s0, s3;
	s0 =	sld [smem:$0x3FAF]  }
0x30: {  	s3 =	sld [smem:$0x3FB2]  }
0x31: {  	[smem:$0x3FBB] =	sst s10  }
0x32: {  	s10 =	sld [smem:$0x3FB9];
	_ =	sdelay $0x3  }
0x33: {  	p0 =	seq.s32 s10, $0x1;
	s10 =	sld [smem:$0x3FBB];
	_ =	sdelay $0x3  }
0x34: {  	[smem:$0x3FBB] =	sst s10  }
0x35: {  	s10 =	sld [smem:$0x3FBA];
	_ =	sdelay $0x3  }
0x36: {  	p1 =	seq.s32 s10, $0x1;
	s10 =	sld [smem:$0x3FBB];
	_ =	sdelay $0x3  }
0x37: {  	[smem:$0x3FBB] =	sst s10  }
0x38: {  	s10 =	sld [smem:$0x3FBC]  }
0x39: {  	_ = 	snop;
	(pc) =	sbr.ind lr, $3  }
0x3a: {  	_ = 	snop  }
0x3b: {  	_ = 	snop  }
0x3c: {  	p2 =	seq.s32 s10, $0x1;
	s10 =	sld [smem:$0x3FBB]  }
0x3d: {  	_ =	shalt  }
0x3e: {  	_ =	shalt  }
0x3f: {  	_ =	shalt  }
0x40: {  	_ =	shalt  }
0x41: {  	_ =	shalt  }
0x42: {  	_ =	shalt  }
0x43: {  	_ =	shalt  }
0x44: {  	_ =	shalt  }
0x45: {  	_ =	shalt  }
0x46: {  	_ =	shalt  }
0x47: {  	_ =	shalt  }
0x48: {  	_ =	shalt  }
0x49: {  	_ =	shalt  }
0x4a: {  	_ =	shalt  }
0x4b: {  	_ =	shalt  }
0x4c: {  	_ =	shalt  }
0x4d: {  	_ =	shalt  }
0x4e: {  	_ =	shalt  }
0x4f: {  	_ =	shalt  }
0x50: {  	_ =	shalt  }
0x51: {  	_ =	shalt  }
0x52: {  	_ =	shalt  }
0x53: {  	_ =	shalt  }
0x54: {  	_ =	shalt  }
0x55: {  	_ =	shalt  }
0x56: {  	_ =	shalt  }
0x57: {  	_ =	shalt  }
0x58: {  	_ =	shalt  }
0x59: {  	_ =	shalt  }
0x5a: {  	_ =	shalt  }
0x5b: {  	_ =	shalt  }
0x5c: {  	_ =	shalt  }
0x5d: {  	_ =	shalt  }
0x5e: {  	_ =	shalt  }
0x5f: {  	_ =	shalt  }
0x60: {  	_ =	shalt  }
0x61: {  	_ =	shalt  }
0x62: {  	_ =	shalt  }
0x63: {  	_ =	shalt  }
0x64: {  	_ =	shalt  }
0x65: {  	_ =	shalt  }
0x66: {  	_ =	shalt  }
0x67: {  	_ =	shalt  }
0x68: {  	_ =	shalt  }
0x69: {  	_ =	shalt  }
0x6a: {  	_ =	shalt  }
0x6b: {  	_ =	shalt  }
0x6c: {  	_ =	shalt  }
0x6d: {  	_ =	shalt  }
0x6e: {  	_ =	shalt  }
0x6f: {  	_ =	shalt  }
0x70: {  	_ =	shalt  }
0x71: {  	_ =	shalt  }
0x72: {  	_ =	shalt  }
0x73: {  	_ =	shalt  }
0x74: {  	_ =	shalt  }
0x75: {  	_ =	shalt  }
0x76: {  	_ =	shalt  }
0x77: {  	_ =	shalt  }
0x78: {  	_ =	shalt  }
0x79: {  	_ =	shalt  }
0x7a: {  	_ =	shalt  }
0x7b: {  	_ =	shalt  }
0x7c: {  	_ =	shalt  }
0x7d: {  	_ =	shalt  }
0x7e: {  	_ =	shalt  }
0x7f: {  	_ =	shalt  }
0x80: {  	_ =	shalt  }
0x81: {  	_ =	shalt  }
0x82: {  	_ =	shalt  }
0x83: {  	_ =	shalt  }
0x84: {  	_ =	shalt  }
0x85: {  	_ =	shalt  }
0x86: {  	_ =	shalt  }
0x87: {  	_ =	shalt  }
.Lfunc_end0:
.L_simem_size_0:
called_computation_lowered:
.L_overlay_start_0:
0x88: {  	s2 =	sld [smem:$0x3FD9]  }
0x89: {  	s3 =	sld [smem:$0x3FFE];
	_ =	sdelay $0x1  }
0x8a: {  	s1 =	srdreg.scid  }
0x8b: {  	s0 =	sand.u32 $0x1, s1  }
0x8c: {  	s18 =	sshll.u32 s0, $0xA;
	s2 =	sadd.s32 s3, s2  }
0x8d: {  	s2 =	sadd.s32 s2, s18  }
0x8e: {  	[smem:$0x3FC7] =	sst s2  }
0x8f: {  	_ = 	snop  }
0x90: {  	s2 =	sld [smem:$0x3FC9]  }
0x91: {  	s19 =	sld [smem:$0x3FD0];
	(tm) =	ssettm $0x1  }
0x92: {  	s4 =	sld [smem:$0x3FFB];
	_ =	sdelay $0x3  }
0x93: {  	_ =	strace s4  }
0x94: {  	s4 =	sld [smem:$0x3FFC];
	_ =	sdelay $0x3  }
0x95: {  	_ =	strace s4  }
0x96: {  	s4 =	sld [smem:$0x3FFD];
	_ =	sdelay $0x3  }
0x97: {  	_ =	strace s4  }
0x98: {  	_ =	strace $0x8FFFFFFF  }
0x99: {  	s20 =	sld [smem:$0x3FDB];
	_ =	sdelay $0x1  }
0x9a: {  	s5 =	simm.s32 $_scs_section_size  }
0x9b: {  	s6 =	simm.s32 $_size__tile_overlayer_lowered;
	s7 =	simm.s32 $_tile_overlayer_lowered  }
0x9c: {  	s23 =	simm.s32 $0x1BFF;
	s22 =	sshll.u32 s7, $0x1;
	s4 =	sadd.s32 s5, s20  }
0x9d: {  	s8 =	simm.s32 $0x0;
	s21 =	sshll.u32 s6, $0x1;
	s6 =	sadd.s32 s22, s4  }
0x9e: {  	[timem:s8], [sflag:s23] =	dma.local [hbm:s6], s21  }
0x9f: {  	_ =	swait.ge [sflag:s23], s21  }
0xa0: {  	s5 =	ssub.s32 $0x0, s21;
	[sflag:s23] =	ssyncset.done $0x0  }
0xa1: {  	[sflag:s23] =	ssyncadd.s32 s5;
	_ =	sdelay $0x1  }
0xa2: {  	s24 =	simm.s32 $0x1B8B  }
0xa3: {  	_ =	swait.ge [sflag:s24], $0x1  }
0xa4: {  	[sflag:s24] =	ssyncset.done $0x0  }
0xa5: {  	s25 =	simm.s32 $0x1B8E;
	[sflag:s24] =	ssyncadd.s32 $0xFFFFFFFF  }
0xa6: {  	s26 =	simm.s32 $execute0_lowered;
	[smem:$0x3FD2] =	sst s25  }
0xa7: {  	s5 =	sshll.u32 s26, $0x1;
	_ =	strace $0x80000046;
	[dreg:$0x1] =	wrdreg $0xFFFFFFFF  }
0xa8: {  	s28 =	simm.s32 $_size_execute0_lowered;
	s4 =	sadd.s32 s4, s5;
	[dreg:$0x0] =	wrdreg $0x0  }
0xa9: {  	s5 =	sshll.u32 s28, $0x1;
	[dreg:$0x2] =	wrdreg s4  }
0xaa: {  	[dreg:$0x3] =	wrdreg s5  }
0xab: {  	[dreg:$0x4] =	wrdreg $0xC0  }
0xac: {  	_ =	task [dreg:s8], $0x5FFFF  }
0xad: {  	[dreg:$0x1] =	wrdreg $0xFFFFFFFF  }
0xae: {  	[dreg:$0x0] =	wrdreg $0x60  }
0xaf: {  	[dreg:$0x2] =	wrdreg s2  }
0xb0: {  	[dreg:$0x3] =	wrdreg s19  }
0xb1: {  	[dreg:$0x4] =	wrdreg $0x9  }
0xb2: {  	_ =	task.clear_ibuf [dreg:s8], $0x5FFFF;
	_ =	strace $0x90000046  }
0xb3: {  	s29 =	simm.s32 $0x9;
	_ =	strace $0x80000048  }
0xb4: {  	_ =	swait.ge [sflag:s29], $0x1  }
0xb5: {  	[sflag:s29] =	ssyncadd.s32 $0xFFFFFFFF  }
0xb6: {  	_ =	strace $0x90000048  }
0xb7: {  	_ =	sfence  }
0xb8: {  	s30 =	sld [smem:$0x0];
	_ =	sdelay $0x2  }
0xb9: {  	s31 =	sshll.u32 s1, $0xD;
	s1 =	sshrl.u32 s1, $0x2  }
0xba: {  	s3 =	sand.u32 $0x4000, s31;
	s1 =	sadd.s32 s1, s30  }
0xbb: {  	s0 =	sor.u32 s3, s0;
	s1 =	sshll.u32 s1, $0x11  }
0xbc: {  	s0 =	sor.u32 s1, s0  }
0xbd: {  	s0 =	sadd.s32 $0x8F2B, s0  }
0xbe: {  	[sflag:s0] =	ssyncadd.remote.s32 $0x1  }
0xbf: {  	_ =	sfence.sel $0xFFFF  }
0xc0: {  	[dreg:$0x0] =	wrdreg $0xFFFFFFFF;
	(pc) =	sbr.abs _section_cstart, $3  }
0xc1: {  	[dreg:$0x1] =	wrdreg $0xFFFFFFFF  }
0xc2: {  	_ =	task.clear_ibuf [dreg:s8], $0x2FFFF;
	_ =	strace $0x9FFFFFFF  }
0xc3: {  	(tm) =	ssettm $0x7FFFFFFF  }
tec
execute0_lowered:
.L_overlay_start_1:
0x0: {  	(tag) =	ssettag $0x1  }
0x1: {  	s1 =	rddreg [dreg:$0x0];
	s0 =	srdreg.scid  }
0x2: {  	s2 =	rddreg [dreg:$0x1];
	s4 =	simm.s32 $0x0;
	s3 =	stileid.u32  }
0x3: {  	s8 =	simm.s32 $0x400;
	s9 =	simm.s32 $0x1;
	s10 =	simm.s32 $0x18080  }
.Ltmp0:
0x4: {  	s11 =	simm.s32 $0x10080;
	s5 =	sand.u32 $0x1, s0;
	(pc) =	sbr.rel .LBB2_1-.Ltmp0, $4  }
0x5: {  	v0 =	vlaneseq.u32;
	s12 =	simm.s32 $0x0;
	s0 =	rddreg [dreg:$0x2];
	s6 =	ssub.s32 $0x2, s5  }
0x6: {  	[smem:$0x7FF] =	sst s4;
	s31 =	sshll.u32 s3, $0x3;
	v1 =	vmul.u32 $0x100, v0;
	v5 =	vmul.u32 $0xFFFFFFFF, v0;
	s7 =	sshrl.u32 s6, $0x1  }
0x7: {  	v2 =	vimm.f32 $0.0e+00;
	s5 =	sshll.u32 s5, $0x2;
	_ =	strace $0x80000047;
	s6 =	ssub.s32 s6, s7  }
0x8: {  	v3 =	vimm.s32 $0x0;
	s5 =	sor.u32 s5, s31;
	v4 =	vor.u32 $0x80, v1;
	v5 =	vadd.s32 $0xF, v5;
	s7 =	simm.s32 $0x80;
	s6 =	smax.u32 s6, $0x1  }
.LBB2_94:
0x9: {  	s12 =	sadd.s32 $0x1, s12  }
0xa: {  	p0 =	sne.s32 s12, s6  }
.Ltmp1:
0xb: {  	_ = 	snop;
	(pc) =	sbr.rel @!p0 .LBB2_95-.Ltmp1, $1  }
0xc: {  	_ =	sdelay $0x3  }
.LBB2_1:
0xd: {  	s13 =	simm.s32 $0x100C0  }
0xe: {  	[tilespmem:s13+$0xFFFFFFC0] =	vst v2  }
0xf: {  	[tilespmem:s13+$0x30] =	vst v2  }
0x10: {  	[tilespmem:s13+$0x20] =	vst v2  }
0x11: {  	[tilespmem:s13+$0x10] =	vst v2  }
0x12: {  	[tilespmem:s13+$0x0] =	vst v2  }
0x13: {  	[tilespmem:s13+$0xFFFFFFF0] =	vst v2  }
0x14: {  	s14 =	simm.s32 $0x0;
	[tilespmem:s13+$0xFFFFFFE0] =	vst v2  }
.LBB2_2:
0x15: {  	s14 =	sadd.s32 $0x8, s14;
	[tilespmem:s13+$0xFFFFFFD0] =	vst v2;
	s13 =	sadd.s32 $0x80, s13  }
0x16: {  	[tilespmem:s13+$0xFFFFFFC0] =	vst v2;
	p0 =	slt.u32 s14, $0x7F8  }
0x17: {  	[tilespmem:s13+$0x30] =	vst v2  }
.Ltmp2:
0x18: {  	[tilespmem:s13+$0x20] =	vst v2;
	(pc) =	sbr.rel @p0 .LBB2_2-.Ltmp2, $4  }
0x19: {  	[tilespmem:s13+$0x10] =	vst v2  }
0x1a: {  	[tilespmem:s13+$0x0] =	vst v2  }
0x1b: {  	[tilespmem:s13+$0xFFFFFFF0] =	vst v2  }
0x1c: {  	[tilespmem:s13+$0xFFFFFFE0] =	vst v2  }
.Ltmp3:
0x1d: {  	(pc) =	sbr.rel .LBB2_4-.Ltmp3, $2  }
0x1e: {  	_ =	sdelay $0x2  }
0x1f: {  	[tilespmem:s13+$0xFFFFFFD0] =	vst v2;
	s13 =	simm.s32 $0x0;
	s14 =	smov.u32 s5  }
.LBB2_82:
0x20: {  	s19 =	smov.u32 s16;
	s18 =	simm.s32 $0x8000  }
.LBB2_92:
0x21: {  	vm5 =	vlt.s32 v8, v6  }
0x22: {  	s20 =	spop @p3 (v2sf);
	v6 =	vsel vm5, $0x1, v3  }
0x23: {  	s19 =	sadd.s32 @p3 s19, s20;
	s20 =	smov.u32 s16;
	(xrf0) =	vadd.scan.msk.s32 $0xffff, v6  }
0x24: {  	s18 =	sadd.s32 @p2 $0x10, s18;
	s20 =	smov.u32 @p3 s19;
	s19 =	simm.s32 $0x8000  }
0x25: {  	[tilespmem:s20+$0x19080] =	vst.msk @p2 vm4, v9;
	s19 =	smov.u32 @p2 s18  }
0x26: {  	v6, _, _ =	vpop @p0 (xrf0);
	v8 =	vld @p1 [tilespmem:s19+$0x0]  }
0x27: {  	(v2sf) =	vpush @p0 v6, $0xF;
	_ =	sdelay $0x1  }
0x28: {  	s18 =	spop @p2 (v2sf);
	v6, _, _ =	vpop (xrf0)  }
0x29: {  	vm3 =	vmmov @p1 vm3;
	s18 =	sadd.s32 @p2 s20, s18;
	s20 =	smov.u32 s16;
	(v2sf) =	vpush v6, $0xF  }
0x2a: {  	vm2 =	vmmov @p1 vm3;
	s20 =	smov.u32 @p2 s18;
	s18 =	sadd.s32 @p1 $0x10, s19;
	s19 =	simm.s32 $0x8000;
	v6 =	vpsel p1, v8, v7  }
0x2b: {  	s19 =	smov.u32 @p1 s18;
	[tilespmem:s20+$0x19080] =	vst.msk @p1 vm2, v6  }
0x2c: {  	v6 =	vld @p0 [tilespmem:s19+$0x0];
	_ =	sdelay $0x1  }
0x2d: {  	vm0 =	vmmov @p0 vm0  }
0x2e: {  	vm1 =	vmmov @p0 vm0;
	s18 =	spop @p1 (v2sf)  }
0x2f: {  	vm0 =	vmmov @p0 vm1;
	s18 =	sadd.s32 @p1 s20, s18;
	s20 =	smov.u32 s16  }
0x30: {  	vm0 =	vmmov @p0 vm0;
	s20 =	smov.u32 @p1 s18;
	s18 =	sadd.s32 @p0 $0x10, s19;
	v6 =	vpsel p0, v6, v0  }
0x31: {  	s17 =	smov.u32 @p0 s18;
	[tilespmem:s20+$0x19080] =	vst.msk @p0 vm0, v6  }
0x32: {  	v6 =	vld [tilespmem:s17+$0x0];
	_ =	sdelay $0x1  }
0x33: {  	vm15 =	vmmov vm5;
	s17 =	spop @p0 (v2sf)  }
0x34: {  	vm0 =	vmmov vm15;
	s17 =	sadd.s32 @p0 s20, s17  }
0x35: {  	vm0 =	vmmov vm0;
	s16 =	smov.u32 @p0 s17  }
0x36: {  	[tilespmem:s16+$0x19080] =	vst.msk vm0, v6;
	s31 =	spop (v2sf)  }
.LBB2_93:
0x37: {  	v6 =	vld [tilespmem:$0x19080];
	_ =	sdelay $0x7  }
0x38: {  	v7 =	vld.idx.msk [tilespmem:v6+s4+$0x0], $0xffff;
	_ =	sdelay $0x4  }
0x39: {  	v7 =	vsub.f32 $0.0e+00, v7;
	_ =	sdelay $0x1  }
0x3a: {  	v7 =	vmul.f32 $1.442695020e+00, v7;
	_ =	sdelay $0x1  }
0x3b: {  	(erf) = vpow2.f32 v7;
	_ =	sdelay $0x8  }
0x3c: {  	v7 =	vpop (erf)  }
0x3d: {  	v7 =	vadd.f32 $1.000000000e+00, v7;
	_ =	sdelay $0x1  }
0x3e: {  	(erf) = vrcp.f32 v7;
	_ =	sdelay $0x8  }
0x3f: {  	v7 =	vpop (erf)  }
0x40: {  	[tilespmem:v6+s11+$0x0] =	vst.idx.msk $0xffff, v7  }
0x41: {  	v6 =	vld [tilespmem:$0x19090];
	_ =	sdelay $0x7  }
0x42: {  	v7 =	vld.idx.msk [tilespmem:v6+s4+$0x0], $0xffff;
	_ =	sdelay $0x4  }
0x43: {  	v7 =	vsub.f32 $0.0e+00, v7;
	_ =	sdelay $0x1  }
0x44: {  	v7 =	vmul.f32 $1.442695020e+00, v7;
	_ =	sdelay $0x1  }
0x45: {  	(erf) = vpow2.f32 v7;
	_ =	sdelay $0x8  }
0x46: {  	v7 =	vpop (erf)  }
0x47: {  	v7 =	vadd.f32 $1.000000000e+00, v7;
	_ =	sdelay $0x1  }
0x48: {  	(erf) = vrcp.f32 v7;
	_ =	sdelay $0x8  }
0x49: {  	v7 =	vpop (erf)  }
0x4a: {  	[tilespmem:v6+s11+$0x0] =	vst.idx.msk $0xffff, v7  }
0x4b: {  	v6 =	vld [tilespmem:$0x190A0];
	_ =	sdelay $0x7  }
0x4c: {  	v7 =	vld.idx.msk [tilespmem:v6+s4+$0x0], $0xffff;
	_ =	sdelay $0x4  }
0x4d: {  	v7 =	vsub.f32 $0.0e+00, v7;
	_ =	sdelay $0x1  }
0x4e: {  	v7 =	vmul.f32 $1.442695020e+00, v7;
	_ =	sdelay $0x1  }
0x4f: {  	(erf) = vpow2.f32 v7;
	_ =	sdelay $0x8  }
0x50: {  	v7 =	vpop (erf)  }
0x51: {  	v7 =	vadd.f32 $1.000000000e+00, v7;
	_ =	sdelay $0x1  }
0x52: {  	(erf) = vrcp.f32 v7;
	_ =	sdelay $0x8  }
0x53: {  	v7 =	vpop (erf)  }
0x54: {  	[tilespmem:v6+s11+$0x0] =	vst.idx.msk $0xffff, v7  }
0x55: {  	v6 =	vld [tilespmem:$0x190B0];
	_ =	sdelay $0x7  }
0x56: {  	v7 =	vld.idx.msk [tilespmem:v6+s4+$0x0], $0xffff;
	_ =	sdelay $0x4  }
0x57: {  	v7 =	vsub.f32 $0.0e+00, v7;
	_ =	sdelay $0x1  }
0x58: {  	v7 =	vmul.f32 $1.442695020e+00, v7;
	_ =	sdelay $0x1  }
0x59: {  	(erf) = vpow2.f32 v7;
	_ =	sdelay $0x8  }
0x5a: {  	v7 =	vpop (erf)  }
0x5b: {  	v7 =	vadd.f32 $1.000000000e+00, v7;
	_ =	sdelay $0x1  }
0x5c: {  	(erf) = vrcp.f32 v7;
	_ =	sdelay $0x8  }
0x5d: {  	v7 =	vpop (erf)  }
0x5e: {  	s15 =	sadd.s32 s2, s15;
	[tilespmem:v6+s11+$0x0] =	vst.idx.msk $0xffff, v7  }
0x5f: {  	[hbm4b:s15+s7] =	stream.strided.scatter [tilespmem:s11], [sflag:$0x1], $0x8000, s8, s7, $0x38;
	[tilespmem:$0x19100] =	vst v63  }
0x60: {  	_ =	swait.ge [sflag:s9], $0x8000  }
0x61: {  	[sflag:s9] =	ssyncset.done $0x0  }
0x62: {  	[sflag:s9] =	ssyncadd.s32 $0xFFFF8000  }
0x63: {  	v6 =	vld [tilespmem:$0x19080];
	_ =	sdelay $0x7  }
0x64: {  	[tilespmem:v6+s11+$0x0] =	vst.idx.msk $0xffff, v2  }
0x65: {  	v6 =	vld [tilespmem:$0x19090];
	_ =	sdelay $0x7  }
0x66: {  	[tilespmem:v6+s11+$0x0] =	vst.idx.msk $0xffff, v2  }
0x67: {  	v6 =	vld [tilespmem:$0x190A0];
	_ =	sdelay $0x7  }
0x68: {  	[tilespmem:v6+s11+$0x0] =	vst.idx.msk $0xffff, v2  }
0x69: {  	v6 =	vld [tilespmem:$0x190B0];
	_ =	sdelay $0x1  }
0x6a: {  	s13 =	sadd.s32 $0x1, s13  }
0x6b: {  	p0 =	seq.s32 s13, $0x4  }
.Ltmp4:
0x6c: {  	_ = 	snop;
	(pc) =	sbr.rel @p0 .LBB2_94-.Ltmp4, $2  }
0x6d: {  	_ =	sdelay $0x2  }
0x6e: {  	s14 =	sadd.s32 $0x1, s14;
	[tilespmem:v6+s11+$0x0] =	vst.idx.msk $0xffff, v2  }
.LBB2_4:
0x6f: {  	s15 =	sshll.u32 s14, $0xF;
	s16 =	sshll.u32 s14, $0x7  }
0x70: {  	s15 =	sand.u32 $0xFFFC0000, s15;
	s16 =	sand.u32 $0x380, s16  }
0x71: {  	s15 =	sor.u32 s16, s15  }
0x72: {  	s15 =	sshrl.u32 s15, $0x3  }
0x73: {  	s30 =	sadd.s32 s1, s15  }
0x74: {  	[tilespmem:s4], [sflag:$0x1] =	stream.strided.gather [hbm4b:s30+s7], $0x8000, s8, s7, $0x38;
	[tilespmem:$0x19100] =	vst v63  }
0x75: {  	_ =	swait.ge [sflag:s9], $0x8000  }
0x76: {  	[sflag:s9] =	ssyncset.done $0x0  }
0x77: {  	s31 =	simm.s32 $0x40;
	[sflag:s9] =	ssyncadd.s32 $0xFFFF8000  }
0x78: {  	v7 =	vld [tilespmem:s31+$0x20]  }
0x79: {  	v8 =	vld [tilespmem:s31+$0x30]  }
0x7a: {  	v9 =	vld [tilespmem:s31+$0xFFFFFFF0]  }
0x7b: {  	v10 =	vld [tilespmem:s31+$0x0]  }
0x7c: {  	v11 =	vld [tilespmem:s31+$0x10]  }
0x7d: {  	v12 =	vld [tilespmem:s31+$0xFFFFFFC0]  }
0x7e: {  	v14 =	vld [tilespmem:s31+$0xFFFFFFD0];
	_ =	sdelay $0x1  }
0x7f: {  	v6 =	vimm.s32 $0x0;
	vm0 =	vlt.s32 v7, $0x0;
	v13 =	vxor.u32 $0x7FFFFFFF, v7  }
0x80: {  	vm1 =	vlt.s32 v8, $0x0;
	v15 =	vxor.u32 $0x7FFFFFFF, v8;
	vm14 =	vlt.s32 v9, $0x0  }
0x81: {  	v16 =	vxor.u32 $0x7FFFFFFF, v9;
	vm15 =	vlt.s32 v10, $0x0;
	vm4 =	vlt.s32 v11, $0x0  }
0x82: {  	vm5 =	vlt.s32 v12, $0x0;
	vm6 =	vlt.s32 v14, $0x0;
	v13 =	vsel vm0, v13, v7  }
0x83: {  	v8 =	vsel vm1, v15, v8;
	v15 =	vxor.u32 $0x7FFFFFFF, v10;
	v16 =	vsel vm14, v16, v9  }
0x84: {  	v9 =	vxor.u32 $0x7FFFFFFF, v11;
	v10 =	vsel vm15, v15, v10;
	v15 =	vxor.u32 $0x7FFFFFFF, v12  }
0x85: {  	v17 =	vsel vm4, v9, v11;
	v9 =	vxor.u32 $0x7FFFFFFF, v14;
	vm8 =	vgt.s32 v8, $0x407FFFFF  }
0x86: {  	vm9 =	vgt.s32 v8, $0x403FFFFF;
	vm10 =	vgt.s32 v8, $0x3FFFFFFF;
	vm11 =	vgt.s32 v13, $0x407FFFFF  }
0x87: {  	vm12 =	vgt.s32 v8, $0xFFFFFFFF;
	vm13 =	vgt.s32 v13, $0x403FFFFF;
	vm15 =	vgt.s32 v13, $0x3FFFFFFF  }
0x88: {  	v15 =	vsel vm5, v15, v12;
	v29 =	vsel vm6, v9, v14;
	v34 =	vsel vm8, $0x1, v3  }
0x89: {  	v9 =	vsel vm9, $0x1, v3;
	v8 =	vsel vm12, $0x1, v3;
	v35 =	vsel vm11, $0x1, v3  }
0x8a: {  	vm14 =	vgt.s32 v17, $0x407FFFFF;
	v12 =	vsel vm15, $0x1, v3;
	vm4 =	vgt.s32 v17, $0x403FFFFF  }
0x8b: {  	vm5 =	vgt.s32 v13, $0xFFFFFFFF;
	vm6 =	vgt.s32 v10, $0x407FFFFF;
	vm8 =	vgt.s32 v17, $0xFFFFFFFF  }
0x8c: {  	v7 =	vld [tilespmem:s31+$0xFFFFFFE0];
	vm11 =	vgt.s32 v10, $0x3FFFFFFF;
	v32 =	vsel vm14, $0x1, v3;
	v14 =	vsel vm4, $0x1, v3  }
0x8d: {  	v13 =	vsel vm5, $0x1, v3;
	v30 =	vsel vm6, $0x1, v3;
	vm9 =	vgt.s32 v15, $0x407FFFFF  }
0x8e: {  	v18 =	vsel vm8, $0x1, v3;
	vm12 =	vgt.s32 v29, $0x407FFFFF;
	v20 =	vsel vm11, $0x1, v3  }
0x8f: {  	vm14 =	vgt.s32 v16, $0x407FFFFF;
	vm4 =	vgt.s32 v16, $0x403FFFFF;
	vm5 =	vgt.s32 v16, $0x3FFFFFFF  }
0x90: {  	vm11 =	vgt.s32 v29, $0x3FFFFFFF;
	v27 =	vsel vm9, $0x1, v3;
	v33 =	vsel vm14, $0x1, v3  }
0x91: {  	v22 =	vsel vm4, $0x1, v3;
	vm7 =	vlt.s32 v7, $0x0;
	v11 =	vxor.u32 $0x7FFFFFFF, v7  }
0x92: {  	v23 =	vsel vm5, $0x1, v3;
	vm14 =	vgt.s32 v15, $0x3FFFFFFF;
	v26 =	vsel vm7, v11, v7  }
0x93: {  	v7 =	vsel vm10, $0x1, v3;
	v11 =	vsel vm13, $0x1, v3;
	vm7 =	vgt.s32 v17, $0x3FFFFFFF  }
0x94: {  	vm10 =	vgt.s32 v10, $0x403FFFFF;
	vm13 =	vgt.s32 v10, $0xFFFFFFFF;
	v10 =	vsel vm12, $0x1, v3  }
0x95: {  	vm12 =	vgt.s32 v29, $0xFFFFFFFF;
	v17 =	vsel vm7, $0x1, v3;
	v19 =	vsel vm10, $0x1, v3  }
0x96: {  	v21 =	vsel vm13, $0x1, v3;
	vm15 =	vgt.s32 v26, $0x407FFFFF;
	vm6 =	vgt.s32 v26, $0x403FFFFF  }
0x97: {  	vm7 =	vgt.s32 v16, $0xFFFFFFFF;
	vm8 =	vgt.s32 v26, $0x3FFFFFFF;
	vm9 =	vgt.s32 v26, $0xFFFFFFFF  }
0x98: {  	vm10 =	vgt.s32 v29, $0x403FFFFF;
	v16 =	vadd.s32 v27, v6;
	v29 =	vsel vm11, $0x1, v3  }
0x99: {  	vm13 =	vgt.s32 v15, $0x403FFFFF;
	v31 =	vsel vm15, $0x1, v3;
	v10 =	vadd.s32 v10, v16  }
0x9a: {  	v25 =	vsel vm6, $0x1, v3;
	v24 =	vsel vm7, $0x1, v3;
	v10 =	vadd.s32 v31, v10  }
0x9b: {  	v26 =	vsel vm8, $0x1, v3;
	v27 =	vsel vm9, $0x1, v3;
	v10 =	vadd.s32 v33, v10  }
0x9c: {  	v28 =	vsel vm10, $0x1, v3;
	vm15 =	vgt.s32 v15, $0xFFFFFFFF;
	v10 =	vadd.s32 v30, v10  }
0x9d: {  	v16 =	vimm.s32 $0x0;
	v15 =	vimm.s32 $0x0;
	v10 =	vadd.s32 v32, v10  }
0x9e: {  	v31 =	vsel vm13, $0x1, v3;
	v33 =	vsel vm14, $0x1, v3;
	v10 =	vadd.s32 v35, v10  }
0x9f: {  	s17 =	simm.s32 $0xC0;
	s16 =	simm.s32 $0x0;
	v30 =	vsel vm12, $0x1, v3;
	v32 =	vsel vm15, $0x1, v3;
	v10 =	vadd.s32 v34, v10  }
.LBB2_5:
0xa0: {  	v6 =	vadd.s32 v31, v6;
	v16 =	vadd.s32 v33, v16  }
0xa1: {  	v34 =	vld [tilespmem:s17+$0x30];
	v15 =	vadd.s32 v32, v15;
	v6 =	vadd.s32 v28, v6;
	v16 =	vadd.s32 v29, v16  }
0xa2: {  	v15 =	vadd.s32 v30, v15;
	v28 =	vld [tilespmem:s17+$0x10];
	v6 =	vadd.s32 v25, v6;
	v16 =	vadd.s32 v26, v16  }
0xa3: {  	v15 =	vadd.s32 v27, v15;
	v6 =	vadd.s32 v22, v6;
	v16 =	vadd.s32 v23, v16  }
0xa4: {  	v15 =	vadd.s32 v24, v15;
	v22 =	vld [tilespmem:s17+$0xFFFFFFF0];
	v6 =	vadd.s32 v19, v6;
	v16 =	vadd.s32 v20, v16  }
0xa5: {  	v15 =	vadd.s32 v21, v15;
	v6 =	vadd.s32 v14, v6;
	v14 =	vadd.s32 v17, v16  }
0xa6: {  	v15 =	vadd.s32 v18, v15;
	v17 =	vld [tilespmem:s17+$0xFFFFFFD0];
	vm1 =	vlt.s32 v34, $0x0;
	v6 =	vadd.s32 v11, v6  }
0xa7: {  	v11 =	vadd.s32 v12, v14;
	v12 =	vadd.s32 v13, v15;
	v13 =	vld [tilespmem:s17+$0xFFFFFFC0];
	vm2 =	vlt.s32 v28, $0x0  }
0xa8: {  	v16 =	vadd.s32 v7, v11;
	v15 =	vadd.s32 v8, v12;
	v7 =	vxor.u32 $0x7FFFFFFF, v34  }
0xa9: {  	v8 =	vxor.u32 $0x7FFFFFFF, v28;
	vm3 =	vlt.s32 v22, $0x0;
	v14 =	vxor.u32 $0x7FFFFFFF, v22  }
0xaa: {  	v7 =	vsel vm1, v7, v34;
	v8 =	vsel vm2, v8, v28;
	v14 =	vsel vm3, v14, v22  }
0xab: {  	vm8 =	vgt.s32 v7, $0x403FFFFF;
	vm3 =	vgt.s32 v7, $0xFFFFFFFF;
	vm14 =	vgt.s32 v8, $0x407FFFFF  }
0xac: {  	vm7 =	vlt.s32 v17, $0x0;
	v18 =	vxor.u32 $0x7FFFFFFF, v17;
	vm6 =	vlt.s32 v13, $0x0  }
0xad: {  	v20 =	vxor.u32 $0x7FFFFFFF, v13;
	v17 =	vsel vm7, v18, v17;
	vm7 =	vgt.s32 v7, $0x3FFFFFFF  }
0xae: {  	v25 =	vld [tilespmem:s17+$0x0];
	v13 =	vsel vm6, v20, v13;
	vm6 =	vgt.s32 v7, $0x407FFFFF;
	v7 =	vimm.s32 $0x0  }
0xaf: {  	v7 =	vsel vm14, $0xFFFFFFFF, v7  }
0xb0: {  	v19 =	vld [tilespmem:s17+$0xFFFFFFE0];
	vm15 =	vgt.s32 v8, $0x3FFFFFFF;
	[tilespmem:$0x1FF00] =	vst v7;
	v7 =	vimm.s32 $0x0  }
0xb1: {  	v7 =	vsel vm15, $0xFFFFFFFF, v7  }
0xb2: {  	vm9 =	vgt.s32 v14, $0x407FFFFF;
	[tilespmem:$0x1FF10] =	vst v7;
	v7 =	vimm.s32 $0x0  }
0xb3: {  	vm4 =	vlt.s32 v25, $0x0;
	v7 =	vsel vm9, $0xFFFFFFFF, v7  }
0xb4: {  	v11 =	vxor.u32 $0x7FFFFFFF, v25;
	vm9 =	vgt.s32 v14, $0x403FFFFF;
	[tilespmem:$0x1FF40] =	vst v7;
	v7 =	vimm.s32 $0x0  }
0xb5: {  	v11 =	vsel vm4, v11, v25;
	vm5 =	vlt.s32 v19, $0x0;
	v7 =	vsel vm9, $0xFFFFFFFF, v7  }
0xb6: {  	v12 =	vxor.u32 $0x7FFFFFFF, v19;
	vm9 =	vgt.s32 v11, $0xFFFFFFFF;
	[tilespmem:$0x1FF50] =	vst v7;
	v7 =	vimm.s32 $0x0  }
0xb7: {  	v12 =	vsel vm5, v12, v19;
	v7 =	vsel vm9, $0xFFFFFFFF, v7  }
0xb8: {  	vm9 =	vgt.s32 v12, $0x407FFFFF;
	[tilespmem:$0x1FF20] =	vst v7;
	v7 =	vimm.s32 $0x0  }
0xb9: {  	v7 =	vsel vm9, $0xFFFFFFFF, v7  }
0xba: {  	vm9 =	vgt.s32 v14, $0x3FFFFFFF;
	[tilespmem:$0x1FF30] =	vst v7;
	v7 =	vimm.s32 $0x0  }
0xbb: {  	v7 =	vsel vm9, $0xFFFFFFFF, v7  }
0xbc: {  	vm9 =	vgt.s32 v14, $0xFFFFFFFF;
	[tilespmem:$0x1FF60] =	vst v7;
	v7 =	vimm.s32 $0x0  }
0xbd: {  	v31 =	vld [tilespmem:s17+$0x20];
	v7 =	vsel vm9, $0xFFFFFFFF, v7  }
0xbe: {  	vm9 =	vgt.s32 v12, $0x403FFFFF;
	[tilespmem:$0x1FF80] =	vst v7;
	v7 =	vimm.s32 $0x0  }
0xbf: {  	v7 =	vsel vm9, $0xFFFFFFFF, v7  }
0xc0: {  	vm9 =	vgt.s32 v12, $0x3FFFFFFF;
	[tilespmem:$0x1FF70] =	vst v7;
	v7 =	vimm.s32 $0x0  }
0xc1: {  	v7 =	vsel vm9, $0xFFFFFFFF, v7  }
0xc2: {  	vm0 =	vlt.s32 v31, $0x0;
	vm9 =	vgt.s32 v12, $0xFFFFFFFF;
	[tilespmem:$0x1FF90] =	vst v7;
	v7 =	vimm.s32 $0x0  }
0xc3: {  	v6 =	vadd.s32 v9, v6;
	v9 =	vxor.u32 $0x7FFFFFFF, v31;
	v7 =	vsel vm9, $0xFFFFFFFF, v7  }
0xc4: {  	v9 =	vsel vm0, v9, v31;
	vm9 =	vgt.s32 v17, $0x403FFFFF;
	[tilespmem:$0x1FFA0] =	vst v7;
	v7 =	vimm.s32 $0x0  }
0xc5: {  	vm11 =	vgt.s32 v9, $0x407FFFFF;
	vm1 =	vgt.s32 v17, $0x407FFFFF;
	v7 =	vsel vm9, $0xFFFFFFFF, v7  }
0xc6: {  	vm0 =	vgt.s32 v13, $0x407FFFFF;
	vm9 =	vgt.s32 v17, $0x3FFFFFFF;
	[tilespmem:$0x1FFB0] =	vst v7;
	v7 =	vimm.s32 $0x0  }
0xc7: {  	v22 =	vsel vm1, $0x1, v3;
	v21 =	vsel vm0, $0x1, v3;
	v7 =	vsel vm9, $0xFFFFFFFF, v7  }
0xc8: {  	v10 =	vadd.s32 v21, v10;
	v23 =	vld [tilespmem:$0x1FF40];
	vm9 =	vgt.s32 v13, $0x403FFFFF;
	[tilespmem:$0x1FFC0] =	vst v7;
	v7 =	vimm.s32 $0x0  }
0xc9: {  	vm12 =	vgt.s32 v9, $0x403FFFFF;
	v10 =	vadd.s32 v22, v10;
	v22 =	vld [tilespmem:$0x1FF30];
	v7 =	vsel vm9, $0xFFFFFFFF, v7  }
0xca: {  	vm13 =	vgt.s32 v9, $0xFFFFFFFF;
	vm9 =	vgt.s32 v17, $0xFFFFFFFF;
	[tilespmem:$0x1FFD0] =	vst v7;
	v7 =	vimm.s32 $0x0  }
0xcb: {  	vm4 =	vgt.s32 v8, $0x403FFFFF;
	vm14 =	vgt.s32 v11, $0x3FFFFFFF;
	v7 =	vsel vm9, $0xFFFFFFFF, v7  }
0xcc: {  	v20 =	vsel vm14, $0x1, v3;
	v21 =	vld [tilespmem:$0x1FF20];
	vm9 =	vgt.s32 v13, $0x3FFFFFFF;
	[tilespmem:$0x1FFE0] =	vst v7;
	v7 =	vimm.s32 $0x0  }
0xcd: {  	vm15 =	vgt.s32 v11, $0x403FFFFF;
	v7 =	vsel vm9, $0xFFFFFFFF, v7;
	vm9 =	vgt.s32 v13, $0xFFFFFFFF;
	v13 =	vld [tilespmem:$0x1FF00]  }
0xce: {  	v19 =	vsel vm15, $0x1, v3;
	vm15 =	vnez.u8 v23;
	v23 =	vld [tilespmem:$0x1FF60];
	vm14 =	vnez.u8 v22  }
0xcf: {  	vm10 =	vgt.s32 v8, $0xFFFFFFFF;
	vm2 =	vgt.s32 v11, $0x407FFFFF;
	v22 =	vsel vm14, $0x1, v3;
	v25 =	vld [tilespmem:$0x1FF70]  }
0xd0: {  	vm5 =	vgt.s32 v9, $0x3FFFFFFF;
	v24 =	vsel vm15, $0x1, v3;
	v10 =	vadd.s32 v22, v10;
	v22 =	vld [tilespmem:$0x1FF50]  }
0xd1: {  	v9 =	vsel vm8, $0x1, v3;
	v8 =	vsel vm3, $0x1, v3;
	v10 =	vadd.s32 v24, v10;
	v24 =	vld [tilespmem:$0x1FF80]  }
0xd2: {  	v62 =	vsel vm11, $0x1, v3;
	v28 =	vsel vm2, $0x1, v3;
	v26 =	vld [tilespmem:$0x1FF90];
	vm11 =	vnez.u8 v13  }
0xd3: {  	v18 =	vsel vm10, $0x1, v3;
	v10 =	vadd.s32 v28, v10;
	v27 =	vld [tilespmem:$0x1FFA0];
	v30 =	vsel vm11, $0x1, v3  }
0xd4: {  	v61 =	vsel vm6, $0x1, v3;
	v11 =	vsel vm12, $0x1, v3;
	v10 =	vadd.s32 v30, v10;
	v30 =	vld [tilespmem:$0x1FFD0]  }
0xd5: {  	v14 =	vsel vm4, $0x1, v3;
	v12 =	vsel vm5, $0x1, v3;
	vm5 =	vnez.u8 v23;
	v17 =	vld [tilespmem:$0x1FF10]  }
0xd6: {  	v23 =	vsel vm5, $0x1, v3;
	vm6 =	vnez.u8 v25;
	vm4 =	vnez.u8 v22;
	v28 =	vld [tilespmem:$0x1FFB0]  }
0xd7: {  	v25 =	vsel vm6, $0x1, v3;
	v22 =	vsel vm4, $0x1, v3;
	vm8 =	vnez.u8 v26;
	v29 =	vld [tilespmem:$0x1FFC0];
	[tilespmem:$0x1FFF0] =	vst v7  }
0xd8: {  	v26 =	vsel vm8, $0x1, v3;
	v63 =	vld [tilespmem:$0x1FFF0];
	v13 =	vsel vm13, $0x1, v3;
	vm13 =	vnez.u8 v21  }
0xd9: {  	s16 =	sadd.s32 $0x8, s16;
	vm10 =	vnez.u8 v27;
	v21 =	vsel vm13, $0x1, v3;
	vm13 =	vnez.u8 v30;
	v30 =	vld [tilespmem:$0x1FFE0]  }
0xda: {  	p0 =	slt.u32 s16, $0x7F8;
	v27 =	vsel vm10, $0x1, v3;
	v7 =	vsel vm7, $0x1, v3;
	vm12 =	vnez.u8 v17  }
.Ltmp5:
0xdb: {  	vm7 =	vnez.u8 v24;
	v32 =	vsel vm9, $0x1, v3;
	v17 =	vsel vm12, $0x1, v3;
	(pc) =	sbr.rel @p0 .LBB2_5-.Ltmp5, $4  }
0xdc: {  	v24 =	vsel vm7, $0x1, v3;
	vm12 =	vnez.u8 v29;
	vm11 =	vnez.u8 v28  }
0xdd: {  	v29 =	vsel vm12, $0x1, v3;
	v28 =	vsel vm11, $0x1, v3;
	vm15 =	vnez.u8 v63  }
0xde: {  	v10 =	vadd.s32 v62, v10;
	v33 =	vsel vm15, $0x1, v3;
	vm14 =	vnez.u8 v30  }
0xdf: {  	s17 =	sadd.s32 $0x80, s17;
	v10 =	vadd.s32 v61, v10;
	v31 =	vsel vm13, $0x1, v3;
	v30 =	vsel vm14, $0x1, v3  }
0xe0: {  	v6 =	vadd.s32 v31, v6  }
0xe1: {  	v16 =	vadd.s32 v33, v16;
	v6 =	vadd.s32 v28, v6  }
0xe2: {  	v15 =	vadd.s32 v32, v15;
	v16 =	vadd.s32 v29, v16;
	v6 =	vadd.s32 v25, v6  }
0xe3: {  	v15 =	vadd.s32 v30, v15;
	v16 =	vadd.s32 v26, v16;
	v6 =	vadd.s32 v22, v6  }
0xe4: {  	v15 =	vadd.s32 v27, v15;
	v16 =	vadd.s32 v23, v16;
	v6 =	vadd.s32 v19, v6  }
0xe5: {  	v15 =	vadd.s32 v24, v15;
	v16 =	vadd.s32 v20, v16;
	v6 =	vadd.s32 v14, v6  }
0xe6: {  	v57 =	vadd.s32 v21, v15;
	v58 =	vadd.s32 v17, v16;
	v6 =	vadd.s32 v11, v6  }
0xe7: {  	(xrf0) =	vadd.scan.msk.s32 $0xffff, v10;
	v59 =	vadd.s32 v18, v57;
	v12 =	vadd.s32 v12, v58;
	v6 =	vadd.s32 v9, v6  }
0xe8: {  	v60 =	vadd.s32 v13, v59;
	v7 =	vadd.s32 v7, v12;
	(xrf0) =	vadd.scan.msk.s32 $0xffff, v6  }
0xe9: {  	v6 =	vadd.s32 v8, v60;
	(xrf0) =	vadd.scan.msk.s32 $0xffff, v7  }
0xea: {  	(xrf0) =	vadd.scan.msk.s32 $0xffff, v6;
	_ =	sdelay $0x2  }
0xeb: {  	v6, _, _ =	vpop (xrf0)  }
0xec: {  	(v2sf) =	vpush v6, $0xF;
	v6, _, _ =	vpop (xrf0)  }
0xed: {  	(v2sf) =	vpush v6, $0xF;
	v6, _, _ =	vpop (xrf0)  }
0xee: {  	(v2sf) =	vpush v6, $0xF;
	v6, _, _ =	vpop (xrf0)  }
0xef: {  	(v2sf) =	vpush v6, $0xF;
	_ =	sdelay $0xb  }
0xf0: {  	s17 =	spop (v2sf)  }
0xf1: {  	s18 =	spop (v2sf)  }
0xf2: {  	s16 =	simm.s32 $0x0;
	s19 =	spop (v2sf)  }
0xf3: {  	v7 =	vld [tilespmem:s16+$0x0];
	s20 =	spop (v2sf)  }
0xf4: {  	p0 =	sgt.s32 s20, $0x3F;
	s20 =	simm.s32 $0x0  }
0xf5: {  	s20 =	simm.s32 @!p0 $0x80000000;
	p0 =	sgt.s32 s19, $0x3F  }
0xf6: {  	s20 =	simm.s32 @p0 $0x40000000;
	p0 =	sgt.s32 s18, $0x3F  }
0xf7: {  	s20 =	simm.s32 @p0 $0x40400000;
	p0 =	sgt.s32 s17, $0x3F  }
0xf8: {  	vm0 =	vlt.s32 v7, $0x0;
	v8 =	vxor.u32 $0x7FFFFFFF, v7;
	s20 =	simm.s32 @p0 $0x40800000  }
0xf9: {  	v7 =	vsel vm0, v8, v7;
	s19 =	simm.s32 $0x2000;
	v6 =	vmov s20  }
0xfa: {  	s21 =	sand.u32 $0x70, s16;
	s20 =	sand.u32 $0x3F80, s19;
	vm0 =	vge.s32 v7, v6;
	v7 =	vor.u32 s16, v0  }
0xfb: {  	s18 =	sor.u32 s21, s20;
	[tilespmem:s16+$0x8000] =	vst.msk vm0, v7  }
0xfc: {  	v7 =	vld [tilespmem:s18+$0x0];
	_ =	sdelay $0x4  }
0xfd: {  	vm1 =	vlt.s32 v7, $0x0;
	v8 =	vxor.u32 $0x7FFFFFFF, v7  }
0xfe: {  	s22 =	simm.s32 $0x4000;
	v7 =	vsel vm1, v8, v7  }
0xff: {  	s23 =	sand.u32 $0x5F80, s22;
	vm1 =	vge.s32 v7, v6;
	v7 =	vor.u32 s19, v0  }
0x100: {  	s17 =	sor.u32 s21, s23;
	[tilespmem:s16+$0xA010] =	vst.msk vm1, v7  }
0x101: {  	v7 =	vld [tilespmem:s17+$0x0];
	_ =	sdelay $0x2  }
0x102: {  	v8 =	vsel vm0, $0x1, v3  }
0x103: {  	(xrf0) =	vadd.scan.msk.s32 $0xffff, v8  }
0x104: {  	vm11 =	vlt.s32 v7, $0x0;
	v61 =	vxor.u32 $0x7FFFFFFF, v7  }
0x105: {  	s24 =	simm.s32 $0x6000;
	v7 =	vsel vm11, v61, v7  }
0x106: {  	s25 =	sand.u32 $0x7F80, s24;
	vm0 =	vge.s32 v7, v6;
	v7 =	vor.u32 s22, v0  }
0x107: {  	s18 =	sor.u32 s21, s25;
	[tilespmem:s16+$0xC020] =	vst.msk vm0, v7  }
0x108: {  	v7 =	vld [tilespmem:s18+$0x0]  }
0x109: {  	v8, _, _ =	vpop (xrf0)  }
0x10a: {  	(v2sf) =	vpush v8, $0xF;
	_ =	sdelay $0x2  }
0x10b: {  	v8 =	vsel vm1, $0x1, v3;
	vm12 =	vlt.s32 v7, $0x0;
	v62 =	vxor.u32 $0x7FFFFFFF, v7  }
0x10c: {  	(xrf0) =	vadd.scan.msk.s32 $0xffff, v8;
	v7 =	vsel vm12, v62, v7  }
0x10d: {  	v8 =	vsel vm0, $0x1, v3;
	vm13 =	vge.s32 v7, v6  }
0x10e: {  	(xrf0) =	vadd.scan.msk.s32 $0xffff, v8;
	v7 =	vsel vm13, $0x1, v3  }
0x10f: {  	(xrf0) =	vadd.scan.msk.s32 $0xffff, v7;
	v7 =	vor.u32 s24, v0  }
0x110: {  	s19 =	simm.s32 $0x10;
	[tilespmem:s16+$0xE030] =	vst.msk vm13, v7  }
0x111: {  	v7 =	vld [tilespmem:s19+$0x0]  }
0x112: {  	v8, _, _ =	vpop (xrf0)  }
0x113: {  	(v2sf) =	vpush v8, $0xF  }
0x114: {  	v8, _, _ =	vpop (xrf0)  }
0x115: {  	(v2sf) =	vpush v8, $0xF;
	v8, _, _ =	vpop (xrf0)  }
0x116: {  	(v2sf) =	vpush v8, $0xF;
	vm14 =	vlt.s32 v7, $0x0;
	v8 =	vxor.u32 $0x7FFFFFFF, v7  }
0x117: {  	s28 =	simm.s32 $0x2010;
	s26 =	spop (v2sf);
	v7 =	vsel vm14, v8, v7  }
0x118: {  	s29 =	sand.u32 $0x3F80, s28;
	s23 =	sand.u32 $0x70, s19;
	s17 =	sadd.s32 $0x0, s26;
	vm0 =	vge.s32 v7, v6;
	v7 =	vor.u32 s19, v0  }
0x119: {  	s20 =	sor.u32 s23, s29;
	[tilespmem:s17+$0x8000] =	vst.msk vm0, v7  }
0x11a: {  	v7 =	vld [tilespmem:s20+$0x0]  }
0x11b: {  	v8 =	vsel vm0, $0x1, v3  }
0x11c: {  	(xrf0) =	vadd.scan.msk.s32 $0xffff, v8;
	_ =	sdelay $0x2  }
0x11d: {  	v8 =	vxor.u32 $0x7FFFFFFF, v7;
	_ =	sdelay $0x1  }
0x11e: {  	vm15 =	vlt.s32 v7, $0x0  }
0x11f: {  	s24 =	simm.s32 $0x4010;
	s30 =	spop (v2sf);
	v7 =	vsel vm15, v8, v7;
	v8, _, _ =	vpop (xrf0)  }
0x120: {  	s31 =	sand.u32 $0x5F80, s24;
	s20 =	sadd.s32 $0x0, s30;
	vm0 =	vge.s32 v7, v6;
	v7 =	vor.u32 s28, v0;
	(v2sf) =	vpush v8, $0xF  }
0x121: {  	s25 =	sor.u32 s23, s31;
	[tilespmem:s20+$0xA010] =	vst.msk vm0, v7;
	v63 =	vsel vm0, $0x1, v3  }
0x122: {  	v7 =	vld [tilespmem:s25+$0x0];
	(xrf0) =	vadd.scan.msk.s32 $0xffff, v63;
	_ =	sdelay $0x1  }
0x123: {  	s21 =	simm.s32 $0x20;
	s22 =	spop (v2sf)  }
0x124: {  	s18 =	sadd.s32 $0x0, s22;
	s22 =	simm.s32 $0x10;
	s25 =	spop (v2sf)  }
.LBB2_7:
0x125: {  	p0 =	sne.s32 s21, $0x1FF0  }
0x126: {  	vm0 =	vlt.s32 v7, $0x0;
	v9 =	vxor.u32 $0x7FFFFFFF, v7;
	s16 =	sadd.s32 s16, s25;
	s25 =	smov.u32 s21;
	s21 =	sadd.s32 $0x10, s21  }
0x127: {  	s26 =	sadd.s32 $0x6000, s19;
	v7 =	vsel vm0, v9, v7;
	v8, _, _ =	vpop (xrf0);
	s19 =	smov.u32 s25  }
0x128: {  	vm0 =	vge.s32 v7, v6;
	v7 =	vor.u32 s24, v0;
	s24 =	sand.u32 $0x7F80, s26;
	(v2sf) =	vpush v8, $0xF  }
0x129: {  	[tilespmem:s18+$0xC020] =	vst.msk vm0, v7;
	v7 =	vsel vm0, $0x1, v3;
	s23 =	sor.u32 s23, s24  }
0x12a: {  	v8 =	vld [tilespmem:s23+$0x0];
	(xrf0) =	vadd.scan.msk.s32 $0xffff, v7;
	_ =	sdelay $0x3  }
0x12b: {  	s23 =	spop (v2sf)  }
0x12c: {  	s17 =	sadd.s32 s17, s23;
	vm0 =	vlt.s32 v8, $0x0;
	v7 =	vxor.u32 $0x7FFFFFFF, v8  }
0x12d: {  	v7 =	vsel vm0, v7, v8;
	v8, _, _ =	vpop (xrf0)  }
0x12e: {  	vm0 =	vge.s32 v7, v6;
	v7 =	vor.u32 s26, v0;
	(v2sf) =	vpush v8, $0xF  }
0x12f: {  	s22 =	sadd.s32 $0x10, s22;
	[tilespmem:s16+$0xE030] =	vst.msk vm0, v7;
	v7 =	vsel vm0, $0x1, v3  }
0x130: {  	v8 =	vld [tilespmem:s22+$0x0];
	(xrf0) =	vadd.scan.msk.s32 $0xffff, v7;
	_ =	sdelay $0x3  }
0x131: {  	s23 =	spop (v2sf)  }
0x132: {  	vm0 =	vlt.s32 v8, $0x0;
	v7 =	vxor.u32 $0x7FFFFFFF, v8;
	s20 =	sadd.s32 s20, s23  }
0x133: {  	s25 =	sadd.s32 $0x2000, s19;
	v7 =	vsel vm0, v7, v8;
	v8, _, _ =	vpop (xrf0)  }
0x134: {  	s24 =	sand.u32 $0x3F80, s25;
	s23 =	sand.u32 $0x70, s19;
	vm0 =	vge.s32 v7, v6;
	v7 =	vor.u32 s19, v0;
	(v2sf) =	vpush v8, $0xF  }
0x135: {  	s24 =	sor.u32 s23, s24;
	[tilespmem:s17+$0x8000] =	vst.msk vm0, v7;
	v7 =	vsel vm0, $0x1, v3  }
0x136: {  	v8 =	vld [tilespmem:s24+$0x0];
	(xrf0) =	vadd.scan.msk.s32 $0xffff, v7;
	_ =	sdelay $0x3  }
0x137: {  	s24 =	spop (v2sf)  }
0x138: {  	vm0 =	vlt.s32 v8, $0x0;
	v7 =	vxor.u32 $0x7FFFFFFF, v8;
	s18 =	sadd.s32 s18, s24  }
0x139: {  	s24 =	sadd.s32 $0x4000, s19;
	v7 =	vsel vm0, v7, v8;
	v8, _, _ =	vpop (xrf0)  }
0x13a: {  	vm0 =	vge.s32 v7, v6;
	v7 =	vor.u32 s25, v0;
	s25 =	sand.u32 $0x5F80, s24;
	(v2sf) =	vpush v8, $0xF  }
0x13b: {  	[tilespmem:s20+$0xA010] =	vst.msk vm0, v7;
	v8 =	vsel vm0, $0x1, v3;
	s25 =	sor.u32 s23, s25  }
.Ltmp6:
0x13c: {  	v7 =	vld [tilespmem:s25+$0x0];
	(xrf0) =	vadd.scan.msk.s32 $0xffff, v8;
	(pc) =	sbr.rel @p0 .LBB2_7-.Ltmp6, $2  }
0x13d: {  	_ =	sdelay $0x2  }
0x13e: {  	s25 =	spop (v2sf)  }
0x13f: {  	vm0 =	vlt.s32 v7, $0x0;
	v8 =	vxor.u32 $0x7FFFFFFF, v7  }
0x140: {  	s22 =	sadd.s32 $0x6000, s19;
	v7 =	vsel vm0, v8, v7  }
0x141: {  	s19 =	sand.u32 $0x7F80, s22;
	vm0 =	vge.s32 v7, v6;
	v7 =	vor.u32 s24, v0  }
0x142: {  	s19 =	sor.u32 s23, s19;
	[tilespmem:s18+$0xC020] =	vst.msk vm0, v7  }
0x143: {  	v7 =	vld [tilespmem:s19+$0x0];
	_ =	sdelay $0x1  }
0x144: {  	v62, _, _ =	vpop (xrf0)  }
0x145: {  	(v2sf) =	vpush v62, $0xF;
	_ =	sdelay $0x1  }
0x146: {  	vm1 =	vlt.s32 v7, $0x0;
	v61 =	vxor.u32 $0x7FFFFFFF, v7  }
0x147: {  	v7 =	vsel vm1, v61, v7  }
0x148: {  	v63 =	vsel vm0, $0x1, v3;
	vm15 =	vge.s32 v7, v6  }
0x149: {  	(xrf0) =	vadd.scan.msk.s32 $0xffff, v63;
	v6 =	vsel vm15, $0x1, v3  }
0x14a: {  	(xrf0) =	vadd.scan.msk.s32 $0xffff, v6;
	_ =	sdelay $0x4  }
0x14b: {  	v6, _, _ =	vpop (xrf0)  }
0x14c: {  	(v2sf) =	vpush v6, $0xF;
	v6, _, _ =	vpop (xrf0)  }
0x14d: {  	(v2sf) =	vpush v6, $0xF  }
0x14e: {  	s26 =	spop (v2sf)  }
0x14f: {  	s28 =	spop (v2sf)  }
0x150: {  	s19 =	sadd.s32 s20, s28  }
0x151: {  	s20 =	sadd.s32 $0xF, s19  }
0x152: {  	s21 =	sand.u32 $0xF, s20  }
0x153: {  	s29 =	sshra.s32 s20, $0x1F;
	p1 =	slt.s32 s20, $0x1;
	p0 =	sne.s32 s21, $0x0  }
0x154: {  	s21 =	sshrl.u32 s29, $0x1C;
	p0 =	por !p1, !p0  }
0x155: {  	s20 =	sadd.s32 s21, s20;
	s21 =	simm.s32 $0x1;
	p0 =	por !p0, !p0  }
0x156: {  	s20 =	sshra.s32 s20, $0x4;
	s21 =	simm.s32 @!p0 $0x0  }
0x157: {  	s21 =	ssub.s32 s20, s21  }
0x158: {  	p0 =	slt.s32 s21, $0x1  }
.Ltmp7:
0x159: {  	_ = 	snop;
	(pc) =	sbr.rel @p0 .LBB2_12-.Ltmp7, $4  }
0x15a: {  	_ = 	snop  }
0x15b: {  	s30 =	spop (v2sf)  }
0x15c: {  	s16 =	sadd.s32 s16, s25;
	v6 =	vor.u32 s22, v0;
	s31 =	spop (v2sf)  }
0x15d: {  	[tilespmem:s16+$0xE030] =	vst.msk vm15, v6;
	s20 =	sadd.s32 s17, s26;
	s17 =	sadd.s32 s18, s30;
	s16 =	sadd.s32 s16, s31  }
0x15e: {  	s23 =	simm.s32 $0x0  }
0x15f: {  	s22 =	sshll.u32 s20, $0x2;
	v6 =	vmov s19;
	p0 =	sne.s32 s21, $0x1;
	v8 =	vor.u32 s23, v0  }
.Ltmp8:
0x160: {  	s18 =	simm.s32 $0x8000;
	s22 =	sshra.s32 s22, $0x2;
	vm0 =	vlt.s32 v8, v6;
	(pc) =	sbr.rel @!p0 .LBB2_11-.Ltmp8, $2  }
0x161: {  	v7 =	vmov s22;
	v8 =	vld [tilespmem:s18+$0x2010];
	_ =	sdelay $0x2  }
0x162: {  	s21 =	sadd.s32 $0xFFFFFFFF, s21;
	s22 =	simm.s32 $0x10  }
.LBB2_10:
0x163: {  	v9 =	vor.u32 s22, v0;
	p0 =	sne.s32 s21, $0x1;
	s21 =	sadd.s32 $0xFFFFFFFF, s21  }
.Ltmp9:
0x164: {  	[tilespmem:v7+s18+$0x0 ss:$0x1] =	vst.idx.msk vm0, v8;
	vm0 =	vlt.s32 v9, v6;
	s18 =	sadd.s32 $0x10, s18;
	(pc) =	sbr.rel @p0 .LBB2_10-.Ltmp9, $2  }
0x165: {  	v8 =	vld [tilespmem:s18+$0x2010];
	_ =	sdelay $0x2  }
0x166: {  	s22 =	sadd.s32 $0x10, s22  }
.LBB2_11:
0x167: {  	_ =	sdelay $0x4  }
0x168: {  	[tilespmem:v7+s18+$0x0 ss:$0x1] =	vst.idx.msk vm0, v8  }
.LBB2_12:
0x169: {  	s18 =	sadd.s32 $0xF, s17  }
0x16a: {  	s21 =	sand.u32 $0xF, s18  }
0x16b: {  	s22 =	sshra.s32 s18, $0x1F;
	p0 =	slt.s32 s18, $0x1;
	p1 =	sne.s32 s21, $0x0  }
0x16c: {  	s31 =	sshrl.u32 s22, $0x1C;
	p0 =	por !p0, !p1  }
0x16d: {  	s21 =	simm.s32 $0x1;
	s18 =	sadd.s32 s31, s18;
	p0 =	por !p0, !p0  }
0x16e: {  	s18 =	sshra.s32 s18, $0x4;
	s21 =	simm.s32 @!p0 $0x0  }
0x16f: {  	s21 =	ssub.s32 s18, s21  }
0x170: {  	p0 =	slt.s32 s21, $0x1  }
.Ltmp10:
0x171: {  	_ = 	snop;
	(pc) =	sbr.rel @p0 .LBB2_16-.Ltmp10, $2  }
0x172: {  	_ =	sdelay $0x2  }
0x173: {  	s18 =	sadd.s32 s20, s19  }
0x174: {  	s22 =	simm.s32 $0x0  }
0x175: {  	s20 =	sshll.u32 s18, $0x2;
	v6 =	vmov s17;
	p0 =	sne.s32 s21, $0x1;
	v8 =	vor.u32 s22, v0  }
.Ltmp11:
0x176: {  	s19 =	simm.s32 $0x8000;
	s20 =	sshra.s32 s20, $0x2;
	vm0 =	vlt.s32 v8, v6;
	(pc) =	sbr.rel @!p0 .LBB2_15-.Ltmp11, $2  }
0x177: {  	v7 =	vmov s20;
	v8 =	vld [tilespmem:s19+$0x4020];
	_ =	sdelay $0x2  }
0x178: {  	s20 =	sadd.s32 $0xFFFFFFFF, s21;
	s21 =	simm.s32 $0x10  }
.LBB2_14:
0x179: {  	v9 =	vor.u32 s21, v0;
	p0 =	sne.s32 s20, $0x1;
	s20 =	sadd.s32 $0xFFFFFFFF, s20  }
.Ltmp12:
0x17a: {  	[tilespmem:v7+s19+$0x0 ss:$0x1] =	vst.idx.msk vm0, v8;
	vm0 =	vlt.s32 v9, v6;
	s19 =	sadd.s32 $0x10, s19;
	(pc) =	sbr.rel @p0 .LBB2_14-.Ltmp12, $2  }
0x17b: {  	v8 =	vld [tilespmem:s19+$0x4020];
	_ =	sdelay $0x2  }
0x17c: {  	s21 =	sadd.s32 $0x10, s21  }
.LBB2_15:
0x17d: {  	_ =	sdelay $0x4  }
0x17e: {  	[tilespmem:v7+s19+$0x0 ss:$0x1] =	vst.idx.msk vm0, v8  }
.LBB2_16:
0x17f: {  	s19 =	sadd.s32 $0xF, s16  }
0x180: {  	s20 =	sand.u32 $0xF, s19  }
0x181: {  	s21 =	sshra.s32 s19, $0x1F;
	p0 =	slt.s32 s19, $0x1;
	p1 =	sne.s32 s20, $0x0  }
0x182: {  	s31 =	sshrl.u32 s21, $0x1C;
	p0 =	por !p0, !p1  }
0x183: {  	s20 =	simm.s32 $0x1;
	s19 =	sadd.s32 s31, s19;
	p0 =	por !p0, !p0  }
0x184: {  	s19 =	sshra.s32 s19, $0x4;
	s20 =	simm.s32 @!p0 $0x0  }
0x185: {  	s19 =	ssub.s32 s19, s20  }
0x186: {  	p0 =	slt.s32 s19, $0x1  }
.Ltmp13:
0x187: {  	_ = 	snop;
	(pc) =	sbr.rel @p0 .LBB2_20-.Ltmp13, $2  }
0x188: {  	_ =	sdelay $0x2  }
0x189: {  	s17 =	sadd.s32 s17, s18  }
0x18a: {  	s21 =	simm.s32 $0x0  }
0x18b: {  	s20 =	sshll.u32 s17, $0x2;
	v6 =	vmov s16;
	p0 =	sne.s32 s19, $0x1;
	v8 =	vor.u32 s21, v0  }
.Ltmp14:
0x18c: {  	s18 =	simm.s32 $0x8000;
	s20 =	sshra.s32 s20, $0x2;
	vm0 =	vlt.s32 v8, v6;
	(pc) =	sbr.rel @!p0 .LBB2_19-.Ltmp14, $2  }
0x18d: {  	v7 =	vmov s20;
	v8 =	vld [tilespmem:s18+$0x6030];
	_ =	sdelay $0x2  }
0x18e: {  	s19 =	sadd.s32 $0xFFFFFFFF, s19;
	s20 =	simm.s32 $0x10  }
.LBB2_18:
0x18f: {  	v9 =	vor.u32 s20, v0;
	p0 =	sne.s32 s19, $0x1;
	s19 =	sadd.s32 $0xFFFFFFFF, s19  }
.Ltmp15:
0x190: {  	[tilespmem:v7+s18+$0x0 ss:$0x1] =	vst.idx.msk vm0, v8;
	vm0 =	vlt.s32 v9, v6;
	s18 =	sadd.s32 $0x10, s18;
	(pc) =	sbr.rel @p0 .LBB2_18-.Ltmp15, $2  }
0x191: {  	v8 =	vld [tilespmem:s18+$0x6030];
	_ =	sdelay $0x2  }
0x192: {  	s20 =	sadd.s32 $0x10, s20  }
.LBB2_19:
0x193: {  	_ =	sdelay $0x4  }
0x194: {  	[tilespmem:v7+s18+$0x0 ss:$0x1] =	vst.idx.msk vm0, v8  }
.LBB2_20:
0x195: {  	s18 =	simm.s32 $0x0;
	s19 =	simm.s32 $0x200  }
.LBB2_21:
0x196: {  	p0 =	sne.s32 s19, $0x3E00;
	[tilespmem:s18+$0x180F0] =	vst v3  }
0x197: {  	[tilespmem:s18+$0x18080] =	vst v3  }
0x198: {  	[tilespmem:s18+$0x18090] =	vst v3  }
.Ltmp16:
0x199: {  	[tilespmem:s18+$0x180A0] =	vst v3;
	(pc) =	sbr.rel @p0 .LBB2_21-.Ltmp16, $4  }
0x19a: {  	[tilespmem:s18+$0x180B0] =	vst v3  }
0x19b: {  	[tilespmem:s18+$0x180C0] =	vst v3  }
0x19c: {  	[tilespmem:s18+$0x180D0] =	vst v3  }
0x19d: {  	[tilespmem:s18+$0x180E0] =	vst v3;
	s18 =	sshra.s32 s19, $0x2;
	s19 =	sadd.s32 $0x200, s19  }
0x19e: {  	s16 =	sadd.s32 s16, s17  }
0x19f: {  	s17 =	sadd.s32 $0x1F, s16  }
0x1a0: {  	s19 =	sand.u32 $0x1F, s17  }
0x1a1: {  	s31 =	sshra.s32 s17, $0x1F;
	p1 =	slt.s32 s17, $0x1;
	p0 =	sne.s32 s19, $0x0  }
0x1a2: {  	s19 =	sshrl.u32 s31, $0x1B;
	p0 =	por !p1, !p0  }
0x1a3: {  	s17 =	sadd.s32 s19, s17;
	s19 =	simm.s32 $0x1;
	p0 =	por !p0, !p0  }
0x1a4: {  	[tilespmem:s18+$0x180F0] =	vst v3;
	s17 =	sshra.s32 s17, $0x5;
	s19 =	simm.s32 @!p0 $0x0  }
0x1a5: {  	[tilespmem:s18+$0x18080] =	vst v3;
	s22 =	ssub.s32 s17, s19  }
0x1a6: {  	[tilespmem:s18+$0x18090] =	vst v3;
	p0 =	slt.s32 s22, $0x1  }
.Ltmp17:
0x1a7: {  	[tilespmem:s18+$0x180A0] =	vst v3;
	(pc) =	sbr.rel @p0 .LBB2_25-.Ltmp17, $4  }
0x1a8: {  	[tilespmem:s18+$0x180B0] =	vst v3  }
0x1a9: {  	[tilespmem:s18+$0x180C0] =	vst v3  }
0x1aa: {  	[tilespmem:s18+$0x180D0] =	vst v3  }
0x1ab: {  	[tilespmem:s18+$0x180E0] =	vst v3;
	v6 =	vmov s16  }
0x1ac: {  	s16 =	simm.s32 $0x8010;
	s17 =	simm.s32 $0x10;
	s18 =	smov.u32 s22  }
.LBB2_24:
0x1ad: {  	v7 =	vld [tilespmem:s16+$0xFFFFFFF0];
	_ =	sdelay $0x1  }
0x1ae: {  	s19 =	sadd.s32 $0xFFFFFFF0, s17  }
0x1af: {  	v8 =	vor.u32 s19, v0  }
0x1b0: {  	vm0 =	vlt.s32 v8, v6  }
0x1b1: {  	v7 =	vnsel vm0, $0x0, v7;
	_ =	sdelay $0x4  }
0x1b2: {  	v7 =	vld.idx.msk [tilespmem:v7+s4+$0x0], vm0;
	_ =	sdelay $0x4  }
0x1b3: {  	v8 =	vshra.s32 v7, $0x18  }
0x1b4: {  	vm1 =	vlt.s32 v7, $0x0;
	v7 =	vxor.u32 $0x7F, v8  }
0x1b5: {  	v7 =	vsel vm1, v7, v8  }
0x1b6: {  	v7 =	vadd.s32 v4, v7;
	_ =	sdelay $0x4  }
0x1b7: {  	v8 =	vld.idx.msk [tilespmem:v7+s10+$0x0], vm0;
	_ =	sdelay $0x4  }
0x1b8: {  	v8 =	vadd.s32 $0x1, v8  }
0x1b9: {  	[tilespmem:v7+s10+$0x0] =	vst.idx.msk vm0, v8  }
0x1ba: {  	v7 =	vld [tilespmem:s16+$0x0];
	_ =	sdelay $0x2  }
0x1bb: {  	v8 =	vor.u32 s17, v0  }
0x1bc: {  	vm14 =	vlt.s32 v8, v6  }
0x1bd: {  	v7 =	vnsel vm14, $0x0, v7;
	_ =	sdelay $0x4  }
0x1be: {  	v7 =	vld.idx.msk [tilespmem:v7+s4+$0x0], vm14;
	_ =	sdelay $0x4  }
0x1bf: {  	v8 =	vshra.s32 v7, $0x18  }
0x1c0: {  	vm15 =	vlt.s32 v7, $0x0;
	v7 =	vxor.u32 $0x7F, v8  }
0x1c1: {  	v7 =	vsel vm15, v7, v8  }
0x1c2: {  	v7 =	vadd.s32 v4, v7;
	_ =	sdelay $0x4  }
0x1c3: {  	v8 =	vld.idx.msk [tilespmem:v7+s10+$0x0], vm14  }
0x1c4: {  	p1 =	sne.s32 s18, $0x1  }
.Ltmp18:
0x1c5: {  	_ = 	snop;
	(pc) =	sbr.rel @p1 .LBB2_24-.Ltmp18, $3  }
0x1c6: {  	_ =	sdelay $0x1  }
0x1c7: {  	v8 =	vadd.s32 $0x1, v8  }
0x1c8: {  	s18 =	sadd.s32 $0xFFFFFFFF, s18;
	s17 =	sadd.s32 $0x20, s17;
	s16 =	sadd.s32 $0x20, s16;
	[tilespmem:v7+s10+$0x0] =	vst.idx.msk vm14, v8  }
.LBB2_25:
0x1c9: {  	s19 =	simm.s32 $0x10  }
0x1ca: {  	s18 =	simm.s32 $0x0;
	s20 =	simm.s32 $0x8000010F;
	s16 =	simm.s32 $0x18170  }
.LBB2_26:
0x1cb: {  	s17 =	sadd.s32 $0x7FFFFFE1, s20  }
0x1cc: {  	v7 =	vld [tilespmem:s16+$0x0];
	s17 =	sand.u32 $0xFFFFFFF0, s17  }
0x1cd: {  	v8 =	vld [tilespmem:s17+$0x18180]  }
0x1ce: {  	v9 =	vld [tilespmem:s17+$0x18280]  }
0x1cf: {  	v10 =	vld [tilespmem:s17+$0x18380]  }
0x1d0: {  	v11 =	vld [tilespmem:s17+$0x18480]  }
0x1d1: {  	v12 =	vld [tilespmem:s17+$0x18580]  }
0x1d2: {  	v7 =	vadd.s32 v7, v8;
	v8 =	vld [tilespmem:s17+$0x18680]  }
0x1d3: {  	v56 =	vld [tilespmem:s17+$0x18780];
	v7 =	vadd.s32 v9, v7  }
0x1d4: {  	v57 =	vld [tilespmem:s17+$0x18880];
	v7 =	vadd.s32 v10, v7  }
0x1d5: {  	v58 =	vld [tilespmem:s17+$0x18980];
	v7 =	vadd.s32 v11, v7  }
0x1d6: {  	v59 =	vld [tilespmem:s17+$0x18A80];
	v7 =	vadd.s32 v12, v7  }
0x1d7: {  	v7 =	vadd.s32 v8, v7;
	v8 =	vld [tilespmem:s17+$0x18B80]  }
0x1d8: {  	v60 =	vld [tilespmem:s17+$0x18C80];
	v7 =	vadd.s32 v56, v7  }
0x1d9: {  	v61 =	vld [tilespmem:s17+$0x18D80];
	v7 =	vadd.s32 v57, v7  }
0x1da: {  	v62 =	vld [tilespmem:s17+$0x18E80];
	v7 =	vadd.s32 v58, v7  }
0x1db: {  	v63 =	vld [tilespmem:s17+$0x18F80];
	v7 =	vadd.s32 v59, v7  }
0x1dc: {  	v7 =	vadd.s32 v8, v7  }
0x1dd: {  	v7 =	vadd.s32 v60, v7  }
0x1de: {  	v7 =	vadd.s32 v61, v7  }
0x1df: {  	v7 =	vadd.s32 v62, v7  }
0x1e0: {  	v7 =	vadd.s32 v63, v7  }
0x1e1: {  	(xrf0) =	vadd.scan.msk.s32 $0xffff, v7;
	_ =	sdelay $0x5  }
0x1e2: {  	v8, _, _ =	vpop (xrf0)  }
0x1e3: {  	(v2sf) =	vpush v8, $0xF;
	_ =	sdelay $0xe  }
0x1e4: {  	s17 =	smov.u32 s18;
	s31 =	spop (v2sf)  }
0x1e5: {  	p1 =	slt.u32 s19, $0x2;
	s18 =	sadd.s32 s17, s31  }
0x1e6: {  	p2 =	slt.s32 @!p1 s18, $0x40  }
0x1e7: {  	p1 =	por p1, !p2  }
.Ltmp19:
0x1e8: {  	_ = 	snop;
	(pc) =	sbr.rel @!p1 .LBB2_26-.Ltmp19, $2  }
0x1e9: {  	_ =	sdelay $0x2  }
0x1ea: {  	s19 =	sadd.s32 $0xFFFFFFFF, s19;
	s20 =	sadd.s32 $0xFFFFFFF0, s20;
	s16 =	sadd.s32 $0xFFFFFFF0, s16  }
0x1eb: {  	v8 =	vperm.xlane v7, v5;
	_ =	sdelay $0x1  }
0x1ec: {  	(xrf0) =	vadd.scan.msk.s32 $0xffff, v8;
	_ =	sdelay $0x5  }
0x1ed: {  	v8, _, _ =	vpop (xrf0)  }
0x1ee: {  	v9 =	vadd.s32 s17, v8  }
0x1ef: {  	vm0 =	vgt.s32 v9, $0x3F  }
0x1f0: {  	v9 =	vmctz.xlane vm0;
	_ =	sdelay $0x1  }
0x1f1: {  	v9 =	vxor.u32 $0x80000000, v9  }
0x1f2: {  	(xrf0) =	vmax.scan.msk.u32 $0xffff, v9;
	_ =	sdelay $0x5  }
0x1f3: {  	v9, _, _ =	vpop (xrf0)  }
0x1f4: {  	(v2sf) =	vpush v9, $0xF;
	_ =	sdelay $0xe  }
0x1f5: {  	s23 =	spop (v2sf)  }
0x1f6: {  	s16 =	sxor.u32 $0x80000000, s23  }
0x1f7: {  	s18 =	ssub.s32 $0xF, s16;
	v62 =	vmov s16  }
0x1f8: {  	vm14 =	veq.s32 v62, v0;
	v63 =	vmov s18  }
0x1f9: {  	v8 =	vnsel vm14, $0x0, v8;
	vm15 =	veq.s32 v63, v0  }
0x1fa: {  	(xrf0) =	vadd.scan.msk.s32 $0xffff, v8;
	v7 =	vnsel vm15, $0x0, v7  }
0x1fb: {  	(xrf0) =	vadd.scan.msk.s32 $0xffff, v7;
	_ =	sdelay $0x4  }
0x1fc: {  	v7, _, _ =	vpop (xrf0)  }
0x1fd: {  	(v2sf) =	vpush v7, $0xF;
	v7, _, _ =	vpop (xrf0)  }
0x1fe: {  	(v2sf) =	vpush v7, $0xF;
	_ =	sdelay $0xa  }
.Ltmp20:
0x1ff: {  	_ = 	snop;
	(pc) =	sbr.rel @p0 .LBB2_33-.Ltmp20, $3  }
0x200: {  	_ =	sdelay $0x1  }
0x201: {  	s18 =	spop (v2sf)  }
0x202: {  	s21 =	simm.s32 $0x0;
	s16 =	simm.s32 $0x0;
	s19 =	spop (v2sf)  }
0x203: {  	s16 =	ssub.s32 s20, s23;
	s20 =	simm.s32 $0x8010  }
0x204: {  	v8 =	vld [tilespmem:s20+$0xFFFFFFF0];
	_ =	sdelay $0x1  }
0x205: {  	s31 =	simm.s32 $0x0  }
0x206: {  	v9 =	vor.u32 s31, v0  }
0x207: {  	vm0 =	vlt.s32 v9, v6  }
0x208: {  	v9 =	vnsel vm0, $0x0, v8;
	_ =	sdelay $0x4  }
0x209: {  	v9 =	vld.idx.msk [tilespmem:v9+s4+$0x0], vm0;
	_ =	sdelay $0x2  }
0x20a: {  	p1 =	seq.s32 s22, $0x1  }
.Ltmp21:
0x20b: {  	_ = 	snop;
	(pc) =	sbr.rel @p1 .LBB2_29-.Ltmp21, $4  }
0x20c: {  	v10 =	vshra.s32 v9, $0x18  }
0x20d: {  	vm1 =	vlt.s32 v9, $0x0;
	v9 =	vxor.u32 $0x7F, v10  }
0x20e: {  	s21 =	simm.s32 $0x10;
	v9 =	vsel vm1, v9, v10  }
0x20f: {  	s22 =	sadd.s32 $0xFFFFFFFF, s22;
	p0 =	por $0x0, $0x0;
	v7 =	vmov s16;
	s16 =	simm.s32 $0x0;
	v9 =	vadd.s32 $0x80, v9  }
0x210: {  	vm1 =	vgt.s32 v9, v7  }
0x211: {  	vm2 =	veq.s32 v9, v7;
	vm1 =	vmand vm0, vm1  }
0x212: {  	vm0 =	vmand vm0, vm2;
	[tilespmem:s16+$0x19080] =	vst.msk vm1, v8;
	v9 =	vsel vm1, $0x1, v3  }
0x213: {  	[tilespmem:s16+$0x8000] =	vst.msk vm0, v8;
	v8 =	vsel vm0, $0x1, v3;
	(xrf0) =	vadd.scan.msk.s32 $0xffff, v9  }
0x214: {  	(xrf0) =	vadd.scan.msk.s32 $0xffff, v8  }
0x215: {  	v9 =	vld [tilespmem:s20+$0x0];
	_ =	sdelay $0x2  }
0x216: {  	v8 =	vor.u32 s21, v0  }
0x217: {  	vm0 =	vlt.s32 v8, v6;
	v10, _, _ =	vpop (xrf0)  }
0x218: {  	v8 =	vnsel vm0, $0x0, v9;
	v11, _, _ =	vpop (xrf0);
	(v2sf) =	vpush v10, $0xF  }
0x219: {  	(v2sf) =	vpush v11, $0xF;
	_ =	sdelay $0x3  }
0x21a: {  	v8 =	vld.idx.msk [tilespmem:v8+s4+$0x0], vm0;
	_ =	sdelay $0x4  }
0x21b: {  	v10 =	vshra.s32 v8, $0x18  }
0x21c: {  	vm1 =	vlt.s32 v8, $0x0;
	v8 =	vxor.u32 $0x7F, v10  }
0x21d: {  	v8 =	vsel vm1, v8, v10  }
0x21e: {  	v8 =	vadd.s32 $0x80, v8  }
0x21f: {  	vm1 =	veq.s32 v8, v7  }
0x220: {  	vm2 =	vgt.s32 v8, v7;
	vm1 =	vmand vm0, vm1;
	s29 =	spop (v2sf)  }
0x221: {  	vm2 =	vmand vm0, vm2;
	v10 =	vsel vm1, $0x1, v3;
	s23 =	sadd.s32 $0x0, s29;
	s30 =	spop (v2sf)  }
0x222: {  	(xrf0) =	vadd.scan.msk.s32 $0xffff, v10;
	s24 =	sadd.s32 $0x0, s30;
	[tilespmem:s23+$0x19080] =	vst.msk vm2, v9  }
0x223: {  	s20 =	simm.s32 $0x8030;
	[tilespmem:s24+$0x8000] =	vst.msk vm1, v9  }
0x224: {  	v8 =	vld [tilespmem:s20+$0xFFFFFFF0];
	_ =	sdelay $0x1  }
0x225: {  	s31 =	simm.s32 $0x20  }
0x226: {  	v10 =	vor.u32 s31, v0  }
0x227: {  	vm0 =	vlt.s32 v10, v6;
	v9, _, _ =	vpop (xrf0)  }
0x228: {  	(v2sf) =	vpush v9, $0xF;
	v9 =	vnsel vm0, $0x0, v8;
	_ =	sdelay $0x4  }
0x229: {  	v9 =	vld.idx.msk [tilespmem:v9+s4+$0x0], vm0  }
0x22a: {  	v10 =	vsel vm2, $0x1, v3  }
0x22b: {  	(xrf0) =	vadd.scan.msk.s32 $0xffff, v10;
	_ =	sdelay $0x2  }
0x22c: {  	v10 =	vshra.s32 v9, $0x18;
	_ =	sdelay $0x1  }
0x22d: {  	vm1 =	vlt.s32 v9, $0x0;
	v9 =	vxor.u32 $0x7F, v10  }
0x22e: {  	v9 =	vsel vm1, v9, v10;
	v10, _, _ =	vpop (xrf0)  }
0x22f: {  	(v2sf) =	vpush v10, $0xF;
	_ =	sdelay $0x8  }
0x230: {  	p1 =	seq.s32 s22, $0x1  }
.Ltmp22:
0x231: {  	_ = 	snop;
	(pc) =	sbr.rel @p1 .LBB2_32-.Ltmp22, $3  }
0x232: {  	_ =	sdelay $0x1  }
0x233: {  	s22 =	sadd.s32 $0xFFFFFFFF, s22  }
0x234: {  	p0 =	por $0x1, $0x1;
	s21 =	simm.s32 $0x30;
	v9 =	vadd.s32 $0x80, v9;
	s25 =	spop (v2sf)  }
.LBB2_31:
0x235: {  	p1 =	seq.s32 s22, $0x1;
	vm1 =	vgt.s32 v9, v7;
	s24 =	sadd.s32 s24, s25;
	s25 =	spop (v2sf)  }
0x236: {  	s22 =	sadd.s32 $0xFFFFFFFF, s22;
	vm2 =	veq.s32 v9, v7;
	vm1 =	vmand vm0, vm1;
	s23 =	sadd.s32 s23, s25  }
0x237: {  	vm0 =	vmand vm0, vm2;
	[tilespmem:s23+$0x19080] =	vst.msk vm1, v8;
	v9 =	vsel vm1, $0x1, v3  }
0x238: {  	[tilespmem:s24+$0x8000] =	vst.msk vm0, v8;
	v8 =	vsel vm0, $0x1, v3;
	(xrf0) =	vadd.scan.msk.s32 $0xffff, v9  }
0x239: {  	v9 =	vld [tilespmem:s20+$0x0];
	(xrf0) =	vadd.scan.msk.s32 $0xffff, v8;
	_ =	sdelay $0x2  }
0x23a: {  	v8 =	vor.u32 s21, v0  }
0x23b: {  	vm0 =	vlt.s32 v8, v6  }
0x23c: {  	v8 =	vnsel vm0, $0x0, v9;
	v10, _, _ =	vpop (xrf0)  }
0x23d: {  	v11, _, _ =	vpop (xrf0);
	(v2sf) =	vpush v10, $0xF;
	_ =	sdelay $0x1  }
0x23e: {  	(v2sf) =	vpush v11, $0xF;
	_ =	sdelay $0x1  }
0x23f: {  	v8 =	vld.idx.msk [tilespmem:v8+s4+$0x0], vm0;
	_ =	sdelay $0x5  }
0x240: {  	v10 =	vshra.s32 v8, $0x18  }
0x241: {  	vm1 =	vlt.s32 v8, $0x0;
	v8 =	vxor.u32 $0x7F, v10  }
0x242: {  	v8 =	vsel vm1, v8, v10  }
0x243: {  	v8 =	vadd.s32 $0x80, v8  }
0x244: {  	vm1 =	vgt.s32 v8, v7;
	vm2 =	veq.s32 v8, v7  }
0x245: {  	vm1 =	vmand vm0, vm1;
	vm0 =	vmand vm0, vm2;
	s25 =	spop (v2sf)  }
0x246: {  	v8 =	vsel vm0, $0x1, v3;
	v10 =	vsel vm1, $0x1, v3  }
0x247: {  	s23 =	sadd.s32 s23, s25;
	s25 =	spop (v2sf);
	(xrf0) =	vadd.scan.msk.s32 $0xffff, v8  }
0x248: {  	s24 =	sadd.s32 s24, s25;
	[tilespmem:s23+$0x19080] =	vst.msk vm1, v9;
	(xrf0) =	vadd.scan.msk.s32 $0xffff, v10  }
0x249: {  	s20 =	sadd.s32 $0x20, s20;
	[tilespmem:s24+$0x8000] =	vst.msk vm0, v9  }
0x24a: {  	v8 =	vld [tilespmem:s20+$0xFFFFFFF0]  }
0x24b: {  	s21 =	sadd.s32 $0x20, s21  }
0x24c: {  	s25 =	sadd.s32 $0xFFFFFFF0, s21  }
0x24d: {  	v11 =	vor.u32 s25, v0;
	v10, _, _ =	vpop (xrf0)  }
0x24e: {  	vm0 =	vlt.s32 v11, v6;
	(v2sf) =	vpush v10, $0xF;
	v9, _, _ =	vpop (xrf0)  }
0x24f: {  	v10 =	vnsel vm0, $0x0, v8;
	(v2sf) =	vpush v9, $0xF;
	_ =	sdelay $0x4  }
0x250: {  	v9 =	vld.idx.msk [tilespmem:v10+s4+$0x0], vm0;
	_ =	sdelay $0x4  }
.Ltmp23:
0x251: {  	(pc) =	sbr.rel @!p1 .LBB2_31-.Ltmp23, $4  }
0x252: {  	v10 =	vshra.s32 v9, $0x18  }
0x253: {  	vm1 =	vlt.s32 v9, $0x0;
	v9 =	vxor.u32 $0x7F, v10  }
0x254: {  	v9 =	vsel vm1, v9, v10  }
0x255: {  	v9 =	vadd.s32 $0x80, v9;
	s25 =	spop (v2sf)  }
.LBB2_32:
0x256: {  	s22 =	spop @p0 (v2sf)  }
0x257: {  	vm1 =	vgt.s32 v9, v7;
	s22 =	sadd.s32 @p0 s23, s22;
	s23 =	simm.s32 $0x0  }
0x258: {  	s24 =	sadd.s32 @p0 s24, s25;
	vm2 =	veq.s32 v9, v7;
	vm1 =	vmand vm0, vm1;
	s23 =	smov.u32 @p0 s22  }
0x259: {  	vm12 =	vmand vm0, vm2;
	s16 =	smov.u32 @p0 s24;
	[tilespmem:s23+$0x19080] =	vst.msk vm1, v8  }
0x25a: {  	[tilespmem:s16+$0x8000] =	vst.msk vm12, v8  }
0x25b: {  	v8 =	vld [tilespmem:s20+$0x0];
	_ =	sdelay $0x2  }
0x25c: {  	v60 =	vor.u32 s21, v0  }
0x25d: {  	vm13 =	vlt.s32 v60, v6  }
0x25e: {  	v6 =	vnsel vm13, $0x0, v8;
	_ =	sdelay $0x4  }
0x25f: {  	v6 =	vld.idx.msk [tilespmem:v6+s4+$0x0], vm13;
	_ =	sdelay $0x4  }
0x260: {  	v61 =	vshra.s32 v6, $0x18  }
0x261: {  	vm3 =	vlt.s32 v6, $0x0;
	v6 =	vxor.u32 $0x7F, v61  }
0x262: {  	v6 =	vsel vm3, v6, v61  }
0x263: {  	v6 =	vadd.s32 $0x80, v6  }
0x264: {  	v62 =	vsel vm1, $0x1, v3;
	vm14 =	veq.s32 v6, v7  }
0x265: {  	v63 =	vsel vm12, $0x1, v3;
	(xrf0) =	vadd.scan.msk.s32 $0xffff, v62;
	vm15 =	vgt.s32 v6, v7;
	vm1 =	vmand vm13, vm14  }
0x266: {  	(xrf0) =	vadd.scan.msk.s32 $0xffff, v63;
	vm0 =	vmand vm13, vm15;
	v6 =	vsel vm1, $0x1, v3  }
0x267: {  	v7 =	vsel vm0, $0x1, v3;
	(xrf0) =	vadd.scan.msk.s32 $0xffff, v6  }
0x268: {  	(xrf0) =	vadd.scan.msk.s32 $0xffff, v7;
	_ =	sdelay $0x2  }
0x269: {  	v6, _, _ =	vpop (xrf0)  }
0x26a: {  	v7, _, _ =	vpop (xrf0);
	(v2sf) =	vpush v6, $0xF  }
0x26b: {  	(v2sf) =	vpush v7, $0xF;
	v6, _, _ =	vpop (xrf0)  }
0x26c: {  	(v2sf) =	vpush v6, $0xF;
	v6, _, _ =	vpop (xrf0)  }
0x26d: {  	(v2sf) =	vpush v6, $0xF;
	_ =	sdelay $0xb  }
0x26e: {  	s28 =	spop (v2sf)  }
0x26f: {  	s29 =	spop (v2sf)  }
0x270: {  	s20 =	sadd.s32 s23, s28;
	s30 =	spop (v2sf)  }
0x271: {  	s16 =	sadd.s32 s16, s29;
	[tilespmem:s20+$0x19080] =	vst.msk vm0, v8;
	s31 =	spop (v2sf)  }
0x272: {  	[tilespmem:s16+$0x8000] =	vst.msk vm1, v8;
	s21 =	sadd.s32 s16, s30;
	s16 =	sadd.s32 s20, s31  }
.LBB2_33:
0x273: {  	s17 =	sadd.s32 s18, s17  }
0x274: {  	s17 =	ssub.s32 s19, s17  }
0x275: {  	s18 =	simm.s32 $0x0;
	s19 =	simm.s32 $0x200;
	s17 =	sadd.s32 $0x40, s17  }
.LBB2_34:
0x276: {  	p0 =	sne.s32 s19, $0x3E00;
	[tilespmem:s18+$0x180F0] =	vst v3  }
0x277: {  	[tilespmem:s18+$0x18080] =	vst v3  }
0x278: {  	[tilespmem:s18+$0x18090] =	vst v3  }
.Ltmp24:
0x279: {  	[tilespmem:s18+$0x180A0] =	vst v3;
	(pc) =	sbr.rel @p0 .LBB2_34-.Ltmp24, $4  }
0x27a: {  	[tilespmem:s18+$0x180B0] =	vst v3  }
0x27b: {  	[tilespmem:s18+$0x180C0] =	vst v3  }
0x27c: {  	[tilespmem:s18+$0x180D0] =	vst v3  }
0x27d: {  	[tilespmem:s18+$0x180E0] =	vst v3;
	s18 =	sshra.s32 s19, $0x2;
	s19 =	sadd.s32 $0x200, s19  }
0x27e: {  	s19 =	sadd.s32 $0x1F, s21  }
0x27f: {  	s20 =	sand.u32 $0x1F, s19  }
0x280: {  	s31 =	sshra.s32 s19, $0x1F;
	p1 =	slt.s32 s19, $0x1;
	p0 =	sne.s32 s20, $0x0  }
0x281: {  	s20 =	sshrl.u32 s31, $0x1B;
	p0 =	por !p1, !p0  }
0x282: {  	s19 =	sadd.s32 s20, s19;
	s20 =	simm.s32 $0x1;
	p0 =	por !p0, !p0  }
0x283: {  	[tilespmem:s18+$0x180F0] =	vst v3;
	s19 =	sshra.s32 s19, $0x5;
	s20 =	simm.s32 @!p0 $0x0  }
0x284: {  	[tilespmem:s18+$0x18080] =	vst v3;
	s22 =	ssub.s32 s19, s20  }
0x285: {  	[tilespmem:s18+$0x18090] =	vst v3;
	p0 =	slt.s32 s22, $0x1  }
.Ltmp25:
0x286: {  	[tilespmem:s18+$0x180A0] =	vst v3;
	(pc) =	sbr.rel @p0 .LBB2_38-.Ltmp25, $4  }
0x287: {  	[tilespmem:s18+$0x180B0] =	vst v3  }
0x288: {  	[tilespmem:s18+$0x180C0] =	vst v3  }
0x289: {  	[tilespmem:s18+$0x180D0] =	vst v3  }
0x28a: {  	[tilespmem:s18+$0x180E0] =	vst v3;
	v6 =	vmov s21  }
0x28b: {  	s18 =	simm.s32 $0x8010;
	s19 =	simm.s32 $0x10;
	s20 =	smov.u32 s22  }
.LBB2_37:
0x28c: {  	v7 =	vld [tilespmem:s18+$0xFFFFFFF0];
	_ =	sdelay $0x1  }
0x28d: {  	s21 =	sadd.s32 $0xFFFFFFF0, s19  }
0x28e: {  	v8 =	vor.u32 s21, v0  }
0x28f: {  	vm0 =	vlt.s32 v8, v6  }
0x290: {  	v7 =	vnsel vm0, $0x0, v7;
	_ =	sdelay $0x4  }
0x291: {  	v7 =	vld.idx.msk [tilespmem:v7+s4+$0x0], vm0;
	_ =	sdelay $0x4  }
0x292: {  	v8 =	vshrl.u32 v7, $0x10;
	v7 =	vshra.s32 v7, $0x1F  }
0x293: {  	v7 =	vxor.u32 v7, v8  }
0x294: {  	v7 =	vand.u32 $0xFF, v7  }
0x295: {  	v7 =	vor.u32 v1, v7;
	_ =	sdelay $0x4  }
0x296: {  	v8 =	vld.idx.msk [tilespmem:v7+s10+$0x0], vm0;
	_ =	sdelay $0x4  }
0x297: {  	v8 =	vadd.s32 $0x1, v8  }
0x298: {  	[tilespmem:v7+s10+$0x0] =	vst.idx.msk vm0, v8  }
0x299: {  	v7 =	vld [tilespmem:s18+$0x0];
	_ =	sdelay $0x2  }
0x29a: {  	v8 =	vor.u32 s19, v0  }
0x29b: {  	vm15 =	vlt.s32 v8, v6  }
0x29c: {  	v7 =	vnsel vm15, $0x0, v7;
	_ =	sdelay $0x4  }
0x29d: {  	v7 =	vld.idx.msk [tilespmem:v7+s4+$0x0], vm15;
	_ =	sdelay $0x4  }
0x29e: {  	v8 =	vshrl.u32 v7, $0x10;
	v7 =	vshra.s32 v7, $0x1F  }
0x29f: {  	v7 =	vxor.u32 v7, v8  }
0x2a0: {  	v7 =	vand.u32 $0xFF, v7  }
0x2a1: {  	v7 =	vor.u32 v1, v7;
	_ =	sdelay $0x4  }
0x2a2: {  	v8 =	vld.idx.msk [tilespmem:v7+s10+$0x0], vm15  }
0x2a3: {  	p1 =	seq.s32 s20, $0x1  }
.Ltmp26:
0x2a4: {  	_ = 	snop;
	(pc) =	sbr.rel @!p1 .LBB2_37-.Ltmp26, $3  }
0x2a5: {  	_ =	sdelay $0x1  }
0x2a6: {  	v8 =	vadd.s32 $0x1, v8  }
0x2a7: {  	s20 =	sadd.s32 $0xFFFFFFFF, s20;
	s19 =	sadd.s32 $0x20, s19;
	s18 =	sadd.s32 $0x20, s18;
	[tilespmem:v7+s10+$0x0] =	vst.idx.msk vm15, v8  }
.LBB2_38:
0x2a8: {  	p1 =	sgt.s32 s17, $0x0  }
.Ltmp27:
0x2a9: {  	_ = 	snop;
	(pc) =	sbr.rel @!p1 .LBB2_39-.Ltmp27, $2  }
0x2aa: {  	_ =	sdelay $0x2  }
0x2ab: {  	s21 =	simm.s32 $0x0;
	s23 =	simm.s32 $0x100  }
0x2ac: {  	s20 =	simm.s32 $0x10;
	s19 =	simm.s32 $0x18170;
	s18 =	simm.s32 $0x0  }
.LBB2_41:
0x2ad: {  	s23 =	sadd.s32 $0xFFFFFFF0, s23  }
0x2ae: {  	v7 =	vld [tilespmem:s19+$0x0];
	s24 =	sand.u32 $0xFFFFFFF0, s23  }
0x2af: {  	v8 =	vld [tilespmem:s24+$0x18180]  }
0x2b0: {  	v9 =	vld [tilespmem:s24+$0x18280]  }
0x2b1: {  	v10 =	vld [tilespmem:s24+$0x18380]  }
0x2b2: {  	v11 =	vld [tilespmem:s24+$0x18480]  }
0x2b3: {  	v12 =	vld [tilespmem:s24+$0x18580]  }
0x2b4: {  	v7 =	vadd.s32 v7, v8;
	v8 =	vld [tilespmem:s24+$0x18680]  }
0x2b5: {  	v56 =	vld [tilespmem:s24+$0x18780];
	v7 =	vadd.s32 v9, v7  }
0x2b6: {  	v57 =	vld [tilespmem:s24+$0x18880];
	v7 =	vadd.s32 v10, v7  }
0x2b7: {  	v58 =	vld [tilespmem:s24+$0x18980];
	v7 =	vadd.s32 v11, v7  }
0x2b8: {  	v59 =	vld [tilespmem:s24+$0x18A80];
	v7 =	vadd.s32 v12, v7  }
0x2b9: {  	v7 =	vadd.s32 v8, v7;
	v8 =	vld [tilespmem:s24+$0x18B80]  }
0x2ba: {  	v60 =	vld [tilespmem:s24+$0x18C80];
	v7 =	vadd.s32 v56, v7  }
0x2bb: {  	v61 =	vld [tilespmem:s24+$0x18D80];
	v7 =	vadd.s32 v57, v7  }
0x2bc: {  	v62 =	vld [tilespmem:s24+$0x18E80];
	v7 =	vadd.s32 v58, v7  }
0x2bd: {  	v63 =	vld [tilespmem:s24+$0x18F80];
	v7 =	vadd.s32 v59, v7  }
0x2be: {  	v7 =	vadd.s32 v8, v7  }
0x2bf: {  	v7 =	vadd.s32 v60, v7  }
0x2c0: {  	v7 =	vadd.s32 v61, v7  }
0x2c1: {  	v7 =	vadd.s32 v62, v7  }
0x2c2: {  	v7 =	vadd.s32 v63, v7  }
0x2c3: {  	(xrf0) =	vadd.scan.msk.s32 $0xffff, v7;
	_ =	sdelay $0x5  }
0x2c4: {  	v7, _, _ =	vpop (xrf0)  }
0x2c5: {  	(v2sf) =	vpush v7, $0xF;
	_ =	sdelay $0xe  }
0x2c6: {  	s31 =	spop (v2sf)  }
0x2c7: {  	p1 =	slt.u32 s20, $0x2;
	s18 =	sadd.s32 s18, s31  }
0x2c8: {  	p2 =	slt.s32 @!p1 s18, s17  }
0x2c9: {  	p2 =	por p1, !p2  }
.Ltmp28:
0x2ca: {  	_ = 	snop;
	(pc) =	sbr.rel @!p2 .LBB2_41-.Ltmp28, $2  }
0x2cb: {  	_ =	sdelay $0x2  }
0x2cc: {  	s20 =	sadd.s32 $0xFFFFFFFF, s20;
	s19 =	sadd.s32 $0xFFFFFFF0, s19  }
.Ltmp29:
0x2cd: {  	(pc) =	sbr.rel .LBB2_43-.Ltmp29, $2  }
0x2ce: {  	_ =	sdelay $0x2  }
0x2cf: {  	s23 =	smov.u32 @p1 s23;
	s18 =	smov.u32 @p1 s18  }
.LBB2_39:
0x2d0: {  	s18 =	simm.s32 $0x0  }
.LBB2_43:
0x2d1: {  	v7 =	vld [tilespmem:s23+$0x18080];
	s19 =	sand.u32 $0xFFFFFFF0, s23  }
0x2d2: {  	v8 =	vld [tilespmem:s19+$0x18180]  }
0x2d3: {  	v9 =	vld [tilespmem:s19+$0x18280]  }
0x2d4: {  	v10 =	vld [tilespmem:s19+$0x18380]  }
0x2d5: {  	v11 =	vld [tilespmem:s19+$0x18480]  }
0x2d6: {  	v12 =	vld [tilespmem:s19+$0x18580]  }
0x2d7: {  	v7 =	vadd.s32 v7, v8;
	v8 =	vld [tilespmem:s19+$0x18680]  }
0x2d8: {  	v53 =	vld [tilespmem:s19+$0x18780];
	v7 =	vadd.s32 v9, v7  }
0x2d9: {  	v54 =	vld [tilespmem:s19+$0x18880];
	v7 =	vadd.s32 v10, v7  }
0x2da: {  	v55 =	vld [tilespmem:s19+$0x18980];
	v7 =	vadd.s32 v11, v7  }
0x2db: {  	v56 =	vld [tilespmem:s19+$0x18A80];
	v7 =	vadd.s32 v12, v7  }
0x2dc: {  	v7 =	vadd.s32 v8, v7;
	v8 =	vld [tilespmem:s19+$0x18B80]  }
0x2dd: {  	v57 =	vld [tilespmem:s19+$0x18C80];
	v7 =	vadd.s32 v53, v7  }
0x2de: {  	v58 =	vld [tilespmem:s19+$0x18D80];
	v7 =	vadd.s32 v54, v7  }
0x2df: {  	v59 =	vld [tilespmem:s19+$0x18E80];
	v7 =	vadd.s32 v55, v7  }
0x2e0: {  	v60 =	vld [tilespmem:s19+$0x18F80];
	v7 =	vadd.s32 v56, v7  }
0x2e1: {  	v7 =	vadd.s32 v8, v7  }
0x2e2: {  	v7 =	vadd.s32 v57, v7  }
0x2e3: {  	v7 =	vadd.s32 v58, v7  }
0x2e4: {  	v7 =	vadd.s32 v59, v7  }
0x2e5: {  	v7 =	vadd.s32 v60, v7  }
0x2e6: {  	(xrf0) =	vadd.scan.msk.s32 $0xffff, v7;
	_ =	sdelay $0x5  }
0x2e7: {  	v8, _, _ =	vpop (xrf0)  }
0x2e8: {  	(v2sf) =	vpush v8, $0xF;
	_ =	sdelay $0x7  }
0x2e9: {  	v8 =	vperm.xlane v7, v5;
	_ =	sdelay $0x1  }
0x2ea: {  	(xrf0) =	vadd.scan.msk.s32 $0xffff, v8;
	_ =	sdelay $0x4  }
0x2eb: {  	s30 =	spop (v2sf)  }
0x2ec: {  	v8, _, _ =	vpop (xrf0);
	s18 =	ssub.s32 s18, s30  }
0x2ed: {  	v61 =	vadd.s32 s18, v8  }
0x2ee: {  	vm0 =	vge.s32 v61, s17  }
0x2ef: {  	v9 =	vmctz.xlane vm0;
	_ =	sdelay $0x1  }
0x2f0: {  	v9 =	vxor.u32 $0x80000000, v9  }
0x2f1: {  	(xrf0) =	vmax.scan.msk.u32 $0xffff, v9;
	_ =	sdelay $0x5  }
0x2f2: {  	v9, _, _ =	vpop (xrf0)  }
0x2f3: {  	(v2sf) =	vpush v9, $0xF;
	_ =	sdelay $0xe  }
0x2f4: {  	s31 =	spop (v2sf)  }
0x2f5: {  	s19 =	sxor.u32 $0x80000000, s31  }
0x2f6: {  	s24 =	ssub.s32 $0xF, s19;
	v62 =	vmov s19  }
0x2f7: {  	vm14 =	veq.s32 v62, v0;
	v63 =	vmov s24  }
0x2f8: {  	v8 =	vnsel vm14, $0x0, v8;
	vm15 =	veq.s32 v63, v0  }
0x2f9: {  	(xrf0) =	vadd.scan.msk.s32 $0xffff, v8;
	v7 =	vnsel vm15, $0x0, v7  }
0x2fa: {  	(xrf0) =	vadd.scan.msk.s32 $0xffff, v7;
	_ =	sdelay $0x4  }
0x2fb: {  	v7, _, _ =	vpop (xrf0)  }
0x2fc: {  	(v2sf) =	vpush v7, $0xF;
	v7, _, _ =	vpop (xrf0)  }
0x2fd: {  	(v2sf) =	vpush v7, $0xF;
	_ =	sdelay $0xa  }
.Ltmp30:
0x2fe: {  	_ = 	snop;
	(pc) =	sbr.rel @p0 .LBB2_49-.Ltmp30, $3  }
0x2ff: {  	_ =	sdelay $0x1  }
0x300: {  	s20 =	spop (v2sf)  }
0x301: {  	s19 =	spop (v2sf)  }
0x302: {  	s21 =	sadd.s32 s23, s24;
	s23 =	simm.s32 $0x8010  }
0x303: {  	v8 =	vld [tilespmem:s23+$0xFFFFFFF0];
	_ =	sdelay $0x1  }
0x304: {  	s25 =	simm.s32 $0x0  }
0x305: {  	v9 =	vor.u32 s25, v0  }
0x306: {  	vm0 =	vlt.s32 v9, v6  }
0x307: {  	v9 =	vnsel vm0, $0x0, v8;
	_ =	sdelay $0x4  }
0x308: {  	v9 =	vld.idx.msk [tilespmem:v9+s4+$0x0], vm0;
	_ =	sdelay $0x1  }
0x309: {  	p1 =	seq.s32 s22, $0x1  }
.Ltmp31:
0x30a: {  	_ = 	snop;
	(pc) =	sbr.rel @p1 .LBB2_45-.Ltmp31, $4  }
0x30b: {  	_ = 	snop  }
0x30c: {  	v10 =	vshrl.u32 v9, $0x10;
	v9 =	vshra.s32 v9, $0x1F  }
0x30d: {  	s24 =	simm.s32 $0x10;
	v9 =	vxor.u32 v9, v10  }
0x30e: {  	s22 =	sadd.s32 $0xFFFFFFFF, s22;
	p0 =	por $0x0, $0x0;
	v7 =	vmov s21;
	s21 =	simm.s32 $0x0;
	v9 =	vand.u32 $0xFF, v9  }
0x30f: {  	vm1 =	vgt.s32 v9, v7  }
0x310: {  	vm2 =	veq.s32 v9, v7;
	vm1 =	vmand vm0, vm1  }
0x311: {  	vm0 =	vmand vm0, vm2;
	[tilespmem:s16+$0x19080] =	vst.msk vm1, v8  }
0x312: {  	v9 =	vsel vm1, $0x1, v3;
	[tilespmem:s21+$0x8000] =	vst.msk vm0, v8  }
0x313: {  	(xrf0) =	vadd.scan.msk.s32 $0xffff, v9;
	v9 =	vld [tilespmem:s23+$0x0];
	_ =	sdelay $0x1  }
0x314: {  	v8 =	vsel vm0, $0x1, v3  }
0x315: {  	(xrf0) =	vadd.scan.msk.s32 $0xffff, v8;
	v8 =	vor.u32 s24, v0  }
0x316: {  	vm0 =	vlt.s32 v8, v6  }
0x317: {  	v8 =	vnsel vm0, $0x0, v9;
	_ =	sdelay $0x2  }
0x318: {  	v10, _, _ =	vpop (xrf0)  }
0x319: {  	v11, _, _ =	vpop (xrf0);
	(v2sf) =	vpush v10, $0xF  }
0x31a: {  	(v2sf) =	vpush v11, $0xF;
	v8 =	vld.idx.msk [tilespmem:v8+s4+$0x0], vm0;
	_ =	sdelay $0x4  }
0x31b: {  	v10 =	vshrl.u32 v8, $0x10;
	v8 =	vshra.s32 v8, $0x1F  }
0x31c: {  	v8 =	vxor.u32 v8, v10  }
0x31d: {  	v8 =	vand.u32 $0xFF, v8  }
0x31e: {  	vm1 =	veq.s32 v8, v7  }
0x31f: {  	vm1 =	vmand vm0, vm1  }
0x320: {  	v10 =	vsel vm1, $0x1, v3  }
0x321: {  	(xrf0) =	vadd.scan.msk.s32 $0xffff, v10;
	_ =	sdelay $0x2  }
0x322: {  	vm2 =	vgt.s32 v8, v7;
	s29 =	spop (v2sf)  }
0x323: {  	vm2 =	vmand vm0, vm2;
	s30 =	spop (v2sf);
	s25 =	sadd.s32 s16, s29  }
0x324: {  	v10 =	vsel vm2, $0x1, v3;
	s26 =	sadd.s32 $0x0, s30;
	[tilespmem:s25+$0x19080] =	vst.msk vm2, v9  }
0x325: {  	[tilespmem:s26+$0x8000] =	vst.msk vm1, v9;
	v9, _, _ =	vpop (xrf0);
	(xrf0) =	vadd.scan.msk.s32 $0xffff, v10;
	_ =	sdelay $0x2  }
0x326: {  	s23 =	simm.s32 $0x8030  }
0x327: {  	v8 =	vld [tilespmem:s23+$0xFFFFFFF0];
	_ =	sdelay $0x1  }
0x328: {  	s31 =	simm.s32 $0x20;
	(v2sf) =	vpush v9, $0xF;
	v11, _, _ =	vpop (xrf0)  }
0x329: {  	v9 =	vor.u32 s31, v0;
	(v2sf) =	vpush v11, $0xF  }
0x32a: {  	vm0 =	vlt.s32 v9, v6  }
0x32b: {  	v9 =	vnsel vm0, $0x0, v8;
	_ =	sdelay $0x4  }
0x32c: {  	v9 =	vld.idx.msk [tilespmem:v9+s4+$0x0], vm0;
	_ =	sdelay $0x1  }
0x32d: {  	p1 =	seq.s32 s22, $0x1  }
.Ltmp32:
0x32e: {  	_ = 	snop;
	(pc) =	sbr.rel @p1 .LBB2_48-.Ltmp32, $4  }
0x32f: {  	_ = 	snop  }
0x330: {  	v10 =	vshrl.u32 v9, $0x10;
	v9 =	vshra.s32 v9, $0x1F  }
0x331: {  	s22 =	sadd.s32 $0xFFFFFFFF, s22;
	v9 =	vxor.u32 v9, v10  }
0x332: {  	p0 =	por $0x1, $0x1;
	s24 =	simm.s32 $0x30;
	v9 =	vand.u32 $0xFF, v9;
	s28 =	spop (v2sf)  }
.LBB2_47:
0x333: {  	p1 =	seq.s32 s22, $0x1;
	vm1 =	vgt.s32 v9, v7;
	s26 =	sadd.s32 s26, s28;
	s28 =	spop (v2sf)  }
0x334: {  	s22 =	sadd.s32 $0xFFFFFFFF, s22;
	vm2 =	veq.s32 v9, v7;
	vm1 =	vmand vm0, vm1;
	s25 =	sadd.s32 s25, s28  }
0x335: {  	vm0 =	vmand vm0, vm2;
	[tilespmem:s25+$0x19080] =	vst.msk vm1, v8;
	v9 =	vsel vm1, $0x1, v3  }
0x336: {  	[tilespmem:s26+$0x8000] =	vst.msk vm0, v8;
	v8 =	vsel vm0, $0x1, v3;
	(xrf0) =	vadd.scan.msk.s32 $0xffff, v9  }
0x337: {  	v9 =	vld [tilespmem:s23+$0x0];
	(xrf0) =	vadd.scan.msk.s32 $0xffff, v8;
	_ =	sdelay $0x2  }
0x338: {  	v8 =	vor.u32 s24, v0  }
0x339: {  	vm0 =	vlt.s32 v8, v6  }
0x33a: {  	v8 =	vnsel vm0, $0x0, v9;
	v10, _, _ =	vpop (xrf0)  }
0x33b: {  	v11, _, _ =	vpop (xrf0);
	(v2sf) =	vpush v10, $0xF  }
0x33c: {  	(v2sf) =	vpush v11, $0xF;
	_ =	sdelay $0x2  }
0x33d: {  	v8 =	vld.idx.msk [tilespmem:v8+s4+$0x0], vm0;
	_ =	sdelay $0x5  }
0x33e: {  	v10 =	vshrl.u32 v8, $0x10;
	v8 =	vshra.s32 v8, $0x1F  }
0x33f: {  	v8 =	vxor.u32 v8, v10  }
0x340: {  	v8 =	vand.u32 $0xFF, v8  }
0x341: {  	vm1 =	vgt.s32 v8, v7;
	vm2 =	veq.s32 v8, v7  }
0x342: {  	vm1 =	vmand vm0, vm1;
	vm0 =	vmand vm0, vm2  }
0x343: {  	v8 =	vsel vm0, $0x1, v3;
	v10 =	vsel vm1, $0x1, v3;
	s28 =	spop (v2sf)  }
0x344: {  	s29 =	spop (v2sf);
	(xrf0) =	vadd.scan.msk.s32 $0xffff, v8  }
0x345: {  	s25 =	sadd.s32 s25, s28;
	(xrf0) =	vadd.scan.msk.s32 $0xffff, v10  }
0x346: {  	s26 =	sadd.s32 s26, s29;
	[tilespmem:s25+$0x19080] =	vst.msk vm1, v9  }
0x347: {  	s23 =	sadd.s32 $0x20, s23;
	[tilespmem:s26+$0x8000] =	vst.msk vm0, v9  }
0x348: {  	v8 =	vld [tilespmem:s23+$0xFFFFFFF0]  }
0x349: {  	s24 =	sadd.s32 $0x20, s24  }
0x34a: {  	s28 =	sadd.s32 $0xFFFFFFF0, s24;
	v9, _, _ =	vpop (xrf0)  }
0x34b: {  	v10 =	vor.u32 s28, v0;
	(v2sf) =	vpush v9, $0xF;
	v9, _, _ =	vpop (xrf0)  }
0x34c: {  	vm0 =	vlt.s32 v10, v6;
	(v2sf) =	vpush v9, $0xF  }
0x34d: {  	v9 =	vnsel vm0, $0x0, v8;
	_ =	sdelay $0x4  }
0x34e: {  	v9 =	vld.idx.msk [tilespmem:v9+s4+$0x0], vm0;
	_ =	sdelay $0x3  }
.Ltmp33:
0x34f: {  	(pc) =	sbr.rel @!p1 .LBB2_47-.Ltmp33, $4  }
0x350: {  	_ = 	snop  }
0x351: {  	v10 =	vshrl.u32 v9, $0x10;
	v9 =	vshra.s32 v9, $0x1F  }
0x352: {  	v9 =	vxor.u32 v9, v10  }
0x353: {  	v9 =	vand.u32 $0xFF, v9;
	s28 =	spop (v2sf)  }
.LBB2_48:
0x354: {  	s22 =	spop @p0 (v2sf)  }
0x355: {  	vm1 =	vgt.s32 v9, v7;
	s22 =	sadd.s32 @p0 s25, s22  }
0x356: {  	vm2 =	veq.s32 v9, v7;
	s25 =	sadd.s32 @p0 s26, s28;
	vm1 =	vmand vm0, vm1;
	s16 =	smov.u32 @p0 s22  }
0x357: {  	vm12 =	vmand vm0, vm2;
	s21 =	smov.u32 @p0 s25;
	[tilespmem:s16+$0x19080] =	vst.msk vm1, v8  }
0x358: {  	[tilespmem:s21+$0x8000] =	vst.msk vm12, v8  }
0x359: {  	v8 =	vld [tilespmem:s23+$0x0];
	_ =	sdelay $0x2  }
0x35a: {  	v60 =	vor.u32 s24, v0  }
0x35b: {  	vm13 =	vlt.s32 v60, v6  }
0x35c: {  	v6 =	vnsel vm13, $0x0, v8;
	_ =	sdelay $0x4  }
0x35d: {  	v6 =	vld.idx.msk [tilespmem:v6+s4+$0x0], vm13;
	_ =	sdelay $0x4  }
0x35e: {  	v61 =	vshrl.u32 v6, $0x10;
	v6 =	vshra.s32 v6, $0x1F  }
0x35f: {  	v6 =	vxor.u32 v6, v61  }
0x360: {  	v6 =	vand.u32 $0xFF, v6  }
0x361: {  	v62 =	vsel vm1, $0x1, v3;
	vm14 =	veq.s32 v6, v7  }
0x362: {  	v63 =	vsel vm12, $0x1, v3;
	(xrf0) =	vadd.scan.msk.s32 $0xffff, v62;
	vm15 =	vgt.s32 v6, v7;
	vm1 =	vmand vm13, vm14  }
0x363: {  	(xrf0) =	vadd.scan.msk.s32 $0xffff, v63;
	vm0 =	vmand vm13, vm15;
	v6 =	vsel vm1, $0x1, v3  }
0x364: {  	v7 =	vsel vm0, $0x1, v3;
	(xrf0) =	vadd.scan.msk.s32 $0xffff, v6  }
0x365: {  	(xrf0) =	vadd.scan.msk.s32 $0xffff, v7;
	_ =	sdelay $0x2  }
0x366: {  	v6, _, _ =	vpop (xrf0)  }
0x367: {  	v7, _, _ =	vpop (xrf0);
	(v2sf) =	vpush v6, $0xF  }
0x368: {  	(v2sf) =	vpush v7, $0xF;
	v6, _, _ =	vpop (xrf0)  }
0x369: {  	(v2sf) =	vpush v6, $0xF;
	v6, _, _ =	vpop (xrf0)  }
0x36a: {  	(v2sf) =	vpush v6, $0xF;
	_ =	sdelay $0xb  }
0x36b: {  	s28 =	spop (v2sf)  }
0x36c: {  	s29 =	spop (v2sf)  }
0x36d: {  	s16 =	sadd.s32 s16, s28;
	s30 =	spop (v2sf)  }
0x36e: {  	s21 =	sadd.s32 s21, s29;
	[tilespmem:s16+$0x19080] =	vst.msk vm0, v8;
	s31 =	spop (v2sf)  }
0x36f: {  	[tilespmem:s21+$0x8000] =	vst.msk vm1, v8;
	s21 =	sadd.s32 s21, s30;
	s16 =	sadd.s32 s16, s31  }
.LBB2_49:
0x370: {  	s18 =	sadd.s32 s20, s18  }
0x371: {  	s17 =	ssub.s32 s17, s18  }
0x372: {  	s18 =	simm.s32 $0x0;
	s17 =	sadd.s32 s19, s17;
	s19 =	simm.s32 $0x200  }
.LBB2_50:
0x373: {  	p0 =	sne.s32 s19, $0x3E00;
	[tilespmem:s18+$0x180F0] =	vst v3  }
0x374: {  	[tilespmem:s18+$0x18080] =	vst v3  }
0x375: {  	[tilespmem:s18+$0x18090] =	vst v3  }
.Ltmp34:
0x376: {  	[tilespmem:s18+$0x180A0] =	vst v3;
	(pc) =	sbr.rel @p0 .LBB2_50-.Ltmp34, $4  }
0x377: {  	[tilespmem:s18+$0x180B0] =	vst v3  }
0x378: {  	[tilespmem:s18+$0x180C0] =	vst v3  }
0x379: {  	[tilespmem:s18+$0x180D0] =	vst v3  }
0x37a: {  	[tilespmem:s18+$0x180E0] =	vst v3;
	s18 =	sshra.s32 s19, $0x2;
	s19 =	sadd.s32 $0x200, s19  }
0x37b: {  	s19 =	sadd.s32 $0x1F, s21  }
0x37c: {  	s20 =	sand.u32 $0x1F, s19  }
0x37d: {  	s31 =	sshra.s32 s19, $0x1F;
	p1 =	slt.s32 s19, $0x1;
	p0 =	sne.s32 s20, $0x0  }
0x37e: {  	s20 =	sshrl.u32 s31, $0x1B;
	p0 =	por !p1, !p0  }
0x37f: {  	s19 =	sadd.s32 s20, s19;
	s20 =	simm.s32 $0x1;
	p0 =	por !p0, !p0  }
0x380: {  	[tilespmem:s18+$0x180F0] =	vst v3;
	s19 =	sshra.s32 s19, $0x5;
	s20 =	simm.s32 @!p0 $0x0  }
0x381: {  	[tilespmem:s18+$0x18080] =	vst v3;
	s22 =	ssub.s32 s19, s20  }
0x382: {  	[tilespmem:s18+$0x18090] =	vst v3;
	p0 =	slt.s32 s22, $0x1  }
.Ltmp35:
0x383: {  	[tilespmem:s18+$0x180A0] =	vst v3;
	(pc) =	sbr.rel @p0 .LBB2_54-.Ltmp35, $4  }
0x384: {  	[tilespmem:s18+$0x180B0] =	vst v3  }
0x385: {  	[tilespmem:s18+$0x180C0] =	vst v3  }
0x386: {  	[tilespmem:s18+$0x180D0] =	vst v3  }
0x387: {  	[tilespmem:s18+$0x180E0] =	vst v3;
	v6 =	vmov s21  }
0x388: {  	s18 =	simm.s32 $0x8010;
	s19 =	simm.s32 $0x10;
	s20 =	smov.u32 s22  }
.LBB2_53:
0x389: {  	v7 =	vld [tilespmem:s18+$0xFFFFFFF0];
	_ =	sdelay $0x1  }
0x38a: {  	s21 =	sadd.s32 $0xFFFFFFF0, s19  }
0x38b: {  	v8 =	vor.u32 s21, v0  }
0x38c: {  	vm0 =	vlt.s32 v8, v6  }
0x38d: {  	v7 =	vnsel vm0, $0x0, v7;
	_ =	sdelay $0x4  }
0x38e: {  	v7 =	vld.idx.msk [tilespmem:v7+s4+$0x0], vm0;
	_ =	sdelay $0x4  }
0x38f: {  	v8 =	vshrl.u32 v7, $0x8;
	v7 =	vshra.s32 v7, $0x1F  }
0x390: {  	v7 =	vxor.u32 v7, v8  }
0x391: {  	v7 =	vand.u32 $0xFF, v7  }
0x392: {  	v7 =	vor.u32 v1, v7;
	_ =	sdelay $0x4  }
0x393: {  	v8 =	vld.idx.msk [tilespmem:v7+s10+$0x0], vm0;
	_ =	sdelay $0x4  }
0x394: {  	v8 =	vadd.s32 $0x1, v8  }
0x395: {  	[tilespmem:v7+s10+$0x0] =	vst.idx.msk vm0, v8  }
0x396: {  	v7 =	vld [tilespmem:s18+$0x0];
	_ =	sdelay $0x2  }
0x397: {  	v8 =	vor.u32 s19, v0  }
0x398: {  	vm15 =	vlt.s32 v8, v6  }
0x399: {  	v7 =	vnsel vm15, $0x0, v7;
	_ =	sdelay $0x4  }
0x39a: {  	v7 =	vld.idx.msk [tilespmem:v7+s4+$0x0], vm15;
	_ =	sdelay $0x4  }
0x39b: {  	v8 =	vshrl.u32 v7, $0x8;
	v7 =	vshra.s32 v7, $0x1F  }
0x39c: {  	v7 =	vxor.u32 v7, v8  }
0x39d: {  	v7 =	vand.u32 $0xFF, v7  }
0x39e: {  	v7 =	vor.u32 v1, v7;
	_ =	sdelay $0x4  }
0x39f: {  	v8 =	vld.idx.msk [tilespmem:v7+s10+$0x0], vm15  }
0x3a0: {  	p1 =	seq.s32 s20, $0x1  }
.Ltmp36:
0x3a1: {  	_ = 	snop;
	(pc) =	sbr.rel @!p1 .LBB2_53-.Ltmp36, $3  }
0x3a2: {  	_ =	sdelay $0x1  }
0x3a3: {  	v8 =	vadd.s32 $0x1, v8  }
0x3a4: {  	s20 =	sadd.s32 $0xFFFFFFFF, s20;
	s19 =	sadd.s32 $0x20, s19;
	s18 =	sadd.s32 $0x20, s18;
	[tilespmem:v7+s10+$0x0] =	vst.idx.msk vm15, v8  }
.LBB2_54:
0x3a5: {  	p1 =	sgt.s32 s17, $0x0  }
.Ltmp37:
0x3a6: {  	_ = 	snop;
	(pc) =	sbr.rel @!p1 .LBB2_55-.Ltmp37, $2  }
0x3a7: {  	_ =	sdelay $0x2  }
0x3a8: {  	s21 =	simm.s32 $0x0;
	s23 =	simm.s32 $0x100  }
0x3a9: {  	s20 =	simm.s32 $0x10;
	s19 =	simm.s32 $0x18170;
	s18 =	simm.s32 $0x0  }
.LBB2_57:
0x3aa: {  	s23 =	sadd.s32 $0xFFFFFFF0, s23  }
0x3ab: {  	v7 =	vld [tilespmem:s19+$0x0];
	s24 =	sand.u32 $0xFFFFFFF0, s23  }
0x3ac: {  	v8 =	vld [tilespmem:s24+$0x18180]  }
0x3ad: {  	v9 =	vld [tilespmem:s24+$0x18280]  }
0x3ae: {  	v10 =	vld [tilespmem:s24+$0x18380]  }
0x3af: {  	v11 =	vld [tilespmem:s24+$0x18480]  }
0x3b0: {  	v12 =	vld [tilespmem:s24+$0x18580]  }
0x3b1: {  	v7 =	vadd.s32 v7, v8;
	v8 =	vld [tilespmem:s24+$0x18680]  }
0x3b2: {  	v56 =	vld [tilespmem:s24+$0x18780];
	v7 =	vadd.s32 v9, v7  }
0x3b3: {  	v57 =	vld [tilespmem:s24+$0x18880];
	v7 =	vadd.s32 v10, v7  }
0x3b4: {  	v58 =	vld [tilespmem:s24+$0x18980];
	v7 =	vadd.s32 v11, v7  }
0x3b5: {  	v59 =	vld [tilespmem:s24+$0x18A80];
	v7 =	vadd.s32 v12, v7  }
0x3b6: {  	v7 =	vadd.s32 v8, v7;
	v8 =	vld [tilespmem:s24+$0x18B80]  }
0x3b7: {  	v60 =	vld [tilespmem:s24+$0x18C80];
	v7 =	vadd.s32 v56, v7  }
0x3b8: {  	v61 =	vld [tilespmem:s24+$0x18D80];
	v7 =	vadd.s32 v57, v7  }
0x3b9: {  	v62 =	vld [tilespmem:s24+$0x18E80];
	v7 =	vadd.s32 v58, v7  }
0x3ba: {  	v63 =	vld [tilespmem:s24+$0x18F80];
	v7 =	vadd.s32 v59, v7  }
0x3bb: {  	v7 =	vadd.s32 v8, v7  }
0x3bc: {  	v7 =	vadd.s32 v60, v7  }
0x3bd: {  	v7 =	vadd.s32 v61, v7  }
0x3be: {  	v7 =	vadd.s32 v62, v7  }
0x3bf: {  	v7 =	vadd.s32 v63, v7  }
0x3c0: {  	(xrf0) =	vadd.scan.msk.s32 $0xffff, v7;
	_ =	sdelay $0x5  }
0x3c1: {  	v7, _, _ =	vpop (xrf0)  }
0x3c2: {  	(v2sf) =	vpush v7, $0xF;
	_ =	sdelay $0xe  }
0x3c3: {  	s31 =	spop (v2sf)  }
0x3c4: {  	p1 =	slt.u32 s20, $0x2;
	s18 =	sadd.s32 s18, s31  }
0x3c5: {  	p2 =	slt.s32 @!p1 s18, s17  }
0x3c6: {  	p2 =	por p1, !p2  }
.Ltmp38:
0x3c7: {  	_ = 	snop;
	(pc) =	sbr.rel @!p2 .LBB2_57-.Ltmp38, $2  }
0x3c8: {  	_ =	sdelay $0x2  }
0x3c9: {  	s20 =	sadd.s32 $0xFFFFFFFF, s20;
	s19 =	sadd.s32 $0xFFFFFFF0, s19  }
.Ltmp39:
0x3ca: {  	(pc) =	sbr.rel .LBB2_59-.Ltmp39, $2  }
0x3cb: {  	_ =	sdelay $0x2  }
0x3cc: {  	s23 =	smov.u32 @p1 s23;
	s18 =	smov.u32 @p1 s18  }
.LBB2_55:
0x3cd: {  	s18 =	simm.s32 $0x0  }
.LBB2_59:
0x3ce: {  	v7 =	vld [tilespmem:s23+$0x18080];
	s19 =	sand.u32 $0xFFFFFFF0, s23  }
0x3cf: {  	v8 =	vld [tilespmem:s19+$0x18180]  }
0x3d0: {  	v9 =	vld [tilespmem:s19+$0x18280]  }
0x3d1: {  	v10 =	vld [tilespmem:s19+$0x18380]  }
0x3d2: {  	v11 =	vld [tilespmem:s19+$0x18480]  }
0x3d3: {  	v12 =	vld [tilespmem:s19+$0x18580]  }
0x3d4: {  	v7 =	vadd.s32 v7, v8;
	v8 =	vld [tilespmem:s19+$0x18680]  }
0x3d5: {  	v53 =	vld [tilespmem:s19+$0x18780];
	v7 =	vadd.s32 v9, v7  }
0x3d6: {  	v54 =	vld [tilespmem:s19+$0x18880];
	v7 =	vadd.s32 v10, v7  }
0x3d7: {  	v55 =	vld [tilespmem:s19+$0x18980];
	v7 =	vadd.s32 v11, v7  }
0x3d8: {  	v56 =	vld [tilespmem:s19+$0x18A80];
	v7 =	vadd.s32 v12, v7  }
0x3d9: {  	v7 =	vadd.s32 v8, v7;
	v8 =	vld [tilespmem:s19+$0x18B80]  }
0x3da: {  	v57 =	vld [tilespmem:s19+$0x18C80];
	v7 =	vadd.s32 v53, v7  }
0x3db: {  	v58 =	vld [tilespmem:s19+$0x18D80];
	v7 =	vadd.s32 v54, v7  }
0x3dc: {  	v59 =	vld [tilespmem:s19+$0x18E80];
	v7 =	vadd.s32 v55, v7  }
0x3dd: {  	v60 =	vld [tilespmem:s19+$0x18F80];
	v7 =	vadd.s32 v56, v7  }
0x3de: {  	v7 =	vadd.s32 v8, v7  }
0x3df: {  	v7 =	vadd.s32 v57, v7  }
0x3e0: {  	v7 =	vadd.s32 v58, v7  }
0x3e1: {  	v7 =	vadd.s32 v59, v7  }
0x3e2: {  	v7 =	vadd.s32 v60, v7  }
0x3e3: {  	(xrf0) =	vadd.scan.msk.s32 $0xffff, v7;
	_ =	sdelay $0x5  }
0x3e4: {  	v8, _, _ =	vpop (xrf0)  }
0x3e5: {  	(v2sf) =	vpush v8, $0xF;
	_ =	sdelay $0x7  }
0x3e6: {  	v8 =	vperm.xlane v7, v5;
	_ =	sdelay $0x1  }
0x3e7: {  	(xrf0) =	vadd.scan.msk.s32 $0xffff, v8;
	_ =	sdelay $0x4  }
0x3e8: {  	s30 =	spop (v2sf)  }
0x3e9: {  	v8, _, _ =	vpop (xrf0);
	s18 =	ssub.s32 s18, s30  }
0x3ea: {  	v61 =	vadd.s32 s18, v8  }
0x3eb: {  	vm0 =	vge.s32 v61, s17  }
0x3ec: {  	v9 =	vmctz.xlane vm0;
	_ =	sdelay $0x1  }
0x3ed: {  	v9 =	vxor.u32 $0x80000000, v9  }
0x3ee: {  	(xrf0) =	vmax.scan.msk.u32 $0xffff, v9;
	_ =	sdelay $0x5  }
0x3ef: {  	v9, _, _ =	vpop (xrf0)  }
0x3f0: {  	(v2sf) =	vpush v9, $0xF;
	_ =	sdelay $0xe  }
0x3f1: {  	s31 =	spop (v2sf)  }
0x3f2: {  	s19 =	sxor.u32 $0x80000000, s31  }
0x3f3: {  	s24 =	ssub.s32 $0xF, s19;
	v62 =	vmov s19  }
0x3f4: {  	vm14 =	veq.s32 v62, v0;
	v63 =	vmov s24  }
0x3f5: {  	v8 =	vnsel vm14, $0x0, v8;
	vm15 =	veq.s32 v63, v0  }
0x3f6: {  	(xrf0) =	vadd.scan.msk.s32 $0xffff, v8;
	v7 =	vnsel vm15, $0x0, v7  }
0x3f7: {  	(xrf0) =	vadd.scan.msk.s32 $0xffff, v7;
	_ =	sdelay $0x4  }
0x3f8: {  	v7, _, _ =	vpop (xrf0)  }
0x3f9: {  	(v2sf) =	vpush v7, $0xF;
	v7, _, _ =	vpop (xrf0)  }
0x3fa: {  	(v2sf) =	vpush v7, $0xF;
	_ =	sdelay $0xa  }
.Ltmp40:
0x3fb: {  	_ = 	snop;
	(pc) =	sbr.rel @p0 .LBB2_65-.Ltmp40, $3  }
0x3fc: {  	_ =	sdelay $0x1  }
0x3fd: {  	s20 =	spop (v2sf)  }
0x3fe: {  	s19 =	spop (v2sf)  }
0x3ff: {  	s21 =	sadd.s32 s23, s24;
	s23 =	simm.s32 $0x8010  }
0x400: {  	v8 =	vld [tilespmem:s23+$0xFFFFFFF0];
	_ =	sdelay $0x1  }
0x401: {  	s25 =	simm.s32 $0x0  }
0x402: {  	v9 =	vor.u32 s25, v0  }
0x403: {  	vm0 =	vlt.s32 v9, v6  }
0x404: {  	v9 =	vnsel vm0, $0x0, v8;
	_ =	sdelay $0x4  }
0x405: {  	v9 =	vld.idx.msk [tilespmem:v9+s4+$0x0], vm0;
	_ =	sdelay $0x1  }
0x406: {  	p1 =	seq.s32 s22, $0x1  }
.Ltmp41:
0x407: {  	_ = 	snop;
	(pc) =	sbr.rel @p1 .LBB2_61-.Ltmp41, $4  }
0x408: {  	_ = 	snop  }
0x409: {  	v10 =	vshrl.u32 v9, $0x8;
	v9 =	vshra.s32 v9, $0x1F  }
0x40a: {  	s24 =	simm.s32 $0x10;
	v9 =	vxor.u32 v9, v10  }
0x40b: {  	s22 =	sadd.s32 $0xFFFFFFFF, s22;
	p0 =	por $0x0, $0x0;
	v7 =	vmov s21;
	s21 =	simm.s32 $0x0;
	v9 =	vand.u32 $0xFF, v9  }
0x40c: {  	vm1 =	vgt.s32 v9, v7  }
0x40d: {  	vm2 =	veq.s32 v9, v7;
	vm1 =	vmand vm0, vm1  }
0x40e: {  	vm0 =	vmand vm0, vm2;
	[tilespmem:s16+$0x19080] =	vst.msk vm1, v8  }
0x40f: {  	v9 =	vsel vm1, $0x1, v3;
	[tilespmem:s21+$0x8000] =	vst.msk vm0, v8  }
0x410: {  	(xrf0) =	vadd.scan.msk.s32 $0xffff, v9;
	v9 =	vld [tilespmem:s23+$0x0];
	_ =	sdelay $0x1  }
0x411: {  	v8 =	vsel vm0, $0x1, v3  }
0x412: {  	(xrf0) =	vadd.scan.msk.s32 $0xffff, v8;
	v8 =	vor.u32 s24, v0  }
0x413: {  	vm0 =	vlt.s32 v8, v6  }
0x414: {  	v8 =	vnsel vm0, $0x0, v9;
	_ =	sdelay $0x2  }
0x415: {  	v10, _, _ =	vpop (xrf0)  }
0x416: {  	v11, _, _ =	vpop (xrf0);
	(v2sf) =	vpush v10, $0xF  }
0x417: {  	(v2sf) =	vpush v11, $0xF;
	v8 =	vld.idx.msk [tilespmem:v8+s4+$0x0], vm0;
	_ =	sdelay $0x4  }
0x418: {  	v10 =	vshrl.u32 v8, $0x8;
	v8 =	vshra.s32 v8, $0x1F  }
0x419: {  	v8 =	vxor.u32 v8, v10  }
0x41a: {  	v8 =	vand.u32 $0xFF, v8  }
0x41b: {  	vm1 =	veq.s32 v8, v7  }
0x41c: {  	vm1 =	vmand vm0, vm1  }
0x41d: {  	v10 =	vsel vm1, $0x1, v3  }
0x41e: {  	(xrf0) =	vadd.scan.msk.s32 $0xffff, v10;
	_ =	sdelay $0x2  }
0x41f: {  	vm2 =	vgt.s32 v8, v7;
	s29 =	spop (v2sf)  }
0x420: {  	vm2 =	vmand vm0, vm2;
	s30 =	spop (v2sf);
	s25 =	sadd.s32 s16, s29  }
0x421: {  	v10 =	vsel vm2, $0x1, v3;
	s26 =	sadd.s32 $0x0, s30;
	[tilespmem:s25+$0x19080] =	vst.msk vm2, v9  }
0x422: {  	[tilespmem:s26+$0x8000] =	vst.msk vm1, v9;
	v9, _, _ =	vpop (xrf0);
	(xrf0) =	vadd.scan.msk.s32 $0xffff, v10;
	_ =	sdelay $0x2  }
0x423: {  	s23 =	simm.s32 $0x8030  }
0x424: {  	v8 =	vld [tilespmem:s23+$0xFFFFFFF0];
	_ =	sdelay $0x1  }
0x425: {  	s31 =	simm.s32 $0x20;
	(v2sf) =	vpush v9, $0xF;
	v11, _, _ =	vpop (xrf0)  }
0x426: {  	v9 =	vor.u32 s31, v0;
	(v2sf) =	vpush v11, $0xF  }
0x427: {  	vm0 =	vlt.s32 v9, v6  }
0x428: {  	v9 =	vnsel vm0, $0x0, v8;
	_ =	sdelay $0x4  }
0x429: {  	v9 =	vld.idx.msk [tilespmem:v9+s4+$0x0], vm0;
	_ =	sdelay $0x1  }
0x42a: {  	p1 =	seq.s32 s22, $0x1  }
.Ltmp42:
0x42b: {  	_ = 	snop;
	(pc) =	sbr.rel @p1 .LBB2_64-.Ltmp42, $4  }
0x42c: {  	_ = 	snop  }
0x42d: {  	v10 =	vshrl.u32 v9, $0x8;
	v9 =	vshra.s32 v9, $0x1F  }
0x42e: {  	s22 =	sadd.s32 $0xFFFFFFFF, s22;
	v9 =	vxor.u32 v9, v10  }
0x42f: {  	p0 =	por $0x1, $0x1;
	s24 =	simm.s32 $0x30;
	v9 =	vand.u32 $0xFF, v9;
	s28 =	spop (v2sf)  }
.LBB2_63:
0x430: {  	p1 =	seq.s32 s22, $0x1;
	vm1 =	vgt.s32 v9, v7;
	s26 =	sadd.s32 s26, s28;
	s28 =	spop (v2sf)  }
0x431: {  	s22 =	sadd.s32 $0xFFFFFFFF, s22;
	vm2 =	veq.s32 v9, v7;
	vm1 =	vmand vm0, vm1;
	s25 =	sadd.s32 s25, s28  }
0x432: {  	vm0 =	vmand vm0, vm2;
	[tilespmem:s25+$0x19080] =	vst.msk vm1, v8;
	v9 =	vsel vm1, $0x1, v3  }
0x433: {  	[tilespmem:s26+$0x8000] =	vst.msk vm0, v8;
	v8 =	vsel vm0, $0x1, v3;
	(xrf0) =	vadd.scan.msk.s32 $0xffff, v9  }
0x434: {  	v9 =	vld [tilespmem:s23+$0x0];
	(xrf0) =	vadd.scan.msk.s32 $0xffff, v8;
	_ =	sdelay $0x2  }
0x435: {  	v8 =	vor.u32 s24, v0  }
0x436: {  	vm0 =	vlt.s32 v8, v6  }
0x437: {  	v8 =	vnsel vm0, $0x0, v9;
	v10, _, _ =	vpop (xrf0)  }
0x438: {  	v11, _, _ =	vpop (xrf0);
	(v2sf) =	vpush v10, $0xF  }
0x439: {  	(v2sf) =	vpush v11, $0xF;
	_ =	sdelay $0x2  }
0x43a: {  	v8 =	vld.idx.msk [tilespmem:v8+s4+$0x0], vm0;
	_ =	sdelay $0x5  }
0x43b: {  	v10 =	vshrl.u32 v8, $0x8;
	v8 =	vshra.s32 v8, $0x1F  }
0x43c: {  	v8 =	vxor.u32 v8, v10  }
0x43d: {  	v8 =	vand.u32 $0xFF, v8  }
0x43e: {  	vm1 =	vgt.s32 v8, v7;
	vm2 =	veq.s32 v8, v7  }
0x43f: {  	vm1 =	vmand vm0, vm1;
	vm0 =	vmand vm0, vm2  }
0x440: {  	v8 =	vsel vm0, $0x1, v3;
	v10 =	vsel vm1, $0x1, v3;
	s28 =	spop (v2sf)  }
0x441: {  	s29 =	spop (v2sf);
	(xrf0) =	vadd.scan.msk.s32 $0xffff, v8  }
0x442: {  	s25 =	sadd.s32 s25, s28;
	(xrf0) =	vadd.scan.msk.s32 $0xffff, v10  }
0x443: {  	s26 =	sadd.s32 s26, s29;
	[tilespmem:s25+$0x19080] =	vst.msk vm1, v9  }
0x444: {  	s23 =	sadd.s32 $0x20, s23;
	[tilespmem:s26+$0x8000] =	vst.msk vm0, v9  }
0x445: {  	v8 =	vld [tilespmem:s23+$0xFFFFFFF0]  }
0x446: {  	s24 =	sadd.s32 $0x20, s24  }
0x447: {  	s28 =	sadd.s32 $0xFFFFFFF0, s24;
	v9, _, _ =	vpop (xrf0)  }
0x448: {  	v10 =	vor.u32 s28, v0;
	(v2sf) =	vpush v9, $0xF;
	v9, _, _ =	vpop (xrf0)  }
0x449: {  	vm0 =	vlt.s32 v10, v6;
	(v2sf) =	vpush v9, $0xF  }
0x44a: {  	v9 =	vnsel vm0, $0x0, v8;
	_ =	sdelay $0x4  }
0x44b: {  	v9 =	vld.idx.msk [tilespmem:v9+s4+$0x0], vm0;
	_ =	sdelay $0x3  }
.Ltmp43:
0x44c: {  	(pc) =	sbr.rel @!p1 .LBB2_63-.Ltmp43, $4  }
0x44d: {  	_ = 	snop  }
0x44e: {  	v10 =	vshrl.u32 v9, $0x8;
	v9 =	vshra.s32 v9, $0x1F  }
0x44f: {  	v9 =	vxor.u32 v9, v10  }
0x450: {  	v9 =	vand.u32 $0xFF, v9;
	s28 =	spop (v2sf)  }
.LBB2_64:
0x451: {  	s22 =	spop @p0 (v2sf)  }
0x452: {  	vm1 =	vgt.s32 v9, v7;
	s22 =	sadd.s32 @p0 s25, s22  }
0x453: {  	vm2 =	veq.s32 v9, v7;
	s25 =	sadd.s32 @p0 s26, s28;
	vm1 =	vmand vm0, vm1;
	s16 =	smov.u32 @p0 s22  }
0x454: {  	vm12 =	vmand vm0, vm2;
	s21 =	smov.u32 @p0 s25;
	[tilespmem:s16+$0x19080] =	vst.msk vm1, v8  }
0x455: {  	[tilespmem:s21+$0x8000] =	vst.msk vm12, v8  }
0x456: {  	v8 =	vld [tilespmem:s23+$0x0];
	_ =	sdelay $0x2  }
0x457: {  	v60 =	vor.u32 s24, v0  }
0x458: {  	vm13 =	vlt.s32 v60, v6  }
0x459: {  	v6 =	vnsel vm13, $0x0, v8;
	_ =	sdelay $0x4  }
0x45a: {  	v6 =	vld.idx.msk [tilespmem:v6+s4+$0x0], vm13;
	_ =	sdelay $0x4  }
0x45b: {  	v61 =	vshrl.u32 v6, $0x8;
	v6 =	vshra.s32 v6, $0x1F  }
0x45c: {  	v6 =	vxor.u32 v6, v61  }
0x45d: {  	v6 =	vand.u32 $0xFF, v6  }
0x45e: {  	v62 =	vsel vm1, $0x1, v3;
	vm14 =	veq.s32 v6, v7  }
0x45f: {  	v63 =	vsel vm12, $0x1, v3;
	(xrf0) =	vadd.scan.msk.s32 $0xffff, v62;
	vm15 =	vgt.s32 v6, v7;
	vm1 =	vmand vm13, vm14  }
0x460: {  	(xrf0) =	vadd.scan.msk.s32 $0xffff, v63;
	vm0 =	vmand vm13, vm15;
	v6 =	vsel vm1, $0x1, v3  }
0x461: {  	v7 =	vsel vm0, $0x1, v3;
	(xrf0) =	vadd.scan.msk.s32 $0xffff, v6  }
0x462: {  	(xrf0) =	vadd.scan.msk.s32 $0xffff, v7;
	_ =	sdelay $0x2  }
0x463: {  	v6, _, _ =	vpop (xrf0)  }
0x464: {  	v7, _, _ =	vpop (xrf0);
	(v2sf) =	vpush v6, $0xF  }
0x465: {  	(v2sf) =	vpush v7, $0xF;
	v6, _, _ =	vpop (xrf0)  }
0x466: {  	(v2sf) =	vpush v6, $0xF;
	v6, _, _ =	vpop (xrf0)  }
0x467: {  	(v2sf) =	vpush v6, $0xF;
	_ =	sdelay $0xb  }
0x468: {  	s28 =	spop (v2sf)  }
0x469: {  	s29 =	spop (v2sf)  }
0x46a: {  	s16 =	sadd.s32 s16, s28;
	s30 =	spop (v2sf)  }
0x46b: {  	s21 =	sadd.s32 s21, s29;
	[tilespmem:s16+$0x19080] =	vst.msk vm0, v8;
	s31 =	spop (v2sf)  }
0x46c: {  	[tilespmem:s21+$0x8000] =	vst.msk vm1, v8;
	s21 =	sadd.s32 s21, s30;
	s16 =	sadd.s32 s16, s31  }
.LBB2_65:
0x46d: {  	s18 =	sadd.s32 s20, s18  }
0x46e: {  	s17 =	ssub.s32 s17, s18  }
0x46f: {  	s18 =	simm.s32 $0x0;
	s17 =	sadd.s32 s19, s17;
	s19 =	simm.s32 $0x200  }
.LBB2_66:
0x470: {  	p0 =	sne.s32 s19, $0x3E00;
	[tilespmem:s18+$0x180F0] =	vst v3  }
0x471: {  	[tilespmem:s18+$0x18080] =	vst v3  }
0x472: {  	[tilespmem:s18+$0x18090] =	vst v3  }
.Ltmp44:
0x473: {  	[tilespmem:s18+$0x180A0] =	vst v3;
	(pc) =	sbr.rel @p0 .LBB2_66-.Ltmp44, $4  }
0x474: {  	[tilespmem:s18+$0x180B0] =	vst v3  }
0x475: {  	[tilespmem:s18+$0x180C0] =	vst v3  }
0x476: {  	[tilespmem:s18+$0x180D0] =	vst v3  }
0x477: {  	[tilespmem:s18+$0x180E0] =	vst v3;
	s18 =	sshra.s32 s19, $0x2;
	s19 =	sadd.s32 $0x200, s19  }
0x478: {  	s19 =	sadd.s32 $0x1F, s21  }
0x479: {  	s20 =	sand.u32 $0x1F, s19  }
0x47a: {  	s31 =	sshra.s32 s19, $0x1F;
	p1 =	slt.s32 s19, $0x1;
	p0 =	sne.s32 s20, $0x0  }
0x47b: {  	s20 =	sshrl.u32 s31, $0x1B;
	p0 =	por !p1, !p0  }
0x47c: {  	s19 =	sadd.s32 s20, s19;
	s20 =	simm.s32 $0x1;
	p0 =	por !p0, !p0  }
0x47d: {  	[tilespmem:s18+$0x180F0] =	vst v3;
	s19 =	sshra.s32 s19, $0x5;
	s20 =	simm.s32 @!p0 $0x0  }
0x47e: {  	[tilespmem:s18+$0x18080] =	vst v3;
	s22 =	ssub.s32 s19, s20  }
0x47f: {  	[tilespmem:s18+$0x18090] =	vst v3;
	p0 =	slt.s32 s22, $0x1  }
.Ltmp45:
0x480: {  	[tilespmem:s18+$0x180A0] =	vst v3;
	(pc) =	sbr.rel @p0 .LBB2_70-.Ltmp45, $4  }
0x481: {  	[tilespmem:s18+$0x180B0] =	vst v3  }
0x482: {  	[tilespmem:s18+$0x180C0] =	vst v3  }
0x483: {  	[tilespmem:s18+$0x180D0] =	vst v3  }
0x484: {  	[tilespmem:s18+$0x180E0] =	vst v3;
	v6 =	vmov s21  }
0x485: {  	s18 =	simm.s32 $0x8010;
	s19 =	simm.s32 $0x10;
	s20 =	smov.u32 s22  }
.LBB2_69:
0x486: {  	v7 =	vld [tilespmem:s18+$0xFFFFFFF0];
	_ =	sdelay $0x1  }
0x487: {  	s21 =	sadd.s32 $0xFFFFFFF0, s19  }
0x488: {  	v8 =	vor.u32 s21, v0  }
0x489: {  	vm0 =	vlt.s32 v8, v6  }
0x48a: {  	v7 =	vnsel vm0, $0x0, v7;
	_ =	sdelay $0x4  }
0x48b: {  	v7 =	vld.idx.msk [tilespmem:v7+s4+$0x0], vm0;
	_ =	sdelay $0x4  }
0x48c: {  	v8 =	vshra.s32 v7, $0x1F  }
0x48d: {  	v7 =	vxor.u32 v7, v8  }
0x48e: {  	v7 =	vand.u32 $0xFF, v7  }
0x48f: {  	v7 =	vor.u32 v1, v7;
	_ =	sdelay $0x4  }
0x490: {  	v8 =	vld.idx.msk [tilespmem:v7+s10+$0x0], vm0;
	_ =	sdelay $0x4  }
0x491: {  	v8 =	vadd.s32 $0x1, v8  }
0x492: {  	[tilespmem:v7+s10+$0x0] =	vst.idx.msk vm0, v8  }
0x493: {  	v7 =	vld [tilespmem:s18+$0x0];
	_ =	sdelay $0x2  }
0x494: {  	v8 =	vor.u32 s19, v0  }
0x495: {  	vm15 =	vlt.s32 v8, v6  }
0x496: {  	v7 =	vnsel vm15, $0x0, v7;
	_ =	sdelay $0x4  }
0x497: {  	v7 =	vld.idx.msk [tilespmem:v7+s4+$0x0], vm15;
	_ =	sdelay $0x4  }
0x498: {  	v8 =	vshra.s32 v7, $0x1F  }
0x499: {  	v7 =	vxor.u32 v7, v8  }
0x49a: {  	v7 =	vand.u32 $0xFF, v7  }
0x49b: {  	v7 =	vor.u32 v1, v7;
	_ =	sdelay $0x4  }
0x49c: {  	v8 =	vld.idx.msk [tilespmem:v7+s10+$0x0], vm15  }
0x49d: {  	p1 =	seq.s32 s20, $0x1  }
.Ltmp46:
0x49e: {  	_ = 	snop;
	(pc) =	sbr.rel @!p1 .LBB2_69-.Ltmp46, $3  }
0x49f: {  	_ =	sdelay $0x1  }
0x4a0: {  	v8 =	vadd.s32 $0x1, v8  }
0x4a1: {  	s20 =	sadd.s32 $0xFFFFFFFF, s20;
	s19 =	sadd.s32 $0x20, s19;
	s18 =	sadd.s32 $0x20, s18;
	[tilespmem:v7+s10+$0x0] =	vst.idx.msk vm15, v8  }
.LBB2_70:
0x4a2: {  	p1 =	sgt.s32 s17, $0x0  }
.Ltmp47:
0x4a3: {  	_ = 	snop;
	(pc) =	sbr.rel @!p1 .LBB2_74-.Ltmp47, $2  }
0x4a4: {  	_ =	sdelay $0x2  }
0x4a5: {  	s18 =	simm.s32 $0x0;
	s21 =	simm.s32 $0x100  }
0x4a6: {  	s20 =	simm.s32 $0x10;
	s19 =	simm.s32 $0x18170  }
.LBB2_72:
0x4a7: {  	s21 =	sadd.s32 $0xFFFFFFF0, s21  }
0x4a8: {  	v7 =	vld [tilespmem:s19+$0x0];
	s23 =	sand.u32 $0xFFFFFFF0, s21  }
0x4a9: {  	v8 =	vld [tilespmem:s23+$0x18180]  }
0x4aa: {  	v9 =	vld [tilespmem:s23+$0x18280]  }
0x4ab: {  	v10 =	vld [tilespmem:s23+$0x18380]  }
0x4ac: {  	v11 =	vld [tilespmem:s23+$0x18480]  }
0x4ad: {  	v12 =	vld [tilespmem:s23+$0x18580]  }
0x4ae: {  	v7 =	vadd.s32 v7, v8;
	v8 =	vld [tilespmem:s23+$0x18680]  }
0x4af: {  	v56 =	vld [tilespmem:s23+$0x18780];
	v7 =	vadd.s32 v9, v7  }
0x4b0: {  	v57 =	vld [tilespmem:s23+$0x18880];
	v7 =	vadd.s32 v10, v7  }
0x4b1: {  	v58 =	vld [tilespmem:s23+$0x18980];
	v7 =	vadd.s32 v11, v7  }
0x4b2: {  	v59 =	vld [tilespmem:s23+$0x18A80];
	v7 =	vadd.s32 v12, v7  }
0x4b3: {  	v7 =	vadd.s32 v8, v7;
	v8 =	vld [tilespmem:s23+$0x18B80]  }
0x4b4: {  	v60 =	vld [tilespmem:s23+$0x18C80];
	v7 =	vadd.s32 v56, v7  }
0x4b5: {  	v61 =	vld [tilespmem:s23+$0x18D80];
	v7 =	vadd.s32 v57, v7  }
0x4b6: {  	v62 =	vld [tilespmem:s23+$0x18E80];
	v7 =	vadd.s32 v58, v7  }
0x4b7: {  	v63 =	vld [tilespmem:s23+$0x18F80];
	v7 =	vadd.s32 v59, v7  }
0x4b8: {  	v7 =	vadd.s32 v8, v7  }
0x4b9: {  	v7 =	vadd.s32 v60, v7  }
0x4ba: {  	v7 =	vadd.s32 v61, v7  }
0x4bb: {  	v7 =	vadd.s32 v62, v7  }
0x4bc: {  	v7 =	vadd.s32 v63, v7  }
0x4bd: {  	(xrf0) =	vadd.scan.msk.s32 $0xffff, v7;
	_ =	sdelay $0x5  }
0x4be: {  	v7, _, _ =	vpop (xrf0)  }
0x4bf: {  	(v2sf) =	vpush v7, $0xF;
	_ =	sdelay $0xe  }
0x4c0: {  	s31 =	spop (v2sf)  }
0x4c1: {  	p1 =	slt.u32 s20, $0x2;
	s18 =	sadd.s32 s18, s31  }
0x4c2: {  	p2 =	slt.s32 @!p1 s18, s17  }
0x4c3: {  	p2 =	por p1, !p2  }
.Ltmp48:
0x4c4: {  	_ = 	snop;
	(pc) =	sbr.rel @!p2 .LBB2_72-.Ltmp48, $2  }
0x4c5: {  	_ =	sdelay $0x2  }
0x4c6: {  	s20 =	sadd.s32 $0xFFFFFFFF, s20;
	s19 =	sadd.s32 $0xFFFFFFF0, s19  }
0x4c7: {  	s21 =	smov.u32 @p1 s21;
	s18 =	smov.u32 @p1 s18  }
.LBB2_74:
0x4c8: {  	v7 =	vld [tilespmem:s21+$0x18080];
	s19 =	sand.u32 $0xFFFFFFF0, s21  }
0x4c9: {  	v8 =	vld [tilespmem:s19+$0x18180]  }
0x4ca: {  	v9 =	vld [tilespmem:s19+$0x18280]  }
0x4cb: {  	v10 =	vld [tilespmem:s19+$0x18380]  }
0x4cc: {  	v11 =	vld [tilespmem:s19+$0x18480]  }
0x4cd: {  	v12 =	vld [tilespmem:s19+$0x18580]  }
0x4ce: {  	v7 =	vadd.s32 v7, v8;
	v8 =	vld [tilespmem:s19+$0x18680]  }
0x4cf: {  	v53 =	vld [tilespmem:s19+$0x18780];
	v7 =	vadd.s32 v9, v7  }
0x4d0: {  	v54 =	vld [tilespmem:s19+$0x18880];
	v7 =	vadd.s32 v10, v7  }
0x4d1: {  	v55 =	vld [tilespmem:s19+$0x18980];
	v7 =	vadd.s32 v11, v7  }
0x4d2: {  	v56 =	vld [tilespmem:s19+$0x18A80];
	v7 =	vadd.s32 v12, v7  }
0x4d3: {  	v7 =	vadd.s32 v8, v7;
	v8 =	vld [tilespmem:s19+$0x18B80]  }
0x4d4: {  	v57 =	vld [tilespmem:s19+$0x18C80];
	v7 =	vadd.s32 v53, v7  }
0x4d5: {  	v58 =	vld [tilespmem:s19+$0x18D80];
	v7 =	vadd.s32 v54, v7  }
0x4d6: {  	v59 =	vld [tilespmem:s19+$0x18E80];
	v7 =	vadd.s32 v55, v7  }
0x4d7: {  	v60 =	vld [tilespmem:s19+$0x18F80];
	v7 =	vadd.s32 v56, v7  }
0x4d8: {  	v7 =	vadd.s32 v8, v7  }
0x4d9: {  	v7 =	vadd.s32 v57, v7  }
0x4da: {  	v7 =	vadd.s32 v58, v7  }
0x4db: {  	v7 =	vadd.s32 v59, v7  }
0x4dc: {  	v7 =	vadd.s32 v60, v7  }
0x4dd: {  	(xrf0) =	vadd.scan.msk.s32 $0xffff, v7;
	_ =	sdelay $0x5  }
0x4de: {  	v8, _, _ =	vpop (xrf0)  }
0x4df: {  	(v2sf) =	vpush v8, $0xF;
	_ =	sdelay $0x7  }
0x4e0: {  	v8 =	vperm.xlane v7, v5;
	_ =	sdelay $0x1  }
0x4e1: {  	(xrf0) =	vadd.scan.msk.s32 $0xffff, v8;
	_ =	sdelay $0x4  }
0x4e2: {  	s30 =	spop (v2sf)  }
0x4e3: {  	v8, _, _ =	vpop (xrf0);
	s18 =	ssub.s32 s18, s30  }
0x4e4: {  	v61 =	vadd.s32 s18, v8  }
0x4e5: {  	vm0 =	vge.s32 v61, s17  }
0x4e6: {  	v9 =	vmctz.xlane vm0;
	_ =	sdelay $0x1  }
0x4e7: {  	v9 =	vxor.u32 $0x80000000, v9  }
0x4e8: {  	(xrf0) =	vmax.scan.msk.u32 $0xffff, v9;
	_ =	sdelay $0x5  }
0x4e9: {  	v9, _, _ =	vpop (xrf0)  }
0x4ea: {  	(v2sf) =	vpush v9, $0xF;
	_ =	sdelay $0xe  }
0x4eb: {  	s31 =	spop (v2sf)  }
0x4ec: {  	s19 =	sxor.u32 $0x80000000, s31  }
0x4ed: {  	s24 =	ssub.s32 $0xF, s19;
	v62 =	vmov s19  }
0x4ee: {  	vm14 =	veq.s32 v62, v0;
	v63 =	vmov s24  }
0x4ef: {  	v8 =	vnsel vm14, $0x0, v8;
	vm15 =	veq.s32 v63, v0  }
0x4f0: {  	(xrf0) =	vadd.scan.msk.s32 $0xffff, v8;
	v7 =	vnsel vm15, $0x0, v7  }
0x4f1: {  	(xrf0) =	vadd.scan.msk.s32 $0xffff, v7;
	_ =	sdelay $0x4  }
0x4f2: {  	v7, _, _ =	vpop (xrf0)  }
0x4f3: {  	(v2sf) =	vpush v7, $0xF;
	v7, _, _ =	vpop (xrf0)  }
0x4f4: {  	(v2sf) =	vpush v7, $0xF;
	_ =	sdelay $0xa  }
.Ltmp49:
0x4f5: {  	_ = 	snop;
	(pc) =	sbr.rel @p0 .LBB2_80-.Ltmp49, $3  }
0x4f6: {  	_ =	sdelay $0x1  }
0x4f7: {  	s20 =	spop (v2sf)  }
0x4f8: {  	s19 =	spop (v2sf)  }
0x4f9: {  	s23 =	simm.s32 $0x8010  }
0x4fa: {  	v8 =	vld [tilespmem:s23+$0xFFFFFFF0];
	_ =	sdelay $0x1  }
0x4fb: {  	s25 =	simm.s32 $0x0  }
0x4fc: {  	v7 =	vor.u32 s25, v0  }
0x4fd: {  	vm0 =	vlt.s32 v7, v6  }
0x4fe: {  	v7 =	vnsel vm0, $0x0, v8;
	_ =	sdelay $0x4  }
0x4ff: {  	v7 =	vld.idx.msk [tilespmem:v7+s4+$0x0], vm0;
	_ =	sdelay $0x1  }
0x500: {  	p1 =	sne.s32 s22, $0x1  }
.Ltmp50:
0x501: {  	_ = 	snop;
	(pc) =	sbr.rel @!p1 .LBB2_76-.Ltmp50, $4  }
0x502: {  	_ = 	snop  }
0x503: {  	v9 =	vshra.s32 v7, $0x1F  }
0x504: {  	s24 =	sadd.s32 s21, s24;
	s21 =	simm.s32 $0x0;
	v9 =	vxor.u32 v7, v9  }
0x505: {  	s22 =	sadd.s32 $0xFFFFFFFF, s22;
	p0 =	por $0x0, $0x0;
	v7 =	vmov s24;
	s24 =	simm.s32 $0x10;
	v9 =	vand.u32 $0xFF, v9  }
0x506: {  	vm1 =	vgt.s32 v9, v7  }
0x507: {  	vm2 =	veq.s32 v9, v7;
	vm1 =	vmand vm0, vm1  }
0x508: {  	vm0 =	vmand vm0, vm2;
	[tilespmem:s16+$0x19080] =	vst.msk vm1, v8  }
0x509: {  	v9 =	vsel vm1, $0x1, v3;
	[tilespmem:s21+$0x8000] =	vst.msk vm0, v8  }
0x50a: {  	(xrf0) =	vadd.scan.msk.s32 $0xffff, v9;
	v9 =	vld [tilespmem:s23+$0x0];
	_ =	sdelay $0x1  }
0x50b: {  	v8 =	vsel vm0, $0x1, v3  }
0x50c: {  	(xrf0) =	vadd.scan.msk.s32 $0xffff, v8;
	v8 =	vor.u32 s24, v0  }
0x50d: {  	vm0 =	vlt.s32 v8, v6  }
0x50e: {  	v8 =	vnsel vm0, $0x0, v9;
	_ =	sdelay $0x2  }
0x50f: {  	v10, _, _ =	vpop (xrf0)  }
0x510: {  	v11, _, _ =	vpop (xrf0);
	(v2sf) =	vpush v10, $0xF  }
0x511: {  	(v2sf) =	vpush v11, $0xF;
	v8 =	vld.idx.msk [tilespmem:v8+s4+$0x0], vm0;
	_ =	sdelay $0x4  }
0x512: {  	v10 =	vshra.s32 v8, $0x1F  }
0x513: {  	v8 =	vxor.u32 v8, v10  }
0x514: {  	v8 =	vand.u32 $0xFF, v8  }
0x515: {  	vm1 =	veq.s32 v8, v7  }
0x516: {  	vm1 =	vmand vm0, vm1  }
0x517: {  	v10 =	vsel vm1, $0x1, v3  }
0x518: {  	(xrf0) =	vadd.scan.msk.s32 $0xffff, v10;
	_ =	sdelay $0x2  }
0x519: {  	vm2 =	vgt.s32 v8, v7;
	s29 =	spop (v2sf)  }
0x51a: {  	vm2 =	vmand vm0, vm2;
	s30 =	spop (v2sf);
	s25 =	sadd.s32 s16, s29  }
0x51b: {  	v10 =	vsel vm2, $0x1, v3;
	s26 =	sadd.s32 $0x0, s30;
	[tilespmem:s25+$0x19080] =	vst.msk vm2, v9  }
0x51c: {  	[tilespmem:s26+$0x8000] =	vst.msk vm1, v9;
	v9, _, _ =	vpop (xrf0);
	(xrf0) =	vadd.scan.msk.s32 $0xffff, v10;
	_ =	sdelay $0x2  }
0x51d: {  	s23 =	simm.s32 $0x8030  }
0x51e: {  	v8 =	vld [tilespmem:s23+$0xFFFFFFF0];
	_ =	sdelay $0x1  }
0x51f: {  	s31 =	simm.s32 $0x20;
	(v2sf) =	vpush v9, $0xF;
	v11, _, _ =	vpop (xrf0)  }
0x520: {  	v9 =	vor.u32 s31, v0;
	(v2sf) =	vpush v11, $0xF  }
0x521: {  	vm0 =	vlt.s32 v9, v6  }
0x522: {  	v9 =	vnsel vm0, $0x0, v8;
	_ =	sdelay $0x4  }
0x523: {  	v9 =	vld.idx.msk [tilespmem:v9+s4+$0x0], vm0;
	_ =	sdelay $0x1  }
0x524: {  	p1 =	sne.s32 s22, $0x1  }
.Ltmp51:
0x525: {  	_ = 	snop;
	(pc) =	sbr.rel @!p1 .LBB2_79-.Ltmp51, $4  }
0x526: {  	_ = 	snop  }
0x527: {  	v10 =	vshra.s32 v9, $0x1F  }
0x528: {  	s22 =	sadd.s32 $0xFFFFFFFF, s22;
	v9 =	vxor.u32 v9, v10  }
0x529: {  	p0 =	por $0x1, $0x1;
	s24 =	simm.s32 $0x30;
	v9 =	vand.u32 $0xFF, v9;
	s28 =	spop (v2sf)  }
.LBB2_78:
0x52a: {  	p1 =	sne.s32 s22, $0x1;
	vm1 =	vgt.s32 v9, v7;
	s26 =	sadd.s32 s26, s28;
	s28 =	spop (v2sf)  }
0x52b: {  	s22 =	sadd.s32 $0xFFFFFFFF, s22;
	vm2 =	veq.s32 v9, v7;
	vm1 =	vmand vm0, vm1;
	s25 =	sadd.s32 s25, s28  }
0x52c: {  	vm0 =	vmand vm0, vm2;
	[tilespmem:s25+$0x19080] =	vst.msk vm1, v8;
	v9 =	vsel vm1, $0x1, v3  }
0x52d: {  	[tilespmem:s26+$0x8000] =	vst.msk vm0, v8;
	v8 =	vsel vm0, $0x1, v3;
	(xrf0) =	vadd.scan.msk.s32 $0xffff, v9  }
0x52e: {  	v9 =	vld [tilespmem:s23+$0x0];
	(xrf0) =	vadd.scan.msk.s32 $0xffff, v8;
	_ =	sdelay $0x2  }
0x52f: {  	v8 =	vor.u32 s24, v0  }
0x530: {  	vm0 =	vlt.s32 v8, v6  }
0x531: {  	v8 =	vnsel vm0, $0x0, v9;
	v10, _, _ =	vpop (xrf0)  }
0x532: {  	v11, _, _ =	vpop (xrf0);
	(v2sf) =	vpush v10, $0xF  }
0x533: {  	(v2sf) =	vpush v11, $0xF;
	_ =	sdelay $0x2  }
0x534: {  	v8 =	vld.idx.msk [tilespmem:v8+s4+$0x0], vm0;
	_ =	sdelay $0x5  }
0x535: {  	v10 =	vshra.s32 v8, $0x1F  }
0x536: {  	v8 =	vxor.u32 v8, v10  }
0x537: {  	v8 =	vand.u32 $0xFF, v8  }
0x538: {  	vm1 =	vgt.s32 v8, v7;
	vm2 =	veq.s32 v8, v7  }
0x539: {  	vm1 =	vmand vm0, vm1;
	vm0 =	vmand vm0, vm2  }
0x53a: {  	v8 =	vsel vm0, $0x1, v3;
	v10 =	vsel vm1, $0x1, v3;
	s28 =	spop (v2sf)  }
0x53b: {  	s29 =	spop (v2sf);
	(xrf0) =	vadd.scan.msk.s32 $0xffff, v8  }
0x53c: {  	s25 =	sadd.s32 s25, s28;
	(xrf0) =	vadd.scan.msk.s32 $0xffff, v10  }
0x53d: {  	s26 =	sadd.s32 s26, s29;
	[tilespmem:s25+$0x19080] =	vst.msk vm1, v9  }
0x53e: {  	s23 =	sadd.s32 $0x20, s23;
	[tilespmem:s26+$0x8000] =	vst.msk vm0, v9  }
0x53f: {  	v8 =	vld [tilespmem:s23+$0xFFFFFFF0]  }
0x540: {  	s24 =	sadd.s32 $0x20, s24  }
0x541: {  	s28 =	sadd.s32 $0xFFFFFFF0, s24;
	v9, _, _ =	vpop (xrf0)  }
0x542: {  	v10 =	vor.u32 s28, v0;
	(v2sf) =	vpush v9, $0xF;
	v9, _, _ =	vpop (xrf0)  }
0x543: {  	vm0 =	vlt.s32 v10, v6;
	(v2sf) =	vpush v9, $0xF  }
0x544: {  	v9 =	vnsel vm0, $0x0, v8;
	_ =	sdelay $0x4  }
0x545: {  	v9 =	vld.idx.msk [tilespmem:v9+s4+$0x0], vm0;
	_ =	sdelay $0x3  }
.Ltmp52:
0x546: {  	(pc) =	sbr.rel @p1 .LBB2_78-.Ltmp52, $4  }
0x547: {  	_ = 	snop  }
0x548: {  	v10 =	vshra.s32 v9, $0x1F  }
0x549: {  	v9 =	vxor.u32 v9, v10  }
0x54a: {  	v9 =	vand.u32 $0xFF, v9;
	s28 =	spop (v2sf)  }
.LBB2_79:
0x54b: {  	s22 =	spop @p0 (v2sf)  }
0x54c: {  	vm1 =	vgt.s32 v9, v7;
	s22 =	sadd.s32 @p0 s25, s22  }
0x54d: {  	vm2 =	veq.s32 v9, v7;
	s25 =	sadd.s32 @p0 s26, s28;
	vm1 =	vmand vm0, vm1;
	s16 =	smov.u32 @p0 s22  }
0x54e: {  	vm12 =	vmand vm0, vm2;
	s21 =	smov.u32 @p0 s25;
	[tilespmem:s16+$0x19080] =	vst.msk vm1, v8  }
0x54f: {  	[tilespmem:s21+$0x8000] =	vst.msk vm12, v8  }
0x550: {  	v8 =	vld [tilespmem:s23+$0x0];
	_ =	sdelay $0x2  }
0x551: {  	v60 =	vor.u32 s24, v0  }
0x552: {  	vm13 =	vlt.s32 v60, v6  }
0x553: {  	v6 =	vnsel vm13, $0x0, v8;
	_ =	sdelay $0x4  }
0x554: {  	v6 =	vld.idx.msk [tilespmem:v6+s4+$0x0], vm13;
	_ =	sdelay $0x4  }
0x555: {  	v61 =	vshra.s32 v6, $0x1F  }
0x556: {  	v6 =	vxor.u32 v6, v61  }
0x557: {  	v6 =	vand.u32 $0xFF, v6  }
0x558: {  	v62 =	vsel vm1, $0x1, v3;
	vm14 =	veq.s32 v6, v7  }
0x559: {  	v63 =	vsel vm12, $0x1, v3;
	(xrf0) =	vadd.scan.msk.s32 $0xffff, v62;
	vm15 =	vgt.s32 v6, v7;
	vm1 =	vmand vm13, vm14  }
0x55a: {  	(xrf0) =	vadd.scan.msk.s32 $0xffff, v63;
	vm0 =	vmand vm13, vm15;
	v6 =	vsel vm1, $0x1, v3  }
0x55b: {  	v7 =	vsel vm0, $0x1, v3;
	(xrf0) =	vadd.scan.msk.s32 $0xffff, v6  }
0x55c: {  	(xrf0) =	vadd.scan.msk.s32 $0xffff, v7;
	_ =	sdelay $0x2  }
0x55d: {  	v6, _, _ =	vpop (xrf0)  }
0x55e: {  	v7, _, _ =	vpop (xrf0);
	(v2sf) =	vpush v6, $0xF  }
0x55f: {  	(v2sf) =	vpush v7, $0xF;
	v6, _, _ =	vpop (xrf0)  }
0x560: {  	(v2sf) =	vpush v6, $0xF;
	v6, _, _ =	vpop (xrf0)  }
0x561: {  	(v2sf) =	vpush v6, $0xF;
	_ =	sdelay $0xb  }
0x562: {  	s29 =	spop (v2sf)  }
0x563: {  	s30 =	spop (v2sf)  }
0x564: {  	s16 =	sadd.s32 s16, s29;
	s31 =	spop (v2sf)  }
0x565: {  	s21 =	sadd.s32 s21, s30;
	[tilespmem:s16+$0x19080] =	vst.msk vm0, v8;
	s22 =	spop (v2sf)  }
0x566: {  	[tilespmem:s21+$0x8000] =	vst.msk vm1, v8;
	s16 =	sadd.s32 s16, s22  }
.LBB2_80:
0x567: {  	s18 =	sadd.s32 s20, s18  }
0x568: {  	s17 =	ssub.s32 s17, s18  }
0x569: {  	s17 =	sadd.s32 s19, s17  }
0x56a: {  	s28 =	sadd.s32 $0xF, s17  }
0x56b: {  	s29 =	sand.u32 $0xF, s28  }
0x56c: {  	s30 =	sshra.s32 s28, $0x1F;
	p0 =	slt.s32 s28, $0x1;
	p1 =	sne.s32 s29, $0x0  }
0x56d: {  	s31 =	sshrl.u32 s30, $0x1C;
	p0 =	por !p0, !p1  }
0x56e: {  	s19 =	simm.s32 $0x1;
	s18 =	sadd.s32 s31, s28;
	p0 =	por !p0, !p0  }
0x56f: {  	s18 =	sshra.s32 s18, $0x4;
	s19 =	simm.s32 @!p0 $0x0  }
0x570: {  	s18 =	ssub.s32 s18, s19  }
0x571: {  	p0 =	slt.s32 s18, $0x1  }
.Ltmp53:
0x572: {  	_ = 	snop;
	(pc) =	sbr.rel @p0 .LBB2_93-.Ltmp53, $1  }
0x573: {  	_ =	sdelay $0x3  }
0x574: {  	p4 =	seq.s32 s18, $0x1  }
.Ltmp54:
0x575: {  	_ = 	snop;
	(pc) =	sbr.rel @p4 .LBB2_82-.Ltmp54, $4  }
0x576: {  	_ = 	snop  }
0x577: {  	v6 =	vmov s17;
	s17 =	simm.s32 $0x8000  }
0x578: {  	s19 =	simm.s32 $0x0;
	s18 =	sadd.s32 $0xFFFFFFFF, s18;
	p0 =	por $0x0, $0x0  }
0x579: {  	p1 =	por $0x0, $0x0;
	p2 =	por $0x0, $0x0;
	p3 =	por $0x0, $0x0;
	v8 =	vor.u32 s19, v0  }
0x57a: {  	p4 =	seq.s32 s18, $0x1  }
.Ltmp55:
0x57b: {  	_ = 	snop;
	(pc) =	sbr.rel @p4 .LBB2_84-.Ltmp55, $4  }
0x57c: {  	_ = 	snop  }
0x57d: {  	vm0 =	vlt.s32 v8, v6  }
0x57e: {  	s19 =	simm.s32 $0x10;
	v7 =	vsel vm0, $0x1, v3  }
0x57f: {  	s18 =	sadd.s32 $0xFFFFFFFF, s18;
	p0 =	por $0x1, $0x1;
	vm0 =	vmmov vm0;
	v8 =	vor.u32 s19, v0;
	(xrf0) =	vadd.scan.msk.s32 $0xffff, v7  }
0x580: {  	_ =	sdelay $0x4  }
0x581: {  	vm1 =	vlt.s32 v8, v6;
	v8, _, _ =	vpop (xrf0)  }
0x582: {  	(v2sf) =	vpush v8, $0xF;
	_ =	sdelay $0x8  }
0x583: {  	p4 =	seq.s32 s18, $0x1  }
.Ltmp56:
0x584: {  	_ = 	snop;
	(pc) =	sbr.rel @p4 .LBB2_86-.Ltmp56, $3  }
0x585: {  	_ =	sdelay $0x1  }
0x586: {  	s19 =	simm.s32 $0x20;
	v7 =	vsel vm1, $0x1, v3  }
0x587: {  	vm3 =	vmmov vm0;
	s18 =	sadd.s32 $0xFFFFFFFF, s18;
	p1 =	por $0x1, $0x1;
	vm0 =	vmmov vm1;
	(xrf0) =	vadd.scan.msk.s32 $0xffff, v7;
	v8 =	vor.u32 s19, v0  }
0x588: {  	_ =	sdelay $0x4  }
0x589: {  	vm4 =	vlt.s32 v8, v6;
	v8, _, _ =	vpop (xrf0)  }
0x58a: {  	(v2sf) =	vpush v8, $0xF  }
0x58b: {  	p4 =	seq.s32 s18, $0x1  }
.Ltmp57:
0x58c: {  	_ = 	snop;
	(pc) =	sbr.rel @p4 .LBB2_88-.Ltmp57, $3  }
0x58d: {  	_ =	sdelay $0x1  }
0x58e: {  	vm2 =	vmmov vm3;
	s20 =	simm.s32 $0x30;
	v7 =	vsel vm4, $0x1, v3  }
0x58f: {  	vm1 =	vmmov vm0;
	s19 =	sadd.s32 $0xFFFFFFFF, s18;
	p2 =	por $0x1, $0x1;
	vm0 =	vmmov vm4;
	(xrf0) =	vadd.scan.msk.s32 $0xffff, v7;
	v7 =	vld [tilespmem:s17+$0x0];
	v8 =	vor.u32 s20, v0  }
0x590: {  	_ =	sdelay $0x4  }
0x591: {  	vm5 =	vlt.s32 v8, v6;
	p4 =	seq.s32 s19, $0x1;
	v9, _, _ =	vpop (xrf0)  }
.Ltmp58:
0x592: {  	v8 =	vsel vm5, $0x1, v3;
	(v2sf) =	vpush v9, $0xF;
	(pc) =	sbr.rel @p4 .LBB2_90-.Ltmp58, $4  }
0x593: {  	s18 =	simm.s32 $0x8010;
	[tilespmem:s16+$0x19080] =	vst.msk vm2, v7;
	(xrf0) =	vadd.scan.msk.s32 $0xffff, v8  }
0x594: {  	v9 =	vld [tilespmem:s18+$0x0]  }
0x595: {  	vm4 =	vmmov vm1;
	s20 =	simm.s32 $0x40  }
0x596: {  	vm3 =	vmmov vm0;
	s21 =	sadd.s32 $0xFFFFFFFF, s19;
	p3 =	por $0x1, $0x1;
	s19 =	smov.u32 s16;
	vm0 =	vmmov vm5;
	v8 =	vor.u32 s20, v0  }
.LBB2_91:
0x597: {  	p4 =	seq.s32 s21, $0x1;
	s21 =	sadd.s32 $0xFFFFFFFF, s21;
	vm5 =	vlt.s32 v8, v6;
	s22 =	spop (v2sf)  }
.Ltmp59:
0x598: {  	v10 =	vsel vm5, $0x1, v3;
	s19 =	sadd.s32 s19, s22;
	(pc) =	sbr.rel @!p4 .LBB2_91-.Ltmp59, $4  }
0x599: {  	s18 =	sadd.s32 $0x10, s18;
	(xrf0) =	vadd.scan.msk.s32 $0xffff, v10;
	v8, _, _ =	vpop (xrf0);
	[tilespmem:s19+$0x19080] =	vst.msk vm4, v9;
	vm4 =	vmmov vm3;
	vm3 =	vmmov vm0  }
0x59a: {  	vm0 =	vmmov vm5;
	(v2sf) =	vpush v8, $0xF;
	v9 =	vld [tilespmem:s18+$0x0]  }
0x59b: {  	s20 =	sadd.s32 $0x10, s20  }
0x59c: {  	v8 =	vor.u32 s20, v0  }
.Ltmp60:
0x59d: {  	_ = 	snop;
	(pc) =	sbr.rel .LBB2_92-.Ltmp60, $1  }
0x59e: {  	_ =	sdelay $0x3  }
.LBB2_29:
.Ltmp61:
0x59f: {  	(pc) =	sbr.rel .LBB2_32-.Ltmp61, $2  }
0x5a0: {  	_ =	sdelay $0x2  }
0x5a1: {  	_ = 	snop  }
.LBB2_45:
.Ltmp62:
0x5a2: {  	(pc) =	sbr.rel .LBB2_48-.Ltmp62, $2  }
0x5a3: {  	_ =	sdelay $0x2  }
0x5a4: {  	_ = 	snop  }
.LBB2_61:
.Ltmp63:
0x5a5: {  	(pc) =	sbr.rel .LBB2_64-.Ltmp63, $2  }
0x5a6: {  	_ =	sdelay $0x2  }
0x5a7: {  	_ = 	snop  }
.LBB2_76:
.Ltmp64:
0x5a8: {  	(pc) =	sbr.rel .LBB2_79-.Ltmp64, $2  }
0x5a9: {  	_ =	sdelay $0x2  }
0x5aa: {  	_ = 	snop  }
.LBB2_84:
.Ltmp65:
0x5ab: {  	(pc) =	sbr.rel .LBB2_92-.Ltmp65, $2  }
0x5ac: {  	_ =	sdelay $0x2  }
0x5ad: {  	s19 =	smov.u32 s16;
	s18 =	simm.s32 $0x8000  }
.LBB2_86:
.Ltmp66:
0x5ae: {  	(pc) =	sbr.rel .LBB2_92-.Ltmp66, $2  }
0x5af: {  	_ =	sdelay $0x2  }
0x5b0: {  	s19 =	smov.u32 s16;
	s18 =	simm.s32 $0x8000  }
.LBB2_88:
.Ltmp67:
0x5b1: {  	_ = 	snop;
	(pc) =	sbr.rel .LBB2_92-.Ltmp67, $2  }
0x5b2: {  	_ =	sdelay $0x3  }
0x5b3: {  	s19 =	smov.u32 s16;
	vm4 =	vmmov vm2;
	s18 =	simm.s32 $0x8000;
	vm3 =	vmmov vm1;
	v9 =	vmov v7  }
.LBB2_90:
.Ltmp68:
0x5b4: {  	(pc) =	sbr.rel .LBB2_92-.Ltmp68, $2  }
0x5b5: {  	_ =	sdelay $0x2  }
0x5b6: {  	s19 =	smov.u32 s16  }
.LBB2_95:
0x5b7: {  	_ =	sfence.sel $0x180000  }
0x5b8: {  	[bflag:$0x0] =	sbarrier.arrive $0xFFFF  }
0x5b9: {  	p0 =	sne.s32 s3, $0x0;
	_ =	strace $0x90000047  }
0x5ba: {  	s0 =	sadd.s32 @!p0 $0x100000, s0;
	[bflag:$0x2] =	sbarrier.arrive $0xFFFF  }
0x5bb: {  	[sflag:s0] =	ssyncadd.tile.s32 @!p0 $0x1;
	_ =	shalt  }
.Lfunc_end2:
_tile_overlayer_lowered:
.L_overlay_start_2:
0x5bc: {  	(tag) =	ssettag $0x2  }
0x5bd: {  	s0 =	rddreg [dreg:$0x0];
	s2 =	stileid.u32  }
0x5be: {  	s1 =	rddreg [dreg:$0x1];
	p0 =	sne.s32 s2, $0x0  }
0x5bf: {  	s3 =	rddreg [dreg:$0x2];
	[bflag:$0x3] =	sbarrier.arrive $0xFFFF;
	s2 =	simm.s32 @!p0 $0x1C01  }
0x5c0: {  	[timem:s3], [sflag:s2] =	dma.local @!p0 [hbm:s0], s1  }
0x5c1: {  	s0 =	simm.s32 @!p0 $0x1  }
0x5c2: {  	_ =	swait.ge @!p0 [sflag:s0], s1  }
0x5c3: {  	s1 =	ssub.s32 @!p0 $0x0, s1;
	[sflag:s0] =	ssyncset.done @!p0 $0x0  }
0x5c4: {  	[sflag:s0] =	ssyncadd.s32 @!p0 s1  }
0x5c5: {  	[bflag:$0x3] =	sbarrier.arrive $0xFFFF  }
0x5c6: {  	_ =	shalt  }

</sc_bundles>
